<compile_context>
chip_gen: v7x
topology: tpu7x:2x2x1
jax: 0.10.2.dev20260603
libtpu: 0.0.44.dev20260713+nightly
codegen_flags: <defaults>
</compile_context>

<pallas_src>
import jax
import jax.numpy as jnp
import numpy as np
from jax import lax
from jax.experimental import pallas as pl
from jax.experimental.pallas import tpu as pltpu
from jax.experimental.pallas import tpu_sc as plsc

VOCAB = 100000
D = 1024
B = 4
S = 4096
MAX_LEN = 8192

NC = 2
NS = 16
NW = NC * NS
LANES = 16

P_PER_W = S // NW
C = 8
NCH = P_PER_W // C
ROWS = B * C
KCH = D // LANES


def _pos_encoding_np():
    pos = np.arange(MAX_LEN, dtype=np.float32)[:, None]
    _2i = np.arange(0, D, 2, dtype=np.float32)
    enc = np.zeros((MAX_LEN, D), dtype=np.float32)
    enc[:, 0::2] = np.sin(pos / 10000 ** (_2i / D))
    enc[:, 1::2] = np.cos(pos / 10000 ** (_2i / D))
    return enc[:S]


def _embed_kernel(x_hbm, table_hbm, pos_hbm, out_hbm,
                  idx_all, rows, posb,
                  gsem0, gsem1, gsem2, psem0, psem1, psem2,
                  ssem0, ssem1, ssem2):
    gsem = (gsem0, gsem1, gsem2)
    psem = (psem0, psem1, psem2)
    ssem = (ssem0, ssem1, ssem2)

    wid = lax.axis_index("s") * NC + lax.axis_index("c")
    p_base = pl.multiple_of(wid * P_PER_W, P_PER_W)

    for b in range(B):
        pltpu.sync_copy(x_hbm.at[b, pl.ds(p_base, P_PER_W)], idx_all.at[b])

    def issue_chunk(cj, slot):
        o = pl.multiple_of(cj * C, C)
        p0 = pl.multiple_of(p_base + cj * C, C)
        pltpu.async_copy(pos_hbm.at[pl.ds(p0, C)], posb.at[slot], psem[slot])
        for b in range(B):
            pltpu.async_copy(table_hbm.at[idx_all.at[b, pl.ds(o, C)]],
                             rows.at[slot, pl.ds(b * C, C)], gsem[slot])

    def wait_gathers(slot):
        pltpu.make_async_copy(table_hbm.at[pl.ds(0, ROWS)],
                              rows.at[slot], gsem[slot]).wait()

    def wait_pos(slot):
        pltpu.make_async_copy(pos_hbm.at[pl.ds(0, C)],
                              posb.at[slot], psem[slot]).wait()

    def issue_stores(cj, slot):
        p0 = pl.multiple_of(p_base + cj * C, C)
        for b in range(B):
            pltpu.async_copy(rows.at[slot, pl.ds(b * C, C)],
                             out_hbm.at[b, pl.ds(p0, C)], ssem[slot])

    def wait_stores(slot):
        pltpu.make_async_copy(rows.at[slot],
                              out_hbm.at[0, pl.ds(0, ROWS)], ssem[slot]).wait()

    def add_chunk(slot):
        @pl.loop(0, KCH)
        def _k(k):
            col = pl.ds(k * LANES, LANES)
            for j in range(C):
                pv = posb[slot, j, col]
                for b in range(B):
                    r = b * C + j
                    rows[slot, r, col] = rows[slot, r, col] + pv

    issue_chunk(0, 0)
    issue_chunk(1, 1)

    @pl.loop(0, NCH - 1, step=3)
    def _steps(cj0):
        for h in range(3):
            cj = cj0 + h
            s2 = (h + 2) % 3

            @pl.when(cj + 2 < NCH)
            def _issue_next():
                @pl.when(cj >= 1)
                def _drain_prev():
                    wait_stores(s2)
                issue_chunk(cj + 2, s2)

            wait_pos(h)
            wait_gathers(h)
            add_chunk(h)
            issue_stores(cj, h)

    wait_pos(0)
    wait_gathers(0)
    add_chunk(0)
    issue_stores(NCH - 1, 0)

    wait_stores(1)
    wait_stores(2)
    wait_stores(0)


@jax.jit
def _embed(x, table, pos):
    mesh = plsc.VectorSubcoreMesh(core_axis_name="c", subcore_axis_name="s",
                                  num_cores=NC, num_subcores=NS)
    f = pl.kernel(
        _embed_kernel,
        out_type=jax.ShapeDtypeStruct((B, S, D), jnp.float32),
        mesh=mesh,
        scratch_types=[
            pltpu.VMEM((B, P_PER_W), jnp.int32),
            pltpu.VMEM((3, ROWS, D), jnp.float32),
            pltpu.VMEM((3, C, D), jnp.float32),
            pltpu.SemaphoreType.DMA,
            pltpu.SemaphoreType.DMA,
            pltpu.SemaphoreType.DMA,
            pltpu.SemaphoreType.DMA,
            pltpu.SemaphoreType.DMA,
            pltpu.SemaphoreType.DMA,
            pltpu.SemaphoreType.DMA,
            pltpu.SemaphoreType.DMA,
            pltpu.SemaphoreType.DMA,
        ],
    )
    return f(x, table, pos)


_POS_CACHE = []


def _pos_arr():
    if not _POS_CACHE:
        _POS_CACHE.append(jax.device_put(_pos_encoding_np()))
    return _POS_CACHE[0]


def kernel(x, table):
    return _embed(x, table, _pos_arr())

# --- scband reference (transcript-rebuilt; emitter-appended) ---
"""Pipeline reference for scband-transformer-embedding-35150012351329 (READ-ONLY COPY).

The authoritative reference and input builder live on the scoring server;
editing this copy changes nothing except your own understanding.
"""

import jax, jax.numpy as jnp
import numpy as np

VOCAB = 100000
D_MODEL = 1024
MAX_LEN = 8192

def _pos_encoding():
    pos = np.arange(MAX_LEN, dtype=np.float32)[:, None]
    _2i = np.arange(0, D_MODEL, 2, dtype=np.float32)
    enc = np.zeros((MAX_LEN, D_MODEL), dtype=np.float32)
    enc[:, 0::2] = np.sin(pos / 10000 ** (_2i / D_MODEL))
    enc[:, 1::2] = np.cos(pos / 10000 ** (_2i / D_MODEL))
    return jnp.asarray(enc)

def setup_inputs(seed: int = 0):
    key = jax.random.key(seed)
    k1, k2 = jax.random.split(key)
    x = jax.random.randint(k1, (4, 4096), 0, VOCAB, dtype=jnp.int32)
    table = jax.random.normal(k2, (VOCAB, D_MODEL), dtype=jnp.float32)
    # padding_idx=1: row initialized to zeros like nn.Embedding(padding_idx=1)
    table = table.at[1].set(0.0)
    return {"x": x, "table": table}

def reference(x, table):
    # TokenEmbedding: gather rows from embedding table
    tok_emb = jnp.take(table, x, axis=0)  # [B, S, D]
    # PositionEmbedding: sinusoidal encoding sliced to seq_len, broadcast over batch
    seq_len = x.shape[1]
    pos_emb = _pos_encoding()[:seq_len, :][None, :, :]  # [1, S, D]
    # Dropout with p=0.0 is identity in eval/deterministic mode
    return tok_emb + pos_emb

if __name__ == "__main__":
    import jax
    _d = setup_inputs()
    print(jax.jit(kernel)(*tuple(_d.values())))

</pallas_src>

<mosaic_0001>
#map = affine_map<(d0, d1) -> (0, 0)>
#map1 = affine_map<(d0, d1) -> (0, 0, 0)>
module attributes {stable_mosaic.version = 14 : i64} {
  func.func @_embed_kernel(%arg0: i32, %arg1: i32, %arg2: memref<4x4096xi32, #tpu.memory_space<hbm>>, %arg3: memref<100000x1024xf32, #tpu.memory_space<hbm>>, %arg4: memref<4096x1024xf32, #tpu.memory_space<hbm>>, %arg5: memref<4x4096x1024xf32, #tpu.memory_space<hbm>>, %arg6: memref<4x128xi32, #tpu.memory_space<vmem>>, %arg7: memref<3x32x1024xf32, #tpu.memory_space<vmem>>, %arg8: memref<3x8x1024xf32, #tpu.memory_space<vmem>>, %arg9: memref<!tpu.dma_semaphore, #tpu.memory_space<semaphore_mem>>, %arg10: memref<!tpu.dma_semaphore, #tpu.memory_space<semaphore_mem>>, %arg11: memref<!tpu.dma_semaphore, #tpu.memory_space<semaphore_mem>>, %arg12: memref<!tpu.dma_semaphore, #tpu.memory_space<semaphore_mem>>, %arg13: memref<!tpu.dma_semaphore, #tpu.memory_space<semaphore_mem>>, %arg14: memref<!tpu.dma_semaphore, #tpu.memory_space<semaphore_mem>>, %arg15: memref<!tpu.dma_semaphore, #tpu.memory_space<semaphore_mem>>, %arg16: memref<!tpu.dma_semaphore, #tpu.memory_space<semaphore_mem>>, %arg17: memref<!tpu.dma_semaphore, #tpu.memory_space<semaphore_mem>>) attributes {dimension_semantics = [#tpu.dimension_semantics<core_parallel>, #tpu.dimension_semantics<subcore_parallel>], iteration_bounds = array<i64: 2, 16>, scalar_prefetch = 0 : i64, scratch_operands = 12 : i64, tpu.core_type = #tpu.core_type<sc_vector_subcore>, window_params = [{transform_indices = #map}, {transform_indices = #map}, {transform_indices = #map}, {transform_indices = #map1}]} {
    %mul3A = arith.constant 2 : i32
    %mul3A_0 = arith.muli %arg1, %mul3A : i32
    %add3A = arith.addi %mul3A_0, %arg0 : i32
    %mul3A_1 = arith.constant 128 : i32
    %mul3A_2 = arith.muli %add3A, %mul3A_1 : i32
    %multiple_of3A = tpu.assume_multiple %mul3A_2, 128 : i32
    %run_scoped3A = arith.constant 0 : i32
    %run_scoped3A_3 = arith.constant 0 : i32
    "tpu.region"() ({
      %run_scoped3A_292 = tpu.sem_alloc : memref<!tpu.dma_semaphore, #tpu.memory_space<semaphore_mem>>
      %dma_start3A_293 = arith.constant 0 : i32
      %dma_start3A_294 = tpu.memref_slice %arg6[%run_scoped3A_3, %dma_start3A_293] : memref<4x128xi32, #tpu.memory_space<vmem>> -> memref<1x128xi32, #tpu.memory_space<vmem>>
      %dma_start3A_295 = tpu.memref_squeeze %dma_start3A_294 : memref<1x128xi32, #tpu.memory_space<vmem>> -> memref<128xi32, #tpu.memory_space<vmem>>
      %dma_start3A_296 = tpu.memref_slice %arg2[%run_scoped3A, %multiple_of3A] : memref<4x4096xi32, #tpu.memory_space<hbm>> -> memref<1x128xi32, #tpu.memory_space<hbm>>
      %dma_start3A_297 = tpu.memref_squeeze %dma_start3A_296 : memref<1x128xi32, #tpu.memory_space<hbm>> -> memref<128xi32, #tpu.memory_space<hbm>>
      %dma_start3A_298 = arith.constant 0 : i32
      %dma_start3A_299 = tpu.memref_slice %arg6[%run_scoped3A_3, %dma_start3A_298] : memref<4x128xi32, #tpu.memory_space<vmem>> -> memref<1x128xi32, #tpu.memory_space<vmem>>
      %dma_start3A_300 = tpu.memref_squeeze %dma_start3A_299 : memref<1x128xi32, #tpu.memory_space<vmem>> -> memref<128xi32, #tpu.memory_space<vmem>>
      %dma_start3A_301 = tpu.memref_slice %arg2[%run_scoped3A, %multiple_of3A] : memref<4x4096xi32, #tpu.memory_space<hbm>> -> memref<1x128xi32, #tpu.memory_space<hbm>>
      %dma_start3A_302 = tpu.memref_squeeze %dma_start3A_301 : memref<1x128xi32, #tpu.memory_space<hbm>> -> memref<128xi32, #tpu.memory_space<hbm>>
      tpu.enqueue_dma source(%dma_start3A_302 : memref<128xi32, #tpu.memory_space<hbm>>) target(%dma_start3A_300 : memref<128xi32, #tpu.memory_space<vmem>>) target_semaphore(%run_scoped3A_292 : memref<!tpu.dma_semaphore, #tpu.memory_space<semaphore_mem>>)
      %dma_wait3A_303 = arith.constant 0 : i32
      %dma_wait3A_304 = tpu.memref_slice %arg6[%run_scoped3A_3, %dma_wait3A_303] : memref<4x128xi32, #tpu.memory_space<vmem>> -> memref<1x128xi32, #tpu.memory_space<vmem>>
      %dma_wait3A_305 = tpu.memref_squeeze %dma_wait3A_304 : memref<1x128xi32, #tpu.memory_space<vmem>> -> memref<128xi32, #tpu.memory_space<vmem>>
      %dma_wait3A_306 = tpu.memref_slice %arg2[%run_scoped3A, %multiple_of3A] : memref<4x4096xi32, #tpu.memory_space<hbm>> -> memref<1x128xi32, #tpu.memory_space<hbm>>
      %dma_wait3A_307 = tpu.memref_squeeze %dma_wait3A_306 : memref<1x128xi32, #tpu.memory_space<hbm>> -> memref<128xi32, #tpu.memory_space<hbm>>
      %dma_wait3A_308 = arith.constant 0 : i32
      %dma_wait3A_309 = tpu.memref_slice %arg6[%run_scoped3A_3, %dma_wait3A_308] : memref<4x128xi32, #tpu.memory_space<vmem>> -> memref<1x128xi32, #tpu.memory_space<vmem>>
      %dma_wait3A_310 = tpu.memref_squeeze %dma_wait3A_309 : memref<1x128xi32, #tpu.memory_space<vmem>> -> memref<128xi32, #tpu.memory_space<vmem>>
      %dma_wait3A_311 = tpu.memref_slice %arg2[%run_scoped3A, %multiple_of3A] : memref<4x4096xi32, #tpu.memory_space<hbm>> -> memref<1x128xi32, #tpu.memory_space<hbm>>
      %dma_wait3A_312 = tpu.memref_squeeze %dma_wait3A_311 : memref<1x128xi32, #tpu.memory_space<hbm>> -> memref<128xi32, #tpu.memory_space<hbm>>
      tpu.wait_dma2 semaphore(%run_scoped3A_292 : memref<!tpu.dma_semaphore, #tpu.memory_space<semaphore_mem>>) src(%dma_wait3A_312 : memref<128xi32, #tpu.memory_space<hbm>>) dst(%dma_wait3A_310 : memref<128xi32, #tpu.memory_space<vmem>>)
      tpu.yield
    }) : () -> ()
    %run_scoped3A_4 = arith.constant 1 : i32
    %run_scoped3A_5 = arith.constant 1 : i32
    "tpu.region"() ({
      %run_scoped3A_292 = tpu.sem_alloc : memref<!tpu.dma_semaphore, #tpu.memory_space<semaphore_mem>>
      %dma_start3A_293 = arith.constant 0 : i32
      %dma_start3A_294 = tpu.memref_slice %arg6[%run_scoped3A_5, %dma_start3A_293] : memref<4x128xi32, #tpu.memory_space<vmem>> -> memref<1x128xi32, #tpu.memory_space<vmem>>
      %dma_start3A_295 = tpu.memref_squeeze %dma_start3A_294 : memref<1x128xi32, #tpu.memory_space<vmem>> -> memref<128xi32, #tpu.memory_space<vmem>>
      %dma_start3A_296 = tpu.memref_slice %arg2[%run_scoped3A_4, %multiple_of3A] : memref<4x4096xi32, #tpu.memory_space<hbm>> -> memref<1x128xi32, #tpu.memory_space<hbm>>
      %dma_start3A_297 = tpu.memref_squeeze %dma_start3A_296 : memref<1x128xi32, #tpu.memory_space<hbm>> -> memref<128xi32, #tpu.memory_space<hbm>>
      %dma_start3A_298 = arith.constant 0 : i32
      %dma_start3A_299 = tpu.memref_slice %arg6[%run_scoped3A_5, %dma_start3A_298] : memref<4x128xi32, #tpu.memory_space<vmem>> -> memref<1x128xi32, #tpu.memory_space<vmem>>
      %dma_start3A_300 = tpu.memref_squeeze %dma_start3A_299 : memref<1x128xi32, #tpu.memory_space<vmem>> -> memref<128xi32, #tpu.memory_space<vmem>>
      %dma_start3A_301 = tpu.memref_slice %arg2[%run_scoped3A_4, %multiple_of3A] : memref<4x4096xi32, #tpu.memory_space<hbm>> -> memref<1x128xi32, #tpu.memory_space<hbm>>
      %dma_start3A_302 = tpu.memref_squeeze %dma_start3A_301 : memref<1x128xi32, #tpu.memory_space<hbm>> -> memref<128xi32, #tpu.memory_space<hbm>>
      tpu.enqueue_dma source(%dma_start3A_302 : memref<128xi32, #tpu.memory_space<hbm>>) target(%dma_start3A_300 : memref<128xi32, #tpu.memory_space<vmem>>) target_semaphore(%run_scoped3A_292 : memref<!tpu.dma_semaphore, #tpu.memory_space<semaphore_mem>>)
      %dma_wait3A_303 = arith.constant 0 : i32
      %dma_wait3A_304 = tpu.memref_slice %arg6[%run_scoped3A_5, %dma_wait3A_303] : memref<4x128xi32, #tpu.memory_space<vmem>> -> memref<1x128xi32, #tpu.memory_space<vmem>>
      %dma_wait3A_305 = tpu.memref_squeeze %dma_wait3A_304 : memref<1x128xi32, #tpu.memory_space<vmem>> -> memref<128xi32, #tpu.memory_space<vmem>>
      %dma_wait3A_306 = tpu.memref_slice %arg2[%run_scoped3A_4, %multiple_of3A] : memref<4x4096xi32, #tpu.memory_space<hbm>> -> memref<1x128xi32, #tpu.memory_space<hbm>>
      %dma_wait3A_307 = tpu.memref_squeeze %dma_wait3A_306 : memref<1x128xi32, #tpu.memory_space<hbm>> -> memref<128xi32, #tpu.memory_space<hbm>>
      %dma_wait3A_308 = arith.constant 0 : i32
      %dma_wait3A_309 = tpu.memref_slice %arg6[%run_scoped3A_5, %dma_wait3A_308] : memref<4x128xi32, #tpu.memory_space<vmem>> -> memref<1x128xi32, #tpu.memory_space<vmem>>
      %dma_wait3A_310 = tpu.memref_squeeze %dma_wait3A_309 : memref<1x128xi32, #tpu.memory_space<vmem>> -> memref<128xi32, #tpu.memory_space<vmem>>
      %dma_wait3A_311 = tpu.memref_slice %arg2[%run_scoped3A_4, %multiple_of3A] : memref<4x4096xi32, #tpu.memory_space<hbm>> -> memref<1x128xi32, #tpu.memory_space<hbm>>
      %dma_wait3A_312 = tpu.memref_squeeze %dma_wait3A_311 : memref<1x128xi32, #tpu.memory_space<hbm>> -> memref<128xi32, #tpu.memory_space<hbm>>
      tpu.wait_dma2 semaphore(%run_scoped3A_292 : memref<!tpu.dma_semaphore, #tpu.memory_space<semaphore_mem>>) src(%dma_wait3A_312 : memref<128xi32, #tpu.memory_space<hbm>>) dst(%dma_wait3A_310 : memref<128xi32, #tpu.memory_space<vmem>>)
      tpu.yield
    }) : () -> ()
    %run_scoped3A_6 = arith.constant 2 : i32
    %run_scoped3A_7 = arith.constant 2 : i32
    "tpu.region"() ({
      %run_scoped3A_292 = tpu.sem_alloc : memref<!tpu.dma_semaphore, #tpu.memory_space<semaphore_mem>>
      %dma_start3A_293 = arith.constant 0 : i32
      %dma_start3A_294 = tpu.memref_slice %arg6[%run_scoped3A_7, %dma_start3A_293] : memref<4x128xi32, #tpu.memory_space<vmem>> -> memref<1x128xi32, #tpu.memory_space<vmem>>
      %dma_start3A_295 = tpu.memref_squeeze %dma_start3A_294 : memref<1x128xi32, #tpu.memory_space<vmem>> -> memref<128xi32, #tpu.memory_space<vmem>>
      %dma_start3A_296 = tpu.memref_slice %arg2[%run_scoped3A_6, %multiple_of3A] : memref<4x4096xi32, #tpu.memory_space<hbm>> -> memref<1x128xi32, #tpu.memory_space<hbm>>
      %dma_start3A_297 = tpu.memref_squeeze %dma_start3A_296 : memref<1x128xi32, #tpu.memory_space<hbm>> -> memref<128xi32, #tpu.memory_space<hbm>>
      %dma_start3A_298 = arith.constant 0 : i32
      %dma_start3A_299 = tpu.memref_slice %arg6[%run_scoped3A_7, %dma_start3A_298] : memref<4x128xi32, #tpu.memory_space<vmem>> -> memref<1x128xi32, #tpu.memory_space<vmem>>
      %dma_start3A_300 = tpu.memref_squeeze %dma_start3A_299 : memref<1x128xi32, #tpu.memory_space<vmem>> -> memref<128xi32, #tpu.memory_space<vmem>>
      %dma_start3A_301 = tpu.memref_slice %arg2[%run_scoped3A_6, %multiple_of3A] : memref<4x4096xi32, #tpu.memory_space<hbm>> -> memref<1x128xi32, #tpu.memory_space<hbm>>
      %dma_start3A_302 = tpu.memref_squeeze %dma_start3A_301 : memref<1x128xi32, #tpu.memory_space<hbm>> -> memref<128xi32, #tpu.memory_space<hbm>>
      tpu.enqueue_dma source(%dma_start3A_302 : memref<128xi32, #tpu.memory_space<hbm>>) target(%dma_start3A_300 : memref<128xi32, #tpu.memory_space<vmem>>) target_semaphore(%run_scoped3A_292 : memref<!tpu.dma_semaphore, #tpu.memory_space<semaphore_mem>>)
      %dma_wait3A_303 = arith.constant 0 : i32
      %dma_wait3A_304 = tpu.memref_slice %arg6[%run_scoped3A_7, %dma_wait3A_303] : memref<4x128xi32, #tpu.memory_space<vmem>> -> memref<1x128xi32, #tpu.memory_space<vmem>>
      %dma_wait3A_305 = tpu.memref_squeeze %dma_wait3A_304 : memref<1x128xi32, #tpu.memory_space<vmem>> -> memref<128xi32, #tpu.memory_space<vmem>>
      %dma_wait3A_306 = tpu.memref_slice %arg2[%run_scoped3A_6, %multiple_of3A] : memref<4x4096xi32, #tpu.memory_space<hbm>> -> memref<1x128xi32, #tpu.memory_space<hbm>>
      %dma_wait3A_307 = tpu.memref_squeeze %dma_wait3A_306 : memref<1x128xi32, #tpu.memory_space<hbm>> -> memref<128xi32, #tpu.memory_space<hbm>>
      %dma_wait3A_308 = arith.constant 0 : i32
      %dma_wait3A_309 = tpu.memref_slice %arg6[%run_scoped3A_7, %dma_wait3A_308] : memref<4x128xi32, #tpu.memory_space<vmem>> -> memref<1x128xi32, #tpu.memory_space<vmem>>
      %dma_wait3A_310 = tpu.memref_squeeze %dma_wait3A_309 : memref<1x128xi32, #tpu.memory_space<vmem>> -> memref<128xi32, #tpu.memory_space<vmem>>
      %dma_wait3A_311 = tpu.memref_slice %arg2[%run_scoped3A_6, %multiple_of3A] : memref<4x4096xi32, #tpu.memory_space<hbm>> -> memref<1x128xi32, #tpu.memory_space<hbm>>
      %dma_wait3A_312 = tpu.memref_squeeze %dma_wait3A_311 : memref<1x128xi32, #tpu.memory_space<hbm>> -> memref<128xi32, #tpu.memory_space<hbm>>
      tpu.wait_dma2 semaphore(%run_scoped3A_292 : memref<!tpu.dma_semaphore, #tpu.memory_space<semaphore_mem>>) src(%dma_wait3A_312 : memref<128xi32, #tpu.memory_space<hbm>>) dst(%dma_wait3A_310 : memref<128xi32, #tpu.memory_space<vmem>>)
      tpu.yield
    }) : () -> ()
    %run_scoped3A_8 = arith.constant 3 : i32
    %run_scoped3A_9 = arith.constant 3 : i32
    "tpu.region"() ({
      %run_scoped3A_292 = tpu.sem_alloc : memref<!tpu.dma_semaphore, #tpu.memory_space<semaphore_mem>>
      %dma_start3A_293 = arith.constant 0 : i32
      %dma_start3A_294 = tpu.memref_slice %arg6[%run_scoped3A_9, %dma_start3A_293] : memref<4x128xi32, #tpu.memory_space<vmem>> -> memref<1x128xi32, #tpu.memory_space<vmem>>
      %dma_start3A_295 = tpu.memref_squeeze %dma_start3A_294 : memref<1x128xi32, #tpu.memory_space<vmem>> -> memref<128xi32, #tpu.memory_space<vmem>>
      %dma_start3A_296 = tpu.memref_slice %arg2[%run_scoped3A_8, %multiple_of3A] : memref<4x4096xi32, #tpu.memory_space<hbm>> -> memref<1x128xi32, #tpu.memory_space<hbm>>
      %dma_start3A_297 = tpu.memref_squeeze %dma_start3A_296 : memref<1x128xi32, #tpu.memory_space<hbm>> -> memref<128xi32, #tpu.memory_space<hbm>>
      %dma_start3A_298 = arith.constant 0 : i32
      %dma_start3A_299 = tpu.memref_slice %arg6[%run_scoped3A_9, %dma_start3A_298] : memref<4x128xi32, #tpu.memory_space<vmem>> -> memref<1x128xi32, #tpu.memory_space<vmem>>
      %dma_start3A_300 = tpu.memref_squeeze %dma_start3A_299 : memref<1x128xi32, #tpu.memory_space<vmem>> -> memref<128xi32, #tpu.memory_space<vmem>>
      %dma_start3A_301 = tpu.memref_slice %arg2[%run_scoped3A_8, %multiple_of3A] : memref<4x4096xi32, #tpu.memory_space<hbm>> -> memref<1x128xi32, #tpu.memory_space<hbm>>
      %dma_start3A_302 = tpu.memref_squeeze %dma_start3A_301 : memref<1x128xi32, #tpu.memory_space<hbm>> -> memref<128xi32, #tpu.memory_space<hbm>>
      tpu.enqueue_dma source(%dma_start3A_302 : memref<128xi32, #tpu.memory_space<hbm>>) target(%dma_start3A_300 : memref<128xi32, #tpu.memory_space<vmem>>) target_semaphore(%run_scoped3A_292 : memref<!tpu.dma_semaphore, #tpu.memory_space<semaphore_mem>>)
      %dma_wait3A_303 = arith.constant 0 : i32
      %dma_wait3A_304 = tpu.memref_slice %arg6[%run_scoped3A_9, %dma_wait3A_303] : memref<4x128xi32, #tpu.memory_space<vmem>> -> memref<1x128xi32, #tpu.memory_space<vmem>>
      %dma_wait3A_305 = tpu.memref_squeeze %dma_wait3A_304 : memref<1x128xi32, #tpu.memory_space<vmem>> -> memref<128xi32, #tpu.memory_space<vmem>>
      %dma_wait3A_306 = tpu.memref_slice %arg2[%run_scoped3A_8, %multiple_of3A] : memref<4x4096xi32, #tpu.memory_space<hbm>> -> memref<1x128xi32, #tpu.memory_space<hbm>>
      %dma_wait3A_307 = tpu.memref_squeeze %dma_wait3A_306 : memref<1x128xi32, #tpu.memory_space<hbm>> -> memref<128xi32, #tpu.memory_space<hbm>>
      %dma_wait3A_308 = arith.constant 0 : i32
      %dma_wait3A_309 = tpu.memref_slice %arg6[%run_scoped3A_9, %dma_wait3A_308] : memref<4x128xi32, #tpu.memory_space<vmem>> -> memref<1x128xi32, #tpu.memory_space<vmem>>
      %dma_wait3A_310 = tpu.memref_squeeze %dma_wait3A_309 : memref<1x128xi32, #tpu.memory_space<vmem>> -> memref<128xi32, #tpu.memory_space<vmem>>
      %dma_wait3A_311 = tpu.memref_slice %arg2[%run_scoped3A_8, %multiple_of3A] : memref<4x4096xi32, #tpu.memory_space<hbm>> -> memref<1x128xi32, #tpu.memory_space<hbm>>
      %dma_wait3A_312 = tpu.memref_squeeze %dma_wait3A_311 : memref<1x128xi32, #tpu.memory_space<hbm>> -> memref<128xi32, #tpu.memory_space<hbm>>
      tpu.wait_dma2 semaphore(%run_scoped3A_292 : memref<!tpu.dma_semaphore, #tpu.memory_space<semaphore_mem>>) src(%dma_wait3A_312 : memref<128xi32, #tpu.memory_space<hbm>>) dst(%dma_wait3A_310 : memref<128xi32, #tpu.memory_space<vmem>>)
      tpu.yield
    }) : () -> ()
    %multiple_of3A_10 = arith.constant 0 : i32
    %multiple_of3A_11 = tpu.assume_multiple %multiple_of3A_10, 8 : i32
    %add3A_12 = arith.constant 0 : i32
    %add3A_13 = arith.addi %multiple_of3A, %add3A_12 : i32
    %multiple_of3A_14 = tpu.assume_multiple %add3A_13, 8 : i32
    %dma_start3A = arith.constant 0 : i32
    %dma_start3A_15 = arith.constant 0 : i32
    %dma_start3A_16 = arith.constant 0 : i32
    %dma_start3A_17 = tpu.memref_slice %arg8[%dma_start3A, %dma_start3A_15, %dma_start3A_16] : memref<3x8x1024xf32, #tpu.memory_space<vmem>> -> memref<1x8x1024xf32, #tpu.memory_space<vmem>>
    %dma_start3A_18 = tpu.memref_squeeze %dma_start3A_17 : memref<1x8x1024xf32, #tpu.memory_space<vmem>> -> memref<8x1024xf32, #tpu.memory_space<vmem>>
    %dma_start3A_19 = arith.constant 0 : i32
    %dma_start3A_20 = tpu.memref_slice %arg4[%multiple_of3A_14, %dma_start3A_19] : memref<4096x1024xf32, #tpu.memory_space<hbm>> -> memref<8x1024xf32, #tpu.memory_space<hbm>>
    %dma_start3A_21 = arith.constant 0 : i32
    %dma_start3A_22 = arith.constant 0 : i32
    %dma_start3A_23 = tpu.memref_slice %arg8[%dma_start3A, %dma_start3A_21, %dma_start3A_22] : memref<3x8x1024xf32, #tpu.memory_space<vmem>> -> memref<1x8x1024xf32, #tpu.memory_space<vmem>>
    %dma_start3A_24 = tpu.memref_squeeze %dma_start3A_23 : memref<1x8x1024xf32, #tpu.memory_space<vmem>> -> memref<8x1024xf32, #tpu.memory_space<vmem>>
    %dma_start3A_25 = arith.constant 0 : i32
    %dma_start3A_26 = tpu.memref_slice %arg4[%multiple_of3A_14, %dma_start3A_25] : memref<4096x1024xf32, #tpu.memory_space<hbm>> -> memref<8x1024xf32, #tpu.memory_space<hbm>>
    tpu.enqueue_dma source(%dma_start3A_26 : memref<8x1024xf32, #tpu.memory_space<hbm>>) target(%dma_start3A_24 : memref<8x1024xf32, #tpu.memory_space<vmem>>) target_semaphore(%arg12 : memref<!tpu.dma_semaphore, #tpu.memory_space<semaphore_mem>>)
    %dma_start3A_27 = arith.constant 0 : i32
    %dma_start3A_28 = arith.constant 0 : i32
    %dma_start3A_29 = arith.constant 0 : i32
    %dma_start3A_30 = arith.constant 0 : i32
    %dma_start3A_31 = tpu.memref_slice %arg7[%dma_start3A_28, %dma_start3A_29, %dma_start3A_30] : memref<3x32x1024xf32, #tpu.memory_space<vmem>> -> memref<1x8x1024xf32, #tpu.memory_space<vmem>>
    %dma_start3A_32 = tpu.memref_squeeze %dma_start3A_31 : memref<1x8x1024xf32, #tpu.memory_space<vmem>> -> memref<8x1024xf32, #tpu.memory_space<vmem>>
    %dma_start3A_33 = tpu.memref_slice %arg6[%dma_start3A_27, %multiple_of3A_11] : memref<4x128xi32, #tpu.memory_space<vmem>> -> memref<1x8xi32, #tpu.memory_space<vmem>>
    %dma_start3A_34 = tpu.memref_squeeze %dma_start3A_33 : memref<1x8xi32, #tpu.memory_space<vmem>> -> memref<8xi32, #tpu.memory_space<vmem>>
    %dma_start3A_35 = arith.constant 0 : i32
    %dma_start3A_36 = arith.constant 0 : i32
    %dma_start3A_37 = tpu.memref_slice %arg3[%dma_start3A_35, %dma_start3A_36] : memref<100000x1024xf32, #tpu.memory_space<hbm>> -> memref<100000x1024xf32, #tpu.memory_space<hbm>>
    tpu.enqueue_indirect_dma source(%dma_start3A_37 : memref<100000x1024xf32, #tpu.memory_space<hbm>>) target(%dma_start3A_32 : memref<8x1024xf32, #tpu.memory_space<vmem>>) offsets(%dma_start3A_34 : memref<8xi32, #tpu.memory_space<vmem>>) semaphore(%arg9 : memref<!tpu.dma_semaphore, #tpu.memory_space<semaphore_mem>>)
    %dma_start3A_38 = arith.constant 1 : i32
    %dma_start3A_39 = arith.constant 0 : i32
    %dma_start3A_40 = arith.constant 8 : i32
    %dma_start3A_41 = arith.constant 0 : i32
    %dma_start3A_42 = tpu.memref_slice %arg7[%dma_start3A_39, %dma_start3A_40, %dma_start3A_41] : memref<3x32x1024xf32, #tpu.memory_space<vmem>> -> memref<1x8x1024xf32, #tpu.memory_space<vmem>>
    %dma_start3A_43 = tpu.memref_squeeze %dma_start3A_42 : memref<1x8x1024xf32, #tpu.memory_space<vmem>> -> memref<8x1024xf32, #tpu.memory_space<vmem>>
    %dma_start3A_44 = tpu.memref_slice %arg6[%dma_start3A_38, %multiple_of3A_11] : memref<4x128xi32, #tpu.memory_space<vmem>> -> memref<1x8xi32, #tpu.memory_space<vmem>>
    %dma_start3A_45 = tpu.memref_squeeze %dma_start3A_44 : memref<1x8xi32, #tpu.memory_space<vmem>> -> memref<8xi32, #tpu.memory_space<vmem>>
    %dma_start3A_46 = arith.constant 0 : i32
    %dma_start3A_47 = arith.constant 0 : i32
    %dma_start3A_48 = tpu.memref_slice %arg3[%dma_start3A_46, %dma_start3A_47] : memref<100000x1024xf32, #tpu.memory_space<hbm>> -> memref<100000x1024xf32, #tpu.memory_space<hbm>>
    tpu.enqueue_indirect_dma source(%dma_start3A_48 : memref<100000x1024xf32, #tpu.memory_space<hbm>>) target(%dma_start3A_43 : memref<8x1024xf32, #tpu.memory_space<vmem>>) offsets(%dma_start3A_45 : memref<8xi32, #tpu.memory_space<vmem>>) semaphore(%arg9 : memref<!tpu.dma_semaphore, #tpu.memory_space<semaphore_mem>>)
    %dma_start3A_49 = arith.constant 2 : i32
    %dma_start3A_50 = arith.constant 0 : i32
    %dma_start3A_51 = arith.constant 16 : i32
    %dma_start3A_52 = arith.constant 0 : i32
    %dma_start3A_53 = tpu.memref_slice %arg7[%dma_start3A_50, %dma_start3A_51, %dma_start3A_52] : memref<3x32x1024xf32, #tpu.memory_space<vmem>> -> memref<1x8x1024xf32, #tpu.memory_space<vmem>>
    %dma_start3A_54 = tpu.memref_squeeze %dma_start3A_53 : memref<1x8x1024xf32, #tpu.memory_space<vmem>> -> memref<8x1024xf32, #tpu.memory_space<vmem>>
    %dma_start3A_55 = tpu.memref_slice %arg6[%dma_start3A_49, %multiple_of3A_11] : memref<4x128xi32, #tpu.memory_space<vmem>> -> memref<1x8xi32, #tpu.memory_space<vmem>>
    %dma_start3A_56 = tpu.memref_squeeze %dma_start3A_55 : memref<1x8xi32, #tpu.memory_space<vmem>> -> memref<8xi32, #tpu.memory_space<vmem>>
    %dma_start3A_57 = arith.constant 0 : i32
    %dma_start3A_58 = arith.constant 0 : i32
    %dma_start3A_59 = tpu.memref_slice %arg3[%dma_start3A_57, %dma_start3A_58] : memref<100000x1024xf32, #tpu.memory_space<hbm>> -> memref<100000x1024xf32, #tpu.memory_space<hbm>>
    tpu.enqueue_indirect_dma source(%dma_start3A_59 : memref<100000x1024xf32, #tpu.memory_space<hbm>>) target(%dma_start3A_54 : memref<8x1024xf32, #tpu.memory_space<vmem>>) offsets(%dma_start3A_56 : memref<8xi32, #tpu.memory_space<vmem>>) semaphore(%arg9 : memref<!tpu.dma_semaphore, #tpu.memory_space<semaphore_mem>>)
    %dma_start3A_60 = arith.constant 3 : i32
    %dma_start3A_61 = arith.constant 0 : i32
    %dma_start3A_62 = arith.constant 24 : i32
    %dma_start3A_63 = arith.constant 0 : i32
    %dma_start3A_64 = tpu.memref_slice %arg7[%dma_start3A_61, %dma_start3A_62, %dma_start3A_63] : memref<3x32x1024xf32, #tpu.memory_space<vmem>> -> memref<1x8x1024xf32, #tpu.memory_space<vmem>>
    %dma_start3A_65 = tpu.memref_squeeze %dma_start3A_64 : memref<1x8x1024xf32, #tpu.memory_space<vmem>> -> memref<8x1024xf32, #tpu.memory_space<vmem>>
    %dma_start3A_66 = tpu.memref_slice %arg6[%dma_start3A_60, %multiple_of3A_11] : memref<4x128xi32, #tpu.memory_space<vmem>> -> memref<1x8xi32, #tpu.memory_space<vmem>>
    %dma_start3A_67 = tpu.memref_squeeze %dma_start3A_66 : memref<1x8xi32, #tpu.memory_space<vmem>> -> memref<8xi32, #tpu.memory_space<vmem>>
    %dma_start3A_68 = arith.constant 0 : i32
    %dma_start3A_69 = arith.constant 0 : i32
    %dma_start3A_70 = tpu.memref_slice %arg3[%dma_start3A_68, %dma_start3A_69] : memref<100000x1024xf32, #tpu.memory_space<hbm>> -> memref<100000x1024xf32, #tpu.memory_space<hbm>>
    tpu.enqueue_indirect_dma source(%dma_start3A_70 : memref<100000x1024xf32, #tpu.memory_space<hbm>>) target(%dma_start3A_65 : memref<8x1024xf32, #tpu.memory_space<vmem>>) offsets(%dma_start3A_67 : memref<8xi32, #tpu.memory_space<vmem>>) semaphore(%arg9 : memref<!tpu.dma_semaphore, #tpu.memory_space<semaphore_mem>>)
    %multiple_of3A_71 = arith.constant 8 : i32
    %multiple_of3A_72 = tpu.assume_multiple %multiple_of3A_71, 8 : i32
    %add3A_73 = arith.constant 8 : i32
    %add3A_74 = arith.addi %multiple_of3A, %add3A_73 : i32
    %multiple_of3A_75 = tpu.assume_multiple %add3A_74, 8 : i32
    %dma_start3A_76 = arith.constant 1 : i32
    %dma_start3A_77 = arith.constant 0 : i32
    %dma_start3A_78 = arith.constant 0 : i32
    %dma_start3A_79 = tpu.memref_slice %arg8[%dma_start3A_76, %dma_start3A_77, %dma_start3A_78] : memref<3x8x1024xf32, #tpu.memory_space<vmem>> -> memref<1x8x1024xf32, #tpu.memory_space<vmem>>
    %dma_start3A_80 = tpu.memref_squeeze %dma_start3A_79 : memref<1x8x1024xf32, #tpu.memory_space<vmem>> -> memref<8x1024xf32, #tpu.memory_space<vmem>>
    %dma_start3A_81 = arith.constant 0 : i32
    %dma_start3A_82 = tpu.memref_slice %arg4[%multiple_of3A_75, %dma_start3A_81] : memref<4096x1024xf32, #tpu.memory_space<hbm>> -> memref<8x1024xf32, #tpu.memory_space<hbm>>
    %dma_start3A_83 = arith.constant 0 : i32
    %dma_start3A_84 = arith.constant 0 : i32
    %dma_start3A_85 = tpu.memref_slice %arg8[%dma_start3A_76, %dma_start3A_83, %dma_start3A_84] : memref<3x8x1024xf32, #tpu.memory_space<vmem>> -> memref<1x8x1024xf32, #tpu.memory_space<vmem>>
    %dma_start3A_86 = tpu.memref_squeeze %dma_start3A_85 : memref<1x8x1024xf32, #tpu.memory_space<vmem>> -> memref<8x1024xf32, #tpu.memory_space<vmem>>
    %dma_start3A_87 = arith.constant 0 : i32
    %dma_start3A_88 = tpu.memref_slice %arg4[%multiple_of3A_75, %dma_start3A_87] : memref<4096x1024xf32, #tpu.memory_space<hbm>> -> memref<8x1024xf32, #tpu.memory_space<hbm>>
    tpu.enqueue_dma source(%dma_start3A_88 : memref<8x1024xf32, #tpu.memory_space<hbm>>) target(%dma_start3A_86 : memref<8x1024xf32, #tpu.memory_space<vmem>>) target_semaphore(%arg13 : memref<!tpu.dma_semaphore, #tpu.memory_space<semaphore_mem>>)
    %dma_start3A_89 = arith.constant 0 : i32
    %dma_start3A_90 = arith.constant 1 : i32
    %dma_start3A_91 = arith.constant 0 : i32
    %dma_start3A_92 = arith.constant 0 : i32
    %dma_start3A_93 = tpu.memref_slice %arg7[%dma_start3A_90, %dma_start3A_91, %dma_start3A_92] : memref<3x32x1024xf32, #tpu.memory_space<vmem>> -> memref<1x8x1024xf32, #tpu.memory_space<vmem>>
    %dma_start3A_94 = tpu.memref_squeeze %dma_start3A_93 : memref<1x8x1024xf32, #tpu.memory_space<vmem>> -> memref<8x1024xf32, #tpu.memory_space<vmem>>
    %dma_start3A_95 = tpu.memref_slice %arg6[%dma_start3A_89, %multiple_of3A_72] : memref<4x128xi32, #tpu.memory_space<vmem>> -> memref<1x8xi32, #tpu.memory_space<vmem>>
    %dma_start3A_96 = tpu.memref_squeeze %dma_start3A_95 : memref<1x8xi32, #tpu.memory_space<vmem>> -> memref<8xi32, #tpu.memory_space<vmem>>
    %dma_start3A_97 = arith.constant 0 : i32
    %dma_start3A_98 = arith.constant 0 : i32
    %dma_start3A_99 = tpu.memref_slice %arg3[%dma_start3A_97, %dma_start3A_98] : memref<100000x1024xf32, #tpu.memory_space<hbm>> -> memref<100000x1024xf32, #tpu.memory_space<hbm>>
    tpu.enqueue_indirect_dma source(%dma_start3A_99 : memref<100000x1024xf32, #tpu.memory_space<hbm>>) target(%dma_start3A_94 : memref<8x1024xf32, #tpu.memory_space<vmem>>) offsets(%dma_start3A_96 : memref<8xi32, #tpu.memory_space<vmem>>) semaphore(%arg10 : memref<!tpu.dma_semaphore, #tpu.memory_space<semaphore_mem>>)
    %dma_start3A_100 = arith.constant 1 : i32
    %dma_start3A_101 = arith.constant 1 : i32
    %dma_start3A_102 = arith.constant 8 : i32
    %dma_start3A_103 = arith.constant 0 : i32
    %dma_start3A_104 = tpu.memref_slice %arg7[%dma_start3A_101, %dma_start3A_102, %dma_start3A_103] : memref<3x32x1024xf32, #tpu.memory_space<vmem>> -> memref<1x8x1024xf32, #tpu.memory_space<vmem>>
    %dma_start3A_105 = tpu.memref_squeeze %dma_start3A_104 : memref<1x8x1024xf32, #tpu.memory_space<vmem>> -> memref<8x1024xf32, #tpu.memory_space<vmem>>
    %dma_start3A_106 = tpu.memref_slice %arg6[%dma_start3A_100, %multiple_of3A_72] : memref<4x128xi32, #tpu.memory_space<vmem>> -> memref<1x8xi32, #tpu.memory_space<vmem>>
    %dma_start3A_107 = tpu.memref_squeeze %dma_start3A_106 : memref<1x8xi32, #tpu.memory_space<vmem>> -> memref<8xi32, #tpu.memory_space<vmem>>
    %dma_start3A_108 = arith.constant 0 : i32
    %dma_start3A_109 = arith.constant 0 : i32
    %dma_start3A_110 = tpu.memref_slice %arg3[%dma_start3A_108, %dma_start3A_109] : memref<100000x1024xf32, #tpu.memory_space<hbm>> -> memref<100000x1024xf32, #tpu.memory_space<hbm>>
    tpu.enqueue_indirect_dma source(%dma_start3A_110 : memref<100000x1024xf32, #tpu.memory_space<hbm>>) target(%dma_start3A_105 : memref<8x1024xf32, #tpu.memory_space<vmem>>) offsets(%dma_start3A_107 : memref<8xi32, #tpu.memory_space<vmem>>) semaphore(%arg10 : memref<!tpu.dma_semaphore, #tpu.memory_space<semaphore_mem>>)
    %dma_start3A_111 = arith.constant 2 : i32
    %dma_start3A_112 = arith.constant 1 : i32
    %dma_start3A_113 = arith.constant 16 : i32
    %dma_start3A_114 = arith.constant 0 : i32
    %dma_start3A_115 = tpu.memref_slice %arg7[%dma_start3A_112, %dma_start3A_113, %dma_start3A_114] : memref<3x32x1024xf32, #tpu.memory_space<vmem>> -> memref<1x8x1024xf32, #tpu.memory_space<vmem>>
    %dma_start3A_116 = tpu.memref_squeeze %dma_start3A_115 : memref<1x8x1024xf32, #tpu.memory_space<vmem>> -> memref<8x1024xf32, #tpu.memory_space<vmem>>
    %dma_start3A_117 = tpu.memref_slice %arg6[%dma_start3A_111, %multiple_of3A_72] : memref<4x128xi32, #tpu.memory_space<vmem>> -> memref<1x8xi32, #tpu.memory_space<vmem>>
    %dma_start3A_118 = tpu.memref_squeeze %dma_start3A_117 : memref<1x8xi32, #tpu.memory_space<vmem>> -> memref<8xi32, #tpu.memory_space<vmem>>
    %dma_start3A_119 = arith.constant 0 : i32
    %dma_start3A_120 = arith.constant 0 : i32
    %dma_start3A_121 = tpu.memref_slice %arg3[%dma_start3A_119, %dma_start3A_120] : memref<100000x1024xf32, #tpu.memory_space<hbm>> -> memref<100000x1024xf32, #tpu.memory_space<hbm>>
    tpu.enqueue_indirect_dma source(%dma_start3A_121 : memref<100000x1024xf32, #tpu.memory_space<hbm>>) target(%dma_start3A_116 : memref<8x1024xf32, #tpu.memory_space<vmem>>) offsets(%dma_start3A_118 : memref<8xi32, #tpu.memory_space<vmem>>) semaphore(%arg10 : memref<!tpu.dma_semaphore, #tpu.memory_space<semaphore_mem>>)
    %dma_start3A_122 = arith.constant 3 : i32
    %dma_start3A_123 = arith.constant 1 : i32
    %dma_start3A_124 = arith.constant 24 : i32
    %dma_start3A_125 = arith.constant 0 : i32
    %dma_start3A_126 = tpu.memref_slice %arg7[%dma_start3A_123, %dma_start3A_124, %dma_start3A_125] : memref<3x32x1024xf32, #tpu.memory_space<vmem>> -> memref<1x8x1024xf32, #tpu.memory_space<vmem>>
    %dma_start3A_127 = tpu.memref_squeeze %dma_start3A_126 : memref<1x8x1024xf32, #tpu.memory_space<vmem>> -> memref<8x1024xf32, #tpu.memory_space<vmem>>
    %dma_start3A_128 = tpu.memref_slice %arg6[%dma_start3A_122, %multiple_of3A_72] : memref<4x128xi32, #tpu.memory_space<vmem>> -> memref<1x8xi32, #tpu.memory_space<vmem>>
    %dma_start3A_129 = tpu.memref_squeeze %dma_start3A_128 : memref<1x8xi32, #tpu.memory_space<vmem>> -> memref<8xi32, #tpu.memory_space<vmem>>
    %dma_start3A_130 = arith.constant 0 : i32
    %dma_start3A_131 = arith.constant 0 : i32
    %dma_start3A_132 = tpu.memref_slice %arg3[%dma_start3A_130, %dma_start3A_131] : memref<100000x1024xf32, #tpu.memory_space<hbm>> -> memref<100000x1024xf32, #tpu.memory_space<hbm>>
    tpu.enqueue_indirect_dma source(%dma_start3A_132 : memref<100000x1024xf32, #tpu.memory_space<hbm>>) target(%dma_start3A_127 : memref<8x1024xf32, #tpu.memory_space<vmem>>) offsets(%dma_start3A_129 : memref<8xi32, #tpu.memory_space<vmem>>) semaphore(%arg10 : memref<!tpu.dma_semaphore, #tpu.memory_space<semaphore_mem>>)
    %scan3A = arith.constant 0 : i32
    %scan3A_133 = arith.constant 5 : i32
    %scan3A_134 = arith.addi %scan3A, %scan3A_133 : i32
    %scan3A_135 = arith.constant 1 : i32
    scf.for %scan3A_292 = %scan3A to %scan3A_134 step %scan3A_135  : i32 {
      %mul3A_293 = arith.constant 3 : i32
      %mul3A_294 = arith.muli %scan3A_292, %mul3A_293 : i32
      %add3A_295 = arith.constant 0 : i32
      %add3A_296 = arith.addi %add3A_295, %mul3A_294 : i32
      %add3A_297 = arith.constant 0 : i32
      %add3A_298 = arith.addi %add3A_296, %add3A_297 : i32
      %add3A_299 = arith.constant 2 : i32
      %add3A_300 = arith.addi %add3A_298, %add3A_299 : i32
      %lt3A = arith.constant 16 : i32
      %lt3A_301 = arith.cmpi slt, %add3A_300, %lt3A : i32
      %convert_element_type3A = arith.extui %lt3A_301 : i1 to i32
      %cond3A = arith.constant 0 : i32
      %cond3A_302 = arith.cmpi ne, %convert_element_type3A, %cond3A : i32
      scf.if %cond3A_302 {
        %ge3A = arith.constant 1 : i32
        %ge3A_630 = arith.cmpi sge, %add3A_298, %ge3A : i32
        %convert_element_type3A_631 = arith.extui %ge3A_630 : i1 to i32
        %cond3A_632 = arith.constant 0 : i32
        %cond3A_633 = arith.cmpi ne, %convert_element_type3A_631, %cond3A_632 : i32
        scf.if %cond3A_633 {
          %dma_wait3A_700 = arith.constant 2 : i32
          %dma_wait3A_701 = arith.constant 0 : i32
          %dma_wait3A_702 = arith.constant 0 : i32
          %dma_wait3A_703 = arith.constant 0 : i32
          %dma_wait3A_704 = tpu.memref_slice %arg7[%dma_wait3A_700, %dma_wait3A_702, %dma_wait3A_703] : memref<3x32x1024xf32, #tpu.memory_space<vmem>> -> memref<1x32x1024xf32, #tpu.memory_space<vmem>>
          %dma_wait3A_705 = tpu.memref_squeeze %dma_wait3A_704 : memref<1x32x1024xf32, #tpu.memory_space<vmem>> -> memref<32x1024xf32, #tpu.memory_space<vmem>>
          %dma_wait3A_706 = arith.constant 0 : i32
          %dma_wait3A_707 = arith.constant 0 : i32
          %dma_wait3A_708 = tpu.memref_slice %arg5[%dma_wait3A_701, %dma_wait3A_706, %dma_wait3A_707] : memref<4x4096x1024xf32, #tpu.memory_space<hbm>> -> memref<1x32x1024xf32, #tpu.memory_space<hbm>>
          %dma_wait3A_709 = tpu.memref_squeeze %dma_wait3A_708 : memref<1x32x1024xf32, #tpu.memory_space<hbm>> -> memref<32x1024xf32, #tpu.memory_space<hbm>>
          %dma_wait3A_710 = arith.constant 0 : i32
          %dma_wait3A_711 = arith.constant 0 : i32
          %dma_wait3A_712 = tpu.memref_slice %arg5[%dma_wait3A_701, %dma_wait3A_710, %dma_wait3A_711] : memref<4x4096x1024xf32, #tpu.memory_space<hbm>> -> memref<1x32x1024xf32, #tpu.memory_space<hbm>>
          %dma_wait3A_713 = tpu.memref_squeeze %dma_wait3A_712 : memref<1x32x1024xf32, #tpu.memory_space<hbm>> -> memref<32x1024xf32, #tpu.memory_space<hbm>>
          %dma_wait3A_714 = arith.constant 0 : i32
          %dma_wait3A_715 = arith.constant 0 : i32
          %dma_wait3A_716 = tpu.memref_slice %arg7[%dma_wait3A_700, %dma_wait3A_714, %dma_wait3A_715] : memref<3x32x1024xf32, #tpu.memory_space<vmem>> -> memref<1x32x1024xf32, #tpu.memory_space<vmem>>
          %dma_wait3A_717 = tpu.memref_squeeze %dma_wait3A_716 : memref<1x32x1024xf32, #tpu.memory_space<vmem>> -> memref<32x1024xf32, #tpu.memory_space<vmem>>
          tpu.wait_dma2 semaphore(%arg17 : memref<!tpu.dma_semaphore, #tpu.memory_space<semaphore_mem>>) src(%dma_wait3A_717 : memref<32x1024xf32, #tpu.memory_space<vmem>>) dst(%dma_wait3A_713 : memref<32x1024xf32, #tpu.memory_space<hbm>>)
        } else {
        }
        %add3A_634 = arith.constant 2 : i32
        %add3A_635 = arith.addi %add3A_298, %add3A_634 : i32
        %mul3A_636 = arith.constant 8 : i32
        %mul3A_637 = arith.muli %add3A_635, %mul3A_636 : i32
        %multiple_of3A_638 = tpu.assume_multiple %mul3A_637, 8 : i32
        %mul3A_639 = arith.constant 8 : i32
        %mul3A_640 = arith.muli %add3A_635, %mul3A_639 : i32
        %add3A_641 = arith.addi %multiple_of3A, %mul3A_640 : i32
        %multiple_of3A_642 = tpu.assume_multiple %add3A_641, 8 : i32
        %dma_start3A_643 = arith.constant 2 : i32
        %dma_start3A_644 = arith.constant 0 : i32
        %dma_start3A_645 = arith.constant 0 : i32
        %dma_start3A_646 = tpu.memref_slice %arg8[%dma_start3A_643, %dma_start3A_644, %dma_start3A_645] : memref<3x8x1024xf32, #tpu.memory_space<vmem>> -> memref<1x8x1024xf32, #tpu.memory_space<vmem>>
        %dma_start3A_647 = tpu.memref_squeeze %dma_start3A_646 : memref<1x8x1024xf32, #tpu.memory_space<vmem>> -> memref<8x1024xf32, #tpu.memory_space<vmem>>
        %dma_start3A_648 = arith.constant 0 : i32
        %dma_start3A_649 = tpu.memref_slice %arg4[%multiple_of3A_642, %dma_start3A_648] : memref<4096x1024xf32, #tpu.memory_space<hbm>> -> memref<8x1024xf32, #tpu.memory_space<hbm>>
        %dma_start3A_650 = arith.constant 0 : i32
        %dma_start3A_651 = arith.constant 0 : i32
        %dma_start3A_652 = tpu.memref_slice %arg8[%dma_start3A_643, %dma_start3A_650, %dma_start3A_651] : memref<3x8x1024xf32, #tpu.memory_space<vmem>> -> memref<1x8x1024xf32, #tpu.memory_space<vmem>>
        %dma_start3A_653 = tpu.memref_squeeze %dma_start3A_652 : memref<1x8x1024xf32, #tpu.memory_space<vmem>> -> memref<8x1024xf32, #tpu.memory_space<vmem>>
        %dma_start3A_654 = arith.constant 0 : i32
        %dma_start3A_655 = tpu.memref_slice %arg4[%multiple_of3A_642, %dma_start3A_654] : memref<4096x1024xf32, #tpu.memory_space<hbm>> -> memref<8x1024xf32, #tpu.memory_space<hbm>>
        tpu.enqueue_dma source(%dma_start3A_655 : memref<8x1024xf32, #tpu.memory_space<hbm>>) target(%dma_start3A_653 : memref<8x1024xf32, #tpu.memory_space<vmem>>) target_semaphore(%arg14 : memref<!tpu.dma_semaphore, #tpu.memory_space<semaphore_mem>>)
        %dma_start3A_656 = arith.constant 0 : i32
        %dma_start3A_657 = arith.constant 2 : i32
        %dma_start3A_658 = arith.constant 0 : i32
        %dma_start3A_659 = arith.constant 0 : i32
        %dma_start3A_660 = tpu.memref_slice %arg7[%dma_start3A_657, %dma_start3A_658, %dma_start3A_659] : memref<3x32x1024xf32, #tpu.memory_space<vmem>> -> memref<1x8x1024xf32, #tpu.memory_space<vmem>>
        %dma_start3A_661 = tpu.memref_squeeze %dma_start3A_660 : memref<1x8x1024xf32, #tpu.memory_space<vmem>> -> memref<8x1024xf32, #tpu.memory_space<vmem>>
        %dma_start3A_662 = tpu.memref_slice %arg6[%dma_start3A_656, %multiple_of3A_638] : memref<4x128xi32, #tpu.memory_space<vmem>> -> memref<1x8xi32, #tpu.memory_space<vmem>>
        %dma_start3A_663 = tpu.memref_squeeze %dma_start3A_662 : memref<1x8xi32, #tpu.memory_space<vmem>> -> memref<8xi32, #tpu.memory_space<vmem>>
        %dma_start3A_664 = arith.constant 0 : i32
        %dma_start3A_665 = arith.constant 0 : i32
        %dma_start3A_666 = tpu.memref_slice %arg3[%dma_start3A_664, %dma_start3A_665] : memref<100000x1024xf32, #tpu.memory_space<hbm>> -> memref<100000x1024xf32, #tpu.memory_space<hbm>>
        tpu.enqueue_indirect_dma source(%dma_start3A_666 : memref<100000x1024xf32, #tpu.memory_space<hbm>>) target(%dma_start3A_661 : memref<8x1024xf32, #tpu.memory_space<vmem>>) offsets(%dma_start3A_663 : memref<8xi32, #tpu.memory_space<vmem>>) semaphore(%arg11 : memref<!tpu.dma_semaphore, #tpu.memory_space<semaphore_mem>>)
        %dma_start3A_667 = arith.constant 1 : i32
        %dma_start3A_668 = arith.constant 2 : i32
        %dma_start3A_669 = arith.constant 8 : i32
        %dma_start3A_670 = arith.constant 0 : i32
        %dma_start3A_671 = tpu.memref_slice %arg7[%dma_start3A_668, %dma_start3A_669, %dma_start3A_670] : memref<3x32x1024xf32, #tpu.memory_space<vmem>> -> memref<1x8x1024xf32, #tpu.memory_space<vmem>>
        %dma_start3A_672 = tpu.memref_squeeze %dma_start3A_671 : memref<1x8x1024xf32, #tpu.memory_space<vmem>> -> memref<8x1024xf32, #tpu.memory_space<vmem>>
        %dma_start3A_673 = tpu.memref_slice %arg6[%dma_start3A_667, %multiple_of3A_638] : memref<4x128xi32, #tpu.memory_space<vmem>> -> memref<1x8xi32, #tpu.memory_space<vmem>>
        %dma_start3A_674 = tpu.memref_squeeze %dma_start3A_673 : memref<1x8xi32, #tpu.memory_space<vmem>> -> memref<8xi32, #tpu.memory_space<vmem>>
        %dma_start3A_675 = arith.constant 0 : i32
        %dma_start3A_676 = arith.constant 0 : i32
        %dma_start3A_677 = tpu.memref_slice %arg3[%dma_start3A_675, %dma_start3A_676] : memref<100000x1024xf32, #tpu.memory_space<hbm>> -> memref<100000x1024xf32, #tpu.memory_space<hbm>>
        tpu.enqueue_indirect_dma source(%dma_start3A_677 : memref<100000x1024xf32, #tpu.memory_space<hbm>>) target(%dma_start3A_672 : memref<8x1024xf32, #tpu.memory_space<vmem>>) offsets(%dma_start3A_674 : memref<8xi32, #tpu.memory_space<vmem>>) semaphore(%arg11 : memref<!tpu.dma_semaphore, #tpu.memory_space<semaphore_mem>>)
        %dma_start3A_678 = arith.constant 2 : i32
        %dma_start3A_679 = arith.constant 2 : i32
        %dma_start3A_680 = arith.constant 16 : i32
        %dma_start3A_681 = arith.constant 0 : i32
        %dma_start3A_682 = tpu.memref_slice %arg7[%dma_start3A_679, %dma_start3A_680, %dma_start3A_681] : memref<3x32x1024xf32, #tpu.memory_space<vmem>> -> memref<1x8x1024xf32, #tpu.memory_space<vmem>>
        %dma_start3A_683 = tpu.memref_squeeze %dma_start3A_682 : memref<1x8x1024xf32, #tpu.memory_space<vmem>> -> memref<8x1024xf32, #tpu.memory_space<vmem>>
        %dma_start3A_684 = tpu.memref_slice %arg6[%dma_start3A_678, %multiple_of3A_638] : memref<4x128xi32, #tpu.memory_space<vmem>> -> memref<1x8xi32, #tpu.memory_space<vmem>>
        %dma_start3A_685 = tpu.memref_squeeze %dma_start3A_684 : memref<1x8xi32, #tpu.memory_space<vmem>> -> memref<8xi32, #tpu.memory_space<vmem>>
        %dma_start3A_686 = arith.constant 0 : i32
        %dma_start3A_687 = arith.constant 0 : i32
        %dma_start3A_688 = tpu.memref_slice %arg3[%dma_start3A_686, %dma_start3A_687] : memref<100000x1024xf32, #tpu.memory_space<hbm>> -> memref<100000x1024xf32, #tpu.memory_space<hbm>>
        tpu.enqueue_indirect_dma source(%dma_start3A_688 : memref<100000x1024xf32, #tpu.memory_space<hbm>>) target(%dma_start3A_683 : memref<8x1024xf32, #tpu.memory_space<vmem>>) offsets(%dma_start3A_685 : memref<8xi32, #tpu.memory_space<vmem>>) semaphore(%arg11 : memref<!tpu.dma_semaphore, #tpu.memory_space<semaphore_mem>>)
        %dma_start3A_689 = arith.constant 3 : i32
        %dma_start3A_690 = arith.constant 2 : i32
        %dma_start3A_691 = arith.constant 24 : i32
        %dma_start3A_692 = arith.constant 0 : i32
        %dma_start3A_693 = tpu.memref_slice %arg7[%dma_start3A_690, %dma_start3A_691, %dma_start3A_692] : memref<3x32x1024xf32, #tpu.memory_space<vmem>> -> memref<1x8x1024xf32, #tpu.memory_space<vmem>>
        %dma_start3A_694 = tpu.memref_squeeze %dma_start3A_693 : memref<1x8x1024xf32, #tpu.memory_space<vmem>> -> memref<8x1024xf32, #tpu.memory_space<vmem>>
        %dma_start3A_695 = tpu.memref_slice %arg6[%dma_start3A_689, %multiple_of3A_638] : memref<4x128xi32, #tpu.memory_space<vmem>> -> memref<1x8xi32, #tpu.memory_space<vmem>>
        %dma_start3A_696 = tpu.memref_squeeze %dma_start3A_695 : memref<1x8xi32, #tpu.memory_space<vmem>> -> memref<8xi32, #tpu.memory_space<vmem>>
        %dma_start3A_697 = arith.constant 0 : i32
        %dma_start3A_698 = arith.constant 0 : i32
        %dma_start3A_699 = tpu.memref_slice %arg3[%dma_start3A_697, %dma_start3A_698] : memref<100000x1024xf32, #tpu.memory_space<hbm>> -> memref<100000x1024xf32, #tpu.memory_space<hbm>>
        tpu.enqueue_indirect_dma source(%dma_start3A_699 : memref<100000x1024xf32, #tpu.memory_space<hbm>>) target(%dma_start3A_694 : memref<8x1024xf32, #tpu.memory_space<vmem>>) offsets(%dma_start3A_696 : memref<8xi32, #tpu.memory_space<vmem>>) semaphore(%arg11 : memref<!tpu.dma_semaphore, #tpu.memory_space<semaphore_mem>>)
      } else {
      }
      %dma_wait3A_303 = arith.constant 0 : i32
      %dma_wait3A_304 = arith.constant 0 : i32
      %dma_wait3A_305 = arith.constant 0 : i32
      %dma_wait3A_306 = tpu.memref_slice %arg8[%dma_wait3A_303, %dma_wait3A_304, %dma_wait3A_305] : memref<3x8x1024xf32, #tpu.memory_space<vmem>> -> memref<1x8x1024xf32, #tpu.memory_space<vmem>>
      %dma_wait3A_307 = tpu.memref_squeeze %dma_wait3A_306 : memref<1x8x1024xf32, #tpu.memory_space<vmem>> -> memref<8x1024xf32, #tpu.memory_space<vmem>>
      %dma_wait3A_308 = arith.constant 0 : i32
      %dma_wait3A_309 = arith.constant 0 : i32
      %dma_wait3A_310 = tpu.memref_slice %arg4[%dma_wait3A_308, %dma_wait3A_309] : memref<4096x1024xf32, #tpu.memory_space<hbm>> -> memref<8x1024xf32, #tpu.memory_space<hbm>>
      %dma_wait3A_311 = arith.constant 0 : i32
      %dma_wait3A_312 = arith.constant 0 : i32
      %dma_wait3A_313 = tpu.memref_slice %arg8[%dma_wait3A_303, %dma_wait3A_311, %dma_wait3A_312] : memref<3x8x1024xf32, #tpu.memory_space<vmem>> -> memref<1x8x1024xf32, #tpu.memory_space<vmem>>
      %dma_wait3A_314 = tpu.memref_squeeze %dma_wait3A_313 : memref<1x8x1024xf32, #tpu.memory_space<vmem>> -> memref<8x1024xf32, #tpu.memory_space<vmem>>
      %dma_wait3A_315 = arith.constant 0 : i32
      %dma_wait3A_316 = arith.constant 0 : i32
      %dma_wait3A_317 = tpu.memref_slice %arg4[%dma_wait3A_315, %dma_wait3A_316] : memref<4096x1024xf32, #tpu.memory_space<hbm>> -> memref<8x1024xf32, #tpu.memory_space<hbm>>
      tpu.wait_dma2 semaphore(%arg12 : memref<!tpu.dma_semaphore, #tpu.memory_space<semaphore_mem>>) src(%dma_wait3A_317 : memref<8x1024xf32, #tpu.memory_space<hbm>>) dst(%dma_wait3A_314 : memref<8x1024xf32, #tpu.memory_space<vmem>>)
      %dma_wait3A_318 = arith.constant 0 : i32
      %dma_wait3A_319 = arith.constant 0 : i32
      %dma_wait3A_320 = arith.constant 0 : i32
      %dma_wait3A_321 = tpu.memref_slice %arg7[%dma_wait3A_318, %dma_wait3A_319, %dma_wait3A_320] : memref<3x32x1024xf32, #tpu.memory_space<vmem>> -> memref<1x32x1024xf32, #tpu.memory_space<vmem>>
      %dma_wait3A_322 = tpu.memref_squeeze %dma_wait3A_321 : memref<1x32x1024xf32, #tpu.memory_space<vmem>> -> memref<32x1024xf32, #tpu.memory_space<vmem>>
      %dma_wait3A_323 = arith.constant 0 : i32
      %dma_wait3A_324 = arith.constant 0 : i32
      %dma_wait3A_325 = tpu.memref_slice %arg3[%dma_wait3A_323, %dma_wait3A_324] : memref<100000x1024xf32, #tpu.memory_space<hbm>> -> memref<32x1024xf32, #tpu.memory_space<hbm>>
      %dma_wait3A_326 = arith.constant 0 : i32
      %dma_wait3A_327 = arith.constant 0 : i32
      %dma_wait3A_328 = tpu.memref_slice %arg7[%dma_wait3A_318, %dma_wait3A_326, %dma_wait3A_327] : memref<3x32x1024xf32, #tpu.memory_space<vmem>> -> memref<1x32x1024xf32, #tpu.memory_space<vmem>>
      %dma_wait3A_329 = tpu.memref_squeeze %dma_wait3A_328 : memref<1x32x1024xf32, #tpu.memory_space<vmem>> -> memref<32x1024xf32, #tpu.memory_space<vmem>>
      %dma_wait3A_330 = arith.constant 0 : i32
      %dma_wait3A_331 = arith.constant 0 : i32
      %dma_wait3A_332 = tpu.memref_slice %arg3[%dma_wait3A_330, %dma_wait3A_331] : memref<100000x1024xf32, #tpu.memory_space<hbm>> -> memref<32x1024xf32, #tpu.memory_space<hbm>>
      tpu.wait_dma2 semaphore(%arg9 : memref<!tpu.dma_semaphore, #tpu.memory_space<semaphore_mem>>) src(%dma_wait3A_332 : memref<32x1024xf32, #tpu.memory_space<hbm>>) dst(%dma_wait3A_329 : memref<32x1024xf32, #tpu.memory_space<vmem>>)
      %scan3A_333 = arith.constant 0 : i32
      %scan3A_334 = arith.constant 64 : i32
      %scan3A_335 = arith.addi %scan3A_333, %scan3A_334 : i32
      %scan3A_336 = arith.constant 1 : i32
      scf.for %scan3A_630 = %scan3A_333 to %scan3A_335 step %scan3A_336  : i32 {
        %mul3A_631 = arith.constant 1 : i32
        %mul3A_632 = arith.muli %scan3A_630, %mul3A_631 : i32
        %add3A_633 = arith.constant 0 : i32
        %add3A_634 = arith.addi %add3A_633, %mul3A_632 : i32
        %mul3A_635 = arith.constant 16 : i32
        %mul3A_636 = arith.muli %add3A_634, %mul3A_635 : i32
        %get3A = arith.constant 0 : i32
        %get3A_637 = arith.constant 0 : i32
        %get3A_638 = arith.index_cast %get3A : i32 to index
        %get3A_639 = arith.index_cast %get3A_637 : i32 to index
        %get3A_640 = arith.index_cast %mul3A_636 : i32 to index
        %get3A_641 = tpu.vector_load %arg8[%get3A_638, %get3A_639, %get3A_640] {strides = array<i32>} : memref<3x8x1024xf32, #tpu.memory_space<vmem>>, vector<1x1x16xf32>,
        %get3A_642 = vector.shape_cast %get3A_641 : vector<1x1x16xf32> to vector<16xf32>
        %get3A_643 = arith.constant 0 : i32
        %get3A_644 = arith.constant 0 : i32
        %get3A_645 = arith.index_cast %get3A_643 : i32 to index
        %get3A_646 = arith.index_cast %get3A_644 : i32 to index
        %get3A_647 = arith.index_cast %mul3A_636 : i32 to index
        %get3A_648 = tpu.vector_load %arg7[%get3A_645, %get3A_646, %get3A_647] {strides = array<i32>} : memref<3x32x1024xf32, #tpu.memory_space<vmem>>, vector<1x1x16xf32>,
        %get3A_649 = vector.shape_cast %get3A_648 : vector<1x1x16xf32> to vector<16xf32>
        %add3A_650 = arith.addf %get3A_649, %get3A_642 : vector<16xf32>
        %swap3A = arith.constant 0 : i32
        %swap3A_651 = arith.constant 0 : i32
        %swap3A_652 = arith.index_cast %swap3A : i32 to index
        %swap3A_653 = arith.index_cast %swap3A_651 : i32 to index
        %swap3A_654 = arith.index_cast %mul3A_636 : i32 to index
        %swap3A_655 = tpu.vector_load %arg7[%swap3A_652, %swap3A_653, %swap3A_654] {strides = array<i32>} : memref<3x32x1024xf32, #tpu.memory_space<vmem>>, vector<1x1x16xf32>,
        %swap3A_656 = vector.shape_cast %swap3A_655 : vector<1x1x16xf32> to vector<16xf32>
        %swap3A_657 = vector.shape_cast %add3A_650 : vector<16xf32> to vector<1x1x16xf32>
        tpu.vector_store %arg7[%swap3A_652, %swap3A_653, %swap3A_654], %swap3A_657 {strides = array<i32>} : memref<3x32x1024xf32, #tpu.memory_space<vmem>>, vector<1x1x16xf32>,
        %get3A_658 = arith.constant 0 : i32
        %get3A_659 = arith.constant 8 : i32
        %get3A_660 = arith.index_cast %get3A_658 : i32 to index
        %get3A_661 = arith.index_cast %get3A_659 : i32 to index
        %get3A_662 = arith.index_cast %mul3A_636 : i32 to index
        %get3A_663 = tpu.vector_load %arg7[%get3A_660, %get3A_661, %get3A_662] {strides = array<i32>} : memref<3x32x1024xf32, #tpu.memory_space<vmem>>, vector<1x1x16xf32>,
        %get3A_664 = vector.shape_cast %get3A_663 : vector<1x1x16xf32> to vector<16xf32>
        %add3A_665 = arith.addf %get3A_664, %get3A_642 : vector<16xf32>
        %swap3A_666 = arith.constant 0 : i32
        %swap3A_667 = arith.constant 8 : i32
        %swap3A_668 = arith.index_cast %swap3A_666 : i32 to index
        %swap3A_669 = arith.index_cast %swap3A_667 : i32 to index
        %swap3A_670 = arith.index_cast %mul3A_636 : i32 to index
        %swap3A_671 = tpu.vector_load %arg7[%swap3A_668, %swap3A_669, %swap3A_670] {strides = array<i32>} : memref<3x32x1024xf32, #tpu.memory_space<vmem>>, vector<1x1x16xf32>,
        %swap3A_672 = vector.shape_cast %swap3A_671 : vector<1x1x16xf32> to vector<16xf32>
        %swap3A_673 = vector.shape_cast %add3A_665 : vector<16xf32> to vector<1x1x16xf32>
        tpu.vector_store %arg7[%swap3A_668, %swap3A_669, %swap3A_670], %swap3A_673 {strides = array<i32>} : memref<3x32x1024xf32, #tpu.memory_space<vmem>>, vector<1x1x16xf32>,
        %get3A_674 = arith.constant 0 : i32
        %get3A_675 = arith.constant 16 : i32
        %get3A_676 = arith.index_cast %get3A_674 : i32 to index
        %get3A_677 = arith.index_cast %get3A_675 : i32 to index
        %get3A_678 = arith.index_cast %mul3A_636 : i32 to index
        %get3A_679 = tpu.vector_load %arg7[%get3A_676, %get3A_677, %get3A_678] {strides = array<i32>} : memref<3x32x1024xf32, #tpu.memory_space<vmem>>, vector<1x1x16xf32>,
        %get3A_680 = vector.shape_cast %get3A_679 : vector<1x1x16xf32> to vector<16xf32>
        %add3A_681 = arith.addf %get3A_680, %get3A_642 : vector<16xf32>
        %swap3A_682 = arith.constant 0 : i32
        %swap3A_683 = arith.constant 16 : i32
        %swap3A_684 = arith.index_cast %swap3A_682 : i32 to index
        %swap3A_685 = arith.index_cast %swap3A_683 : i32 to index
        %swap3A_686 = arith.index_cast %mul3A_636 : i32 to index
        %swap3A_687 = tpu.vector_load %arg7[%swap3A_684, %swap3A_685, %swap3A_686] {strides = array<i32>} : memref<3x32x1024xf32, #tpu.memory_space<vmem>>, vector<1x1x16xf32>,
        %swap3A_688 = vector.shape_cast %swap3A_687 : vector<1x1x16xf32> to vector<16xf32>
        %swap3A_689 = vector.shape_cast %add3A_681 : vector<16xf32> to vector<1x1x16xf32>
        tpu.vector_store %arg7[%swap3A_684, %swap3A_685, %swap3A_686], %swap3A_689 {strides = array<i32>} : memref<3x32x1024xf32, #tpu.memory_space<vmem>>, vector<1x1x16xf32>,
        %get3A_690 = arith.constant 0 : i32
        %get3A_691 = arith.constant 24 : i32
        %get3A_692 = arith.index_cast %get3A_690 : i32 to index
        %get3A_693 = arith.index_cast %get3A_691 : i32 to index
        %get3A_694 = arith.index_cast %mul3A_636 : i32 to index
        %get3A_695 = tpu.vector_load %arg7[%get3A_692, %get3A_693, %get3A_694] {strides = array<i32>} : memref<3x32x1024xf32, #tpu.memory_space<vmem>>, vector<1x1x16xf32>,
        %get3A_696 = vector.shape_cast %get3A_695 : vector<1x1x16xf32> to vector<16xf32>
        %add3A_697 = arith.addf %get3A_696, %get3A_642 : vector<16xf32>
        %swap3A_698 = arith.constant 0 : i32
        %swap3A_699 = arith.constant 24 : i32
        %swap3A_700 = arith.index_cast %swap3A_698 : i32 to index
        %swap3A_701 = arith.index_cast %swap3A_699 : i32 to index
        %swap3A_702 = arith.index_cast %mul3A_636 : i32 to index
        %swap3A_703 = tpu.vector_load %arg7[%swap3A_700, %swap3A_701, %swap3A_702] {strides = array<i32>} : memref<3x32x1024xf32, #tpu.memory_space<vmem>>, vector<1x1x16xf32>,
        %swap3A_704 = vector.shape_cast %swap3A_703 : vector<1x1x16xf32> to vector<16xf32>
        %swap3A_705 = vector.shape_cast %add3A_697 : vector<16xf32> to vector<1x1x16xf32>
        tpu.vector_store %arg7[%swap3A_700, %swap3A_701, %swap3A_702], %swap3A_705 {strides = array<i32>} : memref<3x32x1024xf32, #tpu.memory_space<vmem>>, vector<1x1x16xf32>,
        %get3A_706 = arith.constant 0 : i32
        %get3A_707 = arith.constant 1 : i32
        %get3A_708 = arith.index_cast %get3A_706 : i32 to index
        %get3A_709 = arith.index_cast %get3A_707 : i32 to index
        %get3A_710 = arith.index_cast %mul3A_636 : i32 to index
        %get3A_711 = tpu.vector_load %arg8[%get3A_708, %get3A_709, %get3A_710] {strides = array<i32>} : memref<3x8x1024xf32, #tpu.memory_space<vmem>>, vector<1x1x16xf32>,
        %get3A_712 = vector.shape_cast %get3A_711 : vector<1x1x16xf32> to vector<16xf32>
        %get3A_713 = arith.constant 0 : i32
        %get3A_714 = arith.constant 1 : i32
        %get3A_715 = arith.index_cast %get3A_713 : i32 to index
        %get3A_716 = arith.index_cast %get3A_714 : i32 to index
        %get3A_717 = arith.index_cast %mul3A_636 : i32 to index
        %get3A_718 = tpu.vector_load %arg7[%get3A_715, %get3A_716, %get3A_717] {strides = array<i32>} : memref<3x32x1024xf32, #tpu.memory_space<vmem>>, vector<1x1x16xf32>,
        %get3A_719 = vector.shape_cast %get3A_718 : vector<1x1x16xf32> to vector<16xf32>
        %add3A_720 = arith.addf %get3A_719, %get3A_712 : vector<16xf32>
        %swap3A_721 = arith.constant 0 : i32
        %swap3A_722 = arith.constant 1 : i32
        %swap3A_723 = arith.index_cast %swap3A_721 : i32 to index
        %swap3A_724 = arith.index_cast %swap3A_722 : i32 to index
        %swap3A_725 = arith.index_cast %mul3A_636 : i32 to index
        %swap3A_726 = tpu.vector_load %arg7[%swap3A_723, %swap3A_724, %swap3A_725] {strides = array<i32>} : memref<3x32x1024xf32, #tpu.memory_space<vmem>>, vector<1x1x16xf32>,
        %swap3A_727 = vector.shape_cast %swap3A_726 : vector<1x1x16xf32> to vector<16xf32>
        %swap3A_728 = vector.shape_cast %add3A_720 : vector<16xf32> to vector<1x1x16xf32>
        tpu.vector_store %arg7[%swap3A_723, %swap3A_724, %swap3A_725], %swap3A_728 {strides = array<i32>} : memref<3x32x1024xf32, #tpu.memory_space<vmem>>, vector<1x1x16xf32>,
        %get3A_729 = arith.constant 0 : i32
        %get3A_730 = arith.constant 9 : i32
        %get3A_731 = arith.index_cast %get3A_729 : i32 to index
        %get3A_732 = arith.index_cast %get3A_730 : i32 to index
        %get3A_733 = arith.index_cast %mul3A_636 : i32 to index
        %get3A_734 = tpu.vector_load %arg7[%get3A_731, %get3A_732, %get3A_733] {strides = array<i32>} : memref<3x32x1024xf32, #tpu.memory_space<vmem>>, vector<1x1x16xf32>,
        %get3A_735 = vector.shape_cast %get3A_734 : vector<1x1x16xf32> to vector<16xf32>
        %add3A_736 = arith.addf %get3A_735, %get3A_712 : vector<16xf32>
        %swap3A_737 = arith.constant 0 : i32
        %swap3A_738 = arith.constant 9 : i32
        %swap3A_739 = arith.index_cast %swap3A_737 : i32 to index
        %swap3A_740 = arith.index_cast %swap3A_738 : i32 to index
        %swap3A_741 = arith.index_cast %mul3A_636 : i32 to index
        %swap3A_742 = tpu.vector_load %arg7[%swap3A_739, %swap3A_740, %swap3A_741] {strides = array<i32>} : memref<3x32x1024xf32, #tpu.memory_space<vmem>>, vector<1x1x16xf32>,
        %swap3A_743 = vector.shape_cast %swap3A_742 : vector<1x1x16xf32> to vector<16xf32>
        %swap3A_744 = vector.shape_cast %add3A_736 : vector<16xf32> to vector<1x1x16xf32>
        tpu.vector_store %arg7[%swap3A_739, %swap3A_740, %swap3A_741], %swap3A_744 {strides = array<i32>} : memref<3x32x1024xf32, #tpu.memory_space<vmem>>, vector<1x1x16xf32>,
        %get3A_745 = arith.constant 0 : i32
        %get3A_746 = arith.constant 17 : i32
        %get3A_747 = arith.index_cast %get3A_745 : i32 to index
        %get3A_748 = arith.index_cast %get3A_746 : i32 to index
        %get3A_749 = arith.index_cast %mul3A_636 : i32 to index
        %get3A_750 = tpu.vector_load %arg7[%get3A_747, %get3A_748, %get3A_749] {strides = array<i32>} : memref<3x32x1024xf32, #tpu.memory_space<vmem>>, vector<1x1x16xf32>,
        %get3A_751 = vector.shape_cast %get3A_750 : vector<1x1x16xf32> to vector<16xf32>
        %add3A_752 = arith.addf %get3A_751, %get3A_712 : vector<16xf32>
        %swap3A_753 = arith.constant 0 : i32
        %swap3A_754 = arith.constant 17 : i32
        %swap3A_755 = arith.index_cast %swap3A_753 : i32 to index
        %swap3A_756 = arith.index_cast %swap3A_754 : i32 to index
        %swap3A_757 = arith.index_cast %mul3A_636 : i32 to index
        %swap3A_758 = tpu.vector_load %arg7[%swap3A_755, %swap3A_756, %swap3A_757] {strides = array<i32>} : memref<3x32x1024xf32, #tpu.memory_space<vmem>>, vector<1x1x16xf32>,
        %swap3A_759 = vector.shape_cast %swap3A_758 : vector<1x1x16xf32> to vector<16xf32>
        %swap3A_760 = vector.shape_cast %add3A_752 : vector<16xf32> to vector<1x1x16xf32>
        tpu.vector_store %arg7[%swap3A_755, %swap3A_756, %swap3A_757], %swap3A_760 {strides = array<i32>} : memref<3x32x1024xf32, #tpu.memory_space<vmem>>, vector<1x1x16xf32>,
        %get3A_761 = arith.constant 0 : i32
        %get3A_762 = arith.constant 25 : i32
        %get3A_763 = arith.index_cast %get3A_761 : i32 to index
        %get3A_764 = arith.index_cast %get3A_762 : i32 to index
        %get3A_765 = arith.index_cast %mul3A_636 : i32 to index
        %get3A_766 = tpu.vector_load %arg7[%get3A_763, %get3A_764, %get3A_765] {strides = array<i32>} : memref<3x32x1024xf32, #tpu.memory_space<vmem>>, vector<1x1x16xf32>,
        %get3A_767 = vector.shape_cast %get3A_766 : vector<1x1x16xf32> to vector<16xf32>
        %add3A_768 = arith.addf %get3A_767, %get3A_712 : vector<16xf32>
        %swap3A_769 = arith.constant 0 : i32
        %swap3A_770 = arith.constant 25 : i32
        %swap3A_771 = arith.index_cast %swap3A_769 : i32 to index
        %swap3A_772 = arith.index_cast %swap3A_770 : i32 to index
        %swap3A_773 = arith.index_cast %mul3A_636 : i32 to index
        %swap3A_774 = tpu.vector_load %arg7[%swap3A_771, %swap3A_772, %swap3A_773] {strides = array<i32>} : memref<3x32x1024xf32, #tpu.memory_space<vmem>>, vector<1x1x16xf32>,
        %swap3A_775 = vector.shape_cast %swap3A_774 : vector<1x1x16xf32> to vector<16xf32>
        %swap3A_776 = vector.shape_cast %add3A_768 : vector<16xf32> to vector<1x1x16xf32>
        tpu.vector_store %arg7[%swap3A_771, %swap3A_772, %swap3A_773], %swap3A_776 {strides = array<i32>} : memref<3x32x1024xf32, #tpu.memory_space<vmem>>, vector<1x1x16xf32>,
        %get3A_777 = arith.constant 0 : i32
        %get3A_778 = arith.constant 2 : i32
        %get3A_779 = arith.index_cast %get3A_777 : i32 to index
        %get3A_780 = arith.index_cast %get3A_778 : i32 to index
        %get3A_781 = arith.index_cast %mul3A_636 : i32 to index
        %get3A_782 = tpu.vector_load %arg8[%get3A_779, %get3A_780, %get3A_781] {strides = array<i32>} : memref<3x8x1024xf32, #tpu.memory_space<vmem>>, vector<1x1x16xf32>,
        %get3A_783 = vector.shape_cast %get3A_782 : vector<1x1x16xf32> to vector<16xf32>
        %get3A_784 = arith.constant 0 : i32
        %get3A_785 = arith.constant 2 : i32
        %get3A_786 = arith.index_cast %get3A_784 : i32 to index
        %get3A_787 = arith.index_cast %get3A_785 : i32 to index
        %get3A_788 = arith.index_cast %mul3A_636 : i32 to index
        %get3A_789 = tpu.vector_load %arg7[%get3A_786, %get3A_787, %get3A_788] {strides = array<i32>} : memref<3x32x1024xf32, #tpu.memory_space<vmem>>, vector<1x1x16xf32>,
        %get3A_790 = vector.shape_cast %get3A_789 : vector<1x1x16xf32> to vector<16xf32>
        %add3A_791 = arith.addf %get3A_790, %get3A_783 : vector<16xf32>
        %swap3A_792 = arith.constant 0 : i32
        %swap3A_793 = arith.constant 2 : i32
        %swap3A_794 = arith.index_cast %swap3A_792 : i32 to index
        %swap3A_795 = arith.index_cast %swap3A_793 : i32 to index
        %swap3A_796 = arith.index_cast %mul3A_636 : i32 to index
        %swap3A_797 = tpu.vector_load %arg7[%swap3A_794, %swap3A_795, %swap3A_796] {strides = array<i32>} : memref<3x32x1024xf32, #tpu.memory_space<vmem>>, vector<1x1x16xf32>,
        %swap3A_798 = vector.shape_cast %swap3A_797 : vector<1x1x16xf32> to vector<16xf32>
        %swap3A_799 = vector.shape_cast %add3A_791 : vector<16xf32> to vector<1x1x16xf32>
        tpu.vector_store %arg7[%swap3A_794, %swap3A_795, %swap3A_796], %swap3A_799 {strides = array<i32>} : memref<3x32x1024xf32, #tpu.memory_space<vmem>>, vector<1x1x16xf32>,
        %get3A_800 = arith.constant 0 : i32
        %get3A_801 = arith.constant 10 : i32
        %get3A_802 = arith.index_cast %get3A_800 : i32 to index
        %get3A_803 = arith.index_cast %get3A_801 : i32 to index
        %get3A_804 = arith.index_cast %mul3A_636 : i32 to index
        %get3A_805 = tpu.vector_load %arg7[%get3A_802, %get3A_803, %get3A_804] {strides = array<i32>} : memref<3x32x1024xf32, #tpu.memory_space<vmem>>, vector<1x1x16xf32>,
        %get3A_806 = vector.shape_cast %get3A_805 : vector<1x1x16xf32> to vector<16xf32>
        %add3A_807 = arith.addf %get3A_806, %get3A_783 : vector<16xf32>
        %swap3A_808 = arith.constant 0 : i32
        %swap3A_809 = arith.constant 10 : i32
        %swap3A_810 = arith.index_cast %swap3A_808 : i32 to index
        %swap3A_811 = arith.index_cast %swap3A_809 : i32 to index
        %swap3A_812 = arith.index_cast %mul3A_636 : i32 to index
        %swap3A_813 = tpu.vector_load %arg7[%swap3A_810, %swap3A_811, %swap3A_812] {strides = array<i32>} : memref<3x32x1024xf32, #tpu.memory_space<vmem>>, vector<1x1x16xf32>,
        %swap3A_814 = vector.shape_cast %swap3A_813 : vector<1x1x16xf32> to vector<16xf32>
        %swap3A_815 = vector.shape_cast %add3A_807 : vector<16xf32> to vector<1x1x16xf32>
        tpu.vector_store %arg7[%swap3A_810, %swap3A_811, %swap3A_812], %swap3A_815 {strides = array<i32>} : memref<3x32x1024xf32, #tpu.memory_space<vmem>>, vector<1x1x16xf32>,
        %get3A_816 = arith.constant 0 : i32
        %get3A_817 = arith.constant 18 : i32
        %get3A_818 = arith.index_cast %get3A_816 : i32 to index
        %get3A_819 = arith.index_cast %get3A_817 : i32 to index
        %get3A_820 = arith.index_cast %mul3A_636 : i32 to index
        %get3A_821 = tpu.vector_load %arg7[%get3A_818, %get3A_819, %get3A_820] {strides = array<i32>} : memref<3x32x1024xf32, #tpu.memory_space<vmem>>, vector<1x1x16xf32>,
        %get3A_822 = vector.shape_cast %get3A_821 : vector<1x1x16xf32> to vector<16xf32>
        %add3A_823 = arith.addf %get3A_822, %get3A_783 : vector<16xf32>
        %swap3A_824 = arith.constant 0 : i32
        %swap3A_825 = arith.constant 18 : i32
        %swap3A_826 = arith.index_cast %swap3A_824 : i32 to index
        %swap3A_827 = arith.index_cast %swap3A_825 : i32 to index
        %swap3A_828 = arith.index_cast %mul3A_636 : i32 to index
        %swap3A_829 = tpu.vector_load %arg7[%swap3A_826, %swap3A_827, %swap3A_828] {strides = array<i32>} : memref<3x32x1024xf32, #tpu.memory_space<vmem>>, vector<1x1x16xf32>,
        %swap3A_830 = vector.shape_cast %swap3A_829 : vector<1x1x16xf32> to vector<16xf32>
        %swap3A_831 = vector.shape_cast %add3A_823 : vector<16xf32> to vector<1x1x16xf32>
        tpu.vector_store %arg7[%swap3A_826, %swap3A_827, %swap3A_828], %swap3A_831 {strides = array<i32>} : memref<3x32x1024xf32, #tpu.memory_space<vmem>>, vector<1x1x16xf32>,
        %get3A_832 = arith.constant 0 : i32
        %get3A_833 = arith.constant 26 : i32
        %get3A_834 = arith.index_cast %get3A_832 : i32 to index
        %get3A_835 = arith.index_cast %get3A_833 : i32 to index
        %get3A_836 = arith.index_cast %mul3A_636 : i32 to index
        %get3A_837 = tpu.vector_load %arg7[%get3A_834, %get3A_835, %get3A_836] {strides = array<i32>} : memref<3x32x1024xf32, #tpu.memory_space<vmem>>, vector<1x1x16xf32>,
        %get3A_838 = vector.shape_cast %get3A_837 : vector<1x1x16xf32> to vector<16xf32>
        %add3A_839 = arith.addf %get3A_838, %get3A_783 : vector<16xf32>
        %swap3A_840 = arith.constant 0 : i32
        %swap3A_841 = arith.constant 26 : i32
        %swap3A_842 = arith.index_cast %swap3A_840 : i32 to index
        %swap3A_843 = arith.index_cast %swap3A_841 : i32 to index
        %swap3A_844 = arith.index_cast %mul3A_636 : i32 to index
        %swap3A_845 = tpu.vector_load %arg7[%swap3A_842, %swap3A_843, %swap3A_844] {strides = array<i32>} : memref<3x32x1024xf32, #tpu.memory_space<vmem>>, vector<1x1x16xf32>,
        %swap3A_846 = vector.shape_cast %swap3A_845 : vector<1x1x16xf32> to vector<16xf32>
        %swap3A_847 = vector.shape_cast %add3A_839 : vector<16xf32> to vector<1x1x16xf32>
        tpu.vector_store %arg7[%swap3A_842, %swap3A_843, %swap3A_844], %swap3A_847 {strides = array<i32>} : memref<3x32x1024xf32, #tpu.memory_space<vmem>>, vector<1x1x16xf32>,
        %get3A_848 = arith.constant 0 : i32
        %get3A_849 = arith.constant 3 : i32
        %get3A_850 = arith.index_cast %get3A_848 : i32 to index
        %get3A_851 = arith.index_cast %get3A_849 : i32 to index
        %get3A_852 = arith.index_cast %mul3A_636 : i32 to index
        %get3A_853 = tpu.vector_load %arg8[%get3A_850, %get3A_851, %get3A_852] {strides = array<i32>} : memref<3x8x1024xf32, #tpu.memory_space<vmem>>, vector<1x1x16xf32>,
        %get3A_854 = vector.shape_cast %get3A_853 : vector<1x1x16xf32> to vector<16xf32>
        %get3A_855 = arith.constant 0 : i32
        %get3A_856 = arith.constant 3 : i32
        %get3A_857 = arith.index_cast %get3A_855 : i32 to index
        %get3A_858 = arith.index_cast %get3A_856 : i32 to index
        %get3A_859 = arith.index_cast %mul3A_636 : i32 to index
        %get3A_860 = tpu.vector_load %arg7[%get3A_857, %get3A_858, %get3A_859] {strides = array<i32>} : memref<3x32x1024xf32, #tpu.memory_space<vmem>>, vector<1x1x16xf32>,
        %get3A_861 = vector.shape_cast %get3A_860 : vector<1x1x16xf32> to vector<16xf32>
        %add3A_862 = arith.addf %get3A_861, %get3A_854 : vector<16xf32>
        %swap3A_863 = arith.constant 0 : i32
        %swap3A_864 = arith.constant 3 : i32
        %swap3A_865 = arith.index_cast %swap3A_863 : i32 to index
        %swap3A_866 = arith.index_cast %swap3A_864 : i32 to index
        %swap3A_867 = arith.index_cast %mul3A_636 : i32 to index
        %swap3A_868 = tpu.vector_load %arg7[%swap3A_865, %swap3A_866, %swap3A_867] {strides = array<i32>} : memref<3x32x1024xf32, #tpu.memory_space<vmem>>, vector<1x1x16xf32>,
        %swap3A_869 = vector.shape_cast %swap3A_868 : vector<1x1x16xf32> to vector<16xf32>
        %swap3A_870 = vector.shape_cast %add3A_862 : vector<16xf32> to vector<1x1x16xf32>
        tpu.vector_store %arg7[%swap3A_865, %swap3A_866, %swap3A_867], %swap3A_870 {strides = array<i32>} : memref<3x32x1024xf32, #tpu.memory_space<vmem>>, vector<1x1x16xf32>,
        %get3A_871 = arith.constant 0 : i32
        %get3A_872 = arith.constant 11 : i32
        %get3A_873 = arith.index_cast %get3A_871 : i32 to index
        %get3A_874 = arith.index_cast %get3A_872 : i32 to index
        %get3A_875 = arith.index_cast %mul3A_636 : i32 to index
        %get3A_876 = tpu.vector_load %arg7[%get3A_873, %get3A_874, %get3A_875] {strides = array<i32>} : memref<3x32x1024xf32, #tpu.memory_space<vmem>>, vector<1x1x16xf32>,
        %get3A_877 = vector.shape_cast %get3A_876 : vector<1x1x16xf32> to vector<16xf32>
        %add3A_878 = arith.addf %get3A_877, %get3A_854 : vector<16xf32>
        %swap3A_879 = arith.constant 0 : i32
        %swap3A_880 = arith.constant 11 : i32
        %swap3A_881 = arith.index_cast %swap3A_879 : i32 to index
        %swap3A_882 = arith.index_cast %swap3A_880 : i32 to index
        %swap3A_883 = arith.index_cast %mul3A_636 : i32 to index
        %swap3A_884 = tpu.vector_load %arg7[%swap3A_881, %swap3A_882, %swap3A_883] {strides = array<i32>} : memref<3x32x1024xf32, #tpu.memory_space<vmem>>, vector<1x1x16xf32>,
        %swap3A_885 = vector.shape_cast %swap3A_884 : vector<1x1x16xf32> to vector<16xf32>
        %swap3A_886 = vector.shape_cast %add3A_878 : vector<16xf32> to vector<1x1x16xf32>
        tpu.vector_store %arg7[%swap3A_881, %swap3A_882, %swap3A_883], %swap3A_886 {strides = array<i32>} : memref<3x32x1024xf32, #tpu.memory_space<vmem>>, vector<1x1x16xf32>,
        %get3A_887 = arith.constant 0 : i32
        %get3A_888 = arith.constant 19 : i32
        %get3A_889 = arith.index_cast %get3A_887 : i32 to index
        %get3A_890 = arith.index_cast %get3A_888 : i32 to index
        %get3A_891 = arith.index_cast %mul3A_636 : i32 to index
        %get3A_892 = tpu.vector_load %arg7[%get3A_889, %get3A_890, %get3A_891] {strides = array<i32>} : memref<3x32x1024xf32, #tpu.memory_space<vmem>>, vector<1x1x16xf32>,
        %get3A_893 = vector.shape_cast %get3A_892 : vector<1x1x16xf32> to vector<16xf32>
        %add3A_894 = arith.addf %get3A_893, %get3A_854 : vector<16xf32>
        %swap3A_895 = arith.constant 0 : i32
        %swap3A_896 = arith.constant 19 : i32
        %swap3A_897 = arith.index_cast %swap3A_895 : i32 to index
        %swap3A_898 = arith.index_cast %swap3A_896 : i32 to index
        %swap3A_899 = arith.index_cast %mul3A_636 : i32 to index
        %swap3A_900 = tpu.vector_load %arg7[%swap3A_897, %swap3A_898, %swap3A_899] {strides = array<i32>} : memref<3x32x1024xf32, #tpu.memory_space<vmem>>, vector<1x1x16xf32>,
        %swap3A_901 = vector.shape_cast %swap3A_900 : vector<1x1x16xf32> to vector<16xf32>
        %swap3A_902 = vector.shape_cast %add3A_894 : vector<16xf32> to vector<1x1x16xf32>
        tpu.vector_store %arg7[%swap3A_897, %swap3A_898, %swap3A_899], %swap3A_902 {strides = array<i32>} : memref<3x32x1024xf32, #tpu.memory_space<vmem>>, vector<1x1x16xf32>,
        %get3A_903 = arith.constant 0 : i32
        %get3A_904 = arith.constant 27 : i32
        %get3A_905 = arith.index_cast %get3A_903 : i32 to index
        %get3A_906 = arith.index_cast %get3A_904 : i32 to index
        %get3A_907 = arith.index_cast %mul3A_636 : i32 to index
        %get3A_908 = tpu.vector_load %arg7[%get3A_905, %get3A_906, %get3A_907] {strides = array<i32>} : memref<3x32x1024xf32, #tpu.memory_space<vmem>>, vector<1x1x16xf32>,
        %get3A_909 = vector.shape_cast %get3A_908 : vector<1x1x16xf32> to vector<16xf32>
        %add3A_910 = arith.addf %get3A_909, %get3A_854 : vector<16xf32>
        %swap3A_911 = arith.constant 0 : i32
        %swap3A_912 = arith.constant 27 : i32
        %swap3A_913 = arith.index_cast %swap3A_911 : i32 to index
        %swap3A_914 = arith.index_cast %swap3A_912 : i32 to index
        %swap3A_915 = arith.index_cast %mul3A_636 : i32 to index
        %swap3A_916 = tpu.vector_load %arg7[%swap3A_913, %swap3A_914, %swap3A_915] {strides = array<i32>} : memref<3x32x1024xf32, #tpu.memory_space<vmem>>, vector<1x1x16xf32>,
        %swap3A_917 = vector.shape_cast %swap3A_916 : vector<1x1x16xf32> to vector<16xf32>
        %swap3A_918 = vector.shape_cast %add3A_910 : vector<16xf32> to vector<1x1x16xf32>
        tpu.vector_store %arg7[%swap3A_913, %swap3A_914, %swap3A_915], %swap3A_918 {strides = array<i32>} : memref<3x32x1024xf32, #tpu.memory_space<vmem>>, vector<1x1x16xf32>,
        %get3A_919 = arith.constant 0 : i32
        %get3A_920 = arith.constant 4 : i32
        %get3A_921 = arith.index_cast %get3A_919 : i32 to index
        %get3A_922 = arith.index_cast %get3A_920 : i32 to index
        %get3A_923 = arith.index_cast %mul3A_636 : i32 to index
        %get3A_924 = tpu.vector_load %arg8[%get3A_921, %get3A_922, %get3A_923] {strides = array<i32>} : memref<3x8x1024xf32, #tpu.memory_space<vmem>>, vector<1x1x16xf32>,
        %get3A_925 = vector.shape_cast %get3A_924 : vector<1x1x16xf32> to vector<16xf32>
        %get3A_926 = arith.constant 0 : i32
        %get3A_927 = arith.constant 4 : i32
        %get3A_928 = arith.index_cast %get3A_926 : i32 to index
        %get3A_929 = arith.index_cast %get3A_927 : i32 to index
        %get3A_930 = arith.index_cast %mul3A_636 : i32 to index
        %get3A_931 = tpu.vector_load %arg7[%get3A_928, %get3A_929, %get3A_930] {strides = array<i32>} : memref<3x32x1024xf32, #tpu.memory_space<vmem>>, vector<1x1x16xf32>,
        %get3A_932 = vector.shape_cast %get3A_931 : vector<1x1x16xf32> to vector<16xf32>
        %add3A_933 = arith.addf %get3A_932, %get3A_925 : vector<16xf32>
        %swap3A_934 = arith.constant 0 : i32
        %swap3A_935 = arith.constant 4 : i32
        %swap3A_936 = arith.index_cast %swap3A_934 : i32 to index
        %swap3A_937 = arith.index_cast %swap3A_935 : i32 to index
        %swap3A_938 = arith.index_cast %mul3A_636 : i32 to index
        %swap3A_939 = tpu.vector_load %arg7[%swap3A_936, %swap3A_937, %swap3A_938] {strides = array<i32>} : memref<3x32x1024xf32, #tpu.memory_space<vmem>>, vector<1x1x16xf32>,
        %swap3A_940 = vector.shape_cast %swap3A_939 : vector<1x1x16xf32> to vector<16xf32>
        %swap3A_941 = vector.shape_cast %add3A_933 : vector<16xf32> to vector<1x1x16xf32>
        tpu.vector_store %arg7[%swap3A_936, %swap3A_937, %swap3A_938], %swap3A_941 {strides = array<i32>} : memref<3x32x1024xf32, #tpu.memory_space<vmem>>, vector<1x1x16xf32>,
        %get3A_942 = arith.constant 0 : i32
        %get3A_943 = arith.constant 12 : i32
        %get3A_944 = arith.index_cast %get3A_942 : i32 to index
        %get3A_945 = arith.index_cast %get3A_943 : i32 to index
        %get3A_946 = arith.index_cast %mul3A_636 : i32 to index
        %get3A_947 = tpu.vector_load %arg7[%get3A_944, %get3A_945, %get3A_946] {strides = array<i32>} : memref<3x32x1024xf32, #tpu.memory_space<vmem>>, vector<1x1x16xf32>,
        %get3A_948 = vector.shape_cast %get3A_947 : vector<1x1x16xf32> to vector<16xf32>
        %add3A_949 = arith.addf %get3A_948, %get3A_925 : vector<16xf32>
        %swap3A_950 = arith.constant 0 : i32
        %swap3A_951 = arith.constant 12 : i32
        %swap3A_952 = arith.index_cast %swap3A_950 : i32 to index
        %swap3A_953 = arith.index_cast %swap3A_951 : i32 to index
        %swap3A_954 = arith.index_cast %mul3A_636 : i32 to index
        %swap3A_955 = tpu.vector_load %arg7[%swap3A_952, %swap3A_953, %swap3A_954] {strides = array<i32>} : memref<3x32x1024xf32, #tpu.memory_space<vmem>>, vector<1x1x16xf32>,
        %swap3A_956 = vector.shape_cast %swap3A_955 : vector<1x1x16xf32> to vector<16xf32>
        %swap3A_957 = vector.shape_cast %add3A_949 : vector<16xf32> to vector<1x1x16xf32>
        tpu.vector_store %arg7[%swap3A_952, %swap3A_953, %swap3A_954], %swap3A_957 {strides = array<i32>} : memref<3x32x1024xf32, #tpu.memory_space<vmem>>, vector<1x1x16xf32>,
        %get3A_958 = arith.constant 0 : i32
        %get3A_959 = arith.constant 20 : i32
        %get3A_960 = arith.index_cast %get3A_958 : i32 to index
        %get3A_961 = arith.index_cast %get3A_959 : i32 to index
        %get3A_962 = arith.index_cast %mul3A_636 : i32 to index
        %get3A_963 = tpu.vector_load %arg7[%get3A_960, %get3A_961, %get3A_962] {strides = array<i32>} : memref<3x32x1024xf32, #tpu.memory_space<vmem>>, vector<1x1x16xf32>,
        %get3A_964 = vector.shape_cast %get3A_963 : vector<1x1x16xf32> to vector<16xf32>
        %add3A_965 = arith.addf %get3A_964, %get3A_925 : vector<16xf32>
        %swap3A_966 = arith.constant 0 : i32
        %swap3A_967 = arith.constant 20 : i32
        %swap3A_968 = arith.index_cast %swap3A_966 : i32 to index
        %swap3A_969 = arith.index_cast %swap3A_967 : i32 to index
        %swap3A_970 = arith.index_cast %mul3A_636 : i32 to index
        %swap3A_971 = tpu.vector_load %arg7[%swap3A_968, %swap3A_969, %swap3A_970] {strides = array<i32>} : memref<3x32x1024xf32, #tpu.memory_space<vmem>>, vector<1x1x16xf32>,
        %swap3A_972 = vector.shape_cast %swap3A_971 : vector<1x1x16xf32> to vector<16xf32>
        %swap3A_973 = vector.shape_cast %add3A_965 : vector<16xf32> to vector<1x1x16xf32>
        tpu.vector_store %arg7[%swap3A_968, %swap3A_969, %swap3A_970], %swap3A_973 {strides = array<i32>} : memref<3x32x1024xf32, #tpu.memory_space<vmem>>, vector<1x1x16xf32>,
        %get3A_974 = arith.constant 0 : i32
        %get3A_975 = arith.constant 28 : i32
        %get3A_976 = arith.index_cast %get3A_974 : i32 to index
        %get3A_977 = arith.index_cast %get3A_975 : i32 to index
        %get3A_978 = arith.index_cast %mul3A_636 : i32 to index
        %get3A_979 = tpu.vector_load %arg7[%get3A_976, %get3A_977, %get3A_978] {strides = array<i32>} : memref<3x32x1024xf32, #tpu.memory_space<vmem>>, vector<1x1x16xf32>,
        %get3A_980 = vector.shape_cast %get3A_979 : vector<1x1x16xf32> to vector<16xf32>
        %add3A_981 = arith.addf %get3A_980, %get3A_925 : vector<16xf32>
        %swap3A_982 = arith.constant 0 : i32
        %swap3A_983 = arith.constant 28 : i32
        %swap3A_984 = arith.index_cast %swap3A_982 : i32 to index
        %swap3A_985 = arith.index_cast %swap3A_983 : i32 to index
        %swap3A_986 = arith.index_cast %mul3A_636 : i32 to index
        %swap3A_987 = tpu.vector_load %arg7[%swap3A_984, %swap3A_985, %swap3A_986] {strides = array<i32>} : memref<3x32x1024xf32, #tpu.memory_space<vmem>>, vector<1x1x16xf32>,
        %swap3A_988 = vector.shape_cast %swap3A_987 : vector<1x1x16xf32> to vector<16xf32>
        %swap3A_989 = vector.shape_cast %add3A_981 : vector<16xf32> to vector<1x1x16xf32>
        tpu.vector_store %arg7[%swap3A_984, %swap3A_985, %swap3A_986], %swap3A_989 {strides = array<i32>} : memref<3x32x1024xf32, #tpu.memory_space<vmem>>, vector<1x1x16xf32>,
        %get3A_990 = arith.constant 0 : i32
        %get3A_991 = arith.constant 5 : i32
        %get3A_992 = arith.index_cast %get3A_990 : i32 to index
        %get3A_993 = arith.index_cast %get3A_991 : i32 to index
        %get3A_994 = arith.index_cast %mul3A_636 : i32 to index
        %get3A_995 = tpu.vector_load %arg8[%get3A_992, %get3A_993, %get3A_994] {strides = array<i32>} : memref<3x8x1024xf32, #tpu.memory_space<vmem>>, vector<1x1x16xf32>,
        %get3A_996 = vector.shape_cast %get3A_995 : vector<1x1x16xf32> to vector<16xf32>
        %get3A_997 = arith.constant 0 : i32
        %get3A_998 = arith.constant 5 : i32
        %get3A_999 = arith.index_cast %get3A_997 : i32 to index
        %get3A_1000 = arith.index_cast %get3A_998 : i32 to index
        %get3A_1001 = arith.index_cast %mul3A_636 : i32 to index
        %get3A_1002 = tpu.vector_load %arg7[%get3A_999, %get3A_1000, %get3A_1001] {strides = array<i32>} : memref<3x32x1024xf32, #tpu.memory_space<vmem>>, vector<1x1x16xf32>,
        %get3A_1003 = vector.shape_cast %get3A_1002 : vector<1x1x16xf32> to vector<16xf32>
        %add3A_1004 = arith.addf %get3A_1003, %get3A_996 : vector<16xf32>
        %swap3A_1005 = arith.constant 0 : i32
        %swap3A_1006 = arith.constant 5 : i32
        %swap3A_1007 = arith.index_cast %swap3A_1005 : i32 to index
        %swap3A_1008 = arith.index_cast %swap3A_1006 : i32 to index
        %swap3A_1009 = arith.index_cast %mul3A_636 : i32 to index
        %swap3A_1010 = tpu.vector_load %arg7[%swap3A_1007, %swap3A_1008, %swap3A_1009] {strides = array<i32>} : memref<3x32x1024xf32, #tpu.memory_space<vmem>>, vector<1x1x16xf32>,
        %swap3A_1011 = vector.shape_cast %swap3A_1010 : vector<1x1x16xf32> to vector<16xf32>
        %swap3A_1012 = vector.shape_cast %add3A_1004 : vector<16xf32> to vector<1x1x16xf32>
        tpu.vector_store %arg7[%swap3A_1007, %swap3A_1008, %swap3A_1009], %swap3A_1012 {strides = array<i32>} : memref<3x32x1024xf32, #tpu.memory_space<vmem>>, vector<1x1x16xf32>,
        %get3A_1013 = arith.constant 0 : i32
        %get3A_1014 = arith.constant 13 : i32
        %get3A_1015 = arith.index_cast %get3A_1013 : i32 to index
        %get3A_1016 = arith.index_cast %get3A_1014 : i32 to index
        %get3A_1017 = arith.index_cast %mul3A_636 : i32 to index
        %get3A_1018 = tpu.vector_load %arg7[%get3A_1015, %get3A_1016, %get3A_1017] {strides = array<i32>} : memref<3x32x1024xf32, #tpu.memory_space<vmem>>, vector<1x1x16xf32>,
        %get3A_1019 = vector.shape_cast %get3A_1018 : vector<1x1x16xf32> to vector<16xf32>
        %add3A_1020 = arith.addf %get3A_1019, %get3A_996 : vector<16xf32>
        %swap3A_1021 = arith.constant 0 : i32
        %swap3A_1022 = arith.constant 13 : i32
        %swap3A_1023 = arith.index_cast %swap3A_1021 : i32 to index
        %swap3A_1024 = arith.index_cast %swap3A_1022 : i32 to index
        %swap3A_1025 = arith.index_cast %mul3A_636 : i32 to index
        %swap3A_1026 = tpu.vector_load %arg7[%swap3A_1023, %swap3A_1024, %swap3A_1025] {strides = array<i32>} : memref<3x32x1024xf32, #tpu.memory_space<vmem>>, vector<1x1x16xf32>,
        %swap3A_1027 = vector.shape_cast %swap3A_1026 : vector<1x1x16xf32> to vector<16xf32>
        %swap3A_1028 = vector.shape_cast %add3A_1020 : vector<16xf32> to vector<1x1x16xf32>
        tpu.vector_store %arg7[%swap3A_1023, %swap3A_1024, %swap3A_1025], %swap3A_1028 {strides = array<i32>} : memref<3x32x1024xf32, #tpu.memory_space<vmem>>, vector<1x1x16xf32>,
        %get3A_1029 = arith.constant 0 : i32
        %get3A_1030 = arith.constant 21 : i32
        %get3A_1031 = arith.index_cast %get3A_1029 : i32 to index
        %get3A_1032 = arith.index_cast %get3A_1030 : i32 to index
        %get3A_1033 = arith.index_cast %mul3A_636 : i32 to index
        %get3A_1034 = tpu.vector_load %arg7[%get3A_1031, %get3A_1032, %get3A_1033] {strides = array<i32>} : memref<3x32x1024xf32, #tpu.memory_space<vmem>>, vector<1x1x16xf32>,
        %get3A_1035 = vector.shape_cast %get3A_1034 : vector<1x1x16xf32> to vector<16xf32>
        %add3A_1036 = arith.addf %get3A_1035, %get3A_996 : vector<16xf32>
        %swap3A_1037 = arith.constant 0 : i32
        %swap3A_1038 = arith.constant 21 : i32
        %swap3A_1039 = arith.index_cast %swap3A_1037 : i32 to index
        %swap3A_1040 = arith.index_cast %swap3A_1038 : i32 to index
        %swap3A_1041 = arith.index_cast %mul3A_636 : i32 to index
        %swap3A_1042 = tpu.vector_load %arg7[%swap3A_1039, %swap3A_1040, %swap3A_1041] {strides = array<i32>} : memref<3x32x1024xf32, #tpu.memory_space<vmem>>, vector<1x1x16xf32>,
        %swap3A_1043 = vector.shape_cast %swap3A_1042 : vector<1x1x16xf32> to vector<16xf32>
        %swap3A_1044 = vector.shape_cast %add3A_1036 : vector<16xf32> to vector<1x1x16xf32>
        tpu.vector_store %arg7[%swap3A_1039, %swap3A_1040, %swap3A_1041], %swap3A_1044 {strides = array<i32>} : memref<3x32x1024xf32, #tpu.memory_space<vmem>>, vector<1x1x16xf32>,
        %get3A_1045 = arith.constant 0 : i32
        %get3A_1046 = arith.constant 29 : i32
        %get3A_1047 = arith.index_cast %get3A_1045 : i32 to index
        %get3A_1048 = arith.index_cast %get3A_1046 : i32 to index
        %get3A_1049 = arith.index_cast %mul3A_636 : i32 to index
        %get3A_1050 = tpu.vector_load %arg7[%get3A_1047, %get3A_1048, %get3A_1049] {strides = array<i32>} : memref<3x32x1024xf32, #tpu.memory_space<vmem>>, vector<1x1x16xf32>,
        %get3A_1051 = vector.shape_cast %get3A_1050 : vector<1x1x16xf32> to vector<16xf32>
        %add3A_1052 = arith.addf %get3A_1051, %get3A_996 : vector<16xf32>
        %swap3A_1053 = arith.constant 0 : i32
        %swap3A_1054 = arith.constant 29 : i32
        %swap3A_1055 = arith.index_cast %swap3A_1053 : i32 to index
        %swap3A_1056 = arith.index_cast %swap3A_1054 : i32 to index
        %swap3A_1057 = arith.index_cast %mul3A_636 : i32 to index
        %swap3A_1058 = tpu.vector_load %arg7[%swap3A_1055, %swap3A_1056, %swap3A_1057] {strides = array<i32>} : memref<3x32x1024xf32, #tpu.memory_space<vmem>>, vector<1x1x16xf32>,
        %swap3A_1059 = vector.shape_cast %swap3A_1058 : vector<1x1x16xf32> to vector<16xf32>
        %swap3A_1060 = vector.shape_cast %add3A_1052 : vector<16xf32> to vector<1x1x16xf32>
        tpu.vector_store %arg7[%swap3A_1055, %swap3A_1056, %swap3A_1057], %swap3A_1060 {strides = array<i32>} : memref<3x32x1024xf32, #tpu.memory_space<vmem>>, vector<1x1x16xf32>,
        %get3A_1061 = arith.constant 0 : i32
        %get3A_1062 = arith.constant 6 : i32
        %get3A_1063 = arith.index_cast %get3A_1061 : i32 to index
        %get3A_1064 = arith.index_cast %get3A_1062 : i32 to index
        %get3A_1065 = arith.index_cast %mul3A_636 : i32 to index
        %get3A_1066 = tpu.vector_load %arg8[%get3A_1063, %get3A_1064, %get3A_1065] {strides = array<i32>} : memref<3x8x1024xf32, #tpu.memory_space<vmem>>, vector<1x1x16xf32>,
        %get3A_1067 = vector.shape_cast %get3A_1066 : vector<1x1x16xf32> to vector<16xf32>
        %get3A_1068 = arith.constant 0 : i32
        %get3A_1069 = arith.constant 6 : i32
        %get3A_1070 = arith.index_cast %get3A_1068 : i32 to index
        %get3A_1071 = arith.index_cast %get3A_1069 : i32 to index
        %get3A_1072 = arith.index_cast %mul3A_636 : i32 to index
        %get3A_1073 = tpu.vector_load %arg7[%get3A_1070, %get3A_1071, %get3A_1072] {strides = array<i32>} : memref<3x32x1024xf32, #tpu.memory_space<vmem>>, vector<1x1x16xf32>,
        %get3A_1074 = vector.shape_cast %get3A_1073 : vector<1x1x16xf32> to vector<16xf32>
        %add3A_1075 = arith.addf %get3A_1074, %get3A_1067 : vector<16xf32>
        %swap3A_1076 = arith.constant 0 : i32
        %swap3A_1077 = arith.constant 6 : i32
        %swap3A_1078 = arith.index_cast %swap3A_1076 : i32 to index
        %swap3A_1079 = arith.index_cast %swap3A_1077 : i32 to index
        %swap3A_1080 = arith.index_cast %mul3A_636 : i32 to index
        %swap3A_1081 = tpu.vector_load %arg7[%swap3A_1078, %swap3A_1079, %swap3A_1080] {strides = array<i32>} : memref<3x32x1024xf32, #tpu.memory_space<vmem>>, vector<1x1x16xf32>,
        %swap3A_1082 = vector.shape_cast %swap3A_1081 : vector<1x1x16xf32> to vector<16xf32>
        %swap3A_1083 = vector.shape_cast %add3A_1075 : vector<16xf32> to vector<1x1x16xf32>
        tpu.vector_store %arg7[%swap3A_1078, %swap3A_1079, %swap3A_1080], %swap3A_1083 {strides = array<i32>} : memref<3x32x1024xf32, #tpu.memory_space<vmem>>, vector<1x1x16xf32>,
        %get3A_1084 = arith.constant 0 : i32
        %get3A_1085 = arith.constant 14 : i32
        %get3A_1086 = arith.index_cast %get3A_1084 : i32 to index
        %get3A_1087 = arith.index_cast %get3A_1085 : i32 to index
        %get3A_1088 = arith.index_cast %mul3A_636 : i32 to index
        %get3A_1089 = tpu.vector_load %arg7[%get3A_1086, %get3A_1087, %get3A_1088] {strides = array<i32>} : memref<3x32x1024xf32, #tpu.memory_space<vmem>>, vector<1x1x16xf32>,
        %get3A_1090 = vector.shape_cast %get3A_1089 : vector<1x1x16xf32> to vector<16xf32>
        %add3A_1091 = arith.addf %get3A_1090, %get3A_1067 : vector<16xf32>
        %swap3A_1092 = arith.constant 0 : i32
        %swap3A_1093 = arith.constant 14 : i32
        %swap3A_1094 = arith.index_cast %swap3A_1092 : i32 to index
        %swap3A_1095 = arith.index_cast %swap3A_1093 : i32 to index
        %swap3A_1096 = arith.index_cast %mul3A_636 : i32 to index
        %swap3A_1097 = tpu.vector_load %arg7[%swap3A_1094, %swap3A_1095, %swap3A_1096] {strides = array<i32>} : memref<3x32x1024xf32, #tpu.memory_space<vmem>>, vector<1x1x16xf32>,
        %swap3A_1098 = vector.shape_cast %swap3A_1097 : vector<1x1x16xf32> to vector<16xf32>
        %swap3A_1099 = vector.shape_cast %add3A_1091 : vector<16xf32> to vector<1x1x16xf32>
        tpu.vector_store %arg7[%swap3A_1094, %swap3A_1095, %swap3A_1096], %swap3A_1099 {strides = array<i32>} : memref<3x32x1024xf32, #tpu.memory_space<vmem>>, vector<1x1x16xf32>,
        %get3A_1100 = arith.constant 0 : i32
        %get3A_1101 = arith.constant 22 : i32
        %get3A_1102 = arith.index_cast %get3A_1100 : i32 to index
        %get3A_1103 = arith.index_cast %get3A_1101 : i32 to index
        %get3A_1104 = arith.index_cast %mul3A_636 : i32 to index
        %get3A_1105 = tpu.vector_load %arg7[%get3A_1102, %get3A_1103, %get3A_1104] {strides = array<i32>} : memref<3x32x1024xf32, #tpu.memory_space<vmem>>, vector<1x1x16xf32>,
        %get3A_1106 = vector.shape_cast %get3A_1105 : vector<1x1x16xf32> to vector<16xf32>
        %add3A_1107 = arith.addf %get3A_1106, %get3A_1067 : vector<16xf32>
        %swap3A_1108 = arith.constant 0 : i32
        %swap3A_1109 = arith.constant 22 : i32
        %swap3A_1110 = arith.index_cast %swap3A_1108 : i32 to index
        %swap3A_1111 = arith.index_cast %swap3A_1109 : i32 to index
        %swap3A_1112 = arith.index_cast %mul3A_636 : i32 to index
        %swap3A_1113 = tpu.vector_load %arg7[%swap3A_1110, %swap3A_1111, %swap3A_1112] {strides = array<i32>} : memref<3x32x1024xf32, #tpu.memory_space<vmem>>, vector<1x1x16xf32>,
        %swap3A_1114 = vector.shape_cast %swap3A_1113 : vector<1x1x16xf32> to vector<16xf32>
        %swap3A_1115 = vector.shape_cast %add3A_1107 : vector<16xf32> to vector<1x1x16xf32>
        tpu.vector_store %arg7[%swap3A_1110, %swap3A_1111, %swap3A_1112], %swap3A_1115 {strides = array<i32>} : memref<3x32x1024xf32, #tpu.memory_space<vmem>>, vector<1x1x16xf32>,
        %get3A_1116 = arith.constant 0 : i32
        %get3A_1117 = arith.constant 30 : i32
        %get3A_1118 = arith.index_cast %get3A_1116 : i32 to index
        %get3A_1119 = arith.index_cast %get3A_1117 : i32 to index
        %get3A_1120 = arith.index_cast %mul3A_636 : i32 to index
        %get3A_1121 = tpu.vector_load %arg7[%get3A_1118, %get3A_1119, %get3A_1120] {strides = array<i32>} : memref<3x32x1024xf32, #tpu.memory_space<vmem>>, vector<1x1x16xf32>,
        %get3A_1122 = vector.shape_cast %get3A_1121 : vector<1x1x16xf32> to vector<16xf32>
        %add3A_1123 = arith.addf %get3A_1122, %get3A_1067 : vector<16xf32>
        %swap3A_1124 = arith.constant 0 : i32
        %swap3A_1125 = arith.constant 30 : i32
        %swap3A_1126 = arith.index_cast %swap3A_1124 : i32 to index
        %swap3A_1127 = arith.index_cast %swap3A_1125 : i32 to index
        %swap3A_1128 = arith.index_cast %mul3A_636 : i32 to index
        %swap3A_1129 = tpu.vector_load %arg7[%swap3A_1126, %swap3A_1127, %swap3A_1128] {strides = array<i32>} : memref<3x32x1024xf32, #tpu.memory_space<vmem>>, vector<1x1x16xf32>,
        %swap3A_1130 = vector.shape_cast %swap3A_1129 : vector<1x1x16xf32> to vector<16xf32>
        %swap3A_1131 = vector.shape_cast %add3A_1123 : vector<16xf32> to vector<1x1x16xf32>
        tpu.vector_store %arg7[%swap3A_1126, %swap3A_1127, %swap3A_1128], %swap3A_1131 {strides = array<i32>} : memref<3x32x1024xf32, #tpu.memory_space<vmem>>, vector<1x1x16xf32>,
        %get3A_1132 = arith.constant 0 : i32
        %get3A_1133 = arith.constant 7 : i32
        %get3A_1134 = arith.index_cast %get3A_1132 : i32 to index
        %get3A_1135 = arith.index_cast %get3A_1133 : i32 to index
        %get3A_1136 = arith.index_cast %mul3A_636 : i32 to index
        %get3A_1137 = tpu.vector_load %arg8[%get3A_1134, %get3A_1135, %get3A_1136] {strides = array<i32>} : memref<3x8x1024xf32, #tpu.memory_space<vmem>>, vector<1x1x16xf32>,
        %get3A_1138 = vector.shape_cast %get3A_1137 : vector<1x1x16xf32> to vector<16xf32>
        %get3A_1139 = arith.constant 0 : i32
        %get3A_1140 = arith.constant 7 : i32
        %get3A_1141 = arith.index_cast %get3A_1139 : i32 to index
        %get3A_1142 = arith.index_cast %get3A_1140 : i32 to index
        %get3A_1143 = arith.index_cast %mul3A_636 : i32 to index
        %get3A_1144 = tpu.vector_load %arg7[%get3A_1141, %get3A_1142, %get3A_1143] {strides = array<i32>} : memref<3x32x1024xf32, #tpu.memory_space<vmem>>, vector<1x1x16xf32>,
        %get3A_1145 = vector.shape_cast %get3A_1144 : vector<1x1x16xf32> to vector<16xf32>
        %add3A_1146 = arith.addf %get3A_1145, %get3A_1138 : vector<16xf32>
        %swap3A_1147 = arith.constant 0 : i32
        %swap3A_1148 = arith.constant 7 : i32
        %swap3A_1149 = arith.index_cast %swap3A_1147 : i32 to index
        %swap3A_1150 = arith.index_cast %swap3A_1148 : i32 to index
        %swap3A_1151 = arith.index_cast %mul3A_636 : i32 to index
        %swap3A_1152 = tpu.vector_load %arg7[%swap3A_1149, %swap3A_1150, %swap3A_1151] {strides = array<i32>} : memref<3x32x1024xf32, #tpu.memory_space<vmem>>, vector<1x1x16xf32>,
        %swap3A_1153 = vector.shape_cast %swap3A_1152 : vector<1x1x16xf32> to vector<16xf32>
        %swap3A_1154 = vector.shape_cast %add3A_1146 : vector<16xf32> to vector<1x1x16xf32>
        tpu.vector_store %arg7[%swap3A_1149, %swap3A_1150, %swap3A_1151], %swap3A_1154 {strides = array<i32>} : memref<3x32x1024xf32, #tpu.memory_space<vmem>>, vector<1x1x16xf32>,
        %get3A_1155 = arith.constant 0 : i32
        %get3A_1156 = arith.constant 15 : i32
        %get3A_1157 = arith.index_cast %get3A_1155 : i32 to index
        %get3A_1158 = arith.index_cast %get3A_1156 : i32 to index
        %get3A_1159 = arith.index_cast %mul3A_636 : i32 to index
        %get3A_1160 = tpu.vector_load %arg7[%get3A_1157, %get3A_1158, %get3A_1159] {strides = array<i32>} : memref<3x32x1024xf32, #tpu.memory_space<vmem>>, vector<1x1x16xf32>,
        %get3A_1161 = vector.shape_cast %get3A_1160 : vector<1x1x16xf32> to vector<16xf32>
        %add3A_1162 = arith.addf %get3A_1161, %get3A_1138 : vector<16xf32>
        %swap3A_1163 = arith.constant 0 : i32
        %swap3A_1164 = arith.constant 15 : i32
        %swap3A_1165 = arith.index_cast %swap3A_1163 : i32 to index
        %swap3A_1166 = arith.index_cast %swap3A_1164 : i32 to index
        %swap3A_1167 = arith.index_cast %mul3A_636 : i32 to index
        %swap3A_1168 = tpu.vector_load %arg7[%swap3A_1165, %swap3A_1166, %swap3A_1167] {strides = array<i32>} : memref<3x32x1024xf32, #tpu.memory_space<vmem>>, vector<1x1x16xf32>,
        %swap3A_1169 = vector.shape_cast %swap3A_1168 : vector<1x1x16xf32> to vector<16xf32>
        %swap3A_1170 = vector.shape_cast %add3A_1162 : vector<16xf32> to vector<1x1x16xf32>
        tpu.vector_store %arg7[%swap3A_1165, %swap3A_1166, %swap3A_1167], %swap3A_1170 {strides = array<i32>} : memref<3x32x1024xf32, #tpu.memory_space<vmem>>, vector<1x1x16xf32>,
        %get3A_1171 = arith.constant 0 : i32
        %get3A_1172 = arith.constant 23 : i32
        %get3A_1173 = arith.index_cast %get3A_1171 : i32 to index
        %get3A_1174 = arith.index_cast %get3A_1172 : i32 to index
        %get3A_1175 = arith.index_cast %mul3A_636 : i32 to index
        %get3A_1176 = tpu.vector_load %arg7[%get3A_1173, %get3A_1174, %get3A_1175] {strides = array<i32>} : memref<3x32x1024xf32, #tpu.memory_space<vmem>>, vector<1x1x16xf32>,
        %get3A_1177 = vector.shape_cast %get3A_1176 : vector<1x1x16xf32> to vector<16xf32>
        %add3A_1178 = arith.addf %get3A_1177, %get3A_1138 : vector<16xf32>
        %swap3A_1179 = arith.constant 0 : i32
        %swap3A_1180 = arith.constant 23 : i32
        %swap3A_1181 = arith.index_cast %swap3A_1179 : i32 to index
        %swap3A_1182 = arith.index_cast %swap3A_1180 : i32 to index
        %swap3A_1183 = arith.index_cast %mul3A_636 : i32 to index
        %swap3A_1184 = tpu.vector_load %arg7[%swap3A_1181, %swap3A_1182, %swap3A_1183] {strides = array<i32>} : memref<3x32x1024xf32, #tpu.memory_space<vmem>>, vector<1x1x16xf32>,
        %swap3A_1185 = vector.shape_cast %swap3A_1184 : vector<1x1x16xf32> to vector<16xf32>
        %swap3A_1186 = vector.shape_cast %add3A_1178 : vector<16xf32> to vector<1x1x16xf32>
        tpu.vector_store %arg7[%swap3A_1181, %swap3A_1182, %swap3A_1183], %swap3A_1186 {strides = array<i32>} : memref<3x32x1024xf32, #tpu.memory_space<vmem>>, vector<1x1x16xf32>,
        %get3A_1187 = arith.constant 0 : i32
        %get3A_1188 = arith.constant 31 : i32
        %get3A_1189 = arith.index_cast %get3A_1187 : i32 to index
        %get3A_1190 = arith.index_cast %get3A_1188 : i32 to index
        %get3A_1191 = arith.index_cast %mul3A_636 : i32 to index
        %get3A_1192 = tpu.vector_load %arg7[%get3A_1189, %get3A_1190, %get3A_1191] {strides = array<i32>} : memref<3x32x1024xf32, #tpu.memory_space<vmem>>, vector<1x1x16xf32>,
        %get3A_1193 = vector.shape_cast %get3A_1192 : vector<1x1x16xf32> to vector<16xf32>
        %add3A_1194 = arith.addf %get3A_1193, %get3A_1138 : vector<16xf32>
        %swap3A_1195 = arith.constant 0 : i32
        %swap3A_1196 = arith.constant 31 : i32
        %swap3A_1197 = arith.index_cast %swap3A_1195 : i32 to index
        %swap3A_1198 = arith.index_cast %swap3A_1196 : i32 to index
        %swap3A_1199 = arith.index_cast %mul3A_636 : i32 to index
        %swap3A_1200 = tpu.vector_load %arg7[%swap3A_1197, %swap3A_1198, %swap3A_1199] {strides = array<i32>} : memref<3x32x1024xf32, #tpu.memory_space<vmem>>, vector<1x1x16xf32>,
        %swap3A_1201 = vector.shape_cast %swap3A_1200 : vector<1x1x16xf32> to vector<16xf32>
        %swap3A_1202 = vector.shape_cast %add3A_1194 : vector<16xf32> to vector<1x1x16xf32>
        tpu.vector_store %arg7[%swap3A_1197, %swap3A_1198, %swap3A_1199], %swap3A_1202 {strides = array<i32>} : memref<3x32x1024xf32, #tpu.memory_space<vmem>>, vector<1x1x16xf32>,
      }
      %scan3A_337 = arith.constant 64 : i32
      %mul3A_338 = arith.constant 8 : i32
      %mul3A_339 = arith.muli %add3A_298, %mul3A_338 : i32
      %add3A_340 = arith.addi %multiple_of3A, %mul3A_339 : i32
      %multiple_of3A_341 = tpu.assume_multiple %add3A_340, 8 : i32
      %dma_start3A_342 = arith.constant 0 : i32
      %dma_start3A_343 = arith.constant 0 : i32
      %dma_start3A_344 = arith.constant 0 : i32
      %dma_start3A_345 = arith.constant 0 : i32
      %dma_start3A_346 = tpu.memref_slice %arg7[%dma_start3A_342, %dma_start3A_344, %dma_start3A_345] : memref<3x32x1024xf32, #tpu.memory_space<vmem>> -> memref<1x8x1024xf32, #tpu.memory_space<vmem>>
      %dma_start3A_347 = tpu.memref_squeeze %dma_start3A_346 : memref<1x8x1024xf32, #tpu.memory_space<vmem>> -> memref<8x1024xf32, #tpu.memory_space<vmem>>
      %dma_start3A_348 = arith.constant 0 : i32
      %dma_start3A_349 = tpu.memref_slice %arg5[%dma_start3A_343, %multiple_of3A_341, %dma_start3A_348] : memref<4x4096x1024xf32, #tpu.memory_space<hbm>> -> memref<1x8x1024xf32, #tpu.memory_space<hbm>>
      %dma_start3A_350 = tpu.memref_squeeze %dma_start3A_349 : memref<1x8x1024xf32, #tpu.memory_space<hbm>> -> memref<8x1024xf32, #tpu.memory_space<hbm>>
      %dma_start3A_351 = arith.constant 0 : i32
      %dma_start3A_352 = tpu.memref_slice %arg5[%dma_start3A_343, %multiple_of3A_341, %dma_start3A_351] : memref<4x4096x1024xf32, #tpu.memory_space<hbm>> -> memref<1x8x1024xf32, #tpu.memory_space<hbm>>
      %dma_start3A_353 = tpu.memref_squeeze %dma_start3A_352 : memref<1x8x1024xf32, #tpu.memory_space<hbm>> -> memref<8x1024xf32, #tpu.memory_space<hbm>>
      %dma_start3A_354 = arith.constant 0 : i32
      %dma_start3A_355 = arith.constant 0 : i32
      %dma_start3A_356 = tpu.memref_slice %arg7[%dma_start3A_342, %dma_start3A_354, %dma_start3A_355] : memref<3x32x1024xf32, #tpu.memory_space<vmem>> -> memref<1x8x1024xf32, #tpu.memory_space<vmem>>
      %dma_start3A_357 = tpu.memref_squeeze %dma_start3A_356 : memref<1x8x1024xf32, #tpu.memory_space<vmem>> -> memref<8x1024xf32, #tpu.memory_space<vmem>>
      tpu.enqueue_dma source(%dma_start3A_357 : memref<8x1024xf32, #tpu.memory_space<vmem>>) target(%dma_start3A_353 : memref<8x1024xf32, #tpu.memory_space<hbm>>) target_semaphore(%arg15 : memref<!tpu.dma_semaphore, #tpu.memory_space<semaphore_mem>>)
      %dma_start3A_358 = arith.constant 0 : i32
      %dma_start3A_359 = arith.constant 1 : i32
      %dma_start3A_360 = arith.constant 8 : i32
      %dma_start3A_361 = arith.constant 0 : i32
      %dma_start3A_362 = tpu.memref_slice %arg7[%dma_start3A_358, %dma_start3A_360, %dma_start3A_361] : memref<3x32x1024xf32, #tpu.memory_space<vmem>> -> memref<1x8x1024xf32, #tpu.memory_space<vmem>>
      %dma_start3A_363 = tpu.memref_squeeze %dma_start3A_362 : memref<1x8x1024xf32, #tpu.memory_space<vmem>> -> memref<8x1024xf32, #tpu.memory_space<vmem>>
      %dma_start3A_364 = arith.constant 0 : i32
      %dma_start3A_365 = tpu.memref_slice %arg5[%dma_start3A_359, %multiple_of3A_341, %dma_start3A_364] : memref<4x4096x1024xf32, #tpu.memory_space<hbm>> -> memref<1x8x1024xf32, #tpu.memory_space<hbm>>
      %dma_start3A_366 = tpu.memref_squeeze %dma_start3A_365 : memref<1x8x1024xf32, #tpu.memory_space<hbm>> -> memref<8x1024xf32, #tpu.memory_space<hbm>>
      %dma_start3A_367 = arith.constant 0 : i32
      %dma_start3A_368 = tpu.memref_slice %arg5[%dma_start3A_359, %multiple_of3A_341, %dma_start3A_367] : memref<4x4096x1024xf32, #tpu.memory_space<hbm>> -> memref<1x8x1024xf32, #tpu.memory_space<hbm>>
      %dma_start3A_369 = tpu.memref_squeeze %dma_start3A_368 : memref<1x8x1024xf32, #tpu.memory_space<hbm>> -> memref<8x1024xf32, #tpu.memory_space<hbm>>
      %dma_start3A_370 = arith.constant 8 : i32
      %dma_start3A_371 = arith.constant 0 : i32
      %dma_start3A_372 = tpu.memref_slice %arg7[%dma_start3A_358, %dma_start3A_370, %dma_start3A_371] : memref<3x32x1024xf32, #tpu.memory_space<vmem>> -> memref<1x8x1024xf32, #tpu.memory_space<vmem>>
      %dma_start3A_373 = tpu.memref_squeeze %dma_start3A_372 : memref<1x8x1024xf32, #tpu.memory_space<vmem>> -> memref<8x1024xf32, #tpu.memory_space<vmem>>
      tpu.enqueue_dma source(%dma_start3A_373 : memref<8x1024xf32, #tpu.memory_space<vmem>>) target(%dma_start3A_369 : memref<8x1024xf32, #tpu.memory_space<hbm>>) target_semaphore(%arg15 : memref<!tpu.dma_semaphore, #tpu.memory_space<semaphore_mem>>)
      %dma_start3A_374 = arith.constant 0 : i32
      %dma_start3A_375 = arith.constant 2 : i32
      %dma_start3A_376 = arith.constant 16 : i32
      %dma_start3A_377 = arith.constant 0 : i32
      %dma_start3A_378 = tpu.memref_slice %arg7[%dma_start3A_374, %dma_start3A_376, %dma_start3A_377] : memref<3x32x1024xf32, #tpu.memory_space<vmem>> -> memref<1x8x1024xf32, #tpu.memory_space<vmem>>
      %dma_start3A_379 = tpu.memref_squeeze %dma_start3A_378 : memref<1x8x1024xf32, #tpu.memory_space<vmem>> -> memref<8x1024xf32, #tpu.memory_space<vmem>>
      %dma_start3A_380 = arith.constant 0 : i32
      %dma_start3A_381 = tpu.memref_slice %arg5[%dma_start3A_375, %multiple_of3A_341, %dma_start3A_380] : memref<4x4096x1024xf32, #tpu.memory_space<hbm>> -> memref<1x8x1024xf32, #tpu.memory_space<hbm>>
      %dma_start3A_382 = tpu.memref_squeeze %dma_start3A_381 : memref<1x8x1024xf32, #tpu.memory_space<hbm>> -> memref<8x1024xf32, #tpu.memory_space<hbm>>
      %dma_start3A_383 = arith.constant 0 : i32
      %dma_start3A_384 = tpu.memref_slice %arg5[%dma_start3A_375, %multiple_of3A_341, %dma_start3A_383] : memref<4x4096x1024xf32, #tpu.memory_space<hbm>> -> memref<1x8x1024xf32, #tpu.memory_space<hbm>>
      %dma_start3A_385 = tpu.memref_squeeze %dma_start3A_384 : memref<1x8x1024xf32, #tpu.memory_space<hbm>> -> memref<8x1024xf32, #tpu.memory_space<hbm>>
      %dma_start3A_386 = arith.constant 16 : i32
      %dma_start3A_387 = arith.constant 0 : i32
      %dma_start3A_388 = tpu.memref_slice %arg7[%dma_start3A_374, %dma_start3A_386, %dma_start3A_387] : memref<3x32x1024xf32, #tpu.memory_space<vmem>> -> memref<1x8x1024xf32, #tpu.memory_space<vmem>>
      %dma_start3A_389 = tpu.memref_squeeze %dma_start3A_388 : memref<1x8x1024xf32, #tpu.memory_space<vmem>> -> memref<8x1024xf32, #tpu.memory_space<vmem>>
      tpu.enqueue_dma source(%dma_start3A_389 : memref<8x1024xf32, #tpu.memory_space<vmem>>) target(%dma_start3A_385 : memref<8x1024xf32, #tpu.memory_space<hbm>>) target_semaphore(%arg15 : memref<!tpu.dma_semaphore, #tpu.memory_space<semaphore_mem>>)
      %dma_start3A_390 = arith.constant 0 : i32
      %dma_start3A_391 = arith.constant 3 : i32
      %dma_start3A_392 = arith.constant 24 : i32
      %dma_start3A_393 = arith.constant 0 : i32
      %dma_start3A_394 = tpu.memref_slice %arg7[%dma_start3A_390, %dma_start3A_392, %dma_start3A_393] : memref<3x32x1024xf32, #tpu.memory_space<vmem>> -> memref<1x8x1024xf32, #tpu.memory_space<vmem>>
      %dma_start3A_395 = tpu.memref_squeeze %dma_start3A_394 : memref<1x8x1024xf32, #tpu.memory_space<vmem>> -> memref<8x1024xf32, #tpu.memory_space<vmem>>
      %dma_start3A_396 = arith.constant 0 : i32
      %dma_start3A_397 = tpu.memref_slice %arg5[%dma_start3A_391, %multiple_of3A_341, %dma_start3A_396] : memref<4x4096x1024xf32, #tpu.memory_space<hbm>> -> memref<1x8x1024xf32, #tpu.memory_space<hbm>>
      %dma_start3A_398 = tpu.memref_squeeze %dma_start3A_397 : memref<1x8x1024xf32, #tpu.memory_space<hbm>> -> memref<8x1024xf32, #tpu.memory_space<hbm>>
      %dma_start3A_399 = arith.constant 0 : i32
      %dma_start3A_400 = tpu.memref_slice %arg5[%dma_start3A_391, %multiple_of3A_341, %dma_start3A_399] : memref<4x4096x1024xf32, #tpu.memory_space<hbm>> -> memref<1x8x1024xf32, #tpu.memory_space<hbm>>
      %dma_start3A_401 = tpu.memref_squeeze %dma_start3A_400 : memref<1x8x1024xf32, #tpu.memory_space<hbm>> -> memref<8x1024xf32, #tpu.memory_space<hbm>>
      %dma_start3A_402 = arith.constant 24 : i32
      %dma_start3A_403 = arith.constant 0 : i32
      %dma_start3A_404 = tpu.memref_slice %arg7[%dma_start3A_390, %dma_start3A_402, %dma_start3A_403] : memref<3x32x1024xf32, #tpu.memory_space<vmem>> -> memref<1x8x1024xf32, #tpu.memory_space<vmem>>
      %dma_start3A_405 = tpu.memref_squeeze %dma_start3A_404 : memref<1x8x1024xf32, #tpu.memory_space<vmem>> -> memref<8x1024xf32, #tpu.memory_space<vmem>>
      tpu.enqueue_dma source(%dma_start3A_405 : memref<8x1024xf32, #tpu.memory_space<vmem>>) target(%dma_start3A_401 : memref<8x1024xf32, #tpu.memory_space<hbm>>) target_semaphore(%arg15 : memref<!tpu.dma_semaphore, #tpu.memory_space<semaphore_mem>>)
      %add3A_406 = arith.constant 1 : i32
      %add3A_407 = arith.addi %add3A_296, %add3A_406 : i32
      %add3A_408 = arith.constant 2 : i32
      %add3A_409 = arith.addi %add3A_407, %add3A_408 : i32
      %lt3A_410 = arith.constant 16 : i32
      %lt3A_411 = arith.cmpi slt, %add3A_409, %lt3A_410 : i32
      %convert_element_type3A_412 = arith.extui %lt3A_411 : i1 to i32
      %cond3A_413 = arith.constant 0 : i32
      %cond3A_414 = arith.cmpi ne, %convert_element_type3A_412, %cond3A_413 : i32
      scf.if %cond3A_414 {
        %ge3A = arith.constant 1 : i32
        %ge3A_630 = arith.cmpi sge, %add3A_407, %ge3A : i32
        %convert_element_type3A_631 = arith.extui %ge3A_630 : i1 to i32
        %cond3A_632 = arith.constant 0 : i32
        %cond3A_633 = arith.cmpi ne, %convert_element_type3A_631, %cond3A_632 : i32
        scf.if %cond3A_633 {
          %dma_wait3A_700 = arith.constant 0 : i32
          %dma_wait3A_701 = arith.constant 0 : i32
          %dma_wait3A_702 = arith.constant 0 : i32
          %dma_wait3A_703 = arith.constant 0 : i32
          %dma_wait3A_704 = tpu.memref_slice %arg7[%dma_wait3A_700, %dma_wait3A_702, %dma_wait3A_703] : memref<3x32x1024xf32, #tpu.memory_space<vmem>> -> memref<1x32x1024xf32, #tpu.memory_space<vmem>>
          %dma_wait3A_705 = tpu.memref_squeeze %dma_wait3A_704 : memref<1x32x1024xf32, #tpu.memory_space<vmem>> -> memref<32x1024xf32, #tpu.memory_space<vmem>>
          %dma_wait3A_706 = arith.constant 0 : i32
          %dma_wait3A_707 = arith.constant 0 : i32
          %dma_wait3A_708 = tpu.memref_slice %arg5[%dma_wait3A_701, %dma_wait3A_706, %dma_wait3A_707] : memref<4x4096x1024xf32, #tpu.memory_space<hbm>> -> memref<1x32x1024xf32, #tpu.memory_space<hbm>>
          %dma_wait3A_709 = tpu.memref_squeeze %dma_wait3A_708 : memref<1x32x1024xf32, #tpu.memory_space<hbm>> -> memref<32x1024xf32, #tpu.memory_space<hbm>>
          %dma_wait3A_710 = arith.constant 0 : i32
          %dma_wait3A_711 = arith.constant 0 : i32
          %dma_wait3A_712 = tpu.memref_slice %arg5[%dma_wait3A_701, %dma_wait3A_710, %dma_wait3A_711] : memref<4x4096x1024xf32, #tpu.memory_space<hbm>> -> memref<1x32x1024xf32, #tpu.memory_space<hbm>>
          %dma_wait3A_713 = tpu.memref_squeeze %dma_wait3A_712 : memref<1x32x1024xf32, #tpu.memory_space<hbm>> -> memref<32x1024xf32, #tpu.memory_space<hbm>>
          %dma_wait3A_714 = arith.constant 0 : i32
          %dma_wait3A_715 = arith.constant 0 : i32
          %dma_wait3A_716 = tpu.memref_slice %arg7[%dma_wait3A_700, %dma_wait3A_714, %dma_wait3A_715] : memref<3x32x1024xf32, #tpu.memory_space<vmem>> -> memref<1x32x1024xf32, #tpu.memory_space<vmem>>
          %dma_wait3A_717 = tpu.memref_squeeze %dma_wait3A_716 : memref<1x32x1024xf32, #tpu.memory_space<vmem>> -> memref<32x1024xf32, #tpu.memory_space<vmem>>
          tpu.wait_dma2 semaphore(%arg15 : memref<!tpu.dma_semaphore, #tpu.memory_space<semaphore_mem>>) src(%dma_wait3A_717 : memref<32x1024xf32, #tpu.memory_space<vmem>>) dst(%dma_wait3A_713 : memref<32x1024xf32, #tpu.memory_space<hbm>>)
        } else {
        }
        %add3A_634 = arith.constant 2 : i32
        %add3A_635 = arith.addi %add3A_407, %add3A_634 : i32
        %mul3A_636 = arith.constant 8 : i32
        %mul3A_637 = arith.muli %add3A_635, %mul3A_636 : i32
        %multiple_of3A_638 = tpu.assume_multiple %mul3A_637, 8 : i32
        %mul3A_639 = arith.constant 8 : i32
        %mul3A_640 = arith.muli %add3A_635, %mul3A_639 : i32
        %add3A_641 = arith.addi %multiple_of3A, %mul3A_640 : i32
        %multiple_of3A_642 = tpu.assume_multiple %add3A_641, 8 : i32
        %dma_start3A_643 = arith.constant 0 : i32
        %dma_start3A_644 = arith.constant 0 : i32
        %dma_start3A_645 = arith.constant 0 : i32
        %dma_start3A_646 = tpu.memref_slice %arg8[%dma_start3A_643, %dma_start3A_644, %dma_start3A_645] : memref<3x8x1024xf32, #tpu.memory_space<vmem>> -> memref<1x8x1024xf32, #tpu.memory_space<vmem>>
        %dma_start3A_647 = tpu.memref_squeeze %dma_start3A_646 : memref<1x8x1024xf32, #tpu.memory_space<vmem>> -> memref<8x1024xf32, #tpu.memory_space<vmem>>
        %dma_start3A_648 = arith.constant 0 : i32
        %dma_start3A_649 = tpu.memref_slice %arg4[%multiple_of3A_642, %dma_start3A_648] : memref<4096x1024xf32, #tpu.memory_space<hbm>> -> memref<8x1024xf32, #tpu.memory_space<hbm>>
        %dma_start3A_650 = arith.constant 0 : i32
        %dma_start3A_651 = arith.constant 0 : i32
        %dma_start3A_652 = tpu.memref_slice %arg8[%dma_start3A_643, %dma_start3A_650, %dma_start3A_651] : memref<3x8x1024xf32, #tpu.memory_space<vmem>> -> memref<1x8x1024xf32, #tpu.memory_space<vmem>>
        %dma_start3A_653 = tpu.memref_squeeze %dma_start3A_652 : memref<1x8x1024xf32, #tpu.memory_space<vmem>> -> memref<8x1024xf32, #tpu.memory_space<vmem>>
        %dma_start3A_654 = arith.constant 0 : i32
        %dma_start3A_655 = tpu.memref_slice %arg4[%multiple_of3A_642, %dma_start3A_654] : memref<4096x1024xf32, #tpu.memory_space<hbm>> -> memref<8x1024xf32, #tpu.memory_space<hbm>>
        tpu.enqueue_dma source(%dma_start3A_655 : memref<8x1024xf32, #tpu.memory_space<hbm>>) target(%dma_start3A_653 : memref<8x1024xf32, #tpu.memory_space<vmem>>) target_semaphore(%arg12 : memref<!tpu.dma_semaphore, #tpu.memory_space<semaphore_mem>>)
        %dma_start3A_656 = arith.constant 0 : i32
        %dma_start3A_657 = arith.constant 0 : i32
        %dma_start3A_658 = arith.constant 0 : i32
        %dma_start3A_659 = arith.constant 0 : i32
        %dma_start3A_660 = tpu.memref_slice %arg7[%dma_start3A_657, %dma_start3A_658, %dma_start3A_659] : memref<3x32x1024xf32, #tpu.memory_space<vmem>> -> memref<1x8x1024xf32, #tpu.memory_space<vmem>>
        %dma_start3A_661 = tpu.memref_squeeze %dma_start3A_660 : memref<1x8x1024xf32, #tpu.memory_space<vmem>> -> memref<8x1024xf32, #tpu.memory_space<vmem>>
        %dma_start3A_662 = tpu.memref_slice %arg6[%dma_start3A_656, %multiple_of3A_638] : memref<4x128xi32, #tpu.memory_space<vmem>> -> memref<1x8xi32, #tpu.memory_space<vmem>>
        %dma_start3A_663 = tpu.memref_squeeze %dma_start3A_662 : memref<1x8xi32, #tpu.memory_space<vmem>> -> memref<8xi32, #tpu.memory_space<vmem>>
        %dma_start3A_664 = arith.constant 0 : i32
        %dma_start3A_665 = arith.constant 0 : i32
        %dma_start3A_666 = tpu.memref_slice %arg3[%dma_start3A_664, %dma_start3A_665] : memref<100000x1024xf32, #tpu.memory_space<hbm>> -> memref<100000x1024xf32, #tpu.memory_space<hbm>>
        tpu.enqueue_indirect_dma source(%dma_start3A_666 : memref<100000x1024xf32, #tpu.memory_space<hbm>>) target(%dma_start3A_661 : memref<8x1024xf32, #tpu.memory_space<vmem>>) offsets(%dma_start3A_663 : memref<8xi32, #tpu.memory_space<vmem>>) semaphore(%arg9 : memref<!tpu.dma_semaphore, #tpu.memory_space<semaphore_mem>>)
        %dma_start3A_667 = arith.constant 1 : i32
        %dma_start3A_668 = arith.constant 0 : i32
        %dma_start3A_669 = arith.constant 8 : i32
        %dma_start3A_670 = arith.constant 0 : i32
        %dma_start3A_671 = tpu.memref_slice %arg7[%dma_start3A_668, %dma_start3A_669, %dma_start3A_670] : memref<3x32x1024xf32, #tpu.memory_space<vmem>> -> memref<1x8x1024xf32, #tpu.memory_space<vmem>>
        %dma_start3A_672 = tpu.memref_squeeze %dma_start3A_671 : memref<1x8x1024xf32, #tpu.memory_space<vmem>> -> memref<8x1024xf32, #tpu.memory_space<vmem>>
        %dma_start3A_673 = tpu.memref_slice %arg6[%dma_start3A_667, %multiple_of3A_638] : memref<4x128xi32, #tpu.memory_space<vmem>> -> memref<1x8xi32, #tpu.memory_space<vmem>>
        %dma_start3A_674 = tpu.memref_squeeze %dma_start3A_673 : memref<1x8xi32, #tpu.memory_space<vmem>> -> memref<8xi32, #tpu.memory_space<vmem>>
        %dma_start3A_675 = arith.constant 0 : i32
        %dma_start3A_676 = arith.constant 0 : i32
        %dma_start3A_677 = tpu.memref_slice %arg3[%dma_start3A_675, %dma_start3A_676] : memref<100000x1024xf32, #tpu.memory_space<hbm>> -> memref<100000x1024xf32, #tpu.memory_space<hbm>>
        tpu.enqueue_indirect_dma source(%dma_start3A_677 : memref<100000x1024xf32, #tpu.memory_space<hbm>>) target(%dma_start3A_672 : memref<8x1024xf32, #tpu.memory_space<vmem>>) offsets(%dma_start3A_674 : memref<8xi32, #tpu.memory_space<vmem>>) semaphore(%arg9 : memref<!tpu.dma_semaphore, #tpu.memory_space<semaphore_mem>>)
        %dma_start3A_678 = arith.constant 2 : i32
        %dma_start3A_679 = arith.constant 0 : i32
        %dma_start3A_680 = arith.constant 16 : i32
        %dma_start3A_681 = arith.constant 0 : i32
        %dma_start3A_682 = tpu.memref_slice %arg7[%dma_start3A_679, %dma_start3A_680, %dma_start3A_681] : memref<3x32x1024xf32, #tpu.memory_space<vmem>> -> memref<1x8x1024xf32, #tpu.memory_space<vmem>>
        %dma_start3A_683 = tpu.memref_squeeze %dma_start3A_682 : memref<1x8x1024xf32, #tpu.memory_space<vmem>> -> memref<8x1024xf32, #tpu.memory_space<vmem>>
        %dma_start3A_684 = tpu.memref_slice %arg6[%dma_start3A_678, %multiple_of3A_638] : memref<4x128xi32, #tpu.memory_space<vmem>> -> memref<1x8xi32, #tpu.memory_space<vmem>>
        %dma_start3A_685 = tpu.memref_squeeze %dma_start3A_684 : memref<1x8xi32, #tpu.memory_space<vmem>> -> memref<8xi32, #tpu.memory_space<vmem>>
        %dma_start3A_686 = arith.constant 0 : i32
        %dma_start3A_687 = arith.constant 0 : i32
        %dma_start3A_688 = tpu.memref_slice %arg3[%dma_start3A_686, %dma_start3A_687] : memref<100000x1024xf32, #tpu.memory_space<hbm>> -> memref<100000x1024xf32, #tpu.memory_space<hbm>>
        tpu.enqueue_indirect_dma source(%dma_start3A_688 : memref<100000x1024xf32, #tpu.memory_space<hbm>>) target(%dma_start3A_683 : memref<8x1024xf32, #tpu.memory_space<vmem>>) offsets(%dma_start3A_685 : memref<8xi32, #tpu.memory_space<vmem>>) semaphore(%arg9 : memref<!tpu.dma_semaphore, #tpu.memory_space<semaphore_mem>>)
        %dma_start3A_689 = arith.constant 3 : i32
        %dma_start3A_690 = arith.constant 0 : i32
        %dma_start3A_691 = arith.constant 24 : i32
        %dma_start3A_692 = arith.constant 0 : i32
        %dma_start3A_693 = tpu.memref_slice %arg7[%dma_start3A_690, %dma_start3A_691, %dma_start3A_692] : memref<3x32x1024xf32, #tpu.memory_space<vmem>> -> memref<1x8x1024xf32, #tpu.memory_space<vmem>>
        %dma_start3A_694 = tpu.memref_squeeze %dma_start3A_693 : memref<1x8x1024xf32, #tpu.memory_space<vmem>> -> memref<8x1024xf32, #tpu.memory_space<vmem>>
        %dma_start3A_695 = tpu.memref_slice %arg6[%dma_start3A_689, %multiple_of3A_638] : memref<4x128xi32, #tpu.memory_space<vmem>> -> memref<1x8xi32, #tpu.memory_space<vmem>>
        %dma_start3A_696 = tpu.memref_squeeze %dma_start3A_695 : memref<1x8xi32, #tpu.memory_space<vmem>> -> memref<8xi32, #tpu.memory_space<vmem>>
        %dma_start3A_697 = arith.constant 0 : i32
        %dma_start3A_698 = arith.constant 0 : i32
        %dma_start3A_699 = tpu.memref_slice %arg3[%dma_start3A_697, %dma_start3A_698] : memref<100000x1024xf32, #tpu.memory_space<hbm>> -> memref<100000x1024xf32, #tpu.memory_space<hbm>>
        tpu.enqueue_indirect_dma source(%dma_start3A_699 : memref<100000x1024xf32, #tpu.memory_space<hbm>>) target(%dma_start3A_694 : memref<8x1024xf32, #tpu.memory_space<vmem>>) offsets(%dma_start3A_696 : memref<8xi32, #tpu.memory_space<vmem>>) semaphore(%arg9 : memref<!tpu.dma_semaphore, #tpu.memory_space<semaphore_mem>>)
      } else {
      }
      %dma_wait3A_415 = arith.constant 1 : i32
      %dma_wait3A_416 = arith.constant 0 : i32
      %dma_wait3A_417 = arith.constant 0 : i32
      %dma_wait3A_418 = tpu.memref_slice %arg8[%dma_wait3A_415, %dma_wait3A_416, %dma_wait3A_417] : memref<3x8x1024xf32, #tpu.memory_space<vmem>> -> memref<1x8x1024xf32, #tpu.memory_space<vmem>>
      %dma_wait3A_419 = tpu.memref_squeeze %dma_wait3A_418 : memref<1x8x1024xf32, #tpu.memory_space<vmem>> -> memref<8x1024xf32, #tpu.memory_space<vmem>>
      %dma_wait3A_420 = arith.constant 0 : i32
      %dma_wait3A_421 = arith.constant 0 : i32
      %dma_wait3A_422 = tpu.memref_slice %arg4[%dma_wait3A_420, %dma_wait3A_421] : memref<4096x1024xf32, #tpu.memory_space<hbm>> -> memref<8x1024xf32, #tpu.memory_space<hbm>>
      %dma_wait3A_423 = arith.constant 0 : i32
      %dma_wait3A_424 = arith.constant 0 : i32
      %dma_wait3A_425 = tpu.memref_slice %arg8[%dma_wait3A_415, %dma_wait3A_423, %dma_wait3A_424] : memref<3x8x1024xf32, #tpu.memory_space<vmem>> -> memref<1x8x1024xf32, #tpu.memory_space<vmem>>
      %dma_wait3A_426 = tpu.memref_squeeze %dma_wait3A_425 : memref<1x8x1024xf32, #tpu.memory_space<vmem>> -> memref<8x1024xf32, #tpu.memory_space<vmem>>
      %dma_wait3A_427 = arith.constant 0 : i32
      %dma_wait3A_428 = arith.constant 0 : i32
      %dma_wait3A_429 = tpu.memref_slice %arg4[%dma_wait3A_427, %dma_wait3A_428] : memref<4096x1024xf32, #tpu.memory_space<hbm>> -> memref<8x1024xf32, #tpu.memory_space<hbm>>
      tpu.wait_dma2 semaphore(%arg13 : memref<!tpu.dma_semaphore, #tpu.memory_space<semaphore_mem>>) src(%dma_wait3A_429 : memref<8x1024xf32, #tpu.memory_space<hbm>>) dst(%dma_wait3A_426 : memref<8x1024xf32, #tpu.memory_space<vmem>>)
      %dma_wait3A_430 = arith.constant 1 : i32
      %dma_wait3A_431 = arith.constant 0 : i32
      %dma_wait3A_432 = arith.constant 0 : i32
      %dma_wait3A_433 = tpu.memref_slice %arg7[%dma_wait3A_430, %dma_wait3A_431, %dma_wait3A_432] : memref<3x32x1024xf32, #tpu.memory_space<vmem>> -> memref<1x32x1024xf32, #tpu.memory_space<vmem>>
      %dma_wait3A_434 = tpu.memref_squeeze %dma_wait3A_433 : memref<1x32x1024xf32, #tpu.memory_space<vmem>> -> memref<32x1024xf32, #tpu.memory_space<vmem>>
      %dma_wait3A_435 = arith.constant 0 : i32
      %dma_wait3A_436 = arith.constant 0 : i32
      %dma_wait3A_437 = tpu.memref_slice %arg3[%dma_wait3A_435, %dma_wait3A_436] : memref<100000x1024xf32, #tpu.memory_space<hbm>> -> memref<32x1024xf32, #tpu.memory_space<hbm>>
      %dma_wait3A_438 = arith.constant 0 : i32
      %dma_wait3A_439 = arith.constant 0 : i32
      %dma_wait3A_440 = tpu.memref_slice %arg7[%dma_wait3A_430, %dma_wait3A_438, %dma_wait3A_439] : memref<3x32x1024xf32, #tpu.memory_space<vmem>> -> memref<1x32x1024xf32, #tpu.memory_space<vmem>>
      %dma_wait3A_441 = tpu.memref_squeeze %dma_wait3A_440 : memref<1x32x1024xf32, #tpu.memory_space<vmem>> -> memref<32x1024xf32, #tpu.memory_space<vmem>>
      %dma_wait3A_442 = arith.constant 0 : i32
      %dma_wait3A_443 = arith.constant 0 : i32
      %dma_wait3A_444 = tpu.memref_slice %arg3[%dma_wait3A_442, %dma_wait3A_443] : memref<100000x1024xf32, #tpu.memory_space<hbm>> -> memref<32x1024xf32, #tpu.memory_space<hbm>>
      tpu.wait_dma2 semaphore(%arg10 : memref<!tpu.dma_semaphore, #tpu.memory_space<semaphore_mem>>) src(%dma_wait3A_444 : memref<32x1024xf32, #tpu.memory_space<hbm>>) dst(%dma_wait3A_441 : memref<32x1024xf32, #tpu.memory_space<vmem>>)
      %scan3A_445 = arith.constant 0 : i32
      %scan3A_446 = arith.constant 64 : i32
      %scan3A_447 = arith.addi %scan3A_445, %scan3A_446 : i32
      %scan3A_448 = arith.constant 1 : i32
      scf.for %scan3A_630 = %scan3A_445 to %scan3A_447 step %scan3A_448  : i32 {
        %mul3A_631 = arith.constant 1 : i32
        %mul3A_632 = arith.muli %scan3A_630, %mul3A_631 : i32
        %add3A_633 = arith.constant 0 : i32
        %add3A_634 = arith.addi %add3A_633, %mul3A_632 : i32
        %mul3A_635 = arith.constant 16 : i32
        %mul3A_636 = arith.muli %add3A_634, %mul3A_635 : i32
        %get3A = arith.constant 1 : i32
        %get3A_637 = arith.constant 0 : i32
        %get3A_638 = arith.index_cast %get3A : i32 to index
        %get3A_639 = arith.index_cast %get3A_637 : i32 to index
        %get3A_640 = arith.index_cast %mul3A_636 : i32 to index
        %get3A_641 = tpu.vector_load %arg8[%get3A_638, %get3A_639, %get3A_640] {strides = array<i32>} : memref<3x8x1024xf32, #tpu.memory_space<vmem>>, vector<1x1x16xf32>,
        %get3A_642 = vector.shape_cast %get3A_641 : vector<1x1x16xf32> to vector<16xf32>
        %get3A_643 = arith.constant 1 : i32
        %get3A_644 = arith.constant 0 : i32
        %get3A_645 = arith.index_cast %get3A_643 : i32 to index
        %get3A_646 = arith.index_cast %get3A_644 : i32 to index
        %get3A_647 = arith.index_cast %mul3A_636 : i32 to index
        %get3A_648 = tpu.vector_load %arg7[%get3A_645, %get3A_646, %get3A_647] {strides = array<i32>} : memref<3x32x1024xf32, #tpu.memory_space<vmem>>, vector<1x1x16xf32>,
        %get3A_649 = vector.shape_cast %get3A_648 : vector<1x1x16xf32> to vector<16xf32>
        %add3A_650 = arith.addf %get3A_649, %get3A_642 : vector<16xf32>
        %swap3A = arith.constant 1 : i32
        %swap3A_651 = arith.constant 0 : i32
        %swap3A_652 = arith.index_cast %swap3A : i32 to index
        %swap3A_653 = arith.index_cast %swap3A_651 : i32 to index
        %swap3A_654 = arith.index_cast %mul3A_636 : i32 to index
        %swap3A_655 = tpu.vector_load %arg7[%swap3A_652, %swap3A_653, %swap3A_654] {strides = array<i32>} : memref<3x32x1024xf32, #tpu.memory_space<vmem>>, vector<1x1x16xf32>,
        %swap3A_656 = vector.shape_cast %swap3A_655 : vector<1x1x16xf32> to vector<16xf32>
        %swap3A_657 = vector.shape_cast %add3A_650 : vector<16xf32> to vector<1x1x16xf32>
        tpu.vector_store %arg7[%swap3A_652, %swap3A_653, %swap3A_654], %swap3A_657 {strides = array<i32>} : memref<3x32x1024xf32, #tpu.memory_space<vmem>>, vector<1x1x16xf32>,
        %get3A_658 = arith.constant 1 : i32
        %get3A_659 = arith.constant 8 : i32
        %get3A_660 = arith.index_cast %get3A_658 : i32 to index
        %get3A_661 = arith.index_cast %get3A_659 : i32 to index
        %get3A_662 = arith.index_cast %mul3A_636 : i32 to index
        %get3A_663 = tpu.vector_load %arg7[%get3A_660, %get3A_661, %get3A_662] {strides = array<i32>} : memref<3x32x1024xf32, #tpu.memory_space<vmem>>, vector<1x1x16xf32>,
        %get3A_664 = vector.shape_cast %get3A_663 : vector<1x1x16xf32> to vector<16xf32>
        %add3A_665 = arith.addf %get3A_664, %get3A_642 : vector<16xf32>
        %swap3A_666 = arith.constant 1 : i32
        %swap3A_667 = arith.constant 8 : i32
        %swap3A_668 = arith.index_cast %swap3A_666 : i32 to index
        %swap3A_669 = arith.index_cast %swap3A_667 : i32 to index
        %swap3A_670 = arith.index_cast %mul3A_636 : i32 to index
        %swap3A_671 = tpu.vector_load %arg7[%swap3A_668, %swap3A_669, %swap3A_670] {strides = array<i32>} : memref<3x32x1024xf32, #tpu.memory_space<vmem>>, vector<1x1x16xf32>,
        %swap3A_672 = vector.shape_cast %swap3A_671 : vector<1x1x16xf32> to vector<16xf32>
        %swap3A_673 = vector.shape_cast %add3A_665 : vector<16xf32> to vector<1x1x16xf32>
        tpu.vector_store %arg7[%swap3A_668, %swap3A_669, %swap3A_670], %swap3A_673 {strides = array<i32>} : memref<3x32x1024xf32, #tpu.memory_space<vmem>>, vector<1x1x16xf32>,
        %get3A_674 = arith.constant 1 : i32
        %get3A_675 = arith.constant 16 : i32
        %get3A_676 = arith.index_cast %get3A_674 : i32 to index
        %get3A_677 = arith.index_cast %get3A_675 : i32 to index
        %get3A_678 = arith.index_cast %mul3A_636 : i32 to index
        %get3A_679 = tpu.vector_load %arg7[%get3A_676, %get3A_677, %get3A_678] {strides = array<i32>} : memref<3x32x1024xf32, #tpu.memory_space<vmem>>, vector<1x1x16xf32>,
        %get3A_680 = vector.shape_cast %get3A_679 : vector<1x1x16xf32> to vector<16xf32>
        %add3A_681 = arith.addf %get3A_680, %get3A_642 : vector<16xf32>
        %swap3A_682 = arith.constant 1 : i32
        %swap3A_683 = arith.constant 16 : i32
        %swap3A_684 = arith.index_cast %swap3A_682 : i32 to index
        %swap3A_685 = arith.index_cast %swap3A_683 : i32 to index
        %swap3A_686 = arith.index_cast %mul3A_636 : i32 to index
        %swap3A_687 = tpu.vector_load %arg7[%swap3A_684, %swap3A_685, %swap3A_686] {strides = array<i32>} : memref<3x32x1024xf32, #tpu.memory_space<vmem>>, vector<1x1x16xf32>,
        %swap3A_688 = vector.shape_cast %swap3A_687 : vector<1x1x16xf32> to vector<16xf32>
        %swap3A_689 = vector.shape_cast %add3A_681 : vector<16xf32> to vector<1x1x16xf32>
        tpu.vector_store %arg7[%swap3A_684, %swap3A_685, %swap3A_686], %swap3A_689 {strides = array<i32>} : memref<3x32x1024xf32, #tpu.memory_space<vmem>>, vector<1x1x16xf32>,
        %get3A_690 = arith.constant 1 : i32
        %get3A_691 = arith.constant 24 : i32
        %get3A_692 = arith.index_cast %get3A_690 : i32 to index
        %get3A_693 = arith.index_cast %get3A_691 : i32 to index
        %get3A_694 = arith.index_cast %mul3A_636 : i32 to index
        %get3A_695 = tpu.vector_load %arg7[%get3A_692, %get3A_693, %get3A_694] {strides = array<i32>} : memref<3x32x1024xf32, #tpu.memory_space<vmem>>, vector<1x1x16xf32>,
        %get3A_696 = vector.shape_cast %get3A_695 : vector<1x1x16xf32> to vector<16xf32>
        %add3A_697 = arith.addf %get3A_696, %get3A_642 : vector<16xf32>
        %swap3A_698 = arith.constant 1 : i32
        %swap3A_699 = arith.constant 24 : i32
        %swap3A_700 = arith.index_cast %swap3A_698 : i32 to index
        %swap3A_701 = arith.index_cast %swap3A_699 : i32 to index
        %swap3A_702 = arith.index_cast %mul3A_636 : i32 to index
        %swap3A_703 = tpu.vector_load %arg7[%swap3A_700, %swap3A_701, %swap3A_702] {strides = array<i32>} : memref<3x32x1024xf32, #tpu.memory_space<vmem>>, vector<1x1x16xf32>,
        %swap3A_704 = vector.shape_cast %swap3A_703 : vector<1x1x16xf32> to vector<16xf32>
        %swap3A_705 = vector.shape_cast %add3A_697 : vector<16xf32> to vector<1x1x16xf32>
        tpu.vector_store %arg7[%swap3A_700, %swap3A_701, %swap3A_702], %swap3A_705 {strides = array<i32>} : memref<3x32x1024xf32, #tpu.memory_space<vmem>>, vector<1x1x16xf32>,
        %get3A_706 = arith.constant 1 : i32
        %get3A_707 = arith.constant 1 : i32
        %get3A_708 = arith.index_cast %get3A_706 : i32 to index
        %get3A_709 = arith.index_cast %get3A_707 : i32 to index
        %get3A_710 = arith.index_cast %mul3A_636 : i32 to index
        %get3A_711 = tpu.vector_load %arg8[%get3A_708, %get3A_709, %get3A_710] {strides = array<i32>} : memref<3x8x1024xf32, #tpu.memory_space<vmem>>, vector<1x1x16xf32>,
        %get3A_712 = vector.shape_cast %get3A_711 : vector<1x1x16xf32> to vector<16xf32>
        %get3A_713 = arith.constant 1 : i32
        %get3A_714 = arith.constant 1 : i32
        %get3A_715 = arith.index_cast %get3A_713 : i32 to index
        %get3A_716 = arith.index_cast %get3A_714 : i32 to index
        %get3A_717 = arith.index_cast %mul3A_636 : i32 to index
        %get3A_718 = tpu.vector_load %arg7[%get3A_715, %get3A_716, %get3A_717] {strides = array<i32>} : memref<3x32x1024xf32, #tpu.memory_space<vmem>>, vector<1x1x16xf32>,
        %get3A_719 = vector.shape_cast %get3A_718 : vector<1x1x16xf32> to vector<16xf32>
        %add3A_720 = arith.addf %get3A_719, %get3A_712 : vector<16xf32>
        %swap3A_721 = arith.constant 1 : i32
        %swap3A_722 = arith.constant 1 : i32
        %swap3A_723 = arith.index_cast %swap3A_721 : i32 to index
        %swap3A_724 = arith.index_cast %swap3A_722 : i32 to index
        %swap3A_725 = arith.index_cast %mul3A_636 : i32 to index
        %swap3A_726 = tpu.vector_load %arg7[%swap3A_723, %swap3A_724, %swap3A_725] {strides = array<i32>} : memref<3x32x1024xf32, #tpu.memory_space<vmem>>, vector<1x1x16xf32>,
        %swap3A_727 = vector.shape_cast %swap3A_726 : vector<1x1x16xf32> to vector<16xf32>
        %swap3A_728 = vector.shape_cast %add3A_720 : vector<16xf32> to vector<1x1x16xf32>
        tpu.vector_store %arg7[%swap3A_723, %swap3A_724, %swap3A_725], %swap3A_728 {strides = array<i32>} : memref<3x32x1024xf32, #tpu.memory_space<vmem>>, vector<1x1x16xf32>,
        %get3A_729 = arith.constant 1 : i32
        %get3A_730 = arith.constant 9 : i32
        %get3A_731 = arith.index_cast %get3A_729 : i32 to index
        %get3A_732 = arith.index_cast %get3A_730 : i32 to index
        %get3A_733 = arith.index_cast %mul3A_636 : i32 to index
        %get3A_734 = tpu.vector_load %arg7[%get3A_731, %get3A_732, %get3A_733] {strides = array<i32>} : memref<3x32x1024xf32, #tpu.memory_space<vmem>>, vector<1x1x16xf32>,
        %get3A_735 = vector.shape_cast %get3A_734 : vector<1x1x16xf32> to vector<16xf32>
        %add3A_736 = arith.addf %get3A_735, %get3A_712 : vector<16xf32>
        %swap3A_737 = arith.constant 1 : i32
        %swap3A_738 = arith.constant 9 : i32
        %swap3A_739 = arith.index_cast %swap3A_737 : i32 to index
        %swap3A_740 = arith.index_cast %swap3A_738 : i32 to index
        %swap3A_741 = arith.index_cast %mul3A_636 : i32 to index
        %swap3A_742 = tpu.vector_load %arg7[%swap3A_739, %swap3A_740, %swap3A_741] {strides = array<i32>} : memref<3x32x1024xf32, #tpu.memory_space<vmem>>, vector<1x1x16xf32>,
        %swap3A_743 = vector.shape_cast %swap3A_742 : vector<1x1x16xf32> to vector<16xf32>
        %swap3A_744 = vector.shape_cast %add3A_736 : vector<16xf32> to vector<1x1x16xf32>
        tpu.vector_store %arg7[%swap3A_739, %swap3A_740, %swap3A_741], %swap3A_744 {strides = array<i32>} : memref<3x32x1024xf32, #tpu.memory_space<vmem>>, vector<1x1x16xf32>,
        %get3A_745 = arith.constant 1 : i32
        %get3A_746 = arith.constant 17 : i32
        %get3A_747 = arith.index_cast %get3A_745 : i32 to index
        %get3A_748 = arith.index_cast %get3A_746 : i32 to index
        %get3A_749 = arith.index_cast %mul3A_636 : i32 to index
        %get3A_750 = tpu.vector_load %arg7[%get3A_747, %get3A_748, %get3A_749] {strides = array<i32>} : memref<3x32x1024xf32, #tpu.memory_space<vmem>>, vector<1x1x16xf32>,
        %get3A_751 = vector.shape_cast %get3A_750 : vector<1x1x16xf32> to vector<16xf32>
        %add3A_752 = arith.addf %get3A_751, %get3A_712 : vector<16xf32>
        %swap3A_753 = arith.constant 1 : i32
        %swap3A_754 = arith.constant 17 : i32
        %swap3A_755 = arith.index_cast %swap3A_753 : i32 to index
        %swap3A_756 = arith.index_cast %swap3A_754 : i32 to index
        %swap3A_757 = arith.index_cast %mul3A_636 : i32 to index
        %swap3A_758 = tpu.vector_load %arg7[%swap3A_755, %swap3A_756, %swap3A_757] {strides = array<i32>} : memref<3x32x1024xf32, #tpu.memory_space<vmem>>, vector<1x1x16xf32>,
        %swap3A_759 = vector.shape_cast %swap3A_758 : vector<1x1x16xf32> to vector<16xf32>
        %swap3A_760 = vector.shape_cast %add3A_752 : vector<16xf32> to vector<1x1x16xf32>
        tpu.vector_store %arg7[%swap3A_755, %swap3A_756, %swap3A_757], %swap3A_760 {strides = array<i32>} : memref<3x32x1024xf32, #tpu.memory_space<vmem>>, vector<1x1x16xf32>,
        %get3A_761 = arith.constant 1 : i32
        %get3A_762 = arith.constant 25 : i32
        %get3A_763 = arith.index_cast %get3A_761 : i32 to index
        %get3A_764 = arith.index_cast %get3A_762 : i32 to index
        %get3A_765 = arith.index_cast %mul3A_636 : i32 to index
        %get3A_766 = tpu.vector_load %arg7[%get3A_763, %get3A_764, %get3A_765] {strides = array<i32>} : memref<3x32x1024xf32, #tpu.memory_space<vmem>>, vector<1x1x16xf32>,
        %get3A_767 = vector.shape_cast %get3A_766 : vector<1x1x16xf32> to vector<16xf32>
        %add3A_768 = arith.addf %get3A_767, %get3A_712 : vector<16xf32>
        %swap3A_769 = arith.constant 1 : i32
        %swap3A_770 = arith.constant 25 : i32
        %swap3A_771 = arith.index_cast %swap3A_769 : i32 to index
        %swap3A_772 = arith.index_cast %swap3A_770 : i32 to index
        %swap3A_773 = arith.index_cast %mul3A_636 : i32 to index
        %swap3A_774 = tpu.vector_load %arg7[%swap3A_771, %swap3A_772, %swap3A_773] {strides = array<i32>} : memref<3x32x1024xf32, #tpu.memory_space<vmem>>, vector<1x1x16xf32>,
        %swap3A_775 = vector.shape_cast %swap3A_774 : vector<1x1x16xf32> to vector<16xf32>
        %swap3A_776 = vector.shape_cast %add3A_768 : vector<16xf32> to vector<1x1x16xf32>
        tpu.vector_store %arg7[%swap3A_771, %swap3A_772, %swap3A_773], %swap3A_776 {strides = array<i32>} : memref<3x32x1024xf32, #tpu.memory_space<vmem>>, vector<1x1x16xf32>,
        %get3A_777 = arith.constant 1 : i32
        %get3A_778 = arith.constant 2 : i32
        %get3A_779 = arith.index_cast %get3A_777 : i32 to index
        %get3A_780 = arith.index_cast %get3A_778 : i32 to index
        %get3A_781 = arith.index_cast %mul3A_636 : i32 to index
        %get3A_782 = tpu.vector_load %arg8[%get3A_779, %get3A_780, %get3A_781] {strides = array<i32>} : memref<3x8x1024xf32, #tpu.memory_space<vmem>>, vector<1x1x16xf32>,
        %get3A_783 = vector.shape_cast %get3A_782 : vector<1x1x16xf32> to vector<16xf32>
        %get3A_784 = arith.constant 1 : i32
        %get3A_785 = arith.constant 2 : i32
        %get3A_786 = arith.index_cast %get3A_784 : i32 to index
        %get3A_787 = arith.index_cast %get3A_785 : i32 to index
        %get3A_788 = arith.index_cast %mul3A_636 : i32 to index
        %get3A_789 = tpu.vector_load %arg7[%get3A_786, %get3A_787, %get3A_788] {strides = array<i32>} : memref<3x32x1024xf32, #tpu.memory_space<vmem>>, vector<1x1x16xf32>,
        %get3A_790 = vector.shape_cast %get3A_789 : vector<1x1x16xf32> to vector<16xf32>
        %add3A_791 = arith.addf %get3A_790, %get3A_783 : vector<16xf32>
        %swap3A_792 = arith.constant 1 : i32
        %swap3A_793 = arith.constant 2 : i32
        %swap3A_794 = arith.index_cast %swap3A_792 : i32 to index
        %swap3A_795 = arith.index_cast %swap3A_793 : i32 to index
        %swap3A_796 = arith.index_cast %mul3A_636 : i32 to index
        %swap3A_797 = tpu.vector_load %arg7[%swap3A_794, %swap3A_795, %swap3A_796] {strides = array<i32>} : memref<3x32x1024xf32, #tpu.memory_space<vmem>>, vector<1x1x16xf32>,
        %swap3A_798 = vector.shape_cast %swap3A_797 : vector<1x1x16xf32> to vector<16xf32>
        %swap3A_799 = vector.shape_cast %add3A_791 : vector<16xf32> to vector<1x1x16xf32>
        tpu.vector_store %arg7[%swap3A_794, %swap3A_795, %swap3A_796], %swap3A_799 {strides = array<i32>} : memref<3x32x1024xf32, #tpu.memory_space<vmem>>, vector<1x1x16xf32>,
        %get3A_800 = arith.constant 1 : i32
        %get3A_801 = arith.constant 10 : i32
        %get3A_802 = arith.index_cast %get3A_800 : i32 to index
        %get3A_803 = arith.index_cast %get3A_801 : i32 to index
        %get3A_804 = arith.index_cast %mul3A_636 : i32 to index
        %get3A_805 = tpu.vector_load %arg7[%get3A_802, %get3A_803, %get3A_804] {strides = array<i32>} : memref<3x32x1024xf32, #tpu.memory_space<vmem>>, vector<1x1x16xf32>,
        %get3A_806 = vector.shape_cast %get3A_805 : vector<1x1x16xf32> to vector<16xf32>
        %add3A_807 = arith.addf %get3A_806, %get3A_783 : vector<16xf32>
        %swap3A_808 = arith.constant 1 : i32
        %swap3A_809 = arith.constant 10 : i32
        %swap3A_810 = arith.index_cast %swap3A_808 : i32 to index
        %swap3A_811 = arith.index_cast %swap3A_809 : i32 to index
        %swap3A_812 = arith.index_cast %mul3A_636 : i32 to index
        %swap3A_813 = tpu.vector_load %arg7[%swap3A_810, %swap3A_811, %swap3A_812] {strides = array<i32>} : memref<3x32x1024xf32, #tpu.memory_space<vmem>>, vector<1x1x16xf32>,
        %swap3A_814 = vector.shape_cast %swap3A_813 : vector<1x1x16xf32> to vector<16xf32>
        %swap3A_815 = vector.shape_cast %add3A_807 : vector<16xf32> to vector<1x1x16xf32>
        tpu.vector_store %arg7[%swap3A_810, %swap3A_811, %swap3A_812], %swap3A_815 {strides = array<i32>} : memref<3x32x1024xf32, #tpu.memory_space<vmem>>, vector<1x1x16xf32>,
        %get3A_816 = arith.constant 1 : i32
        %get3A_817 = arith.constant 18 : i32
        %get3A_818 = arith.index_cast %get3A_816 : i32 to index
        %get3A_819 = arith.index_cast %get3A_817 : i32 to index
        %get3A_820 = arith.index_cast %mul3A_636 : i32 to index
        %get3A_821 = tpu.vector_load %arg7[%get3A_818, %get3A_819, %get3A_820] {strides = array<i32>} : memref<3x32x1024xf32, #tpu.memory_space<vmem>>, vector<1x1x16xf32>,
        %get3A_822 = vector.shape_cast %get3A_821 : vector<1x1x16xf32> to vector<16xf32>
        %add3A_823 = arith.addf %get3A_822, %get3A_783 : vector<16xf32>
        %swap3A_824 = arith.constant 1 : i32
        %swap3A_825 = arith.constant 18 : i32
        %swap3A_826 = arith.index_cast %swap3A_824 : i32 to index
        %swap3A_827 = arith.index_cast %swap3A_825 : i32 to index
        %swap3A_828 = arith.index_cast %mul3A_636 : i32 to index
        %swap3A_829 = tpu.vector_load %arg7[%swap3A_826, %swap3A_827, %swap3A_828] {strides = array<i32>} : memref<3x32x1024xf32, #tpu.memory_space<vmem>>, vector<1x1x16xf32>,
        %swap3A_830 = vector.shape_cast %swap3A_829 : vector<1x1x16xf32> to vector<16xf32>
        %swap3A_831 = vector.shape_cast %add3A_823 : vector<16xf32> to vector<1x1x16xf32>
        tpu.vector_store %arg7[%swap3A_826, %swap3A_827, %swap3A_828], %swap3A_831 {strides = array<i32>} : memref<3x32x1024xf32, #tpu.memory_space<vmem>>, vector<1x1x16xf32>,
        %get3A_832 = arith.constant 1 : i32
        %get3A_833 = arith.constant 26 : i32
        %get3A_834 = arith.index_cast %get3A_832 : i32 to index
        %get3A_835 = arith.index_cast %get3A_833 : i32 to index
        %get3A_836 = arith.index_cast %mul3A_636 : i32 to index
        %get3A_837 = tpu.vector_load %arg7[%get3A_834, %get3A_835, %get3A_836] {strides = array<i32>} : memref<3x32x1024xf32, #tpu.memory_space<vmem>>, vector<1x1x16xf32>,
        %get3A_838 = vector.shape_cast %get3A_837 : vector<1x1x16xf32> to vector<16xf32>
        %add3A_839 = arith.addf %get3A_838, %get3A_783 : vector<16xf32>
        %swap3A_840 = arith.constant 1 : i32
        %swap3A_841 = arith.constant 26 : i32
        %swap3A_842 = arith.index_cast %swap3A_840 : i32 to index
        %swap3A_843 = arith.index_cast %swap3A_841 : i32 to index
        %swap3A_844 = arith.index_cast %mul3A_636 : i32 to index
        %swap3A_845 = tpu.vector_load %arg7[%swap3A_842, %swap3A_843, %swap3A_844] {strides = array<i32>} : memref<3x32x1024xf32, #tpu.memory_space<vmem>>, vector<1x1x16xf32>,
        %swap3A_846 = vector.shape_cast %swap3A_845 : vector<1x1x16xf32> to vector<16xf32>
        %swap3A_847 = vector.shape_cast %add3A_839 : vector<16xf32> to vector<1x1x16xf32>
        tpu.vector_store %arg7[%swap3A_842, %swap3A_843, %swap3A_844], %swap3A_847 {strides = array<i32>} : memref<3x32x1024xf32, #tpu.memory_space<vmem>>, vector<1x1x16xf32>,
        %get3A_848 = arith.constant 1 : i32
        %get3A_849 = arith.constant 3 : i32
        %get3A_850 = arith.index_cast %get3A_848 : i32 to index
        %get3A_851 = arith.index_cast %get3A_849 : i32 to index
        %get3A_852 = arith.index_cast %mul3A_636 : i32 to index
        %get3A_853 = tpu.vector_load %arg8[%get3A_850, %get3A_851, %get3A_852] {strides = array<i32>} : memref<3x8x1024xf32, #tpu.memory_space<vmem>>, vector<1x1x16xf32>,
        %get3A_854 = vector.shape_cast %get3A_853 : vector<1x1x16xf32> to vector<16xf32>
        %get3A_855 = arith.constant 1 : i32
        %get3A_856 = arith.constant 3 : i32
        %get3A_857 = arith.index_cast %get3A_855 : i32 to index
        %get3A_858 = arith.index_cast %get3A_856 : i32 to index
        %get3A_859 = arith.index_cast %mul3A_636 : i32 to index
        %get3A_860 = tpu.vector_load %arg7[%get3A_857, %get3A_858, %get3A_859] {strides = array<i32>} : memref<3x32x1024xf32, #tpu.memory_space<vmem>>, vector<1x1x16xf32>,
        %get3A_861 = vector.shape_cast %get3A_860 : vector<1x1x16xf32> to vector<16xf32>
        %add3A_862 = arith.addf %get3A_861, %get3A_854 : vector<16xf32>
        %swap3A_863 = arith.constant 1 : i32
        %swap3A_864 = arith.constant 3 : i32
        %swap3A_865 = arith.index_cast %swap3A_863 : i32 to index
        %swap3A_866 = arith.index_cast %swap3A_864 : i32 to index
        %swap3A_867 = arith.index_cast %mul3A_636 : i32 to index
        %swap3A_868 = tpu.vector_load %arg7[%swap3A_865, %swap3A_866, %swap3A_867] {strides = array<i32>} : memref<3x32x1024xf32, #tpu.memory_space<vmem>>, vector<1x1x16xf32>,
        %swap3A_869 = vector.shape_cast %swap3A_868 : vector<1x1x16xf32> to vector<16xf32>
        %swap3A_870 = vector.shape_cast %add3A_862 : vector<16xf32> to vector<1x1x16xf32>
        tpu.vector_store %arg7[%swap3A_865, %swap3A_866, %swap3A_867], %swap3A_870 {strides = array<i32>} : memref<3x32x1024xf32, #tpu.memory_space<vmem>>, vector<1x1x16xf32>,
        %get3A_871 = arith.constant 1 : i32
        %get3A_872 = arith.constant 11 : i32
        %get3A_873 = arith.index_cast %get3A_871 : i32 to index
        %get3A_874 = arith.index_cast %get3A_872 : i32 to index
        %get3A_875 = arith.index_cast %mul3A_636 : i32 to index
        %get3A_876 = tpu.vector_load %arg7[%get3A_873, %get3A_874, %get3A_875] {strides = array<i32>} : memref<3x32x1024xf32, #tpu.memory_space<vmem>>, vector<1x1x16xf32>,
        %get3A_877 = vector.shape_cast %get3A_876 : vector<1x1x16xf32> to vector<16xf32>
        %add3A_878 = arith.addf %get3A_877, %get3A_854 : vector<16xf32>
        %swap3A_879 = arith.constant 1 : i32
        %swap3A_880 = arith.constant 11 : i32
        %swap3A_881 = arith.index_cast %swap3A_879 : i32 to index
        %swap3A_882 = arith.index_cast %swap3A_880 : i32 to index
        %swap3A_883 = arith.index_cast %mul3A_636 : i32 to index
        %swap3A_884 = tpu.vector_load %arg7[%swap3A_881, %swap3A_882, %swap3A_883] {strides = array<i32>} : memref<3x32x1024xf32, #tpu.memory_space<vmem>>, vector<1x1x16xf32>,
        %swap3A_885 = vector.shape_cast %swap3A_884 : vector<1x1x16xf32> to vector<16xf32>
        %swap3A_886 = vector.shape_cast %add3A_878 : vector<16xf32> to vector<1x1x16xf32>
        tpu.vector_store %arg7[%swap3A_881, %swap3A_882, %swap3A_883], %swap3A_886 {strides = array<i32>} : memref<3x32x1024xf32, #tpu.memory_space<vmem>>, vector<1x1x16xf32>,
        %get3A_887 = arith.constant 1 : i32
        %get3A_888 = arith.constant 19 : i32
        %get3A_889 = arith.index_cast %get3A_887 : i32 to index
        %get3A_890 = arith.index_cast %get3A_888 : i32 to index
        %get3A_891 = arith.index_cast %mul3A_636 : i32 to index
        %get3A_892 = tpu.vector_load %arg7[%get3A_889, %get3A_890, %get3A_891] {strides = array<i32>} : memref<3x32x1024xf32, #tpu.memory_space<vmem>>, vector<1x1x16xf32>,
        %get3A_893 = vector.shape_cast %get3A_892 : vector<1x1x16xf32> to vector<16xf32>
        %add3A_894 = arith.addf %get3A_893, %get3A_854 : vector<16xf32>
        %swap3A_895 = arith.constant 1 : i32
        %swap3A_896 = arith.constant 19 : i32
        %swap3A_897 = arith.index_cast %swap3A_895 : i32 to index
        %swap3A_898 = arith.index_cast %swap3A_896 : i32 to index
        %swap3A_899 = arith.index_cast %mul3A_636 : i32 to index
        %swap3A_900 = tpu.vector_load %arg7[%swap3A_897, %swap3A_898, %swap3A_899] {strides = array<i32>} : memref<3x32x1024xf32, #tpu.memory_space<vmem>>, vector<1x1x16xf32>,
        %swap3A_901 = vector.shape_cast %swap3A_900 : vector<1x1x16xf32> to vector<16xf32>
        %swap3A_902 = vector.shape_cast %add3A_894 : vector<16xf32> to vector<1x1x16xf32>
        tpu.vector_store %arg7[%swap3A_897, %swap3A_898, %swap3A_899], %swap3A_902 {strides = array<i32>} : memref<3x32x1024xf32, #tpu.memory_space<vmem>>, vector<1x1x16xf32>,
        %get3A_903 = arith.constant 1 : i32
        %get3A_904 = arith.constant 27 : i32
        %get3A_905 = arith.index_cast %get3A_903 : i32 to index
        %get3A_906 = arith.index_cast %get3A_904 : i32 to index
        %get3A_907 = arith.index_cast %mul3A_636 : i32 to index
        %get3A_908 = tpu.vector_load %arg7[%get3A_905, %get3A_906, %get3A_907] {strides = array<i32>} : memref<3x32x1024xf32, #tpu.memory_space<vmem>>, vector<1x1x16xf32>,
        %get3A_909 = vector.shape_cast %get3A_908 : vector<1x1x16xf32> to vector<16xf32>
        %add3A_910 = arith.addf %get3A_909, %get3A_854 : vector<16xf32>
        %swap3A_911 = arith.constant 1 : i32
        %swap3A_912 = arith.constant 27 : i32
        %swap3A_913 = arith.index_cast %swap3A_911 : i32 to index
        %swap3A_914 = arith.index_cast %swap3A_912 : i32 to index
        %swap3A_915 = arith.index_cast %mul3A_636 : i32 to index
        %swap3A_916 = tpu.vector_load %arg7[%swap3A_913, %swap3A_914, %swap3A_915] {strides = array<i32>} : memref<3x32x1024xf32, #tpu.memory_space<vmem>>, vector<1x1x16xf32>,
        %swap3A_917 = vector.shape_cast %swap3A_916 : vector<1x1x16xf32> to vector<16xf32>
        %swap3A_918 = vector.shape_cast %add3A_910 : vector<16xf32> to vector<1x1x16xf32>
        tpu.vector_store %arg7[%swap3A_913, %swap3A_914, %swap3A_915], %swap3A_918 {strides = array<i32>} : memref<3x32x1024xf32, #tpu.memory_space<vmem>>, vector<1x1x16xf32>,
        %get3A_919 = arith.constant 1 : i32
        %get3A_920 = arith.constant 4 : i32
        %get3A_921 = arith.index_cast %get3A_919 : i32 to index
        %get3A_922 = arith.index_cast %get3A_920 : i32 to index
        %get3A_923 = arith.index_cast %mul3A_636 : i32 to index
        %get3A_924 = tpu.vector_load %arg8[%get3A_921, %get3A_922, %get3A_923] {strides = array<i32>} : memref<3x8x1024xf32, #tpu.memory_space<vmem>>, vector<1x1x16xf32>,
        %get3A_925 = vector.shape_cast %get3A_924 : vector<1x1x16xf32> to vector<16xf32>
        %get3A_926 = arith.constant 1 : i32
        %get3A_927 = arith.constant 4 : i32
        %get3A_928 = arith.index_cast %get3A_926 : i32 to index
        %get3A_929 = arith.index_cast %get3A_927 : i32 to index
        %get3A_930 = arith.index_cast %mul3A_636 : i32 to index
        %get3A_931 = tpu.vector_load %arg7[%get3A_928, %get3A_929, %get3A_930] {strides = array<i32>} : memref<3x32x1024xf32, #tpu.memory_space<vmem>>, vector<1x1x16xf32>,
        %get3A_932 = vector.shape_cast %get3A_931 : vector<1x1x16xf32> to vector<16xf32>
        %add3A_933 = arith.addf %get3A_932, %get3A_925 : vector<16xf32>
        %swap3A_934 = arith.constant 1 : i32
        %swap3A_935 = arith.constant 4 : i32
        %swap3A_936 = arith.index_cast %swap3A_934 : i32 to index
        %swap3A_937 = arith.index_cast %swap3A_935 : i32 to index
        %swap3A_938 = arith.index_cast %mul3A_636 : i32 to index
        %swap3A_939 = tpu.vector_load %arg7[%swap3A_936, %swap3A_937, %swap3A_938] {strides = array<i32>} : memref<3x32x1024xf32, #tpu.memory_space<vmem>>, vector<1x1x16xf32>,
        %swap3A_940 = vector.shape_cast %swap3A_939 : vector<1x1x16xf32> to vector<16xf32>
        %swap3A_941 = vector.shape_cast %add3A_933 : vector<16xf32> to vector<1x1x16xf32>
        tpu.vector_store %arg7[%swap3A_936, %swap3A_937, %swap3A_938], %swap3A_941 {strides = array<i32>} : memref<3x32x1024xf32, #tpu.memory_space<vmem>>, vector<1x1x16xf32>,
        %get3A_942 = arith.constant 1 : i32
        %get3A_943 = arith.constant 12 : i32
        %get3A_944 = arith.index_cast %get3A_942 : i32 to index
        %get3A_945 = arith.index_cast %get3A_943 : i32 to index
        %get3A_946 = arith.index_cast %mul3A_636 : i32 to index
        %get3A_947 = tpu.vector_load %arg7[%get3A_944, %get3A_945, %get3A_946] {strides = array<i32>} : memref<3x32x1024xf32, #tpu.memory_space<vmem>>, vector<1x1x16xf32>,
        %get3A_948 = vector.shape_cast %get3A_947 : vector<1x1x16xf32> to vector<16xf32>
        %add3A_949 = arith.addf %get3A_948, %get3A_925 : vector<16xf32>
        %swap3A_950 = arith.constant 1 : i32
        %swap3A_951 = arith.constant 12 : i32
        %swap3A_952 = arith.index_cast %swap3A_950 : i32 to index
        %swap3A_953 = arith.index_cast %swap3A_951 : i32 to index
        %swap3A_954 = arith.index_cast %mul3A_636 : i32 to index
        %swap3A_955 = tpu.vector_load %arg7[%swap3A_952, %swap3A_953, %swap3A_954] {strides = array<i32>} : memref<3x32x1024xf32, #tpu.memory_space<vmem>>, vector<1x1x16xf32>,
        %swap3A_956 = vector.shape_cast %swap3A_955 : vector<1x1x16xf32> to vector<16xf32>
        %swap3A_957 = vector.shape_cast %add3A_949 : vector<16xf32> to vector<1x1x16xf32>
        tpu.vector_store %arg7[%swap3A_952, %swap3A_953, %swap3A_954], %swap3A_957 {strides = array<i32>} : memref<3x32x1024xf32, #tpu.memory_space<vmem>>, vector<1x1x16xf32>,
        %get3A_958 = arith.constant 1 : i32
        %get3A_959 = arith.constant 20 : i32
        %get3A_960 = arith.index_cast %get3A_958 : i32 to index
        %get3A_961 = arith.index_cast %get3A_959 : i32 to index
        %get3A_962 = arith.index_cast %mul3A_636 : i32 to index
        %get3A_963 = tpu.vector_load %arg7[%get3A_960, %get3A_961, %get3A_962] {strides = array<i32>} : memref<3x32x1024xf32, #tpu.memory_space<vmem>>, vector<1x1x16xf32>,
        %get3A_964 = vector.shape_cast %get3A_963 : vector<1x1x16xf32> to vector<16xf32>
        %add3A_965 = arith.addf %get3A_964, %get3A_925 : vector<16xf32>
        %swap3A_966 = arith.constant 1 : i32
        %swap3A_967 = arith.constant 20 : i32
        %swap3A_968 = arith.index_cast %swap3A_966 : i32 to index
        %swap3A_969 = arith.index_cast %swap3A_967 : i32 to index
        %swap3A_970 = arith.index_cast %mul3A_636 : i32 to index
        %swap3A_971 = tpu.vector_load %arg7[%swap3A_968, %swap3A_969, %swap3A_970] {strides = array<i32>} : memref<3x32x1024xf32, #tpu.memory_space<vmem>>, vector<1x1x16xf32>,
        %swap3A_972 = vector.shape_cast %swap3A_971 : vector<1x1x16xf32> to vector<16xf32>
        %swap3A_973 = vector.shape_cast %add3A_965 : vector<16xf32> to vector<1x1x16xf32>
        tpu.vector_store %arg7[%swap3A_968, %swap3A_969, %swap3A_970], %swap3A_973 {strides = array<i32>} : memref<3x32x1024xf32, #tpu.memory_space<vmem>>, vector<1x1x16xf32>,
        %get3A_974 = arith.constant 1 : i32
        %get3A_975 = arith.constant 28 : i32
        %get3A_976 = arith.index_cast %get3A_974 : i32 to index
        %get3A_977 = arith.index_cast %get3A_975 : i32 to index
        %get3A_978 = arith.index_cast %mul3A_636 : i32 to index
        %get3A_979 = tpu.vector_load %arg7[%get3A_976, %get3A_977, %get3A_978] {strides = array<i32>} : memref<3x32x1024xf32, #tpu.memory_space<vmem>>, vector<1x1x16xf32>,
        %get3A_980 = vector.shape_cast %get3A_979 : vector<1x1x16xf32> to vector<16xf32>
        %add3A_981 = arith.addf %get3A_980, %get3A_925 : vector<16xf32>
        %swap3A_982 = arith.constant 1 : i32
        %swap3A_983 = arith.constant 28 : i32
        %swap3A_984 = arith.index_cast %swap3A_982 : i32 to index
        %swap3A_985 = arith.index_cast %swap3A_983 : i32 to index
        %swap3A_986 = arith.index_cast %mul3A_636 : i32 to index
        %swap3A_987 = tpu.vector_load %arg7[%swap3A_984, %swap3A_985, %swap3A_986] {strides = array<i32>} : memref<3x32x1024xf32, #tpu.memory_space<vmem>>, vector<1x1x16xf32>,
        %swap3A_988 = vector.shape_cast %swap3A_987 : vector<1x1x16xf32> to vector<16xf32>
        %swap3A_989 = vector.shape_cast %add3A_981 : vector<16xf32> to vector<1x1x16xf32>
        tpu.vector_store %arg7[%swap3A_984, %swap3A_985, %swap3A_986], %swap3A_989 {strides = array<i32>} : memref<3x32x1024xf32, #tpu.memory_space<vmem>>, vector<1x1x16xf32>,
        %get3A_990 = arith.constant 1 : i32
        %get3A_991 = arith.constant 5 : i32
        %get3A_992 = arith.index_cast %get3A_990 : i32 to index
        %get3A_993 = arith.index_cast %get3A_991 : i32 to index
        %get3A_994 = arith.index_cast %mul3A_636 : i32 to index
        %get3A_995 = tpu.vector_load %arg8[%get3A_992, %get3A_993, %get3A_994] {strides = array<i32>} : memref<3x8x1024xf32, #tpu.memory_space<vmem>>, vector<1x1x16xf32>,
        %get3A_996 = vector.shape_cast %get3A_995 : vector<1x1x16xf32> to vector<16xf32>
        %get3A_997 = arith.constant 1 : i32
        %get3A_998 = arith.constant 5 : i32
        %get3A_999 = arith.index_cast %get3A_997 : i32 to index
        %get3A_1000 = arith.index_cast %get3A_998 : i32 to index
        %get3A_1001 = arith.index_cast %mul3A_636 : i32 to index
        %get3A_1002 = tpu.vector_load %arg7[%get3A_999, %get3A_1000, %get3A_1001] {strides = array<i32>} : memref<3x32x1024xf32, #tpu.memory_space<vmem>>, vector<1x1x16xf32>,
        %get3A_1003 = vector.shape_cast %get3A_1002 : vector<1x1x16xf32> to vector<16xf32>
        %add3A_1004 = arith.addf %get3A_1003, %get3A_996 : vector<16xf32>
        %swap3A_1005 = arith.constant 1 : i32
        %swap3A_1006 = arith.constant 5 : i32
        %swap3A_1007 = arith.index_cast %swap3A_1005 : i32 to index
        %swap3A_1008 = arith.index_cast %swap3A_1006 : i32 to index
        %swap3A_1009 = arith.index_cast %mul3A_636 : i32 to index
        %swap3A_1010 = tpu.vector_load %arg7[%swap3A_1007, %swap3A_1008, %swap3A_1009] {strides = array<i32>} : memref<3x32x1024xf32, #tpu.memory_space<vmem>>, vector<1x1x16xf32>,
        %swap3A_1011 = vector.shape_cast %swap3A_1010 : vector<1x1x16xf32> to vector<16xf32>
        %swap3A_1012 = vector.shape_cast %add3A_1004 : vector<16xf32> to vector<1x1x16xf32>
        tpu.vector_store %arg7[%swap3A_1007, %swap3A_1008, %swap3A_1009], %swap3A_1012 {strides = array<i32>} : memref<3x32x1024xf32, #tpu.memory_space<vmem>>, vector<1x1x16xf32>,
        %get3A_1013 = arith.constant 1 : i32
        %get3A_1014 = arith.constant 13 : i32
        %get3A_1015 = arith.index_cast %get3A_1013 : i32 to index
        %get3A_1016 = arith.index_cast %get3A_1014 : i32 to index
        %get3A_1017 = arith.index_cast %mul3A_636 : i32 to index
        %get3A_1018 = tpu.vector_load %arg7[%get3A_1015, %get3A_1016, %get3A_1017] {strides = array<i32>} : memref<3x32x1024xf32, #tpu.memory_space<vmem>>, vector<1x1x16xf32>,
        %get3A_1019 = vector.shape_cast %get3A_1018 : vector<1x1x16xf32> to vector<16xf32>
        %add3A_1020 = arith.addf %get3A_1019, %get3A_996 : vector<16xf32>
        %swap3A_1021 = arith.constant 1 : i32
        %swap3A_1022 = arith.constant 13 : i32
        %swap3A_1023 = arith.index_cast %swap3A_1021 : i32 to index
        %swap3A_1024 = arith.index_cast %swap3A_1022 : i32 to index
        %swap3A_1025 = arith.index_cast %mul3A_636 : i32 to index
        %swap3A_1026 = tpu.vector_load %arg7[%swap3A_1023, %swap3A_1024, %swap3A_1025] {strides = array<i32>} : memref<3x32x1024xf32, #tpu.memory_space<vmem>>, vector<1x1x16xf32>,
        %swap3A_1027 = vector.shape_cast %swap3A_1026 : vector<1x1x16xf32> to vector<16xf32>
        %swap3A_1028 = vector.shape_cast %add3A_1020 : vector<16xf32> to vector<1x1x16xf32>
        tpu.vector_store %arg7[%swap3A_1023, %swap3A_1024, %swap3A_1025], %swap3A_1028 {strides = array<i32>} : memref<3x32x1024xf32, #tpu.memory_space<vmem>>, vector<1x1x16xf32>,
        %get3A_1029 = arith.constant 1 : i32
        %get3A_1030 = arith.constant 21 : i32
        %get3A_1031 = arith.index_cast %get3A_1029 : i32 to index
        %get3A_1032 = arith.index_cast %get3A_1030 : i32 to index
        %get3A_1033 = arith.index_cast %mul3A_636 : i32 to index
        %get3A_1034 = tpu.vector_load %arg7[%get3A_1031, %get3A_1032, %get3A_1033] {strides = array<i32>} : memref<3x32x1024xf32, #tpu.memory_space<vmem>>, vector<1x1x16xf32>,
        %get3A_1035 = vector.shape_cast %get3A_1034 : vector<1x1x16xf32> to vector<16xf32>
        %add3A_1036 = arith.addf %get3A_1035, %get3A_996 : vector<16xf32>
        %swap3A_1037 = arith.constant 1 : i32
        %swap3A_1038 = arith.constant 21 : i32
        %swap3A_1039 = arith.index_cast %swap3A_1037 : i32 to index
        %swap3A_1040 = arith.index_cast %swap3A_1038 : i32 to index
        %swap3A_1041 = arith.index_cast %mul3A_636 : i32 to index
        %swap3A_1042 = tpu.vector_load %arg7[%swap3A_1039, %swap3A_1040, %swap3A_1041] {strides = array<i32>} : memref<3x32x1024xf32, #tpu.memory_space<vmem>>, vector<1x1x16xf32>,
        %swap3A_1043 = vector.shape_cast %swap3A_1042 : vector<1x1x16xf32> to vector<16xf32>
        %swap3A_1044 = vector.shape_cast %add3A_1036 : vector<16xf32> to vector<1x1x16xf32>
        tpu.vector_store %arg7[%swap3A_1039, %swap3A_1040, %swap3A_1041], %swap3A_1044 {strides = array<i32>} : memref<3x32x1024xf32, #tpu.memory_space<vmem>>, vector<1x1x16xf32>,
        %get3A_1045 = arith.constant 1 : i32
        %get3A_1046 = arith.constant 29 : i32
        %get3A_1047 = arith.index_cast %get3A_1045 : i32 to index
        %get3A_1048 = arith.index_cast %get3A_1046 : i32 to index
        %get3A_1049 = arith.index_cast %mul3A_636 : i32 to index
        %get3A_1050 = tpu.vector_load %arg7[%get3A_1047, %get3A_1048, %get3A_1049] {strides = array<i32>} : memref<3x32x1024xf32, #tpu.memory_space<vmem>>, vector<1x1x16xf32>,
        %get3A_1051 = vector.shape_cast %get3A_1050 : vector<1x1x16xf32> to vector<16xf32>
        %add3A_1052 = arith.addf %get3A_1051, %get3A_996 : vector<16xf32>
        %swap3A_1053 = arith.constant 1 : i32
        %swap3A_1054 = arith.constant 29 : i32
        %swap3A_1055 = arith.index_cast %swap3A_1053 : i32 to index
        %swap3A_1056 = arith.index_cast %swap3A_1054 : i32 to index
        %swap3A_1057 = arith.index_cast %mul3A_636 : i32 to index
        %swap3A_1058 = tpu.vector_load %arg7[%swap3A_1055, %swap3A_1056, %swap3A_1057] {strides = array<i32>} : memref<3x32x1024xf32, #tpu.memory_space<vmem>>, vector<1x1x16xf32>,
        %swap3A_1059 = vector.shape_cast %swap3A_1058 : vector<1x1x16xf32> to vector<16xf32>
        %swap3A_1060 = vector.shape_cast %add3A_1052 : vector<16xf32> to vector<1x1x16xf32>
        tpu.vector_store %arg7[%swap3A_1055, %swap3A_1056, %swap3A_1057], %swap3A_1060 {strides = array<i32>} : memref<3x32x1024xf32, #tpu.memory_space<vmem>>, vector<1x1x16xf32>,
        %get3A_1061 = arith.constant 1 : i32
        %get3A_1062 = arith.constant 6 : i32
        %get3A_1063 = arith.index_cast %get3A_1061 : i32 to index
        %get3A_1064 = arith.index_cast %get3A_1062 : i32 to index
        %get3A_1065 = arith.index_cast %mul3A_636 : i32 to index
        %get3A_1066 = tpu.vector_load %arg8[%get3A_1063, %get3A_1064, %get3A_1065] {strides = array<i32>} : memref<3x8x1024xf32, #tpu.memory_space<vmem>>, vector<1x1x16xf32>,
        %get3A_1067 = vector.shape_cast %get3A_1066 : vector<1x1x16xf32> to vector<16xf32>
        %get3A_1068 = arith.constant 1 : i32
        %get3A_1069 = arith.constant 6 : i32
        %get3A_1070 = arith.index_cast %get3A_1068 : i32 to index
        %get3A_1071 = arith.index_cast %get3A_1069 : i32 to index
        %get3A_1072 = arith.index_cast %mul3A_636 : i32 to index
        %get3A_1073 = tpu.vector_load %arg7[%get3A_1070, %get3A_1071, %get3A_1072] {strides = array<i32>} : memref<3x32x1024xf32, #tpu.memory_space<vmem>>, vector<1x1x16xf32>,
        %get3A_1074 = vector.shape_cast %get3A_1073 : vector<1x1x16xf32> to vector<16xf32>
        %add3A_1075 = arith.addf %get3A_1074, %get3A_1067 : vector<16xf32>
        %swap3A_1076 = arith.constant 1 : i32
        %swap3A_1077 = arith.constant 6 : i32
        %swap3A_1078 = arith.index_cast %swap3A_1076 : i32 to index
        %swap3A_1079 = arith.index_cast %swap3A_1077 : i32 to index
        %swap3A_1080 = arith.index_cast %mul3A_636 : i32 to index
        %swap3A_1081 = tpu.vector_load %arg7[%swap3A_1078, %swap3A_1079, %swap3A_1080] {strides = array<i32>} : memref<3x32x1024xf32, #tpu.memory_space<vmem>>, vector<1x1x16xf32>,
        %swap3A_1082 = vector.shape_cast %swap3A_1081 : vector<1x1x16xf32> to vector<16xf32>
        %swap3A_1083 = vector.shape_cast %add3A_1075 : vector<16xf32> to vector<1x1x16xf32>
        tpu.vector_store %arg7[%swap3A_1078, %swap3A_1079, %swap3A_1080], %swap3A_1083 {strides = array<i32>} : memref<3x32x1024xf32, #tpu.memory_space<vmem>>, vector<1x1x16xf32>,
        %get3A_1084 = arith.constant 1 : i32
        %get3A_1085 = arith.constant 14 : i32
        %get3A_1086 = arith.index_cast %get3A_1084 : i32 to index
        %get3A_1087 = arith.index_cast %get3A_1085 : i32 to index
        %get3A_1088 = arith.index_cast %mul3A_636 : i32 to index
        %get3A_1089 = tpu.vector_load %arg7[%get3A_1086, %get3A_1087, %get3A_1088] {strides = array<i32>} : memref<3x32x1024xf32, #tpu.memory_space<vmem>>, vector<1x1x16xf32>,
        %get3A_1090 = vector.shape_cast %get3A_1089 : vector<1x1x16xf32> to vector<16xf32>
        %add3A_1091 = arith.addf %get3A_1090, %get3A_1067 : vector<16xf32>
        %swap3A_1092 = arith.constant 1 : i32
        %swap3A_1093 = arith.constant 14 : i32
        %swap3A_1094 = arith.index_cast %swap3A_1092 : i32 to index
        %swap3A_1095 = arith.index_cast %swap3A_1093 : i32 to index
        %swap3A_1096 = arith.index_cast %mul3A_636 : i32 to index
        %swap3A_1097 = tpu.vector_load %arg7[%swap3A_1094, %swap3A_1095, %swap3A_1096] {strides = array<i32>} : memref<3x32x1024xf32, #tpu.memory_space<vmem>>, vector<1x1x16xf32>,
        %swap3A_1098 = vector.shape_cast %swap3A_1097 : vector<1x1x16xf32> to vector<16xf32>
        %swap3A_1099 = vector.shape_cast %add3A_1091 : vector<16xf32> to vector<1x1x16xf32>
        tpu.vector_store %arg7[%swap3A_1094, %swap3A_1095, %swap3A_1096], %swap3A_1099 {strides = array<i32>} : memref<3x32x1024xf32, #tpu.memory_space<vmem>>, vector<1x1x16xf32>,
        %get3A_1100 = arith.constant 1 : i32
        %get3A_1101 = arith.constant 22 : i32
        %get3A_1102 = arith.index_cast %get3A_1100 : i32 to index
        %get3A_1103 = arith.index_cast %get3A_1101 : i32 to index
        %get3A_1104 = arith.index_cast %mul3A_636 : i32 to index
        %get3A_1105 = tpu.vector_load %arg7[%get3A_1102, %get3A_1103, %get3A_1104] {strides = array<i32>} : memref<3x32x1024xf32, #tpu.memory_space<vmem>>, vector<1x1x16xf32>,
        %get3A_1106 = vector.shape_cast %get3A_1105 : vector<1x1x16xf32> to vector<16xf32>
        %add3A_1107 = arith.addf %get3A_1106, %get3A_1067 : vector<16xf32>
        %swap3A_1108 = arith.constant 1 : i32
        %swap3A_1109 = arith.constant 22 : i32
        %swap3A_1110 = arith.index_cast %swap3A_1108 : i32 to index
        %swap3A_1111 = arith.index_cast %swap3A_1109 : i32 to index
        %swap3A_1112 = arith.index_cast %mul3A_636 : i32 to index
        %swap3A_1113 = tpu.vector_load %arg7[%swap3A_1110, %swap3A_1111, %swap3A_1112] {strides = array<i32>} : memref<3x32x1024xf32, #tpu.memory_space<vmem>>, vector<1x1x16xf32>,
        %swap3A_1114 = vector.shape_cast %swap3A_1113 : vector<1x1x16xf32> to vector<16xf32>
        %swap3A_1115 = vector.shape_cast %add3A_1107 : vector<16xf32> to vector<1x1x16xf32>
        tpu.vector_store %arg7[%swap3A_1110, %swap3A_1111, %swap3A_1112], %swap3A_1115 {strides = array<i32>} : memref<3x32x1024xf32, #tpu.memory_space<vmem>>, vector<1x1x16xf32>,
        %get3A_1116 = arith.constant 1 : i32
        %get3A_1117 = arith.constant 30 : i32
        %get3A_1118 = arith.index_cast %get3A_1116 : i32 to index
        %get3A_1119 = arith.index_cast %get3A_1117 : i32 to index
        %get3A_1120 = arith.index_cast %mul3A_636 : i32 to index
        %get3A_1121 = tpu.vector_load %arg7[%get3A_1118, %get3A_1119, %get3A_1120] {strides = array<i32>} : memref<3x32x1024xf32, #tpu.memory_space<vmem>>, vector<1x1x16xf32>,
        %get3A_1122 = vector.shape_cast %get3A_1121 : vector<1x1x16xf32> to vector<16xf32>
        %add3A_1123 = arith.addf %get3A_1122, %get3A_1067 : vector<16xf32>
        %swap3A_1124 = arith.constant 1 : i32
        %swap3A_1125 = arith.constant 30 : i32
        %swap3A_1126 = arith.index_cast %swap3A_1124 : i32 to index
        %swap3A_1127 = arith.index_cast %swap3A_1125 : i32 to index
        %swap3A_1128 = arith.index_cast %mul3A_636 : i32 to index
        %swap3A_1129 = tpu.vector_load %arg7[%swap3A_1126, %swap3A_1127, %swap3A_1128] {strides = array<i32>} : memref<3x32x1024xf32, #tpu.memory_space<vmem>>, vector<1x1x16xf32>,
        %swap3A_1130 = vector.shape_cast %swap3A_1129 : vector<1x1x16xf32> to vector<16xf32>
        %swap3A_1131 = vector.shape_cast %add3A_1123 : vector<16xf32> to vector<1x1x16xf32>
        tpu.vector_store %arg7[%swap3A_1126, %swap3A_1127, %swap3A_1128], %swap3A_1131 {strides = array<i32>} : memref<3x32x1024xf32, #tpu.memory_space<vmem>>, vector<1x1x16xf32>,
        %get3A_1132 = arith.constant 1 : i32
        %get3A_1133 = arith.constant 7 : i32
        %get3A_1134 = arith.index_cast %get3A_1132 : i32 to index
        %get3A_1135 = arith.index_cast %get3A_1133 : i32 to index
        %get3A_1136 = arith.index_cast %mul3A_636 : i32 to index
        %get3A_1137 = tpu.vector_load %arg8[%get3A_1134, %get3A_1135, %get3A_1136] {strides = array<i32>} : memref<3x8x1024xf32, #tpu.memory_space<vmem>>, vector<1x1x16xf32>,
        %get3A_1138 = vector.shape_cast %get3A_1137 : vector<1x1x16xf32> to vector<16xf32>
        %get3A_1139 = arith.constant 1 : i32
        %get3A_1140 = arith.constant 7 : i32
        %get3A_1141 = arith.index_cast %get3A_1139 : i32 to index
        %get3A_1142 = arith.index_cast %get3A_1140 : i32 to index
        %get3A_1143 = arith.index_cast %mul3A_636 : i32 to index
        %get3A_1144 = tpu.vector_load %arg7[%get3A_1141, %get3A_1142, %get3A_1143] {strides = array<i32>} : memref<3x32x1024xf32, #tpu.memory_space<vmem>>, vector<1x1x16xf32>,
        %get3A_1145 = vector.shape_cast %get3A_1144 : vector<1x1x16xf32> to vector<16xf32>
        %add3A_1146 = arith.addf %get3A_1145, %get3A_1138 : vector<16xf32>
        %swap3A_1147 = arith.constant 1 : i32
        %swap3A_1148 = arith.constant 7 : i32
        %swap3A_1149 = arith.index_cast %swap3A_1147 : i32 to index
        %swap3A_1150 = arith.index_cast %swap3A_1148 : i32 to index
        %swap3A_1151 = arith.index_cast %mul3A_636 : i32 to index
        %swap3A_1152 = tpu.vector_load %arg7[%swap3A_1149, %swap3A_1150, %swap3A_1151] {strides = array<i32>} : memref<3x32x1024xf32, #tpu.memory_space<vmem>>, vector<1x1x16xf32>,
        %swap3A_1153 = vector.shape_cast %swap3A_1152 : vector<1x1x16xf32> to vector<16xf32>
        %swap3A_1154 = vector.shape_cast %add3A_1146 : vector<16xf32> to vector<1x1x16xf32>
        tpu.vector_store %arg7[%swap3A_1149, %swap3A_1150, %swap3A_1151], %swap3A_1154 {strides = array<i32>} : memref<3x32x1024xf32, #tpu.memory_space<vmem>>, vector<1x1x16xf32>,
        %get3A_1155 = arith.constant 1 : i32
        %get3A_1156 = arith.constant 15 : i32
        %get3A_1157 = arith.index_cast %get3A_1155 : i32 to index
        %get3A_1158 = arith.index_cast %get3A_1156 : i32 to index
        %get3A_1159 = arith.index_cast %mul3A_636 : i32 to index
        %get3A_1160 = tpu.vector_load %arg7[%get3A_1157, %get3A_1158, %get3A_1159] {strides = array<i32>} : memref<3x32x1024xf32, #tpu.memory_space<vmem>>, vector<1x1x16xf32>,
        %get3A_1161 = vector.shape_cast %get3A_1160 : vector<1x1x16xf32> to vector<16xf32>
        %add3A_1162 = arith.addf %get3A_1161, %get3A_1138 : vector<16xf32>
        %swap3A_1163 = arith.constant 1 : i32
        %swap3A_1164 = arith.constant 15 : i32
        %swap3A_1165 = arith.index_cast %swap3A_1163 : i32 to index
        %swap3A_1166 = arith.index_cast %swap3A_1164 : i32 to index
        %swap3A_1167 = arith.index_cast %mul3A_636 : i32 to index
        %swap3A_1168 = tpu.vector_load %arg7[%swap3A_1165, %swap3A_1166, %swap3A_1167] {strides = array<i32>} : memref<3x32x1024xf32, #tpu.memory_space<vmem>>, vector<1x1x16xf32>,
        %swap3A_1169 = vector.shape_cast %swap3A_1168 : vector<1x1x16xf32> to vector<16xf32>
        %swap3A_1170 = vector.shape_cast %add3A_1162 : vector<16xf32> to vector<1x1x16xf32>
        tpu.vector_store %arg7[%swap3A_1165, %swap3A_1166, %swap3A_1167], %swap3A_1170 {strides = array<i32>} : memref<3x32x1024xf32, #tpu.memory_space<vmem>>, vector<1x1x16xf32>,
        %get3A_1171 = arith.constant 1 : i32
        %get3A_1172 = arith.constant 23 : i32
        %get3A_1173 = arith.index_cast %get3A_1171 : i32 to index
        %get3A_1174 = arith.index_cast %get3A_1172 : i32 to index
        %get3A_1175 = arith.index_cast %mul3A_636 : i32 to index
        %get3A_1176 = tpu.vector_load %arg7[%get3A_1173, %get3A_1174, %get3A_1175] {strides = array<i32>} : memref<3x32x1024xf32, #tpu.memory_space<vmem>>, vector<1x1x16xf32>,
        %get3A_1177 = vector.shape_cast %get3A_1176 : vector<1x1x16xf32> to vector<16xf32>
        %add3A_1178 = arith.addf %get3A_1177, %get3A_1138 : vector<16xf32>
        %swap3A_1179 = arith.constant 1 : i32
        %swap3A_1180 = arith.constant 23 : i32
        %swap3A_1181 = arith.index_cast %swap3A_1179 : i32 to index
        %swap3A_1182 = arith.index_cast %swap3A_1180 : i32 to index
        %swap3A_1183 = arith.index_cast %mul3A_636 : i32 to index
        %swap3A_1184 = tpu.vector_load %arg7[%swap3A_1181, %swap3A_1182, %swap3A_1183] {strides = array<i32>} : memref<3x32x1024xf32, #tpu.memory_space<vmem>>, vector<1x1x16xf32>,
        %swap3A_1185 = vector.shape_cast %swap3A_1184 : vector<1x1x16xf32> to vector<16xf32>
        %swap3A_1186 = vector.shape_cast %add3A_1178 : vector<16xf32> to vector<1x1x16xf32>
        tpu.vector_store %arg7[%swap3A_1181, %swap3A_1182, %swap3A_1183], %swap3A_1186 {strides = array<i32>} : memref<3x32x1024xf32, #tpu.memory_space<vmem>>, vector<1x1x16xf32>,
        %get3A_1187 = arith.constant 1 : i32
        %get3A_1188 = arith.constant 31 : i32
        %get3A_1189 = arith.index_cast %get3A_1187 : i32 to index
        %get3A_1190 = arith.index_cast %get3A_1188 : i32 to index
        %get3A_1191 = arith.index_cast %mul3A_636 : i32 to index
        %get3A_1192 = tpu.vector_load %arg7[%get3A_1189, %get3A_1190, %get3A_1191] {strides = array<i32>} : memref<3x32x1024xf32, #tpu.memory_space<vmem>>, vector<1x1x16xf32>,
        %get3A_1193 = vector.shape_cast %get3A_1192 : vector<1x1x16xf32> to vector<16xf32>
        %add3A_1194 = arith.addf %get3A_1193, %get3A_1138 : vector<16xf32>
        %swap3A_1195 = arith.constant 1 : i32
        %swap3A_1196 = arith.constant 31 : i32
        %swap3A_1197 = arith.index_cast %swap3A_1195 : i32 to index
        %swap3A_1198 = arith.index_cast %swap3A_1196 : i32 to index
        %swap3A_1199 = arith.index_cast %mul3A_636 : i32 to index
        %swap3A_1200 = tpu.vector_load %arg7[%swap3A_1197, %swap3A_1198, %swap3A_1199] {strides = array<i32>} : memref<3x32x1024xf32, #tpu.memory_space<vmem>>, vector<1x1x16xf32>,
        %swap3A_1201 = vector.shape_cast %swap3A_1200 : vector<1x1x16xf32> to vector<16xf32>
        %swap3A_1202 = vector.shape_cast %add3A_1194 : vector<16xf32> to vector<1x1x16xf32>
        tpu.vector_store %arg7[%swap3A_1197, %swap3A_1198, %swap3A_1199], %swap3A_1202 {strides = array<i32>} : memref<3x32x1024xf32, #tpu.memory_space<vmem>>, vector<1x1x16xf32>,
      }
      %scan3A_449 = arith.constant 64 : i32
      %mul3A_450 = arith.constant 8 : i32
      %mul3A_451 = arith.muli %add3A_407, %mul3A_450 : i32
      %add3A_452 = arith.addi %multiple_of3A, %mul3A_451 : i32
      %multiple_of3A_453 = tpu.assume_multiple %add3A_452, 8 : i32
      %dma_start3A_454 = arith.constant 1 : i32
      %dma_start3A_455 = arith.constant 0 : i32
      %dma_start3A_456 = arith.constant 0 : i32
      %dma_start3A_457 = arith.constant 0 : i32
      %dma_start3A_458 = tpu.memref_slice %arg7[%dma_start3A_454, %dma_start3A_456, %dma_start3A_457] : memref<3x32x1024xf32, #tpu.memory_space<vmem>> -> memref<1x8x1024xf32, #tpu.memory_space<vmem>>
      %dma_start3A_459 = tpu.memref_squeeze %dma_start3A_458 : memref<1x8x1024xf32, #tpu.memory_space<vmem>> -> memref<8x1024xf32, #tpu.memory_space<vmem>>
      %dma_start3A_460 = arith.constant 0 : i32
      %dma_start3A_461 = tpu.memref_slice %arg5[%dma_start3A_455, %multiple_of3A_453, %dma_start3A_460] : memref<4x4096x1024xf32, #tpu.memory_space<hbm>> -> memref<1x8x1024xf32, #tpu.memory_space<hbm>>
      %dma_start3A_462 = tpu.memref_squeeze %dma_start3A_461 : memref<1x8x1024xf32, #tpu.memory_space<hbm>> -> memref<8x1024xf32, #tpu.memory_space<hbm>>
      %dma_start3A_463 = arith.constant 0 : i32
      %dma_start3A_464 = tpu.memref_slice %arg5[%dma_start3A_455, %multiple_of3A_453, %dma_start3A_463] : memref<4x4096x1024xf32, #tpu.memory_space<hbm>> -> memref<1x8x1024xf32, #tpu.memory_space<hbm>>
      %dma_start3A_465 = tpu.memref_squeeze %dma_start3A_464 : memref<1x8x1024xf32, #tpu.memory_space<hbm>> -> memref<8x1024xf32, #tpu.memory_space<hbm>>
      %dma_start3A_466 = arith.constant 0 : i32
      %dma_start3A_467 = arith.constant 0 : i32
      %dma_start3A_468 = tpu.memref_slice %arg7[%dma_start3A_454, %dma_start3A_466, %dma_start3A_467] : memref<3x32x1024xf32, #tpu.memory_space<vmem>> -> memref<1x8x1024xf32, #tpu.memory_space<vmem>>
      %dma_start3A_469 = tpu.memref_squeeze %dma_start3A_468 : memref<1x8x1024xf32, #tpu.memory_space<vmem>> -> memref<8x1024xf32, #tpu.memory_space<vmem>>
      tpu.enqueue_dma source(%dma_start3A_469 : memref<8x1024xf32, #tpu.memory_space<vmem>>) target(%dma_start3A_465 : memref<8x1024xf32, #tpu.memory_space<hbm>>) target_semaphore(%arg16 : memref<!tpu.dma_semaphore, #tpu.memory_space<semaphore_mem>>)
      %dma_start3A_470 = arith.constant 1 : i32
      %dma_start3A_471 = arith.constant 1 : i32
      %dma_start3A_472 = arith.constant 8 : i32
      %dma_start3A_473 = arith.constant 0 : i32
      %dma_start3A_474 = tpu.memref_slice %arg7[%dma_start3A_470, %dma_start3A_472, %dma_start3A_473] : memref<3x32x1024xf32, #tpu.memory_space<vmem>> -> memref<1x8x1024xf32, #tpu.memory_space<vmem>>
      %dma_start3A_475 = tpu.memref_squeeze %dma_start3A_474 : memref<1x8x1024xf32, #tpu.memory_space<vmem>> -> memref<8x1024xf32, #tpu.memory_space<vmem>>
      %dma_start3A_476 = arith.constant 0 : i32
      %dma_start3A_477 = tpu.memref_slice %arg5[%dma_start3A_471, %multiple_of3A_453, %dma_start3A_476] : memref<4x4096x1024xf32, #tpu.memory_space<hbm>> -> memref<1x8x1024xf32, #tpu.memory_space<hbm>>
      %dma_start3A_478 = tpu.memref_squeeze %dma_start3A_477 : memref<1x8x1024xf32, #tpu.memory_space<hbm>> -> memref<8x1024xf32, #tpu.memory_space<hbm>>
      %dma_start3A_479 = arith.constant 0 : i32
      %dma_start3A_480 = tpu.memref_slice %arg5[%dma_start3A_471, %multiple_of3A_453, %dma_start3A_479] : memref<4x4096x1024xf32, #tpu.memory_space<hbm>> -> memref<1x8x1024xf32, #tpu.memory_space<hbm>>
      %dma_start3A_481 = tpu.memref_squeeze %dma_start3A_480 : memref<1x8x1024xf32, #tpu.memory_space<hbm>> -> memref<8x1024xf32, #tpu.memory_space<hbm>>
      %dma_start3A_482 = arith.constant 8 : i32
      %dma_start3A_483 = arith.constant 0 : i32
      %dma_start3A_484 = tpu.memref_slice %arg7[%dma_start3A_470, %dma_start3A_482, %dma_start3A_483] : memref<3x32x1024xf32, #tpu.memory_space<vmem>> -> memref<1x8x1024xf32, #tpu.memory_space<vmem>>
      %dma_start3A_485 = tpu.memref_squeeze %dma_start3A_484 : memref<1x8x1024xf32, #tpu.memory_space<vmem>> -> memref<8x1024xf32, #tpu.memory_space<vmem>>
      tpu.enqueue_dma source(%dma_start3A_485 : memref<8x1024xf32, #tpu.memory_space<vmem>>) target(%dma_start3A_481 : memref<8x1024xf32, #tpu.memory_space<hbm>>) target_semaphore(%arg16 : memref<!tpu.dma_semaphore, #tpu.memory_space<semaphore_mem>>)
      %dma_start3A_486 = arith.constant 1 : i32
      %dma_start3A_487 = arith.constant 2 : i32
      %dma_start3A_488 = arith.constant 16 : i32
      %dma_start3A_489 = arith.constant 0 : i32
      %dma_start3A_490 = tpu.memref_slice %arg7[%dma_start3A_486, %dma_start3A_488, %dma_start3A_489] : memref<3x32x1024xf32, #tpu.memory_space<vmem>> -> memref<1x8x1024xf32, #tpu.memory_space<vmem>>
      %dma_start3A_491 = tpu.memref_squeeze %dma_start3A_490 : memref<1x8x1024xf32, #tpu.memory_space<vmem>> -> memref<8x1024xf32, #tpu.memory_space<vmem>>
      %dma_start3A_492 = arith.constant 0 : i32
      %dma_start3A_493 = tpu.memref_slice %arg5[%dma_start3A_487, %multiple_of3A_453, %dma_start3A_492] : memref<4x4096x1024xf32, #tpu.memory_space<hbm>> -> memref<1x8x1024xf32, #tpu.memory_space<hbm>>
      %dma_start3A_494 = tpu.memref_squeeze %dma_start3A_493 : memref<1x8x1024xf32, #tpu.memory_space<hbm>> -> memref<8x1024xf32, #tpu.memory_space<hbm>>
      %dma_start3A_495 = arith.constant 0 : i32
      %dma_start3A_496 = tpu.memref_slice %arg5[%dma_start3A_487, %multiple_of3A_453, %dma_start3A_495] : memref<4x4096x1024xf32, #tpu.memory_space<hbm>> -> memref<1x8x1024xf32, #tpu.memory_space<hbm>>
      %dma_start3A_497 = tpu.memref_squeeze %dma_start3A_496 : memref<1x8x1024xf32, #tpu.memory_space<hbm>> -> memref<8x1024xf32, #tpu.memory_space<hbm>>
      %dma_start3A_498 = arith.constant 16 : i32
      %dma_start3A_499 = arith.constant 0 : i32
      %dma_start3A_500 = tpu.memref_slice %arg7[%dma_start3A_486, %dma_start3A_498, %dma_start3A_499] : memref<3x32x1024xf32, #tpu.memory_space<vmem>> -> memref<1x8x1024xf32, #tpu.memory_space<vmem>>
      %dma_start3A_501 = tpu.memref_squeeze %dma_start3A_500 : memref<1x8x1024xf32, #tpu.memory_space<vmem>> -> memref<8x1024xf32, #tpu.memory_space<vmem>>
      tpu.enqueue_dma source(%dma_start3A_501 : memref<8x1024xf32, #tpu.memory_space<vmem>>) target(%dma_start3A_497 : memref<8x1024xf32, #tpu.memory_space<hbm>>) target_semaphore(%arg16 : memref<!tpu.dma_semaphore, #tpu.memory_space<semaphore_mem>>)
      %dma_start3A_502 = arith.constant 1 : i32
      %dma_start3A_503 = arith.constant 3 : i32
      %dma_start3A_504 = arith.constant 24 : i32
      %dma_start3A_505 = arith.constant 0 : i32
      %dma_start3A_506 = tpu.memref_slice %arg7[%dma_start3A_502, %dma_start3A_504, %dma_start3A_505] : memref<3x32x1024xf32, #tpu.memory_space<vmem>> -> memref<1x8x1024xf32, #tpu.memory_space<vmem>>
      %dma_start3A_507 = tpu.memref_squeeze %dma_start3A_506 : memref<1x8x1024xf32, #tpu.memory_space<vmem>> -> memref<8x1024xf32, #tpu.memory_space<vmem>>
      %dma_start3A_508 = arith.constant 0 : i32
      %dma_start3A_509 = tpu.memref_slice %arg5[%dma_start3A_503, %multiple_of3A_453, %dma_start3A_508] : memref<4x4096x1024xf32, #tpu.memory_space<hbm>> -> memref<1x8x1024xf32, #tpu.memory_space<hbm>>
      %dma_start3A_510 = tpu.memref_squeeze %dma_start3A_509 : memref<1x8x1024xf32, #tpu.memory_space<hbm>> -> memref<8x1024xf32, #tpu.memory_space<hbm>>
      %dma_start3A_511 = arith.constant 0 : i32
      %dma_start3A_512 = tpu.memref_slice %arg5[%dma_start3A_503, %multiple_of3A_453, %dma_start3A_511] : memref<4x4096x1024xf32, #tpu.memory_space<hbm>> -> memref<1x8x1024xf32, #tpu.memory_space<hbm>>
      %dma_start3A_513 = tpu.memref_squeeze %dma_start3A_512 : memref<1x8x1024xf32, #tpu.memory_space<hbm>> -> memref<8x1024xf32, #tpu.memory_space<hbm>>
      %dma_start3A_514 = arith.constant 24 : i32
      %dma_start3A_515 = arith.constant 0 : i32
      %dma_start3A_516 = tpu.memref_slice %arg7[%dma_start3A_502, %dma_start3A_514, %dma_start3A_515] : memref<3x32x1024xf32, #tpu.memory_space<vmem>> -> memref<1x8x1024xf32, #tpu.memory_space<vmem>>
      %dma_start3A_517 = tpu.memref_squeeze %dma_start3A_516 : memref<1x8x1024xf32, #tpu.memory_space<vmem>> -> memref<8x1024xf32, #tpu.memory_space<vmem>>
      tpu.enqueue_dma source(%dma_start3A_517 : memref<8x1024xf32, #tpu.memory_space<vmem>>) target(%dma_start3A_513 : memref<8x1024xf32, #tpu.memory_space<hbm>>) target_semaphore(%arg16 : memref<!tpu.dma_semaphore, #tpu.memory_space<semaphore_mem>>)
      %add3A_518 = arith.constant 2 : i32
      %add3A_519 = arith.addi %add3A_296, %add3A_518 : i32
      %add3A_520 = arith.constant 2 : i32
      %add3A_521 = arith.addi %add3A_519, %add3A_520 : i32
      %lt3A_522 = arith.constant 16 : i32
      %lt3A_523 = arith.cmpi slt, %add3A_521, %lt3A_522 : i32
      %convert_element_type3A_524 = arith.extui %lt3A_523 : i1 to i32
      %cond3A_525 = arith.constant 0 : i32
      %cond3A_526 = arith.cmpi ne, %convert_element_type3A_524, %cond3A_525 : i32
      scf.if %cond3A_526 {
        %ge3A = arith.constant 1 : i32
        %ge3A_630 = arith.cmpi sge, %add3A_519, %ge3A : i32
        %convert_element_type3A_631 = arith.extui %ge3A_630 : i1 to i32
        %cond3A_632 = arith.constant 0 : i32
        %cond3A_633 = arith.cmpi ne, %convert_element_type3A_631, %cond3A_632 : i32
        scf.if %cond3A_633 {
          %dma_wait3A_700 = arith.constant 1 : i32
          %dma_wait3A_701 = arith.constant 0 : i32
          %dma_wait3A_702 = arith.constant 0 : i32
          %dma_wait3A_703 = arith.constant 0 : i32
          %dma_wait3A_704 = tpu.memref_slice %arg7[%dma_wait3A_700, %dma_wait3A_702, %dma_wait3A_703] : memref<3x32x1024xf32, #tpu.memory_space<vmem>> -> memref<1x32x1024xf32, #tpu.memory_space<vmem>>
          %dma_wait3A_705 = tpu.memref_squeeze %dma_wait3A_704 : memref<1x32x1024xf32, #tpu.memory_space<vmem>> -> memref<32x1024xf32, #tpu.memory_space<vmem>>
          %dma_wait3A_706 = arith.constant 0 : i32
          %dma_wait3A_707 = arith.constant 0 : i32
          %dma_wait3A_708 = tpu.memref_slice %arg5[%dma_wait3A_701, %dma_wait3A_706, %dma_wait3A_707] : memref<4x4096x1024xf32, #tpu.memory_space<hbm>> -> memref<1x32x1024xf32, #tpu.memory_space<hbm>>
          %dma_wait3A_709 = tpu.memref_squeeze %dma_wait3A_708 : memref<1x32x1024xf32, #tpu.memory_space<hbm>> -> memref<32x1024xf32, #tpu.memory_space<hbm>>
          %dma_wait3A_710 = arith.constant 0 : i32
          %dma_wait3A_711 = arith.constant 0 : i32
          %dma_wait3A_712 = tpu.memref_slice %arg5[%dma_wait3A_701, %dma_wait3A_710, %dma_wait3A_711] : memref<4x4096x1024xf32, #tpu.memory_space<hbm>> -> memref<1x32x1024xf32, #tpu.memory_space<hbm>>
          %dma_wait3A_713 = tpu.memref_squeeze %dma_wait3A_712 : memref<1x32x1024xf32, #tpu.memory_space<hbm>> -> memref<32x1024xf32, #tpu.memory_space<hbm>>
          %dma_wait3A_714 = arith.constant 0 : i32
          %dma_wait3A_715 = arith.constant 0 : i32
          %dma_wait3A_716 = tpu.memref_slice %arg7[%dma_wait3A_700, %dma_wait3A_714, %dma_wait3A_715] : memref<3x32x1024xf32, #tpu.memory_space<vmem>> -> memref<1x32x1024xf32, #tpu.memory_space<vmem>>
          %dma_wait3A_717 = tpu.memref_squeeze %dma_wait3A_716 : memref<1x32x1024xf32, #tpu.memory_space<vmem>> -> memref<32x1024xf32, #tpu.memory_space<vmem>>
          tpu.wait_dma2 semaphore(%arg16 : memref<!tpu.dma_semaphore, #tpu.memory_space<semaphore_mem>>) src(%dma_wait3A_717 : memref<32x1024xf32, #tpu.memory_space<vmem>>) dst(%dma_wait3A_713 : memref<32x1024xf32, #tpu.memory_space<hbm>>)
        } else {
        }
        %add3A_634 = arith.constant 2 : i32
        %add3A_635 = arith.addi %add3A_519, %add3A_634 : i32
        %mul3A_636 = arith.constant 8 : i32
        %mul3A_637 = arith.muli %add3A_635, %mul3A_636 : i32
        %multiple_of3A_638 = tpu.assume_multiple %mul3A_637, 8 : i32
        %mul3A_639 = arith.constant 8 : i32
        %mul3A_640 = arith.muli %add3A_635, %mul3A_639 : i32
        %add3A_641 = arith.addi %multiple_of3A, %mul3A_640 : i32
        %multiple_of3A_642 = tpu.assume_multiple %add3A_641, 8 : i32
        %dma_start3A_643 = arith.constant 1 : i32
        %dma_start3A_644 = arith.constant 0 : i32
        %dma_start3A_645 = arith.constant 0 : i32
        %dma_start3A_646 = tpu.memref_slice %arg8[%dma_start3A_643, %dma_start3A_644, %dma_start3A_645] : memref<3x8x1024xf32, #tpu.memory_space<vmem>> -> memref<1x8x1024xf32, #tpu.memory_space<vmem>>
        %dma_start3A_647 = tpu.memref_squeeze %dma_start3A_646 : memref<1x8x1024xf32, #tpu.memory_space<vmem>> -> memref<8x1024xf32, #tpu.memory_space<vmem>>
        %dma_start3A_648 = arith.constant 0 : i32
        %dma_start3A_649 = tpu.memref_slice %arg4[%multiple_of3A_642, %dma_start3A_648] : memref<4096x1024xf32, #tpu.memory_space<hbm>> -> memref<8x1024xf32, #tpu.memory_space<hbm>>
        %dma_start3A_650 = arith.constant 0 : i32
        %dma_start3A_651 = arith.constant 0 : i32
        %dma_start3A_652 = tpu.memref_slice %arg8[%dma_start3A_643, %dma_start3A_650, %dma_start3A_651] : memref<3x8x1024xf32, #tpu.memory_space<vmem>> -> memref<1x8x1024xf32, #tpu.memory_space<vmem>>
        %dma_start3A_653 = tpu.memref_squeeze %dma_start3A_652 : memref<1x8x1024xf32, #tpu.memory_space<vmem>> -> memref<8x1024xf32, #tpu.memory_space<vmem>>
        %dma_start3A_654 = arith.constant 0 : i32
        %dma_start3A_655 = tpu.memref_slice %arg4[%multiple_of3A_642, %dma_start3A_654] : memref<4096x1024xf32, #tpu.memory_space<hbm>> -> memref<8x1024xf32, #tpu.memory_space<hbm>>
        tpu.enqueue_dma source(%dma_start3A_655 : memref<8x1024xf32, #tpu.memory_space<hbm>>) target(%dma_start3A_653 : memref<8x1024xf32, #tpu.memory_space<vmem>>) target_semaphore(%arg13 : memref<!tpu.dma_semaphore, #tpu.memory_space<semaphore_mem>>)
        %dma_start3A_656 = arith.constant 0 : i32
        %dma_start3A_657 = arith.constant 1 : i32
        %dma_start3A_658 = arith.constant 0 : i32
        %dma_start3A_659 = arith.constant 0 : i32
        %dma_start3A_660 = tpu.memref_slice %arg7[%dma_start3A_657, %dma_start3A_658, %dma_start3A_659] : memref<3x32x1024xf32, #tpu.memory_space<vmem>> -> memref<1x8x1024xf32, #tpu.memory_space<vmem>>
        %dma_start3A_661 = tpu.memref_squeeze %dma_start3A_660 : memref<1x8x1024xf32, #tpu.memory_space<vmem>> -> memref<8x1024xf32, #tpu.memory_space<vmem>>
        %dma_start3A_662 = tpu.memref_slice %arg6[%dma_start3A_656, %multiple_of3A_638] : memref<4x128xi32, #tpu.memory_space<vmem>> -> memref<1x8xi32, #tpu.memory_space<vmem>>
        %dma_start3A_663 = tpu.memref_squeeze %dma_start3A_662 : memref<1x8xi32, #tpu.memory_space<vmem>> -> memref<8xi32, #tpu.memory_space<vmem>>
        %dma_start3A_664 = arith.constant 0 : i32
        %dma_start3A_665 = arith.constant 0 : i32
        %dma_start3A_666 = tpu.memref_slice %arg3[%dma_start3A_664, %dma_start3A_665] : memref<100000x1024xf32, #tpu.memory_space<hbm>> -> memref<100000x1024xf32, #tpu.memory_space<hbm>>
        tpu.enqueue_indirect_dma source(%dma_start3A_666 : memref<100000x1024xf32, #tpu.memory_space<hbm>>) target(%dma_start3A_661 : memref<8x1024xf32, #tpu.memory_space<vmem>>) offsets(%dma_start3A_663 : memref<8xi32, #tpu.memory_space<vmem>>) semaphore(%arg10 : memref<!tpu.dma_semaphore, #tpu.memory_space<semaphore_mem>>)
        %dma_start3A_667 = arith.constant 1 : i32
        %dma_start3A_668 = arith.constant 1 : i32
        %dma_start3A_669 = arith.constant 8 : i32
        %dma_start3A_670 = arith.constant 0 : i32
        %dma_start3A_671 = tpu.memref_slice %arg7[%dma_start3A_668, %dma_start3A_669, %dma_start3A_670] : memref<3x32x1024xf32, #tpu.memory_space<vmem>> -> memref<1x8x1024xf32, #tpu.memory_space<vmem>>
        %dma_start3A_672 = tpu.memref_squeeze %dma_start3A_671 : memref<1x8x1024xf32, #tpu.memory_space<vmem>> -> memref<8x1024xf32, #tpu.memory_space<vmem>>
        %dma_start3A_673 = tpu.memref_slice %arg6[%dma_start3A_667, %multiple_of3A_638] : memref<4x128xi32, #tpu.memory_space<vmem>> -> memref<1x8xi32, #tpu.memory_space<vmem>>
        %dma_start3A_674 = tpu.memref_squeeze %dma_start3A_673 : memref<1x8xi32, #tpu.memory_space<vmem>> -> memref<8xi32, #tpu.memory_space<vmem>>
        %dma_start3A_675 = arith.constant 0 : i32
        %dma_start3A_676 = arith.constant 0 : i32
        %dma_start3A_677 = tpu.memref_slice %arg3[%dma_start3A_675, %dma_start3A_676] : memref<100000x1024xf32, #tpu.memory_space<hbm>> -> memref<100000x1024xf32, #tpu.memory_space<hbm>>
        tpu.enqueue_indirect_dma source(%dma_start3A_677 : memref<100000x1024xf32, #tpu.memory_space<hbm>>) target(%dma_start3A_672 : memref<8x1024xf32, #tpu.memory_space<vmem>>) offsets(%dma_start3A_674 : memref<8xi32, #tpu.memory_space<vmem>>) semaphore(%arg10 : memref<!tpu.dma_semaphore, #tpu.memory_space<semaphore_mem>>)
        %dma_start3A_678 = arith.constant 2 : i32
        %dma_start3A_679 = arith.constant 1 : i32
        %dma_start3A_680 = arith.constant 16 : i32
        %dma_start3A_681 = arith.constant 0 : i32
        %dma_start3A_682 = tpu.memref_slice %arg7[%dma_start3A_679, %dma_start3A_680, %dma_start3A_681] : memref<3x32x1024xf32, #tpu.memory_space<vmem>> -> memref<1x8x1024xf32, #tpu.memory_space<vmem>>
        %dma_start3A_683 = tpu.memref_squeeze %dma_start3A_682 : memref<1x8x1024xf32, #tpu.memory_space<vmem>> -> memref<8x1024xf32, #tpu.memory_space<vmem>>
        %dma_start3A_684 = tpu.memref_slice %arg6[%dma_start3A_678, %multiple_of3A_638] : memref<4x128xi32, #tpu.memory_space<vmem>> -> memref<1x8xi32, #tpu.memory_space<vmem>>
        %dma_start3A_685 = tpu.memref_squeeze %dma_start3A_684 : memref<1x8xi32, #tpu.memory_space<vmem>> -> memref<8xi32, #tpu.memory_space<vmem>>
        %dma_start3A_686 = arith.constant 0 : i32
        %dma_start3A_687 = arith.constant 0 : i32
        %dma_start3A_688 = tpu.memref_slice %arg3[%dma_start3A_686, %dma_start3A_687] : memref<100000x1024xf32, #tpu.memory_space<hbm>> -> memref<100000x1024xf32, #tpu.memory_space<hbm>>
        tpu.enqueue_indirect_dma source(%dma_start3A_688 : memref<100000x1024xf32, #tpu.memory_space<hbm>>) target(%dma_start3A_683 : memref<8x1024xf32, #tpu.memory_space<vmem>>) offsets(%dma_start3A_685 : memref<8xi32, #tpu.memory_space<vmem>>) semaphore(%arg10 : memref<!tpu.dma_semaphore, #tpu.memory_space<semaphore_mem>>)
        %dma_start3A_689 = arith.constant 3 : i32
        %dma_start3A_690 = arith.constant 1 : i32
        %dma_start3A_691 = arith.constant 24 : i32
        %dma_start3A_692 = arith.constant 0 : i32
        %dma_start3A_693 = tpu.memref_slice %arg7[%dma_start3A_690, %dma_start3A_691, %dma_start3A_692] : memref<3x32x1024xf32, #tpu.memory_space<vmem>> -> memref<1x8x1024xf32, #tpu.memory_space<vmem>>
        %dma_start3A_694 = tpu.memref_squeeze %dma_start3A_693 : memref<1x8x1024xf32, #tpu.memory_space<vmem>> -> memref<8x1024xf32, #tpu.memory_space<vmem>>
        %dma_start3A_695 = tpu.memref_slice %arg6[%dma_start3A_689, %multiple_of3A_638] : memref<4x128xi32, #tpu.memory_space<vmem>> -> memref<1x8xi32, #tpu.memory_space<vmem>>
        %dma_start3A_696 = tpu.memref_squeeze %dma_start3A_695 : memref<1x8xi32, #tpu.memory_space<vmem>> -> memref<8xi32, #tpu.memory_space<vmem>>
        %dma_start3A_697 = arith.constant 0 : i32
        %dma_start3A_698 = arith.constant 0 : i32
        %dma_start3A_699 = tpu.memref_slice %arg3[%dma_start3A_697, %dma_start3A_698] : memref<100000x1024xf32, #tpu.memory_space<hbm>> -> memref<100000x1024xf32, #tpu.memory_space<hbm>>
        tpu.enqueue_indirect_dma source(%dma_start3A_699 : memref<100000x1024xf32, #tpu.memory_space<hbm>>) target(%dma_start3A_694 : memref<8x1024xf32, #tpu.memory_space<vmem>>) offsets(%dma_start3A_696 : memref<8xi32, #tpu.memory_space<vmem>>) semaphore(%arg10 : memref<!tpu.dma_semaphore, #tpu.memory_space<semaphore_mem>>)
      } else {
      }
      %dma_wait3A_527 = arith.constant 2 : i32
      %dma_wait3A_528 = arith.constant 0 : i32
      %dma_wait3A_529 = arith.constant 0 : i32
      %dma_wait3A_530 = tpu.memref_slice %arg8[%dma_wait3A_527, %dma_wait3A_528, %dma_wait3A_529] : memref<3x8x1024xf32, #tpu.memory_space<vmem>> -> memref<1x8x1024xf32, #tpu.memory_space<vmem>>
      %dma_wait3A_531 = tpu.memref_squeeze %dma_wait3A_530 : memref<1x8x1024xf32, #tpu.memory_space<vmem>> -> memref<8x1024xf32, #tpu.memory_space<vmem>>
      %dma_wait3A_532 = arith.constant 0 : i32
      %dma_wait3A_533 = arith.constant 0 : i32
      %dma_wait3A_534 = tpu.memref_slice %arg4[%dma_wait3A_532, %dma_wait3A_533] : memref<4096x1024xf32, #tpu.memory_space<hbm>> -> memref<8x1024xf32, #tpu.memory_space<hbm>>
      %dma_wait3A_535 = arith.constant 0 : i32
      %dma_wait3A_536 = arith.constant 0 : i32
      %dma_wait3A_537 = tpu.memref_slice %arg8[%dma_wait3A_527, %dma_wait3A_535, %dma_wait3A_536] : memref<3x8x1024xf32, #tpu.memory_space<vmem>> -> memref<1x8x1024xf32, #tpu.memory_space<vmem>>
      %dma_wait3A_538 = tpu.memref_squeeze %dma_wait3A_537 : memref<1x8x1024xf32, #tpu.memory_space<vmem>> -> memref<8x1024xf32, #tpu.memory_space<vmem>>
      %dma_wait3A_539 = arith.constant 0 : i32
      %dma_wait3A_540 = arith.constant 0 : i32
      %dma_wait3A_541 = tpu.memref_slice %arg4[%dma_wait3A_539, %dma_wait3A_540] : memref<4096x1024xf32, #tpu.memory_space<hbm>> -> memref<8x1024xf32, #tpu.memory_space<hbm>>
      tpu.wait_dma2 semaphore(%arg14 : memref<!tpu.dma_semaphore, #tpu.memory_space<semaphore_mem>>) src(%dma_wait3A_541 : memref<8x1024xf32, #tpu.memory_space<hbm>>) dst(%dma_wait3A_538 : memref<8x1024xf32, #tpu.memory_space<vmem>>)
      %dma_wait3A_542 = arith.constant 2 : i32
      %dma_wait3A_543 = arith.constant 0 : i32
      %dma_wait3A_544 = arith.constant 0 : i32
      %dma_wait3A_545 = tpu.memref_slice %arg7[%dma_wait3A_542, %dma_wait3A_543, %dma_wait3A_544] : memref<3x32x1024xf32, #tpu.memory_space<vmem>> -> memref<1x32x1024xf32, #tpu.memory_space<vmem>>
      %dma_wait3A_546 = tpu.memref_squeeze %dma_wait3A_545 : memref<1x32x1024xf32, #tpu.memory_space<vmem>> -> memref<32x1024xf32, #tpu.memory_space<vmem>>
      %dma_wait3A_547 = arith.constant 0 : i32
      %dma_wait3A_548 = arith.constant 0 : i32
      %dma_wait3A_549 = tpu.memref_slice %arg3[%dma_wait3A_547, %dma_wait3A_548] : memref<100000x1024xf32, #tpu.memory_space<hbm>> -> memref<32x1024xf32, #tpu.memory_space<hbm>>
      %dma_wait3A_550 = arith.constant 0 : i32
      %dma_wait3A_551 = arith.constant 0 : i32
      %dma_wait3A_552 = tpu.memref_slice %arg7[%dma_wait3A_542, %dma_wait3A_550, %dma_wait3A_551] : memref<3x32x1024xf32, #tpu.memory_space<vmem>> -> memref<1x32x1024xf32, #tpu.memory_space<vmem>>
      %dma_wait3A_553 = tpu.memref_squeeze %dma_wait3A_552 : memref<1x32x1024xf32, #tpu.memory_space<vmem>> -> memref<32x1024xf32, #tpu.memory_space<vmem>>
      %dma_wait3A_554 = arith.constant 0 : i32
      %dma_wait3A_555 = arith.constant 0 : i32
      %dma_wait3A_556 = tpu.memref_slice %arg3[%dma_wait3A_554, %dma_wait3A_555] : memref<100000x1024xf32, #tpu.memory_space<hbm>> -> memref<32x1024xf32, #tpu.memory_space<hbm>>
      tpu.wait_dma2 semaphore(%arg11 : memref<!tpu.dma_semaphore, #tpu.memory_space<semaphore_mem>>) src(%dma_wait3A_556 : memref<32x1024xf32, #tpu.memory_space<hbm>>) dst(%dma_wait3A_553 : memref<32x1024xf32, #tpu.memory_space<vmem>>)
      %scan3A_557 = arith.constant 0 : i32
      %scan3A_558 = arith.constant 64 : i32
      %scan3A_559 = arith.addi %scan3A_557, %scan3A_558 : i32
      %scan3A_560 = arith.constant 1 : i32
      scf.for %scan3A_630 = %scan3A_557 to %scan3A_559 step %scan3A_560  : i32 {
        %mul3A_631 = arith.constant 1 : i32
        %mul3A_632 = arith.muli %scan3A_630, %mul3A_631 : i32
        %add3A_633 = arith.constant 0 : i32
        %add3A_634 = arith.addi %add3A_633, %mul3A_632 : i32
        %mul3A_635 = arith.constant 16 : i32
        %mul3A_636 = arith.muli %add3A_634, %mul3A_635 : i32
        %get3A = arith.constant 2 : i32
        %get3A_637 = arith.constant 0 : i32
        %get3A_638 = arith.index_cast %get3A : i32 to index
        %get3A_639 = arith.index_cast %get3A_637 : i32 to index
        %get3A_640 = arith.index_cast %mul3A_636 : i32 to index
        %get3A_641 = tpu.vector_load %arg8[%get3A_638, %get3A_639, %get3A_640] {strides = array<i32>} : memref<3x8x1024xf32, #tpu.memory_space<vmem>>, vector<1x1x16xf32>,
        %get3A_642 = vector.shape_cast %get3A_641 : vector<1x1x16xf32> to vector<16xf32>
        %get3A_643 = arith.constant 2 : i32
        %get3A_644 = arith.constant 0 : i32
        %get3A_645 = arith.index_cast %get3A_643 : i32 to index
        %get3A_646 = arith.index_cast %get3A_644 : i32 to index
        %get3A_647 = arith.index_cast %mul3A_636 : i32 to index
        %get3A_648 = tpu.vector_load %arg7[%get3A_645, %get3A_646, %get3A_647] {strides = array<i32>} : memref<3x32x1024xf32, #tpu.memory_space<vmem>>, vector<1x1x16xf32>,
        %get3A_649 = vector.shape_cast %get3A_648 : vector<1x1x16xf32> to vector<16xf32>
        %add3A_650 = arith.addf %get3A_649, %get3A_642 : vector<16xf32>
        %swap3A = arith.constant 2 : i32
        %swap3A_651 = arith.constant 0 : i32
        %swap3A_652 = arith.index_cast %swap3A : i32 to index
        %swap3A_653 = arith.index_cast %swap3A_651 : i32 to index
        %swap3A_654 = arith.index_cast %mul3A_636 : i32 to index
        %swap3A_655 = tpu.vector_load %arg7[%swap3A_652, %swap3A_653, %swap3A_654] {strides = array<i32>} : memref<3x32x1024xf32, #tpu.memory_space<vmem>>, vector<1x1x16xf32>,
        %swap3A_656 = vector.shape_cast %swap3A_655 : vector<1x1x16xf32> to vector<16xf32>
        %swap3A_657 = vector.shape_cast %add3A_650 : vector<16xf32> to vector<1x1x16xf32>
        tpu.vector_store %arg7[%swap3A_652, %swap3A_653, %swap3A_654], %swap3A_657 {strides = array<i32>} : memref<3x32x1024xf32, #tpu.memory_space<vmem>>, vector<1x1x16xf32>,
        %get3A_658 = arith.constant 2 : i32
        %get3A_659 = arith.constant 8 : i32
        %get3A_660 = arith.index_cast %get3A_658 : i32 to index
        %get3A_661 = arith.index_cast %get3A_659 : i32 to index
        %get3A_662 = arith.index_cast %mul3A_636 : i32 to index
        %get3A_663 = tpu.vector_load %arg7[%get3A_660, %get3A_661, %get3A_662] {strides = array<i32>} : memref<3x32x1024xf32, #tpu.memory_space<vmem>>, vector<1x1x16xf32>,
        %get3A_664 = vector.shape_cast %get3A_663 : vector<1x1x16xf32> to vector<16xf32>
        %add3A_665 = arith.addf %get3A_664, %get3A_642 : vector<16xf32>
        %swap3A_666 = arith.constant 2 : i32
        %swap3A_667 = arith.constant 8 : i32
        %swap3A_668 = arith.index_cast %swap3A_666 : i32 to index
        %swap3A_669 = arith.index_cast %swap3A_667 : i32 to index
        %swap3A_670 = arith.index_cast %mul3A_636 : i32 to index
        %swap3A_671 = tpu.vector_load %arg7[%swap3A_668, %swap3A_669, %swap3A_670] {strides = array<i32>} : memref<3x32x1024xf32, #tpu.memory_space<vmem>>, vector<1x1x16xf32>,
        %swap3A_672 = vector.shape_cast %swap3A_671 : vector<1x1x16xf32> to vector<16xf32>
        %swap3A_673 = vector.shape_cast %add3A_665 : vector<16xf32> to vector<1x1x16xf32>
        tpu.vector_store %arg7[%swap3A_668, %swap3A_669, %swap3A_670], %swap3A_673 {strides = array<i32>} : memref<3x32x1024xf32, #tpu.memory_space<vmem>>, vector<1x1x16xf32>,
        %get3A_674 = arith.constant 2 : i32
        %get3A_675 = arith.constant 16 : i32
        %get3A_676 = arith.index_cast %get3A_674 : i32 to index
        %get3A_677 = arith.index_cast %get3A_675 : i32 to index
        %get3A_678 = arith.index_cast %mul3A_636 : i32 to index
        %get3A_679 = tpu.vector_load %arg7[%get3A_676, %get3A_677, %get3A_678] {strides = array<i32>} : memref<3x32x1024xf32, #tpu.memory_space<vmem>>, vector<1x1x16xf32>,
        %get3A_680 = vector.shape_cast %get3A_679 : vector<1x1x16xf32> to vector<16xf32>
        %add3A_681 = arith.addf %get3A_680, %get3A_642 : vector<16xf32>
        %swap3A_682 = arith.constant 2 : i32
        %swap3A_683 = arith.constant 16 : i32
        %swap3A_684 = arith.index_cast %swap3A_682 : i32 to index
        %swap3A_685 = arith.index_cast %swap3A_683 : i32 to index
        %swap3A_686 = arith.index_cast %mul3A_636 : i32 to index
        %swap3A_687 = tpu.vector_load %arg7[%swap3A_684, %swap3A_685, %swap3A_686] {strides = array<i32>} : memref<3x32x1024xf32, #tpu.memory_space<vmem>>, vector<1x1x16xf32>,
        %swap3A_688 = vector.shape_cast %swap3A_687 : vector<1x1x16xf32> to vector<16xf32>
        %swap3A_689 = vector.shape_cast %add3A_681 : vector<16xf32> to vector<1x1x16xf32>
        tpu.vector_store %arg7[%swap3A_684, %swap3A_685, %swap3A_686], %swap3A_689 {strides = array<i32>} : memref<3x32x1024xf32, #tpu.memory_space<vmem>>, vector<1x1x16xf32>,
        %get3A_690 = arith.constant 2 : i32
        %get3A_691 = arith.constant 24 : i32
        %get3A_692 = arith.index_cast %get3A_690 : i32 to index
        %get3A_693 = arith.index_cast %get3A_691 : i32 to index
        %get3A_694 = arith.index_cast %mul3A_636 : i32 to index
        %get3A_695 = tpu.vector_load %arg7[%get3A_692, %get3A_693, %get3A_694] {strides = array<i32>} : memref<3x32x1024xf32, #tpu.memory_space<vmem>>, vector<1x1x16xf32>,
        %get3A_696 = vector.shape_cast %get3A_695 : vector<1x1x16xf32> to vector<16xf32>
        %add3A_697 = arith.addf %get3A_696, %get3A_642 : vector<16xf32>
        %swap3A_698 = arith.constant 2 : i32
        %swap3A_699 = arith.constant 24 : i32
        %swap3A_700 = arith.index_cast %swap3A_698 : i32 to index
        %swap3A_701 = arith.index_cast %swap3A_699 : i32 to index
        %swap3A_702 = arith.index_cast %mul3A_636 : i32 to index
        %swap3A_703 = tpu.vector_load %arg7[%swap3A_700, %swap3A_701, %swap3A_702] {strides = array<i32>} : memref<3x32x1024xf32, #tpu.memory_space<vmem>>, vector<1x1x16xf32>,
        %swap3A_704 = vector.shape_cast %swap3A_703 : vector<1x1x16xf32> to vector<16xf32>
        %swap3A_705 = vector.shape_cast %add3A_697 : vector<16xf32> to vector<1x1x16xf32>
        tpu.vector_store %arg7[%swap3A_700, %swap3A_701, %swap3A_702], %swap3A_705 {strides = array<i32>} : memref<3x32x1024xf32, #tpu.memory_space<vmem>>, vector<1x1x16xf32>,
        %get3A_706 = arith.constant 2 : i32
        %get3A_707 = arith.constant 1 : i32
        %get3A_708 = arith.index_cast %get3A_706 : i32 to index
        %get3A_709 = arith.index_cast %get3A_707 : i32 to index
        %get3A_710 = arith.index_cast %mul3A_636 : i32 to index
        %get3A_711 = tpu.vector_load %arg8[%get3A_708, %get3A_709, %get3A_710] {strides = array<i32>} : memref<3x8x1024xf32, #tpu.memory_space<vmem>>, vector<1x1x16xf32>,
        %get3A_712 = vector.shape_cast %get3A_711 : vector<1x1x16xf32> to vector<16xf32>
        %get3A_713 = arith.constant 2 : i32
        %get3A_714 = arith.constant 1 : i32
        %get3A_715 = arith.index_cast %get3A_713 : i32 to index
        %get3A_716 = arith.index_cast %get3A_714 : i32 to index
        %get3A_717 = arith.index_cast %mul3A_636 : i32 to index
        %get3A_718 = tpu.vector_load %arg7[%get3A_715, %get3A_716, %get3A_717] {strides = array<i32>} : memref<3x32x1024xf32, #tpu.memory_space<vmem>>, vector<1x1x16xf32>,
        %get3A_719 = vector.shape_cast %get3A_718 : vector<1x1x16xf32> to vector<16xf32>
        %add3A_720 = arith.addf %get3A_719, %get3A_712 : vector<16xf32>
        %swap3A_721 = arith.constant 2 : i32
        %swap3A_722 = arith.constant 1 : i32
        %swap3A_723 = arith.index_cast %swap3A_721 : i32 to index
        %swap3A_724 = arith.index_cast %swap3A_722 : i32 to index
        %swap3A_725 = arith.index_cast %mul3A_636 : i32 to index
        %swap3A_726 = tpu.vector_load %arg7[%swap3A_723, %swap3A_724, %swap3A_725] {strides = array<i32>} : memref<3x32x1024xf32, #tpu.memory_space<vmem>>, vector<1x1x16xf32>,
        %swap3A_727 = vector.shape_cast %swap3A_726 : vector<1x1x16xf32> to vector<16xf32>
        %swap3A_728 = vector.shape_cast %add3A_720 : vector<16xf32> to vector<1x1x16xf32>
        tpu.vector_store %arg7[%swap3A_723, %swap3A_724, %swap3A_725], %swap3A_728 {strides = array<i32>} : memref<3x32x1024xf32, #tpu.memory_space<vmem>>, vector<1x1x16xf32>,
        %get3A_729 = arith.constant 2 : i32
        %get3A_730 = arith.constant 9 : i32
        %get3A_731 = arith.index_cast %get3A_729 : i32 to index
        %get3A_732 = arith.index_cast %get3A_730 : i32 to index
        %get3A_733 = arith.index_cast %mul3A_636 : i32 to index
        %get3A_734 = tpu.vector_load %arg7[%get3A_731, %get3A_732, %get3A_733] {strides = array<i32>} : memref<3x32x1024xf32, #tpu.memory_space<vmem>>, vector<1x1x16xf32>,
        %get3A_735 = vector.shape_cast %get3A_734 : vector<1x1x16xf32> to vector<16xf32>
        %add3A_736 = arith.addf %get3A_735, %get3A_712 : vector<16xf32>
        %swap3A_737 = arith.constant 2 : i32
        %swap3A_738 = arith.constant 9 : i32
        %swap3A_739 = arith.index_cast %swap3A_737 : i32 to index
        %swap3A_740 = arith.index_cast %swap3A_738 : i32 to index
        %swap3A_741 = arith.index_cast %mul3A_636 : i32 to index
        %swap3A_742 = tpu.vector_load %arg7[%swap3A_739, %swap3A_740, %swap3A_741] {strides = array<i32>} : memref<3x32x1024xf32, #tpu.memory_space<vmem>>, vector<1x1x16xf32>,
        %swap3A_743 = vector.shape_cast %swap3A_742 : vector<1x1x16xf32> to vector<16xf32>
        %swap3A_744 = vector.shape_cast %add3A_736 : vector<16xf32> to vector<1x1x16xf32>
        tpu.vector_store %arg7[%swap3A_739, %swap3A_740, %swap3A_741], %swap3A_744 {strides = array<i32>} : memref<3x32x1024xf32, #tpu.memory_space<vmem>>, vector<1x1x16xf32>,
        %get3A_745 = arith.constant 2 : i32
        %get3A_746 = arith.constant 17 : i32
        %get3A_747 = arith.index_cast %get3A_745 : i32 to index
        %get3A_748 = arith.index_cast %get3A_746 : i32 to index
        %get3A_749 = arith.index_cast %mul3A_636 : i32 to index
        %get3A_750 = tpu.vector_load %arg7[%get3A_747, %get3A_748, %get3A_749] {strides = array<i32>} : memref<3x32x1024xf32, #tpu.memory_space<vmem>>, vector<1x1x16xf32>,
        %get3A_751 = vector.shape_cast %get3A_750 : vector<1x1x16xf32> to vector<16xf32>
        %add3A_752 = arith.addf %get3A_751, %get3A_712 : vector<16xf32>
        %swap3A_753 = arith.constant 2 : i32
        %swap3A_754 = arith.constant 17 : i32
        %swap3A_755 = arith.index_cast %swap3A_753 : i32 to index
        %swap3A_756 = arith.index_cast %swap3A_754 : i32 to index
        %swap3A_757 = arith.index_cast %mul3A_636 : i32 to index
        %swap3A_758 = tpu.vector_load %arg7[%swap3A_755, %swap3A_756, %swap3A_757] {strides = array<i32>} : memref<3x32x1024xf32, #tpu.memory_space<vmem>>, vector<1x1x16xf32>,
        %swap3A_759 = vector.shape_cast %swap3A_758 : vector<1x1x16xf32> to vector<16xf32>
        %swap3A_760 = vector.shape_cast %add3A_752 : vector<16xf32> to vector<1x1x16xf32>
        tpu.vector_store %arg7[%swap3A_755, %swap3A_756, %swap3A_757], %swap3A_760 {strides = array<i32>} : memref<3x32x1024xf32, #tpu.memory_space<vmem>>, vector<1x1x16xf32>,
        %get3A_761 = arith.constant 2 : i32
        %get3A_762 = arith.constant 25 : i32
        %get3A_763 = arith.index_cast %get3A_761 : i32 to index
        %get3A_764 = arith.index_cast %get3A_762 : i32 to index
        %get3A_765 = arith.index_cast %mul3A_636 : i32 to index
        %get3A_766 = tpu.vector_load %arg7[%get3A_763, %get3A_764, %get3A_765] {strides = array<i32>} : memref<3x32x1024xf32, #tpu.memory_space<vmem>>, vector<1x1x16xf32>,
        %get3A_767 = vector.shape_cast %get3A_766 : vector<1x1x16xf32> to vector<16xf32>
        %add3A_768 = arith.addf %get3A_767, %get3A_712 : vector<16xf32>
        %swap3A_769 = arith.constant 2 : i32
        %swap3A_770 = arith.constant 25 : i32
        %swap3A_771 = arith.index_cast %swap3A_769 : i32 to index
        %swap3A_772 = arith.index_cast %swap3A_770 : i32 to index
        %swap3A_773 = arith.index_cast %mul3A_636 : i32 to index
        %swap3A_774 = tpu.vector_load %arg7[%swap3A_771, %swap3A_772, %swap3A_773] {strides = array<i32>} : memref<3x32x1024xf32, #tpu.memory_space<vmem>>, vector<1x1x16xf32>,
        %swap3A_775 = vector.shape_cast %swap3A_774 : vector<1x1x16xf32> to vector<16xf32>
        %swap3A_776 = vector.shape_cast %add3A_768 : vector<16xf32> to vector<1x1x16xf32>
        tpu.vector_store %arg7[%swap3A_771, %swap3A_772, %swap3A_773], %swap3A_776 {strides = array<i32>} : memref<3x32x1024xf32, #tpu.memory_space<vmem>>, vector<1x1x16xf32>,
        %get3A_777 = arith.constant 2 : i32
        %get3A_778 = arith.constant 2 : i32
        %get3A_779 = arith.index_cast %get3A_777 : i32 to index
        %get3A_780 = arith.index_cast %get3A_778 : i32 to index
        %get3A_781 = arith.index_cast %mul3A_636 : i32 to index
        %get3A_782 = tpu.vector_load %arg8[%get3A_779, %get3A_780, %get3A_781] {strides = array<i32>} : memref<3x8x1024xf32, #tpu.memory_space<vmem>>, vector<1x1x16xf32>,
        %get3A_783 = vector.shape_cast %get3A_782 : vector<1x1x16xf32> to vector<16xf32>
        %get3A_784 = arith.constant 2 : i32
        %get3A_785 = arith.constant 2 : i32
        %get3A_786 = arith.index_cast %get3A_784 : i32 to index
        %get3A_787 = arith.index_cast %get3A_785 : i32 to index
        %get3A_788 = arith.index_cast %mul3A_636 : i32 to index
        %get3A_789 = tpu.vector_load %arg7[%get3A_786, %get3A_787, %get3A_788] {strides = array<i32>} : memref<3x32x1024xf32, #tpu.memory_space<vmem>>, vector<1x1x16xf32>,
        %get3A_790 = vector.shape_cast %get3A_789 : vector<1x1x16xf32> to vector<16xf32>
        %add3A_791 = arith.addf %get3A_790, %get3A_783 : vector<16xf32>
        %swap3A_792 = arith.constant 2 : i32
        %swap3A_793 = arith.constant 2 : i32
        %swap3A_794 = arith.index_cast %swap3A_792 : i32 to index
        %swap3A_795 = arith.index_cast %swap3A_793 : i32 to index
        %swap3A_796 = arith.index_cast %mul3A_636 : i32 to index
        %swap3A_797 = tpu.vector_load %arg7[%swap3A_794, %swap3A_795, %swap3A_796] {strides = array<i32>} : memref<3x32x1024xf32, #tpu.memory_space<vmem>>, vector<1x1x16xf32>,
        %swap3A_798 = vector.shape_cast %swap3A_797 : vector<1x1x16xf32> to vector<16xf32>
        %swap3A_799 = vector.shape_cast %add3A_791 : vector<16xf32> to vector<1x1x16xf32>
        tpu.vector_store %arg7[%swap3A_794, %swap3A_795, %swap3A_796], %swap3A_799 {strides = array<i32>} : memref<3x32x1024xf32, #tpu.memory_space<vmem>>, vector<1x1x16xf32>,
        %get3A_800 = arith.constant 2 : i32
        %get3A_801 = arith.constant 10 : i32
        %get3A_802 = arith.index_cast %get3A_800 : i32 to index
        %get3A_803 = arith.index_cast %get3A_801 : i32 to index
        %get3A_804 = arith.index_cast %mul3A_636 : i32 to index
        %get3A_805 = tpu.vector_load %arg7[%get3A_802, %get3A_803, %get3A_804] {strides = array<i32>} : memref<3x32x1024xf32, #tpu.memory_space<vmem>>, vector<1x1x16xf32>,
        %get3A_806 = vector.shape_cast %get3A_805 : vector<1x1x16xf32> to vector<16xf32>
        %add3A_807 = arith.addf %get3A_806, %get3A_783 : vector<16xf32>
        %swap3A_808 = arith.constant 2 : i32
        %swap3A_809 = arith.constant 10 : i32
        %swap3A_810 = arith.index_cast %swap3A_808 : i32 to index
        %swap3A_811 = arith.index_cast %swap3A_809 : i32 to index
        %swap3A_812 = arith.index_cast %mul3A_636 : i32 to index
        %swap3A_813 = tpu.vector_load %arg7[%swap3A_810, %swap3A_811, %swap3A_812] {strides = array<i32>} : memref<3x32x1024xf32, #tpu.memory_space<vmem>>, vector<1x1x16xf32>,
        %swap3A_814 = vector.shape_cast %swap3A_813 : vector<1x1x16xf32> to vector<16xf32>
        %swap3A_815 = vector.shape_cast %add3A_807 : vector<16xf32> to vector<1x1x16xf32>
        tpu.vector_store %arg7[%swap3A_810, %swap3A_811, %swap3A_812], %swap3A_815 {strides = array<i32>} : memref<3x32x1024xf32, #tpu.memory_space<vmem>>, vector<1x1x16xf32>,
        %get3A_816 = arith.constant 2 : i32
        %get3A_817 = arith.constant 18 : i32
        %get3A_818 = arith.index_cast %get3A_816 : i32 to index
        %get3A_819 = arith.index_cast %get3A_817 : i32 to index
        %get3A_820 = arith.index_cast %mul3A_636 : i32 to index
        %get3A_821 = tpu.vector_load %arg7[%get3A_818, %get3A_819, %get3A_820] {strides = array<i32>} : memref<3x32x1024xf32, #tpu.memory_space<vmem>>, vector<1x1x16xf32>,
        %get3A_822 = vector.shape_cast %get3A_821 : vector<1x1x16xf32> to vector<16xf32>
        %add3A_823 = arith.addf %get3A_822, %get3A_783 : vector<16xf32>
        %swap3A_824 = arith.constant 2 : i32
        %swap3A_825 = arith.constant 18 : i32
        %swap3A_826 = arith.index_cast %swap3A_824 : i32 to index
        %swap3A_827 = arith.index_cast %swap3A_825 : i32 to index
        %swap3A_828 = arith.index_cast %mul3A_636 : i32 to index
        %swap3A_829 = tpu.vector_load %arg7[%swap3A_826, %swap3A_827, %swap3A_828] {strides = array<i32>} : memref<3x32x1024xf32, #tpu.memory_space<vmem>>, vector<1x1x16xf32>,
        %swap3A_830 = vector.shape_cast %swap3A_829 : vector<1x1x16xf32> to vector<16xf32>
        %swap3A_831 = vector.shape_cast %add3A_823 : vector<16xf32> to vector<1x1x16xf32>
        tpu.vector_store %arg7[%swap3A_826, %swap3A_827, %swap3A_828], %swap3A_831 {strides = array<i32>} : memref<3x32x1024xf32, #tpu.memory_space<vmem>>, vector<1x1x16xf32>,
        %get3A_832 = arith.constant 2 : i32
        %get3A_833 = arith.constant 26 : i32
        %get3A_834 = arith.index_cast %get3A_832 : i32 to index
        %get3A_835 = arith.index_cast %get3A_833 : i32 to index
        %get3A_836 = arith.index_cast %mul3A_636 : i32 to index
        %get3A_837 = tpu.vector_load %arg7[%get3A_834, %get3A_835, %get3A_836] {strides = array<i32>} : memref<3x32x1024xf32, #tpu.memory_space<vmem>>, vector<1x1x16xf32>,
        %get3A_838 = vector.shape_cast %get3A_837 : vector<1x1x16xf32> to vector<16xf32>
        %add3A_839 = arith.addf %get3A_838, %get3A_783 : vector<16xf32>
        %swap3A_840 = arith.constant 2 : i32
        %swap3A_841 = arith.constant 26 : i32
        %swap3A_842 = arith.index_cast %swap3A_840 : i32 to index
        %swap3A_843 = arith.index_cast %swap3A_841 : i32 to index
        %swap3A_844 = arith.index_cast %mul3A_636 : i32 to index
        %swap3A_845 = tpu.vector_load %arg7[%swap3A_842, %swap3A_843, %swap3A_844] {strides = array<i32>} : memref<3x32x1024xf32, #tpu.memory_space<vmem>>, vector<1x1x16xf32>,
        %swap3A_846 = vector.shape_cast %swap3A_845 : vector<1x1x16xf32> to vector<16xf32>
        %swap3A_847 = vector.shape_cast %add3A_839 : vector<16xf32> to vector<1x1x16xf32>
        tpu.vector_store %arg7[%swap3A_842, %swap3A_843, %swap3A_844], %swap3A_847 {strides = array<i32>} : memref<3x32x1024xf32, #tpu.memory_space<vmem>>, vector<1x1x16xf32>,
        %get3A_848 = arith.constant 2 : i32
        %get3A_849 = arith.constant 3 : i32
        %get3A_850 = arith.index_cast %get3A_848 : i32 to index
        %get3A_851 = arith.index_cast %get3A_849 : i32 to index
        %get3A_852 = arith.index_cast %mul3A_636 : i32 to index
        %get3A_853 = tpu.vector_load %arg8[%get3A_850, %get3A_851, %get3A_852] {strides = array<i32>} : memref<3x8x1024xf32, #tpu.memory_space<vmem>>, vector<1x1x16xf32>,
        %get3A_854 = vector.shape_cast %get3A_853 : vector<1x1x16xf32> to vector<16xf32>
        %get3A_855 = arith.constant 2 : i32
        %get3A_856 = arith.constant 3 : i32
        %get3A_857 = arith.index_cast %get3A_855 : i32 to index
        %get3A_858 = arith.index_cast %get3A_856 : i32 to index
        %get3A_859 = arith.index_cast %mul3A_636 : i32 to index
        %get3A_860 = tpu.vector_load %arg7[%get3A_857, %get3A_858, %get3A_859] {strides = array<i32>} : memref<3x32x1024xf32, #tpu.memory_space<vmem>>, vector<1x1x16xf32>,
        %get3A_861 = vector.shape_cast %get3A_860 : vector<1x1x16xf32> to vector<16xf32>
        %add3A_862 = arith.addf %get3A_861, %get3A_854 : vector<16xf32>
        %swap3A_863 = arith.constant 2 : i32
        %swap3A_864 = arith.constant 3 : i32
        %swap3A_865 = arith.index_cast %swap3A_863 : i32 to index
        %swap3A_866 = arith.index_cast %swap3A_864 : i32 to index
        %swap3A_867 = arith.index_cast %mul3A_636 : i32 to index
        %swap3A_868 = tpu.vector_load %arg7[%swap3A_865, %swap3A_866, %swap3A_867] {strides = array<i32>} : memref<3x32x1024xf32, #tpu.memory_space<vmem>>, vector<1x1x16xf32>,
        %swap3A_869 = vector.shape_cast %swap3A_868 : vector<1x1x16xf32> to vector<16xf32>
        %swap3A_870 = vector.shape_cast %add3A_862 : vector<16xf32> to vector<1x1x16xf32>
        tpu.vector_store %arg7[%swap3A_865, %swap3A_866, %swap3A_867], %swap3A_870 {strides = array<i32>} : memref<3x32x1024xf32, #tpu.memory_space<vmem>>, vector<1x1x16xf32>,
        %get3A_871 = arith.constant 2 : i32
        %get3A_872 = arith.constant 11 : i32
        %get3A_873 = arith.index_cast %get3A_871 : i32 to index
        %get3A_874 = arith.index_cast %get3A_872 : i32 to index
        %get3A_875 = arith.index_cast %mul3A_636 : i32 to index
        %get3A_876 = tpu.vector_load %arg7[%get3A_873, %get3A_874, %get3A_875] {strides = array<i32>} : memref<3x32x1024xf32, #tpu.memory_space<vmem>>, vector<1x1x16xf32>,
        %get3A_877 = vector.shape_cast %get3A_876 : vector<1x1x16xf32> to vector<16xf32>
        %add3A_878 = arith.addf %get3A_877, %get3A_854 : vector<16xf32>
        %swap3A_879 = arith.constant 2 : i32
        %swap3A_880 = arith.constant 11 : i32
        %swap3A_881 = arith.index_cast %swap3A_879 : i32 to index
        %swap3A_882 = arith.index_cast %swap3A_880 : i32 to index
        %swap3A_883 = arith.index_cast %mul3A_636 : i32 to index
        %swap3A_884 = tpu.vector_load %arg7[%swap3A_881, %swap3A_882, %swap3A_883] {strides = array<i32>} : memref<3x32x1024xf32, #tpu.memory_space<vmem>>, vector<1x1x16xf32>,
        %swap3A_885 = vector.shape_cast %swap3A_884 : vector<1x1x16xf32> to vector<16xf32>
        %swap3A_886 = vector.shape_cast %add3A_878 : vector<16xf32> to vector<1x1x16xf32>
        tpu.vector_store %arg7[%swap3A_881, %swap3A_882, %swap3A_883], %swap3A_886 {strides = array<i32>} : memref<3x32x1024xf32, #tpu.memory_space<vmem>>, vector<1x1x16xf32>,
        %get3A_887 = arith.constant 2 : i32
        %get3A_888 = arith.constant 19 : i32
        %get3A_889 = arith.index_cast %get3A_887 : i32 to index
        %get3A_890 = arith.index_cast %get3A_888 : i32 to index
        %get3A_891 = arith.index_cast %mul3A_636 : i32 to index
        %get3A_892 = tpu.vector_load %arg7[%get3A_889, %get3A_890, %get3A_891] {strides = array<i32>} : memref<3x32x1024xf32, #tpu.memory_space<vmem>>, vector<1x1x16xf32>,
        %get3A_893 = vector.shape_cast %get3A_892 : vector<1x1x16xf32> to vector<16xf32>
        %add3A_894 = arith.addf %get3A_893, %get3A_854 : vector<16xf32>
        %swap3A_895 = arith.constant 2 : i32
        %swap3A_896 = arith.constant 19 : i32
        %swap3A_897 = arith.index_cast %swap3A_895 : i32 to index
        %swap3A_898 = arith.index_cast %swap3A_896 : i32 to index
        %swap3A_899 = arith.index_cast %mul3A_636 : i32 to index
        %swap3A_900 = tpu.vector_load %arg7[%swap3A_897, %swap3A_898, %swap3A_899] {strides = array<i32>} : memref<3x32x1024xf32, #tpu.memory_space<vmem>>, vector<1x1x16xf32>,
        %swap3A_901 = vector.shape_cast %swap3A_900 : vector<1x1x16xf32> to vector<16xf32>
        %swap3A_902 = vector.shape_cast %add3A_894 : vector<16xf32> to vector<1x1x16xf32>
        tpu.vector_store %arg7[%swap3A_897, %swap3A_898, %swap3A_899], %swap3A_902 {strides = array<i32>} : memref<3x32x1024xf32, #tpu.memory_space<vmem>>, vector<1x1x16xf32>,
        %get3A_903 = arith.constant 2 : i32
        %get3A_904 = arith.constant 27 : i32
        %get3A_905 = arith.index_cast %get3A_903 : i32 to index
        %get3A_906 = arith.index_cast %get3A_904 : i32 to index
        %get3A_907 = arith.index_cast %mul3A_636 : i32 to index
        %get3A_908 = tpu.vector_load %arg7[%get3A_905, %get3A_906, %get3A_907] {strides = array<i32>} : memref<3x32x1024xf32, #tpu.memory_space<vmem>>, vector<1x1x16xf32>,
        %get3A_909 = vector.shape_cast %get3A_908 : vector<1x1x16xf32> to vector<16xf32>
        %add3A_910 = arith.addf %get3A_909, %get3A_854 : vector<16xf32>
        %swap3A_911 = arith.constant 2 : i32
        %swap3A_912 = arith.constant 27 : i32
        %swap3A_913 = arith.index_cast %swap3A_911 : i32 to index
        %swap3A_914 = arith.index_cast %swap3A_912 : i32 to index
        %swap3A_915 = arith.index_cast %mul3A_636 : i32 to index
        %swap3A_916 = tpu.vector_load %arg7[%swap3A_913, %swap3A_914, %swap3A_915] {strides = array<i32>} : memref<3x32x1024xf32, #tpu.memory_space<vmem>>, vector<1x1x16xf32>,
        %swap3A_917 = vector.shape_cast %swap3A_916 : vector<1x1x16xf32> to vector<16xf32>
        %swap3A_918 = vector.shape_cast %add3A_910 : vector<16xf32> to vector<1x1x16xf32>
        tpu.vector_store %arg7[%swap3A_913, %swap3A_914, %swap3A_915], %swap3A_918 {strides = array<i32>} : memref<3x32x1024xf32, #tpu.memory_space<vmem>>, vector<1x1x16xf32>,
        %get3A_919 = arith.constant 2 : i32
        %get3A_920 = arith.constant 4 : i32
        %get3A_921 = arith.index_cast %get3A_919 : i32 to index
        %get3A_922 = arith.index_cast %get3A_920 : i32 to index
        %get3A_923 = arith.index_cast %mul3A_636 : i32 to index
        %get3A_924 = tpu.vector_load %arg8[%get3A_921, %get3A_922, %get3A_923] {strides = array<i32>} : memref<3x8x1024xf32, #tpu.memory_space<vmem>>, vector<1x1x16xf32>,
        %get3A_925 = vector.shape_cast %get3A_924 : vector<1x1x16xf32> to vector<16xf32>
        %get3A_926 = arith.constant 2 : i32
        %get3A_927 = arith.constant 4 : i32
        %get3A_928 = arith.index_cast %get3A_926 : i32 to index
        %get3A_929 = arith.index_cast %get3A_927 : i32 to index
        %get3A_930 = arith.index_cast %mul3A_636 : i32 to index
        %get3A_931 = tpu.vector_load %arg7[%get3A_928, %get3A_929, %get3A_930] {strides = array<i32>} : memref<3x32x1024xf32, #tpu.memory_space<vmem>>, vector<1x1x16xf32>,
        %get3A_932 = vector.shape_cast %get3A_931 : vector<1x1x16xf32> to vector<16xf32>
        %add3A_933 = arith.addf %get3A_932, %get3A_925 : vector<16xf32>
        %swap3A_934 = arith.constant 2 : i32
        %swap3A_935 = arith.constant 4 : i32
        %swap3A_936 = arith.index_cast %swap3A_934 : i32 to index
        %swap3A_937 = arith.index_cast %swap3A_935 : i32 to index
        %swap3A_938 = arith.index_cast %mul3A_636 : i32 to index
        %swap3A_939 = tpu.vector_load %arg7[%swap3A_936, %swap3A_937, %swap3A_938] {strides = array<i32>} : memref<3x32x1024xf32, #tpu.memory_space<vmem>>, vector<1x1x16xf32>,
        %swap3A_940 = vector.shape_cast %swap3A_939 : vector<1x1x16xf32> to vector<16xf32>
        %swap3A_941 = vector.shape_cast %add3A_933 : vector<16xf32> to vector<1x1x16xf32>
        tpu.vector_store %arg7[%swap3A_936, %swap3A_937, %swap3A_938], %swap3A_941 {strides = array<i32>} : memref<3x32x1024xf32, #tpu.memory_space<vmem>>, vector<1x1x16xf32>,
        %get3A_942 = arith.constant 2 : i32
        %get3A_943 = arith.constant 12 : i32
        %get3A_944 = arith.index_cast %get3A_942 : i32 to index
        %get3A_945 = arith.index_cast %get3A_943 : i32 to index
        %get3A_946 = arith.index_cast %mul3A_636 : i32 to index
        %get3A_947 = tpu.vector_load %arg7[%get3A_944, %get3A_945, %get3A_946] {strides = array<i32>} : memref<3x32x1024xf32, #tpu.memory_space<vmem>>, vector<1x1x16xf32>,
        %get3A_948 = vector.shape_cast %get3A_947 : vector<1x1x16xf32> to vector<16xf32>
        %add3A_949 = arith.addf %get3A_948, %get3A_925 : vector<16xf32>
        %swap3A_950 = arith.constant 2 : i32
        %swap3A_951 = arith.constant 12 : i32
        %swap3A_952 = arith.index_cast %swap3A_950 : i32 to index
        %swap3A_953 = arith.index_cast %swap3A_951 : i32 to index
        %swap3A_954 = arith.index_cast %mul3A_636 : i32 to index
        %swap3A_955 = tpu.vector_load %arg7[%swap3A_952, %swap3A_953, %swap3A_954] {strides = array<i32>} : memref<3x32x1024xf32, #tpu.memory_space<vmem>>, vector<1x1x16xf32>,
        %swap3A_956 = vector.shape_cast %swap3A_955 : vector<1x1x16xf32> to vector<16xf32>
        %swap3A_957 = vector.shape_cast %add3A_949 : vector<16xf32> to vector<1x1x16xf32>
        tpu.vector_store %arg7[%swap3A_952, %swap3A_953, %swap3A_954], %swap3A_957 {strides = array<i32>} : memref<3x32x1024xf32, #tpu.memory_space<vmem>>, vector<1x1x16xf32>,
        %get3A_958 = arith.constant 2 : i32
        %get3A_959 = arith.constant 20 : i32
        %get3A_960 = arith.index_cast %get3A_958 : i32 to index
        %get3A_961 = arith.index_cast %get3A_959 : i32 to index
        %get3A_962 = arith.index_cast %mul3A_636 : i32 to index
        %get3A_963 = tpu.vector_load %arg7[%get3A_960, %get3A_961, %get3A_962] {strides = array<i32>} : memref<3x32x1024xf32, #tpu.memory_space<vmem>>, vector<1x1x16xf32>,
        %get3A_964 = vector.shape_cast %get3A_963 : vector<1x1x16xf32> to vector<16xf32>
        %add3A_965 = arith.addf %get3A_964, %get3A_925 : vector<16xf32>
        %swap3A_966 = arith.constant 2 : i32
        %swap3A_967 = arith.constant 20 : i32
        %swap3A_968 = arith.index_cast %swap3A_966 : i32 to index
        %swap3A_969 = arith.index_cast %swap3A_967 : i32 to index
        %swap3A_970 = arith.index_cast %mul3A_636 : i32 to index
        %swap3A_971 = tpu.vector_load %arg7[%swap3A_968, %swap3A_969, %swap3A_970] {strides = array<i32>} : memref<3x32x1024xf32, #tpu.memory_space<vmem>>, vector<1x1x16xf32>,
        %swap3A_972 = vector.shape_cast %swap3A_971 : vector<1x1x16xf32> to vector<16xf32>
        %swap3A_973 = vector.shape_cast %add3A_965 : vector<16xf32> to vector<1x1x16xf32>
        tpu.vector_store %arg7[%swap3A_968, %swap3A_969, %swap3A_970], %swap3A_973 {strides = array<i32>} : memref<3x32x1024xf32, #tpu.memory_space<vmem>>, vector<1x1x16xf32>,
        %get3A_974 = arith.constant 2 : i32
        %get3A_975 = arith.constant 28 : i32
        %get3A_976 = arith.index_cast %get3A_974 : i32 to index
        %get3A_977 = arith.index_cast %get3A_975 : i32 to index
        %get3A_978 = arith.index_cast %mul3A_636 : i32 to index
        %get3A_979 = tpu.vector_load %arg7[%get3A_976, %get3A_977, %get3A_978] {strides = array<i32>} : memref<3x32x1024xf32, #tpu.memory_space<vmem>>, vector<1x1x16xf32>,
        %get3A_980 = vector.shape_cast %get3A_979 : vector<1x1x16xf32> to vector<16xf32>
        %add3A_981 = arith.addf %get3A_980, %get3A_925 : vector<16xf32>
        %swap3A_982 = arith.constant 2 : i32
        %swap3A_983 = arith.constant 28 : i32
        %swap3A_984 = arith.index_cast %swap3A_982 : i32 to index
        %swap3A_985 = arith.index_cast %swap3A_983 : i32 to index
        %swap3A_986 = arith.index_cast %mul3A_636 : i32 to index
        %swap3A_987 = tpu.vector_load %arg7[%swap3A_984, %swap3A_985, %swap3A_986] {strides = array<i32>} : memref<3x32x1024xf32, #tpu.memory_space<vmem>>, vector<1x1x16xf32>,
        %swap3A_988 = vector.shape_cast %swap3A_987 : vector<1x1x16xf32> to vector<16xf32>
        %swap3A_989 = vector.shape_cast %add3A_981 : vector<16xf32> to vector<1x1x16xf32>
        tpu.vector_store %arg7[%swap3A_984, %swap3A_985, %swap3A_986], %swap3A_989 {strides = array<i32>} : memref<3x32x1024xf32, #tpu.memory_space<vmem>>, vector<1x1x16xf32>,
        %get3A_990 = arith.constant 2 : i32
        %get3A_991 = arith.constant 5 : i32
        %get3A_992 = arith.index_cast %get3A_990 : i32 to index
        %get3A_993 = arith.index_cast %get3A_991 : i32 to index
        %get3A_994 = arith.index_cast %mul3A_636 : i32 to index
        %get3A_995 = tpu.vector_load %arg8[%get3A_992, %get3A_993, %get3A_994] {strides = array<i32>} : memref<3x8x1024xf32, #tpu.memory_space<vmem>>, vector<1x1x16xf32>,
        %get3A_996 = vector.shape_cast %get3A_995 : vector<1x1x16xf32> to vector<16xf32>
        %get3A_997 = arith.constant 2 : i32
        %get3A_998 = arith.constant 5 : i32
        %get3A_999 = arith.index_cast %get3A_997 : i32 to index
        %get3A_1000 = arith.index_cast %get3A_998 : i32 to index
        %get3A_1001 = arith.index_cast %mul3A_636 : i32 to index
        %get3A_1002 = tpu.vector_load %arg7[%get3A_999, %get3A_1000, %get3A_1001] {strides = array<i32>} : memref<3x32x1024xf32, #tpu.memory_space<vmem>>, vector<1x1x16xf32>,
        %get3A_1003 = vector.shape_cast %get3A_1002 : vector<1x1x16xf32> to vector<16xf32>
        %add3A_1004 = arith.addf %get3A_1003, %get3A_996 : vector<16xf32>
        %swap3A_1005 = arith.constant 2 : i32
        %swap3A_1006 = arith.constant 5 : i32
        %swap3A_1007 = arith.index_cast %swap3A_1005 : i32 to index
        %swap3A_1008 = arith.index_cast %swap3A_1006 : i32 to index
        %swap3A_1009 = arith.index_cast %mul3A_636 : i32 to index
        %swap3A_1010 = tpu.vector_load %arg7[%swap3A_1007, %swap3A_1008, %swap3A_1009] {strides = array<i32>} : memref<3x32x1024xf32, #tpu.memory_space<vmem>>, vector<1x1x16xf32>,
        %swap3A_1011 = vector.shape_cast %swap3A_1010 : vector<1x1x16xf32> to vector<16xf32>
        %swap3A_1012 = vector.shape_cast %add3A_1004 : vector<16xf32> to vector<1x1x16xf32>
        tpu.vector_store %arg7[%swap3A_1007, %swap3A_1008, %swap3A_1009], %swap3A_1012 {strides = array<i32>} : memref<3x32x1024xf32, #tpu.memory_space<vmem>>, vector<1x1x16xf32>,
        %get3A_1013 = arith.constant 2 : i32
        %get3A_1014 = arith.constant 13 : i32
        %get3A_1015 = arith.index_cast %get3A_1013 : i32 to index
        %get3A_1016 = arith.index_cast %get3A_1014 : i32 to index
        %get3A_1017 = arith.index_cast %mul3A_636 : i32 to index
        %get3A_1018 = tpu.vector_load %arg7[%get3A_1015, %get3A_1016, %get3A_1017] {strides = array<i32>} : memref<3x32x1024xf32, #tpu.memory_space<vmem>>, vector<1x1x16xf32>,
        %get3A_1019 = vector.shape_cast %get3A_1018 : vector<1x1x16xf32> to vector<16xf32>
        %add3A_1020 = arith.addf %get3A_1019, %get3A_996 : vector<16xf32>
        %swap3A_1021 = arith.constant 2 : i32
        %swap3A_1022 = arith.constant 13 : i32
        %swap3A_1023 = arith.index_cast %swap3A_1021 : i32 to index
        %swap3A_1024 = arith.index_cast %swap3A_1022 : i32 to index
        %swap3A_1025 = arith.index_cast %mul3A_636 : i32 to index
        %swap3A_1026 = tpu.vector_load %arg7[%swap3A_1023, %swap3A_1024, %swap3A_1025] {strides = array<i32>} : memref<3x32x1024xf32, #tpu.memory_space<vmem>>, vector<1x1x16xf32>,
        %swap3A_1027 = vector.shape_cast %swap3A_1026 : vector<1x1x16xf32> to vector<16xf32>
        %swap3A_1028 = vector.shape_cast %add3A_1020 : vector<16xf32> to vector<1x1x16xf32>
        tpu.vector_store %arg7[%swap3A_1023, %swap3A_1024, %swap3A_1025], %swap3A_1028 {strides = array<i32>} : memref<3x32x1024xf32, #tpu.memory_space<vmem>>, vector<1x1x16xf32>,
        %get3A_1029 = arith.constant 2 : i32
        %get3A_1030 = arith.constant 21 : i32
        %get3A_1031 = arith.index_cast %get3A_1029 : i32 to index
        %get3A_1032 = arith.index_cast %get3A_1030 : i32 to index
        %get3A_1033 = arith.index_cast %mul3A_636 : i32 to index
        %get3A_1034 = tpu.vector_load %arg7[%get3A_1031, %get3A_1032, %get3A_1033] {strides = array<i32>} : memref<3x32x1024xf32, #tpu.memory_space<vmem>>, vector<1x1x16xf32>,
        %get3A_1035 = vector.shape_cast %get3A_1034 : vector<1x1x16xf32> to vector<16xf32>
        %add3A_1036 = arith.addf %get3A_1035, %get3A_996 : vector<16xf32>
        %swap3A_1037 = arith.constant 2 : i32
        %swap3A_1038 = arith.constant 21 : i32
        %swap3A_1039 = arith.index_cast %swap3A_1037 : i32 to index
        %swap3A_1040 = arith.index_cast %swap3A_1038 : i32 to index
        %swap3A_1041 = arith.index_cast %mul3A_636 : i32 to index
        %swap3A_1042 = tpu.vector_load %arg7[%swap3A_1039, %swap3A_1040, %swap3A_1041] {strides = array<i32>} : memref<3x32x1024xf32, #tpu.memory_space<vmem>>, vector<1x1x16xf32>,
        %swap3A_1043 = vector.shape_cast %swap3A_1042 : vector<1x1x16xf32> to vector<16xf32>
        %swap3A_1044 = vector.shape_cast %add3A_1036 : vector<16xf32> to vector<1x1x16xf32>
        tpu.vector_store %arg7[%swap3A_1039, %swap3A_1040, %swap3A_1041], %swap3A_1044 {strides = array<i32>} : memref<3x32x1024xf32, #tpu.memory_space<vmem>>, vector<1x1x16xf32>,
        %get3A_1045 = arith.constant 2 : i32
        %get3A_1046 = arith.constant 29 : i32
        %get3A_1047 = arith.index_cast %get3A_1045 : i32 to index
        %get3A_1048 = arith.index_cast %get3A_1046 : i32 to index
        %get3A_1049 = arith.index_cast %mul3A_636 : i32 to index
        %get3A_1050 = tpu.vector_load %arg7[%get3A_1047, %get3A_1048, %get3A_1049] {strides = array<i32>} : memref<3x32x1024xf32, #tpu.memory_space<vmem>>, vector<1x1x16xf32>,
        %get3A_1051 = vector.shape_cast %get3A_1050 : vector<1x1x16xf32> to vector<16xf32>
        %add3A_1052 = arith.addf %get3A_1051, %get3A_996 : vector<16xf32>
        %swap3A_1053 = arith.constant 2 : i32
        %swap3A_1054 = arith.constant 29 : i32
        %swap3A_1055 = arith.index_cast %swap3A_1053 : i32 to index
        %swap3A_1056 = arith.index_cast %swap3A_1054 : i32 to index
        %swap3A_1057 = arith.index_cast %mul3A_636 : i32 to index
        %swap3A_1058 = tpu.vector_load %arg7[%swap3A_1055, %swap3A_1056, %swap3A_1057] {strides = array<i32>} : memref<3x32x1024xf32, #tpu.memory_space<vmem>>, vector<1x1x16xf32>,
        %swap3A_1059 = vector.shape_cast %swap3A_1058 : vector<1x1x16xf32> to vector<16xf32>
        %swap3A_1060 = vector.shape_cast %add3A_1052 : vector<16xf32> to vector<1x1x16xf32>
        tpu.vector_store %arg7[%swap3A_1055, %swap3A_1056, %swap3A_1057], %swap3A_1060 {strides = array<i32>} : memref<3x32x1024xf32, #tpu.memory_space<vmem>>, vector<1x1x16xf32>,
        %get3A_1061 = arith.constant 2 : i32
        %get3A_1062 = arith.constant 6 : i32
        %get3A_1063 = arith.index_cast %get3A_1061 : i32 to index
        %get3A_1064 = arith.index_cast %get3A_1062 : i32 to index
        %get3A_1065 = arith.index_cast %mul3A_636 : i32 to index
        %get3A_1066 = tpu.vector_load %arg8[%get3A_1063, %get3A_1064, %get3A_1065] {strides = array<i32>} : memref<3x8x1024xf32, #tpu.memory_space<vmem>>, vector<1x1x16xf32>,
        %get3A_1067 = vector.shape_cast %get3A_1066 : vector<1x1x16xf32> to vector<16xf32>
        %get3A_1068 = arith.constant 2 : i32
        %get3A_1069 = arith.constant 6 : i32
        %get3A_1070 = arith.index_cast %get3A_1068 : i32 to index
        %get3A_1071 = arith.index_cast %get3A_1069 : i32 to index
        %get3A_1072 = arith.index_cast %mul3A_636 : i32 to index
        %get3A_1073 = tpu.vector_load %arg7[%get3A_1070, %get3A_1071, %get3A_1072] {strides = array<i32>} : memref<3x32x1024xf32, #tpu.memory_space<vmem>>, vector<1x1x16xf32>,
        %get3A_1074 = vector.shape_cast %get3A_1073 : vector<1x1x16xf32> to vector<16xf32>
        %add3A_1075 = arith.addf %get3A_1074, %get3A_1067 : vector<16xf32>
        %swap3A_1076 = arith.constant 2 : i32
        %swap3A_1077 = arith.constant 6 : i32
        %swap3A_1078 = arith.index_cast %swap3A_1076 : i32 to index
        %swap3A_1079 = arith.index_cast %swap3A_1077 : i32 to index
        %swap3A_1080 = arith.index_cast %mul3A_636 : i32 to index
        %swap3A_1081 = tpu.vector_load %arg7[%swap3A_1078, %swap3A_1079, %swap3A_1080] {strides = array<i32>} : memref<3x32x1024xf32, #tpu.memory_space<vmem>>, vector<1x1x16xf32>,
        %swap3A_1082 = vector.shape_cast %swap3A_1081 : vector<1x1x16xf32> to vector<16xf32>
        %swap3A_1083 = vector.shape_cast %add3A_1075 : vector<16xf32> to vector<1x1x16xf32>
        tpu.vector_store %arg7[%swap3A_1078, %swap3A_1079, %swap3A_1080], %swap3A_1083 {strides = array<i32>} : memref<3x32x1024xf32, #tpu.memory_space<vmem>>, vector<1x1x16xf32>,
        %get3A_1084 = arith.constant 2 : i32
        %get3A_1085 = arith.constant 14 : i32
        %get3A_1086 = arith.index_cast %get3A_1084 : i32 to index
        %get3A_1087 = arith.index_cast %get3A_1085 : i32 to index
        %get3A_1088 = arith.index_cast %mul3A_636 : i32 to index
        %get3A_1089 = tpu.vector_load %arg7[%get3A_1086, %get3A_1087, %get3A_1088] {strides = array<i32>} : memref<3x32x1024xf32, #tpu.memory_space<vmem>>, vector<1x1x16xf32>,
        %get3A_1090 = vector.shape_cast %get3A_1089 : vector<1x1x16xf32> to vector<16xf32>
        %add3A_1091 = arith.addf %get3A_1090, %get3A_1067 : vector<16xf32>
        %swap3A_1092 = arith.constant 2 : i32
        %swap3A_1093 = arith.constant 14 : i32
        %swap3A_1094 = arith.index_cast %swap3A_1092 : i32 to index
        %swap3A_1095 = arith.index_cast %swap3A_1093 : i32 to index
        %swap3A_1096 = arith.index_cast %mul3A_636 : i32 to index
        %swap3A_1097 = tpu.vector_load %arg7[%swap3A_1094, %swap3A_1095, %swap3A_1096] {strides = array<i32>} : memref<3x32x1024xf32, #tpu.memory_space<vmem>>, vector<1x1x16xf32>,
        %swap3A_1098 = vector.shape_cast %swap3A_1097 : vector<1x1x16xf32> to vector<16xf32>
        %swap3A_1099 = vector.shape_cast %add3A_1091 : vector<16xf32> to vector<1x1x16xf32>
        tpu.vector_store %arg7[%swap3A_1094, %swap3A_1095, %swap3A_1096], %swap3A_1099 {strides = array<i32>} : memref<3x32x1024xf32, #tpu.memory_space<vmem>>, vector<1x1x16xf32>,
        %get3A_1100 = arith.constant 2 : i32
        %get3A_1101 = arith.constant 22 : i32
        %get3A_1102 = arith.index_cast %get3A_1100 : i32 to index
        %get3A_1103 = arith.index_cast %get3A_1101 : i32 to index
        %get3A_1104 = arith.index_cast %mul3A_636 : i32 to index
        %get3A_1105 = tpu.vector_load %arg7[%get3A_1102, %get3A_1103, %get3A_1104] {strides = array<i32>} : memref<3x32x1024xf32, #tpu.memory_space<vmem>>, vector<1x1x16xf32>,
        %get3A_1106 = vector.shape_cast %get3A_1105 : vector<1x1x16xf32> to vector<16xf32>
        %add3A_1107 = arith.addf %get3A_1106, %get3A_1067 : vector<16xf32>
        %swap3A_1108 = arith.constant 2 : i32
        %swap3A_1109 = arith.constant 22 : i32
        %swap3A_1110 = arith.index_cast %swap3A_1108 : i32 to index
        %swap3A_1111 = arith.index_cast %swap3A_1109 : i32 to index
        %swap3A_1112 = arith.index_cast %mul3A_636 : i32 to index
        %swap3A_1113 = tpu.vector_load %arg7[%swap3A_1110, %swap3A_1111, %swap3A_1112] {strides = array<i32>} : memref<3x32x1024xf32, #tpu.memory_space<vmem>>, vector<1x1x16xf32>,
        %swap3A_1114 = vector.shape_cast %swap3A_1113 : vector<1x1x16xf32> to vector<16xf32>
        %swap3A_1115 = vector.shape_cast %add3A_1107 : vector<16xf32> to vector<1x1x16xf32>
        tpu.vector_store %arg7[%swap3A_1110, %swap3A_1111, %swap3A_1112], %swap3A_1115 {strides = array<i32>} : memref<3x32x1024xf32, #tpu.memory_space<vmem>>, vector<1x1x16xf32>,
        %get3A_1116 = arith.constant 2 : i32
        %get3A_1117 = arith.constant 30 : i32
        %get3A_1118 = arith.index_cast %get3A_1116 : i32 to index
        %get3A_1119 = arith.index_cast %get3A_1117 : i32 to index
        %get3A_1120 = arith.index_cast %mul3A_636 : i32 to index
        %get3A_1121 = tpu.vector_load %arg7[%get3A_1118, %get3A_1119, %get3A_1120] {strides = array<i32>} : memref<3x32x1024xf32, #tpu.memory_space<vmem>>, vector<1x1x16xf32>,
        %get3A_1122 = vector.shape_cast %get3A_1121 : vector<1x1x16xf32> to vector<16xf32>
        %add3A_1123 = arith.addf %get3A_1122, %get3A_1067 : vector<16xf32>
        %swap3A_1124 = arith.constant 2 : i32
        %swap3A_1125 = arith.constant 30 : i32
        %swap3A_1126 = arith.index_cast %swap3A_1124 : i32 to index
        %swap3A_1127 = arith.index_cast %swap3A_1125 : i32 to index
        %swap3A_1128 = arith.index_cast %mul3A_636 : i32 to index
        %swap3A_1129 = tpu.vector_load %arg7[%swap3A_1126, %swap3A_1127, %swap3A_1128] {strides = array<i32>} : memref<3x32x1024xf32, #tpu.memory_space<vmem>>, vector<1x1x16xf32>,
        %swap3A_1130 = vector.shape_cast %swap3A_1129 : vector<1x1x16xf32> to vector<16xf32>
        %swap3A_1131 = vector.shape_cast %add3A_1123 : vector<16xf32> to vector<1x1x16xf32>
        tpu.vector_store %arg7[%swap3A_1126, %swap3A_1127, %swap3A_1128], %swap3A_1131 {strides = array<i32>} : memref<3x32x1024xf32, #tpu.memory_space<vmem>>, vector<1x1x16xf32>,
        %get3A_1132 = arith.constant 2 : i32
        %get3A_1133 = arith.constant 7 : i32
        %get3A_1134 = arith.index_cast %get3A_1132 : i32 to index
        %get3A_1135 = arith.index_cast %get3A_1133 : i32 to index
        %get3A_1136 = arith.index_cast %mul3A_636 : i32 to index
        %get3A_1137 = tpu.vector_load %arg8[%get3A_1134, %get3A_1135, %get3A_1136] {strides = array<i32>} : memref<3x8x1024xf32, #tpu.memory_space<vmem>>, vector<1x1x16xf32>,
        %get3A_1138 = vector.shape_cast %get3A_1137 : vector<1x1x16xf32> to vector<16xf32>
        %get3A_1139 = arith.constant 2 : i32
        %get3A_1140 = arith.constant 7 : i32
        %get3A_1141 = arith.index_cast %get3A_1139 : i32 to index
        %get3A_1142 = arith.index_cast %get3A_1140 : i32 to index
        %get3A_1143 = arith.index_cast %mul3A_636 : i32 to index
        %get3A_1144 = tpu.vector_load %arg7[%get3A_1141, %get3A_1142, %get3A_1143] {strides = array<i32>} : memref<3x32x1024xf32, #tpu.memory_space<vmem>>, vector<1x1x16xf32>,
        %get3A_1145 = vector.shape_cast %get3A_1144 : vector<1x1x16xf32> to vector<16xf32>
        %add3A_1146 = arith.addf %get3A_1145, %get3A_1138 : vector<16xf32>
        %swap3A_1147 = arith.constant 2 : i32
        %swap3A_1148 = arith.constant 7 : i32
        %swap3A_1149 = arith.index_cast %swap3A_1147 : i32 to index
        %swap3A_1150 = arith.index_cast %swap3A_1148 : i32 to index
        %swap3A_1151 = arith.index_cast %mul3A_636 : i32 to index
        %swap3A_1152 = tpu.vector_load %arg7[%swap3A_1149, %swap3A_1150, %swap3A_1151] {strides = array<i32>} : memref<3x32x1024xf32, #tpu.memory_space<vmem>>, vector<1x1x16xf32>,
        %swap3A_1153 = vector.shape_cast %swap3A_1152 : vector<1x1x16xf32> to vector<16xf32>
        %swap3A_1154 = vector.shape_cast %add3A_1146 : vector<16xf32> to vector<1x1x16xf32>
        tpu.vector_store %arg7[%swap3A_1149, %swap3A_1150, %swap3A_1151], %swap3A_1154 {strides = array<i32>} : memref<3x32x1024xf32, #tpu.memory_space<vmem>>, vector<1x1x16xf32>,
        %get3A_1155 = arith.constant 2 : i32
        %get3A_1156 = arith.constant 15 : i32
        %get3A_1157 = arith.index_cast %get3A_1155 : i32 to index
        %get3A_1158 = arith.index_cast %get3A_1156 : i32 to index
        %get3A_1159 = arith.index_cast %mul3A_636 : i32 to index
        %get3A_1160 = tpu.vector_load %arg7[%get3A_1157, %get3A_1158, %get3A_1159] {strides = array<i32>} : memref<3x32x1024xf32, #tpu.memory_space<vmem>>, vector<1x1x16xf32>,
        %get3A_1161 = vector.shape_cast %get3A_1160 : vector<1x1x16xf32> to vector<16xf32>
        %add3A_1162 = arith.addf %get3A_1161, %get3A_1138 : vector<16xf32>
        %swap3A_1163 = arith.constant 2 : i32
        %swap3A_1164 = arith.constant 15 : i32
        %swap3A_1165 = arith.index_cast %swap3A_1163 : i32 to index
        %swap3A_1166 = arith.index_cast %swap3A_1164 : i32 to index
        %swap3A_1167 = arith.index_cast %mul3A_636 : i32 to index
        %swap3A_1168 = tpu.vector_load %arg7[%swap3A_1165, %swap3A_1166, %swap3A_1167] {strides = array<i32>} : memref<3x32x1024xf32, #tpu.memory_space<vmem>>, vector<1x1x16xf32>,
        %swap3A_1169 = vector.shape_cast %swap3A_1168 : vector<1x1x16xf32> to vector<16xf32>
        %swap3A_1170 = vector.shape_cast %add3A_1162 : vector<16xf32> to vector<1x1x16xf32>
        tpu.vector_store %arg7[%swap3A_1165, %swap3A_1166, %swap3A_1167], %swap3A_1170 {strides = array<i32>} : memref<3x32x1024xf32, #tpu.memory_space<vmem>>, vector<1x1x16xf32>,
        %get3A_1171 = arith.constant 2 : i32
        %get3A_1172 = arith.constant 23 : i32
        %get3A_1173 = arith.index_cast %get3A_1171 : i32 to index
        %get3A_1174 = arith.index_cast %get3A_1172 : i32 to index
        %get3A_1175 = arith.index_cast %mul3A_636 : i32 to index
        %get3A_1176 = tpu.vector_load %arg7[%get3A_1173, %get3A_1174, %get3A_1175] {strides = array<i32>} : memref<3x32x1024xf32, #tpu.memory_space<vmem>>, vector<1x1x16xf32>,
        %get3A_1177 = vector.shape_cast %get3A_1176 : vector<1x1x16xf32> to vector<16xf32>
        %add3A_1178 = arith.addf %get3A_1177, %get3A_1138 : vector<16xf32>
        %swap3A_1179 = arith.constant 2 : i32
        %swap3A_1180 = arith.constant 23 : i32
        %swap3A_1181 = arith.index_cast %swap3A_1179 : i32 to index
        %swap3A_1182 = arith.index_cast %swap3A_1180 : i32 to index
        %swap3A_1183 = arith.index_cast %mul3A_636 : i32 to index
        %swap3A_1184 = tpu.vector_load %arg7[%swap3A_1181, %swap3A_1182, %swap3A_1183] {strides = array<i32>} : memref<3x32x1024xf32, #tpu.memory_space<vmem>>, vector<1x1x16xf32>,
        %swap3A_1185 = vector.shape_cast %swap3A_1184 : vector<1x1x16xf32> to vector<16xf32>
        %swap3A_1186 = vector.shape_cast %add3A_1178 : vector<16xf32> to vector<1x1x16xf32>
        tpu.vector_store %arg7[%swap3A_1181, %swap3A_1182, %swap3A_1183], %swap3A_1186 {strides = array<i32>} : memref<3x32x1024xf32, #tpu.memory_space<vmem>>, vector<1x1x16xf32>,
        %get3A_1187 = arith.constant 2 : i32
        %get3A_1188 = arith.constant 31 : i32
        %get3A_1189 = arith.index_cast %get3A_1187 : i32 to index
        %get3A_1190 = arith.index_cast %get3A_1188 : i32 to index
        %get3A_1191 = arith.index_cast %mul3A_636 : i32 to index
        %get3A_1192 = tpu.vector_load %arg7[%get3A_1189, %get3A_1190, %get3A_1191] {strides = array<i32>} : memref<3x32x1024xf32, #tpu.memory_space<vmem>>, vector<1x1x16xf32>,
        %get3A_1193 = vector.shape_cast %get3A_1192 : vector<1x1x16xf32> to vector<16xf32>
        %add3A_1194 = arith.addf %get3A_1193, %get3A_1138 : vector<16xf32>
        %swap3A_1195 = arith.constant 2 : i32
        %swap3A_1196 = arith.constant 31 : i32
        %swap3A_1197 = arith.index_cast %swap3A_1195 : i32 to index
        %swap3A_1198 = arith.index_cast %swap3A_1196 : i32 to index
        %swap3A_1199 = arith.index_cast %mul3A_636 : i32 to index
        %swap3A_1200 = tpu.vector_load %arg7[%swap3A_1197, %swap3A_1198, %swap3A_1199] {strides = array<i32>} : memref<3x32x1024xf32, #tpu.memory_space<vmem>>, vector<1x1x16xf32>,
        %swap3A_1201 = vector.shape_cast %swap3A_1200 : vector<1x1x16xf32> to vector<16xf32>
        %swap3A_1202 = vector.shape_cast %add3A_1194 : vector<16xf32> to vector<1x1x16xf32>
        tpu.vector_store %arg7[%swap3A_1197, %swap3A_1198, %swap3A_1199], %swap3A_1202 {strides = array<i32>} : memref<3x32x1024xf32, #tpu.memory_space<vmem>>, vector<1x1x16xf32>,
      }
      %scan3A_561 = arith.constant 64 : i32
      %mul3A_562 = arith.constant 8 : i32
      %mul3A_563 = arith.muli %add3A_519, %mul3A_562 : i32
      %add3A_564 = arith.addi %multiple_of3A, %mul3A_563 : i32
      %multiple_of3A_565 = tpu.assume_multiple %add3A_564, 8 : i32
      %dma_start3A_566 = arith.constant 2 : i32
      %dma_start3A_567 = arith.constant 0 : i32
      %dma_start3A_568 = arith.constant 0 : i32
      %dma_start3A_569 = arith.constant 0 : i32
      %dma_start3A_570 = tpu.memref_slice %arg7[%dma_start3A_566, %dma_start3A_568, %dma_start3A_569] : memref<3x32x1024xf32, #tpu.memory_space<vmem>> -> memref<1x8x1024xf32, #tpu.memory_space<vmem>>
      %dma_start3A_571 = tpu.memref_squeeze %dma_start3A_570 : memref<1x8x1024xf32, #tpu.memory_space<vmem>> -> memref<8x1024xf32, #tpu.memory_space<vmem>>
      %dma_start3A_572 = arith.constant 0 : i32
      %dma_start3A_573 = tpu.memref_slice %arg5[%dma_start3A_567, %multiple_of3A_565, %dma_start3A_572] : memref<4x4096x1024xf32, #tpu.memory_space<hbm>> -> memref<1x8x1024xf32, #tpu.memory_space<hbm>>
      %dma_start3A_574 = tpu.memref_squeeze %dma_start3A_573 : memref<1x8x1024xf32, #tpu.memory_space<hbm>> -> memref<8x1024xf32, #tpu.memory_space<hbm>>
      %dma_start3A_575 = arith.constant 0 : i32
      %dma_start3A_576 = tpu.memref_slice %arg5[%dma_start3A_567, %multiple_of3A_565, %dma_start3A_575] : memref<4x4096x1024xf32, #tpu.memory_space<hbm>> -> memref<1x8x1024xf32, #tpu.memory_space<hbm>>
      %dma_start3A_577 = tpu.memref_squeeze %dma_start3A_576 : memref<1x8x1024xf32, #tpu.memory_space<hbm>> -> memref<8x1024xf32, #tpu.memory_space<hbm>>
      %dma_start3A_578 = arith.constant 0 : i32
      %dma_start3A_579 = arith.constant 0 : i32
      %dma_start3A_580 = tpu.memref_slice %arg7[%dma_start3A_566, %dma_start3A_578, %dma_start3A_579] : memref<3x32x1024xf32, #tpu.memory_space<vmem>> -> memref<1x8x1024xf32, #tpu.memory_space<vmem>>
      %dma_start3A_581 = tpu.memref_squeeze %dma_start3A_580 : memref<1x8x1024xf32, #tpu.memory_space<vmem>> -> memref<8x1024xf32, #tpu.memory_space<vmem>>
      tpu.enqueue_dma source(%dma_start3A_581 : memref<8x1024xf32, #tpu.memory_space<vmem>>) target(%dma_start3A_577 : memref<8x1024xf32, #tpu.memory_space<hbm>>) target_semaphore(%arg17 : memref<!tpu.dma_semaphore, #tpu.memory_space<semaphore_mem>>)
      %dma_start3A_582 = arith.constant 2 : i32
      %dma_start3A_583 = arith.constant 1 : i32
      %dma_start3A_584 = arith.constant 8 : i32
      %dma_start3A_585 = arith.constant 0 : i32
      %dma_start3A_586 = tpu.memref_slice %arg7[%dma_start3A_582, %dma_start3A_584, %dma_start3A_585] : memref<3x32x1024xf32, #tpu.memory_space<vmem>> -> memref<1x8x1024xf32, #tpu.memory_space<vmem>>
      %dma_start3A_587 = tpu.memref_squeeze %dma_start3A_586 : memref<1x8x1024xf32, #tpu.memory_space<vmem>> -> memref<8x1024xf32, #tpu.memory_space<vmem>>
      %dma_start3A_588 = arith.constant 0 : i32
      %dma_start3A_589 = tpu.memref_slice %arg5[%dma_start3A_583, %multiple_of3A_565, %dma_start3A_588] : memref<4x4096x1024xf32, #tpu.memory_space<hbm>> -> memref<1x8x1024xf32, #tpu.memory_space<hbm>>
      %dma_start3A_590 = tpu.memref_squeeze %dma_start3A_589 : memref<1x8x1024xf32, #tpu.memory_space<hbm>> -> memref<8x1024xf32, #tpu.memory_space<hbm>>
      %dma_start3A_591 = arith.constant 0 : i32
      %dma_start3A_592 = tpu.memref_slice %arg5[%dma_start3A_583, %multiple_of3A_565, %dma_start3A_591] : memref<4x4096x1024xf32, #tpu.memory_space<hbm>> -> memref<1x8x1024xf32, #tpu.memory_space<hbm>>
      %dma_start3A_593 = tpu.memref_squeeze %dma_start3A_592 : memref<1x8x1024xf32, #tpu.memory_space<hbm>> -> memref<8x1024xf32, #tpu.memory_space<hbm>>
      %dma_start3A_594 = arith.constant 8 : i32
      %dma_start3A_595 = arith.constant 0 : i32
      %dma_start3A_596 = tpu.memref_slice %arg7[%dma_start3A_582, %dma_start3A_594, %dma_start3A_595] : memref<3x32x1024xf32, #tpu.memory_space<vmem>> -> memref<1x8x1024xf32, #tpu.memory_space<vmem>>
      %dma_start3A_597 = tpu.memref_squeeze %dma_start3A_596 : memref<1x8x1024xf32, #tpu.memory_space<vmem>> -> memref<8x1024xf32, #tpu.memory_space<vmem>>
      tpu.enqueue_dma source(%dma_start3A_597 : memref<8x1024xf32, #tpu.memory_space<vmem>>) target(%dma_start3A_593 : memref<8x1024xf32, #tpu.memory_space<hbm>>) target_semaphore(%arg17 : memref<!tpu.dma_semaphore, #tpu.memory_space<semaphore_mem>>)
      %dma_start3A_598 = arith.constant 2 : i32
      %dma_start3A_599 = arith.constant 2 : i32
      %dma_start3A_600 = arith.constant 16 : i32
      %dma_start3A_601 = arith.constant 0 : i32
      %dma_start3A_602 = tpu.memref_slice %arg7[%dma_start3A_598, %dma_start3A_600, %dma_start3A_601] : memref<3x32x1024xf32, #tpu.memory_space<vmem>> -> memref<1x8x1024xf32, #tpu.memory_space<vmem>>
      %dma_start3A_603 = tpu.memref_squeeze %dma_start3A_602 : memref<1x8x1024xf32, #tpu.memory_space<vmem>> -> memref<8x1024xf32, #tpu.memory_space<vmem>>
      %dma_start3A_604 = arith.constant 0 : i32
      %dma_start3A_605 = tpu.memref_slice %arg5[%dma_start3A_599, %multiple_of3A_565, %dma_start3A_604] : memref<4x4096x1024xf32, #tpu.memory_space<hbm>> -> memref<1x8x1024xf32, #tpu.memory_space<hbm>>
      %dma_start3A_606 = tpu.memref_squeeze %dma_start3A_605 : memref<1x8x1024xf32, #tpu.memory_space<hbm>> -> memref<8x1024xf32, #tpu.memory_space<hbm>>
      %dma_start3A_607 = arith.constant 0 : i32
      %dma_start3A_608 = tpu.memref_slice %arg5[%dma_start3A_599, %multiple_of3A_565, %dma_start3A_607] : memref<4x4096x1024xf32, #tpu.memory_space<hbm>> -> memref<1x8x1024xf32, #tpu.memory_space<hbm>>
      %dma_start3A_609 = tpu.memref_squeeze %dma_start3A_608 : memref<1x8x1024xf32, #tpu.memory_space<hbm>> -> memref<8x1024xf32, #tpu.memory_space<hbm>>
      %dma_start3A_610 = arith.constant 16 : i32
      %dma_start3A_611 = arith.constant 0 : i32
      %dma_start3A_612 = tpu.memref_slice %arg7[%dma_start3A_598, %dma_start3A_610, %dma_start3A_611] : memref<3x32x1024xf32, #tpu.memory_space<vmem>> -> memref<1x8x1024xf32, #tpu.memory_space<vmem>>
      %dma_start3A_613 = tpu.memref_squeeze %dma_start3A_612 : memref<1x8x1024xf32, #tpu.memory_space<vmem>> -> memref<8x1024xf32, #tpu.memory_space<vmem>>
      tpu.enqueue_dma source(%dma_start3A_613 : memref<8x1024xf32, #tpu.memory_space<vmem>>) target(%dma_start3A_609 : memref<8x1024xf32, #tpu.memory_space<hbm>>) target_semaphore(%arg17 : memref<!tpu.dma_semaphore, #tpu.memory_space<semaphore_mem>>)
      %dma_start3A_614 = arith.constant 2 : i32
      %dma_start3A_615 = arith.constant 3 : i32
      %dma_start3A_616 = arith.constant 24 : i32
      %dma_start3A_617 = arith.constant 0 : i32
      %dma_start3A_618 = tpu.memref_slice %arg7[%dma_start3A_614, %dma_start3A_616, %dma_start3A_617] : memref<3x32x1024xf32, #tpu.memory_space<vmem>> -> memref<1x8x1024xf32, #tpu.memory_space<vmem>>
      %dma_start3A_619 = tpu.memref_squeeze %dma_start3A_618 : memref<1x8x1024xf32, #tpu.memory_space<vmem>> -> memref<8x1024xf32, #tpu.memory_space<vmem>>
      %dma_start3A_620 = arith.constant 0 : i32
      %dma_start3A_621 = tpu.memref_slice %arg5[%dma_start3A_615, %multiple_of3A_565, %dma_start3A_620] : memref<4x4096x1024xf32, #tpu.memory_space<hbm>> -> memref<1x8x1024xf32, #tpu.memory_space<hbm>>
      %dma_start3A_622 = tpu.memref_squeeze %dma_start3A_621 : memref<1x8x1024xf32, #tpu.memory_space<hbm>> -> memref<8x1024xf32, #tpu.memory_space<hbm>>
      %dma_start3A_623 = arith.constant 0 : i32
      %dma_start3A_624 = tpu.memref_slice %arg5[%dma_start3A_615, %multiple_of3A_565, %dma_start3A_623] : memref<4x4096x1024xf32, #tpu.memory_space<hbm>> -> memref<1x8x1024xf32, #tpu.memory_space<hbm>>
      %dma_start3A_625 = tpu.memref_squeeze %dma_start3A_624 : memref<1x8x1024xf32, #tpu.memory_space<hbm>> -> memref<8x1024xf32, #tpu.memory_space<hbm>>
      %dma_start3A_626 = arith.constant 24 : i32
      %dma_start3A_627 = arith.constant 0 : i32
      %dma_start3A_628 = tpu.memref_slice %arg7[%dma_start3A_614, %dma_start3A_626, %dma_start3A_627] : memref<3x32x1024xf32, #tpu.memory_space<vmem>> -> memref<1x8x1024xf32, #tpu.memory_space<vmem>>
      %dma_start3A_629 = tpu.memref_squeeze %dma_start3A_628 : memref<1x8x1024xf32, #tpu.memory_space<vmem>> -> memref<8x1024xf32, #tpu.memory_space<vmem>>
      tpu.enqueue_dma source(%dma_start3A_629 : memref<8x1024xf32, #tpu.memory_space<vmem>>) target(%dma_start3A_625 : memref<8x1024xf32, #tpu.memory_space<hbm>>) target_semaphore(%arg17 : memref<!tpu.dma_semaphore, #tpu.memory_space<semaphore_mem>>)
    }
    %scan3A_136 = arith.constant 5 : i32
    %dma_wait3A = arith.constant 0 : i32
    %dma_wait3A_137 = arith.constant 0 : i32
    %dma_wait3A_138 = arith.constant 0 : i32
    %dma_wait3A_139 = tpu.memref_slice %arg8[%dma_wait3A, %dma_wait3A_137, %dma_wait3A_138] : memref<3x8x1024xf32, #tpu.memory_space<vmem>> -> memref<1x8x1024xf32, #tpu.memory_space<vmem>>
    %dma_wait3A_140 = tpu.memref_squeeze %dma_wait3A_139 : memref<1x8x1024xf32, #tpu.memory_space<vmem>> -> memref<8x1024xf32, #tpu.memory_space<vmem>>
    %dma_wait3A_141 = arith.constant 0 : i32
    %dma_wait3A_142 = arith.constant 0 : i32
    %dma_wait3A_143 = tpu.memref_slice %arg4[%dma_wait3A_141, %dma_wait3A_142] : memref<4096x1024xf32, #tpu.memory_space<hbm>> -> memref<8x1024xf32, #tpu.memory_space<hbm>>
    %dma_wait3A_144 = arith.constant 0 : i32
    %dma_wait3A_145 = arith.constant 0 : i32
    %dma_wait3A_146 = tpu.memref_slice %arg8[%dma_wait3A, %dma_wait3A_144, %dma_wait3A_145] : memref<3x8x1024xf32, #tpu.memory_space<vmem>> -> memref<1x8x1024xf32, #tpu.memory_space<vmem>>
    %dma_wait3A_147 = tpu.memref_squeeze %dma_wait3A_146 : memref<1x8x1024xf32, #tpu.memory_space<vmem>> -> memref<8x1024xf32, #tpu.memory_space<vmem>>
    %dma_wait3A_148 = arith.constant 0 : i32
    %dma_wait3A_149 = arith.constant 0 : i32
    %dma_wait3A_150 = tpu.memref_slice %arg4[%dma_wait3A_148, %dma_wait3A_149] : memref<4096x1024xf32, #tpu.memory_space<hbm>> -> memref<8x1024xf32, #tpu.memory_space<hbm>>
    tpu.wait_dma2 semaphore(%arg12 : memref<!tpu.dma_semaphore, #tpu.memory_space<semaphore_mem>>) src(%dma_wait3A_150 : memref<8x1024xf32, #tpu.memory_space<hbm>>) dst(%dma_wait3A_147 : memref<8x1024xf32, #tpu.memory_space<vmem>>)
    %dma_wait3A_151 = arith.constant 0 : i32
    %dma_wait3A_152 = arith.constant 0 : i32
    %dma_wait3A_153 = arith.constant 0 : i32
    %dma_wait3A_154 = tpu.memref_slice %arg7[%dma_wait3A_151, %dma_wait3A_152, %dma_wait3A_153] : memref<3x32x1024xf32, #tpu.memory_space<vmem>> -> memref<1x32x1024xf32, #tpu.memory_space<vmem>>
    %dma_wait3A_155 = tpu.memref_squeeze %dma_wait3A_154 : memref<1x32x1024xf32, #tpu.memory_space<vmem>> -> memref<32x1024xf32, #tpu.memory_space<vmem>>
    %dma_wait3A_156 = arith.constant 0 : i32
    %dma_wait3A_157 = arith.constant 0 : i32
    %dma_wait3A_158 = tpu.memref_slice %arg3[%dma_wait3A_156, %dma_wait3A_157] : memref<100000x1024xf32, #tpu.memory_space<hbm>> -> memref<32x1024xf32, #tpu.memory_space<hbm>>
    %dma_wait3A_159 = arith.constant 0 : i32
    %dma_wait3A_160 = arith.constant 0 : i32
    %dma_wait3A_161 = tpu.memref_slice %arg7[%dma_wait3A_151, %dma_wait3A_159, %dma_wait3A_160] : memref<3x32x1024xf32, #tpu.memory_space<vmem>> -> memref<1x32x1024xf32, #tpu.memory_space<vmem>>
    %dma_wait3A_162 = tpu.memref_squeeze %dma_wait3A_161 : memref<1x32x1024xf32, #tpu.memory_space<vmem>> -> memref<32x1024xf32, #tpu.memory_space<vmem>>
    %dma_wait3A_163 = arith.constant 0 : i32
    %dma_wait3A_164 = arith.constant 0 : i32
    %dma_wait3A_165 = tpu.memref_slice %arg3[%dma_wait3A_163, %dma_wait3A_164] : memref<100000x1024xf32, #tpu.memory_space<hbm>> -> memref<32x1024xf32, #tpu.memory_space<hbm>>
    tpu.wait_dma2 semaphore(%arg9 : memref<!tpu.dma_semaphore, #tpu.memory_space<semaphore_mem>>) src(%dma_wait3A_165 : memref<32x1024xf32, #tpu.memory_space<hbm>>) dst(%dma_wait3A_162 : memref<32x1024xf32, #tpu.memory_space<vmem>>)
    %scan3A_166 = arith.constant 0 : i32
    %scan3A_167 = arith.constant 64 : i32
    %scan3A_168 = arith.addi %scan3A_166, %scan3A_167 : i32
    %scan3A_169 = arith.constant 1 : i32
    scf.for %scan3A_292 = %scan3A_166 to %scan3A_168 step %scan3A_169  : i32 {
      %mul3A_293 = arith.constant 1 : i32
      %mul3A_294 = arith.muli %scan3A_292, %mul3A_293 : i32
      %add3A_295 = arith.constant 0 : i32
      %add3A_296 = arith.addi %add3A_295, %mul3A_294 : i32
      %mul3A_297 = arith.constant 16 : i32
      %mul3A_298 = arith.muli %add3A_296, %mul3A_297 : i32
      %get3A = arith.constant 0 : i32
      %get3A_299 = arith.constant 0 : i32
      %get3A_300 = arith.index_cast %get3A : i32 to index
      %get3A_301 = arith.index_cast %get3A_299 : i32 to index
      %get3A_302 = arith.index_cast %mul3A_298 : i32 to index
      %get3A_303 = tpu.vector_load %arg8[%get3A_300, %get3A_301, %get3A_302] {strides = array<i32>} : memref<3x8x1024xf32, #tpu.memory_space<vmem>>, vector<1x1x16xf32>,
      %get3A_304 = vector.shape_cast %get3A_303 : vector<1x1x16xf32> to vector<16xf32>
      %get3A_305 = arith.constant 0 : i32
      %get3A_306 = arith.constant 0 : i32
      %get3A_307 = arith.index_cast %get3A_305 : i32 to index
      %get3A_308 = arith.index_cast %get3A_306 : i32 to index
      %get3A_309 = arith.index_cast %mul3A_298 : i32 to index
      %get3A_310 = tpu.vector_load %arg7[%get3A_307, %get3A_308, %get3A_309] {strides = array<i32>} : memref<3x32x1024xf32, #tpu.memory_space<vmem>>, vector<1x1x16xf32>,
      %get3A_311 = vector.shape_cast %get3A_310 : vector<1x1x16xf32> to vector<16xf32>
      %add3A_312 = arith.addf %get3A_311, %get3A_304 : vector<16xf32>
      %swap3A = arith.constant 0 : i32
      %swap3A_313 = arith.constant 0 : i32
      %swap3A_314 = arith.index_cast %swap3A : i32 to index
      %swap3A_315 = arith.index_cast %swap3A_313 : i32 to index
      %swap3A_316 = arith.index_cast %mul3A_298 : i32 to index
      %swap3A_317 = tpu.vector_load %arg7[%swap3A_314, %swap3A_315, %swap3A_316] {strides = array<i32>} : memref<3x32x1024xf32, #tpu.memory_space<vmem>>, vector<1x1x16xf32>,
      %swap3A_318 = vector.shape_cast %swap3A_317 : vector<1x1x16xf32> to vector<16xf32>
      %swap3A_319 = vector.shape_cast %add3A_312 : vector<16xf32> to vector<1x1x16xf32>
      tpu.vector_store %arg7[%swap3A_314, %swap3A_315, %swap3A_316], %swap3A_319 {strides = array<i32>} : memref<3x32x1024xf32, #tpu.memory_space<vmem>>, vector<1x1x16xf32>,
      %get3A_320 = arith.constant 0 : i32
      %get3A_321 = arith.constant 8 : i32
      %get3A_322 = arith.index_cast %get3A_320 : i32 to index
      %get3A_323 = arith.index_cast %get3A_321 : i32 to index
      %get3A_324 = arith.index_cast %mul3A_298 : i32 to index
      %get3A_325 = tpu.vector_load %arg7[%get3A_322, %get3A_323, %get3A_324] {strides = array<i32>} : memref<3x32x1024xf32, #tpu.memory_space<vmem>>, vector<1x1x16xf32>,
      %get3A_326 = vector.shape_cast %get3A_325 : vector<1x1x16xf32> to vector<16xf32>
      %add3A_327 = arith.addf %get3A_326, %get3A_304 : vector<16xf32>
      %swap3A_328 = arith.constant 0 : i32
      %swap3A_329 = arith.constant 8 : i32
      %swap3A_330 = arith.index_cast %swap3A_328 : i32 to index
      %swap3A_331 = arith.index_cast %swap3A_329 : i32 to index
      %swap3A_332 = arith.index_cast %mul3A_298 : i32 to index
      %swap3A_333 = tpu.vector_load %arg7[%swap3A_330, %swap3A_331, %swap3A_332] {strides = array<i32>} : memref<3x32x1024xf32, #tpu.memory_space<vmem>>, vector<1x1x16xf32>,
      %swap3A_334 = vector.shape_cast %swap3A_333 : vector<1x1x16xf32> to vector<16xf32>
      %swap3A_335 = vector.shape_cast %add3A_327 : vector<16xf32> to vector<1x1x16xf32>
      tpu.vector_store %arg7[%swap3A_330, %swap3A_331, %swap3A_332], %swap3A_335 {strides = array<i32>} : memref<3x32x1024xf32, #tpu.memory_space<vmem>>, vector<1x1x16xf32>,
      %get3A_336 = arith.constant 0 : i32
      %get3A_337 = arith.constant 16 : i32
      %get3A_338 = arith.index_cast %get3A_336 : i32 to index
      %get3A_339 = arith.index_cast %get3A_337 : i32 to index
      %get3A_340 = arith.index_cast %mul3A_298 : i32 to index
      %get3A_341 = tpu.vector_load %arg7[%get3A_338, %get3A_339, %get3A_340] {strides = array<i32>} : memref<3x32x1024xf32, #tpu.memory_space<vmem>>, vector<1x1x16xf32>,
      %get3A_342 = vector.shape_cast %get3A_341 : vector<1x1x16xf32> to vector<16xf32>
      %add3A_343 = arith.addf %get3A_342, %get3A_304 : vector<16xf32>
      %swap3A_344 = arith.constant 0 : i32
      %swap3A_345 = arith.constant 16 : i32
      %swap3A_346 = arith.index_cast %swap3A_344 : i32 to index
      %swap3A_347 = arith.index_cast %swap3A_345 : i32 to index
      %swap3A_348 = arith.index_cast %mul3A_298 : i32 to index
      %swap3A_349 = tpu.vector_load %arg7[%swap3A_346, %swap3A_347, %swap3A_348] {strides = array<i32>} : memref<3x32x1024xf32, #tpu.memory_space<vmem>>, vector<1x1x16xf32>,
      %swap3A_350 = vector.shape_cast %swap3A_349 : vector<1x1x16xf32> to vector<16xf32>
      %swap3A_351 = vector.shape_cast %add3A_343 : vector<16xf32> to vector<1x1x16xf32>
      tpu.vector_store %arg7[%swap3A_346, %swap3A_347, %swap3A_348], %swap3A_351 {strides = array<i32>} : memref<3x32x1024xf32, #tpu.memory_space<vmem>>, vector<1x1x16xf32>,
      %get3A_352 = arith.constant 0 : i32
      %get3A_353 = arith.constant 24 : i32
      %get3A_354 = arith.index_cast %get3A_352 : i32 to index
      %get3A_355 = arith.index_cast %get3A_353 : i32 to index
      %get3A_356 = arith.index_cast %mul3A_298 : i32 to index
      %get3A_357 = tpu.vector_load %arg7[%get3A_354, %get3A_355, %get3A_356] {strides = array<i32>} : memref<3x32x1024xf32, #tpu.memory_space<vmem>>, vector<1x1x16xf32>,
      %get3A_358 = vector.shape_cast %get3A_357 : vector<1x1x16xf32> to vector<16xf32>
      %add3A_359 = arith.addf %get3A_358, %get3A_304 : vector<16xf32>
      %swap3A_360 = arith.constant 0 : i32
      %swap3A_361 = arith.constant 24 : i32
      %swap3A_362 = arith.index_cast %swap3A_360 : i32 to index
      %swap3A_363 = arith.index_cast %swap3A_361 : i32 to index
      %swap3A_364 = arith.index_cast %mul3A_298 : i32 to index
      %swap3A_365 = tpu.vector_load %arg7[%swap3A_362, %swap3A_363, %swap3A_364] {strides = array<i32>} : memref<3x32x1024xf32, #tpu.memory_space<vmem>>, vector<1x1x16xf32>,
      %swap3A_366 = vector.shape_cast %swap3A_365 : vector<1x1x16xf32> to vector<16xf32>
      %swap3A_367 = vector.shape_cast %add3A_359 : vector<16xf32> to vector<1x1x16xf32>
      tpu.vector_store %arg7[%swap3A_362, %swap3A_363, %swap3A_364], %swap3A_367 {strides = array<i32>} : memref<3x32x1024xf32, #tpu.memory_space<vmem>>, vector<1x1x16xf32>,
      %get3A_368 = arith.constant 0 : i32
      %get3A_369 = arith.constant 1 : i32
      %get3A_370 = arith.index_cast %get3A_368 : i32 to index
      %get3A_371 = arith.index_cast %get3A_369 : i32 to index
      %get3A_372 = arith.index_cast %mul3A_298 : i32 to index
      %get3A_373 = tpu.vector_load %arg8[%get3A_370, %get3A_371, %get3A_372] {strides = array<i32>} : memref<3x8x1024xf32, #tpu.memory_space<vmem>>, vector<1x1x16xf32>,
      %get3A_374 = vector.shape_cast %get3A_373 : vector<1x1x16xf32> to vector<16xf32>
      %get3A_375 = arith.constant 0 : i32
      %get3A_376 = arith.constant 1 : i32
      %get3A_377 = arith.index_cast %get3A_375 : i32 to index
      %get3A_378 = arith.index_cast %get3A_376 : i32 to index
      %get3A_379 = arith.index_cast %mul3A_298 : i32 to index
      %get3A_380 = tpu.vector_load %arg7[%get3A_377, %get3A_378, %get3A_379] {strides = array<i32>} : memref<3x32x1024xf32, #tpu.memory_space<vmem>>, vector<1x1x16xf32>,
      %get3A_381 = vector.shape_cast %get3A_380 : vector<1x1x16xf32> to vector<16xf32>
      %add3A_382 = arith.addf %get3A_381, %get3A_374 : vector<16xf32>
      %swap3A_383 = arith.constant 0 : i32
      %swap3A_384 = arith.constant 1 : i32
      %swap3A_385 = arith.index_cast %swap3A_383 : i32 to index
      %swap3A_386 = arith.index_cast %swap3A_384 : i32 to index
      %swap3A_387 = arith.index_cast %mul3A_298 : i32 to index
      %swap3A_388 = tpu.vector_load %arg7[%swap3A_385, %swap3A_386, %swap3A_387] {strides = array<i32>} : memref<3x32x1024xf32, #tpu.memory_space<vmem>>, vector<1x1x16xf32>,
      %swap3A_389 = vector.shape_cast %swap3A_388 : vector<1x1x16xf32> to vector<16xf32>
      %swap3A_390 = vector.shape_cast %add3A_382 : vector<16xf32> to vector<1x1x16xf32>
      tpu.vector_store %arg7[%swap3A_385, %swap3A_386, %swap3A_387], %swap3A_390 {strides = array<i32>} : memref<3x32x1024xf32, #tpu.memory_space<vmem>>, vector<1x1x16xf32>,
      %get3A_391 = arith.constant 0 : i32
      %get3A_392 = arith.constant 9 : i32
      %get3A_393 = arith.index_cast %get3A_391 : i32 to index
      %get3A_394 = arith.index_cast %get3A_392 : i32 to index
      %get3A_395 = arith.index_cast %mul3A_298 : i32 to index
      %get3A_396 = tpu.vector_load %arg7[%get3A_393, %get3A_394, %get3A_395] {strides = array<i32>} : memref<3x32x1024xf32, #tpu.memory_space<vmem>>, vector<1x1x16xf32>,
      %get3A_397 = vector.shape_cast %get3A_396 : vector<1x1x16xf32> to vector<16xf32>
      %add3A_398 = arith.addf %get3A_397, %get3A_374 : vector<16xf32>
      %swap3A_399 = arith.constant 0 : i32
      %swap3A_400 = arith.constant 9 : i32
      %swap3A_401 = arith.index_cast %swap3A_399 : i32 to index
      %swap3A_402 = arith.index_cast %swap3A_400 : i32 to index
      %swap3A_403 = arith.index_cast %mul3A_298 : i32 to index
      %swap3A_404 = tpu.vector_load %arg7[%swap3A_401, %swap3A_402, %swap3A_403] {strides = array<i32>} : memref<3x32x1024xf32, #tpu.memory_space<vmem>>, vector<1x1x16xf32>,
      %swap3A_405 = vector.shape_cast %swap3A_404 : vector<1x1x16xf32> to vector<16xf32>
      %swap3A_406 = vector.shape_cast %add3A_398 : vector<16xf32> to vector<1x1x16xf32>
      tpu.vector_store %arg7[%swap3A_401, %swap3A_402, %swap3A_403], %swap3A_406 {strides = array<i32>} : memref<3x32x1024xf32, #tpu.memory_space<vmem>>, vector<1x1x16xf32>,
      %get3A_407 = arith.constant 0 : i32
      %get3A_408 = arith.constant 17 : i32
      %get3A_409 = arith.index_cast %get3A_407 : i32 to index
      %get3A_410 = arith.index_cast %get3A_408 : i32 to index
      %get3A_411 = arith.index_cast %mul3A_298 : i32 to index
      %get3A_412 = tpu.vector_load %arg7[%get3A_409, %get3A_410, %get3A_411] {strides = array<i32>} : memref<3x32x1024xf32, #tpu.memory_space<vmem>>, vector<1x1x16xf32>,
      %get3A_413 = vector.shape_cast %get3A_412 : vector<1x1x16xf32> to vector<16xf32>
      %add3A_414 = arith.addf %get3A_413, %get3A_374 : vector<16xf32>
      %swap3A_415 = arith.constant 0 : i32
      %swap3A_416 = arith.constant 17 : i32
      %swap3A_417 = arith.index_cast %swap3A_415 : i32 to index
      %swap3A_418 = arith.index_cast %swap3A_416 : i32 to index
      %swap3A_419 = arith.index_cast %mul3A_298 : i32 to index
      %swap3A_420 = tpu.vector_load %arg7[%swap3A_417, %swap3A_418, %swap3A_419] {strides = array<i32>} : memref<3x32x1024xf32, #tpu.memory_space<vmem>>, vector<1x1x16xf32>,
      %swap3A_421 = vector.shape_cast %swap3A_420 : vector<1x1x16xf32> to vector<16xf32>
      %swap3A_422 = vector.shape_cast %add3A_414 : vector<16xf32> to vector<1x1x16xf32>
      tpu.vector_store %arg7[%swap3A_417, %swap3A_418, %swap3A_419], %swap3A_422 {strides = array<i32>} : memref<3x32x1024xf32, #tpu.memory_space<vmem>>, vector<1x1x16xf32>,
      %get3A_423 = arith.constant 0 : i32
      %get3A_424 = arith.constant 25 : i32
      %get3A_425 = arith.index_cast %get3A_423 : i32 to index
      %get3A_426 = arith.index_cast %get3A_424 : i32 to index
      %get3A_427 = arith.index_cast %mul3A_298 : i32 to index
      %get3A_428 = tpu.vector_load %arg7[%get3A_425, %get3A_426, %get3A_427] {strides = array<i32>} : memref<3x32x1024xf32, #tpu.memory_space<vmem>>, vector<1x1x16xf32>,
      %get3A_429 = vector.shape_cast %get3A_428 : vector<1x1x16xf32> to vector<16xf32>
      %add3A_430 = arith.addf %get3A_429, %get3A_374 : vector<16xf32>
      %swap3A_431 = arith.constant 0 : i32
      %swap3A_432 = arith.constant 25 : i32
      %swap3A_433 = arith.index_cast %swap3A_431 : i32 to index
      %swap3A_434 = arith.index_cast %swap3A_432 : i32 to index
      %swap3A_435 = arith.index_cast %mul3A_298 : i32 to index
      %swap3A_436 = tpu.vector_load %arg7[%swap3A_433, %swap3A_434, %swap3A_435] {strides = array<i32>} : memref<3x32x1024xf32, #tpu.memory_space<vmem>>, vector<1x1x16xf32>,
      %swap3A_437 = vector.shape_cast %swap3A_436 : vector<1x1x16xf32> to vector<16xf32>
      %swap3A_438 = vector.shape_cast %add3A_430 : vector<16xf32> to vector<1x1x16xf32>
      tpu.vector_store %arg7[%swap3A_433, %swap3A_434, %swap3A_435], %swap3A_438 {strides = array<i32>} : memref<3x32x1024xf32, #tpu.memory_space<vmem>>, vector<1x1x16xf32>,
      %get3A_439 = arith.constant 0 : i32
      %get3A_440 = arith.constant 2 : i32
      %get3A_441 = arith.index_cast %get3A_439 : i32 to index
      %get3A_442 = arith.index_cast %get3A_440 : i32 to index
      %get3A_443 = arith.index_cast %mul3A_298 : i32 to index
      %get3A_444 = tpu.vector_load %arg8[%get3A_441, %get3A_442, %get3A_443] {strides = array<i32>} : memref<3x8x1024xf32, #tpu.memory_space<vmem>>, vector<1x1x16xf32>,
      %get3A_445 = vector.shape_cast %get3A_444 : vector<1x1x16xf32> to vector<16xf32>
      %get3A_446 = arith.constant 0 : i32
      %get3A_447 = arith.constant 2 : i32
      %get3A_448 = arith.index_cast %get3A_446 : i32 to index
      %get3A_449 = arith.index_cast %get3A_447 : i32 to index
      %get3A_450 = arith.index_cast %mul3A_298 : i32 to index
      %get3A_451 = tpu.vector_load %arg7[%get3A_448, %get3A_449, %get3A_450] {strides = array<i32>} : memref<3x32x1024xf32, #tpu.memory_space<vmem>>, vector<1x1x16xf32>,
      %get3A_452 = vector.shape_cast %get3A_451 : vector<1x1x16xf32> to vector<16xf32>
      %add3A_453 = arith.addf %get3A_452, %get3A_445 : vector<16xf32>
      %swap3A_454 = arith.constant 0 : i32
      %swap3A_455 = arith.constant 2 : i32
      %swap3A_456 = arith.index_cast %swap3A_454 : i32 to index
      %swap3A_457 = arith.index_cast %swap3A_455 : i32 to index
      %swap3A_458 = arith.index_cast %mul3A_298 : i32 to index
      %swap3A_459 = tpu.vector_load %arg7[%swap3A_456, %swap3A_457, %swap3A_458] {strides = array<i32>} : memref<3x32x1024xf32, #tpu.memory_space<vmem>>, vector<1x1x16xf32>,
      %swap3A_460 = vector.shape_cast %swap3A_459 : vector<1x1x16xf32> to vector<16xf32>
      %swap3A_461 = vector.shape_cast %add3A_453 : vector<16xf32> to vector<1x1x16xf32>
      tpu.vector_store %arg7[%swap3A_456, %swap3A_457, %swap3A_458], %swap3A_461 {strides = array<i32>} : memref<3x32x1024xf32, #tpu.memory_space<vmem>>, vector<1x1x16xf32>,
      %get3A_462 = arith.constant 0 : i32
      %get3A_463 = arith.constant 10 : i32
      %get3A_464 = arith.index_cast %get3A_462 : i32 to index
      %get3A_465 = arith.index_cast %get3A_463 : i32 to index
      %get3A_466 = arith.index_cast %mul3A_298 : i32 to index
      %get3A_467 = tpu.vector_load %arg7[%get3A_464, %get3A_465, %get3A_466] {strides = array<i32>} : memref<3x32x1024xf32, #tpu.memory_space<vmem>>, vector<1x1x16xf32>,
      %get3A_468 = vector.shape_cast %get3A_467 : vector<1x1x16xf32> to vector<16xf32>
      %add3A_469 = arith.addf %get3A_468, %get3A_445 : vector<16xf32>
      %swap3A_470 = arith.constant 0 : i32
      %swap3A_471 = arith.constant 10 : i32
      %swap3A_472 = arith.index_cast %swap3A_470 : i32 to index
      %swap3A_473 = arith.index_cast %swap3A_471 : i32 to index
      %swap3A_474 = arith.index_cast %mul3A_298 : i32 to index
      %swap3A_475 = tpu.vector_load %arg7[%swap3A_472, %swap3A_473, %swap3A_474] {strides = array<i32>} : memref<3x32x1024xf32, #tpu.memory_space<vmem>>, vector<1x1x16xf32>,
      %swap3A_476 = vector.shape_cast %swap3A_475 : vector<1x1x16xf32> to vector<16xf32>
      %swap3A_477 = vector.shape_cast %add3A_469 : vector<16xf32> to vector<1x1x16xf32>
      tpu.vector_store %arg7[%swap3A_472, %swap3A_473, %swap3A_474], %swap3A_477 {strides = array<i32>} : memref<3x32x1024xf32, #tpu.memory_space<vmem>>, vector<1x1x16xf32>,
      %get3A_478 = arith.constant 0 : i32
      %get3A_479 = arith.constant 18 : i32
      %get3A_480 = arith.index_cast %get3A_478 : i32 to index
      %get3A_481 = arith.index_cast %get3A_479 : i32 to index
      %get3A_482 = arith.index_cast %mul3A_298 : i32 to index
      %get3A_483 = tpu.vector_load %arg7[%get3A_480, %get3A_481, %get3A_482] {strides = array<i32>} : memref<3x32x1024xf32, #tpu.memory_space<vmem>>, vector<1x1x16xf32>,
      %get3A_484 = vector.shape_cast %get3A_483 : vector<1x1x16xf32> to vector<16xf32>
      %add3A_485 = arith.addf %get3A_484, %get3A_445 : vector<16xf32>
      %swap3A_486 = arith.constant 0 : i32
      %swap3A_487 = arith.constant 18 : i32
      %swap3A_488 = arith.index_cast %swap3A_486 : i32 to index
      %swap3A_489 = arith.index_cast %swap3A_487 : i32 to index
      %swap3A_490 = arith.index_cast %mul3A_298 : i32 to index
      %swap3A_491 = tpu.vector_load %arg7[%swap3A_488, %swap3A_489, %swap3A_490] {strides = array<i32>} : memref<3x32x1024xf32, #tpu.memory_space<vmem>>, vector<1x1x16xf32>,
      %swap3A_492 = vector.shape_cast %swap3A_491 : vector<1x1x16xf32> to vector<16xf32>
      %swap3A_493 = vector.shape_cast %add3A_485 : vector<16xf32> to vector<1x1x16xf32>
      tpu.vector_store %arg7[%swap3A_488, %swap3A_489, %swap3A_490], %swap3A_493 {strides = array<i32>} : memref<3x32x1024xf32, #tpu.memory_space<vmem>>, vector<1x1x16xf32>,
      %get3A_494 = arith.constant 0 : i32
      %get3A_495 = arith.constant 26 : i32
      %get3A_496 = arith.index_cast %get3A_494 : i32 to index
      %get3A_497 = arith.index_cast %get3A_495 : i32 to index
      %get3A_498 = arith.index_cast %mul3A_298 : i32 to index
      %get3A_499 = tpu.vector_load %arg7[%get3A_496, %get3A_497, %get3A_498] {strides = array<i32>} : memref<3x32x1024xf32, #tpu.memory_space<vmem>>, vector<1x1x16xf32>,
      %get3A_500 = vector.shape_cast %get3A_499 : vector<1x1x16xf32> to vector<16xf32>
      %add3A_501 = arith.addf %get3A_500, %get3A_445 : vector<16xf32>
      %swap3A_502 = arith.constant 0 : i32
      %swap3A_503 = arith.constant 26 : i32
      %swap3A_504 = arith.index_cast %swap3A_502 : i32 to index
      %swap3A_505 = arith.index_cast %swap3A_503 : i32 to index
      %swap3A_506 = arith.index_cast %mul3A_298 : i32 to index
      %swap3A_507 = tpu.vector_load %arg7[%swap3A_504, %swap3A_505, %swap3A_506] {strides = array<i32>} : memref<3x32x1024xf32, #tpu.memory_space<vmem>>, vector<1x1x16xf32>,
      %swap3A_508 = vector.shape_cast %swap3A_507 : vector<1x1x16xf32> to vector<16xf32>
      %swap3A_509 = vector.shape_cast %add3A_501 : vector<16xf32> to vector<1x1x16xf32>
      tpu.vector_store %arg7[%swap3A_504, %swap3A_505, %swap3A_506], %swap3A_509 {strides = array<i32>} : memref<3x32x1024xf32, #tpu.memory_space<vmem>>, vector<1x1x16xf32>,
      %get3A_510 = arith.constant 0 : i32
      %get3A_511 = arith.constant 3 : i32
      %get3A_512 = arith.index_cast %get3A_510 : i32 to index
      %get3A_513 = arith.index_cast %get3A_511 : i32 to index
      %get3A_514 = arith.index_cast %mul3A_298 : i32 to index
      %get3A_515 = tpu.vector_load %arg8[%get3A_512, %get3A_513, %get3A_514] {strides = array<i32>} : memref<3x8x1024xf32, #tpu.memory_space<vmem>>, vector<1x1x16xf32>,
      %get3A_516 = vector.shape_cast %get3A_515 : vector<1x1x16xf32> to vector<16xf32>
      %get3A_517 = arith.constant 0 : i32
      %get3A_518 = arith.constant 3 : i32
      %get3A_519 = arith.index_cast %get3A_517 : i32 to index
      %get3A_520 = arith.index_cast %get3A_518 : i32 to index
      %get3A_521 = arith.index_cast %mul3A_298 : i32 to index
      %get3A_522 = tpu.vector_load %arg7[%get3A_519, %get3A_520, %get3A_521] {strides = array<i32>} : memref<3x32x1024xf32, #tpu.memory_space<vmem>>, vector<1x1x16xf32>,
      %get3A_523 = vector.shape_cast %get3A_522 : vector<1x1x16xf32> to vector<16xf32>
      %add3A_524 = arith.addf %get3A_523, %get3A_516 : vector<16xf32>
      %swap3A_525 = arith.constant 0 : i32
      %swap3A_526 = arith.constant 3 : i32
      %swap3A_527 = arith.index_cast %swap3A_525 : i32 to index
      %swap3A_528 = arith.index_cast %swap3A_526 : i32 to index
      %swap3A_529 = arith.index_cast %mul3A_298 : i32 to index
      %swap3A_530 = tpu.vector_load %arg7[%swap3A_527, %swap3A_528, %swap3A_529] {strides = array<i32>} : memref<3x32x1024xf32, #tpu.memory_space<vmem>>, vector<1x1x16xf32>,
      %swap3A_531 = vector.shape_cast %swap3A_530 : vector<1x1x16xf32> to vector<16xf32>
      %swap3A_532 = vector.shape_cast %add3A_524 : vector<16xf32> to vector<1x1x16xf32>
      tpu.vector_store %arg7[%swap3A_527, %swap3A_528, %swap3A_529], %swap3A_532 {strides = array<i32>} : memref<3x32x1024xf32, #tpu.memory_space<vmem>>, vector<1x1x16xf32>,
      %get3A_533 = arith.constant 0 : i32
      %get3A_534 = arith.constant 11 : i32
      %get3A_535 = arith.index_cast %get3A_533 : i32 to index
      %get3A_536 = arith.index_cast %get3A_534 : i32 to index
      %get3A_537 = arith.index_cast %mul3A_298 : i32 to index
      %get3A_538 = tpu.vector_load %arg7[%get3A_535, %get3A_536, %get3A_537] {strides = array<i32>} : memref<3x32x1024xf32, #tpu.memory_space<vmem>>, vector<1x1x16xf32>,
      %get3A_539 = vector.shape_cast %get3A_538 : vector<1x1x16xf32> to vector<16xf32>
      %add3A_540 = arith.addf %get3A_539, %get3A_516 : vector<16xf32>
      %swap3A_541 = arith.constant 0 : i32
      %swap3A_542 = arith.constant 11 : i32
      %swap3A_543 = arith.index_cast %swap3A_541 : i32 to index
      %swap3A_544 = arith.index_cast %swap3A_542 : i32 to index
      %swap3A_545 = arith.index_cast %mul3A_298 : i32 to index
      %swap3A_546 = tpu.vector_load %arg7[%swap3A_543, %swap3A_544, %swap3A_545] {strides = array<i32>} : memref<3x32x1024xf32, #tpu.memory_space<vmem>>, vector<1x1x16xf32>,
      %swap3A_547 = vector.shape_cast %swap3A_546 : vector<1x1x16xf32> to vector<16xf32>
      %swap3A_548 = vector.shape_cast %add3A_540 : vector<16xf32> to vector<1x1x16xf32>
      tpu.vector_store %arg7[%swap3A_543, %swap3A_544, %swap3A_545], %swap3A_548 {strides = array<i32>} : memref<3x32x1024xf32, #tpu.memory_space<vmem>>, vector<1x1x16xf32>,
      %get3A_549 = arith.constant 0 : i32
      %get3A_550 = arith.constant 19 : i32
      %get3A_551 = arith.index_cast %get3A_549 : i32 to index
      %get3A_552 = arith.index_cast %get3A_550 : i32 to index
      %get3A_553 = arith.index_cast %mul3A_298 : i32 to index
      %get3A_554 = tpu.vector_load %arg7[%get3A_551, %get3A_552, %get3A_553] {strides = array<i32>} : memref<3x32x1024xf32, #tpu.memory_space<vmem>>, vector<1x1x16xf32>,
      %get3A_555 = vector.shape_cast %get3A_554 : vector<1x1x16xf32> to vector<16xf32>
      %add3A_556 = arith.addf %get3A_555, %get3A_516 : vector<16xf32>
      %swap3A_557 = arith.constant 0 : i32
      %swap3A_558 = arith.constant 19 : i32
      %swap3A_559 = arith.index_cast %swap3A_557 : i32 to index
      %swap3A_560 = arith.index_cast %swap3A_558 : i32 to index
      %swap3A_561 = arith.index_cast %mul3A_298 : i32 to index
      %swap3A_562 = tpu.vector_load %arg7[%swap3A_559, %swap3A_560, %swap3A_561] {strides = array<i32>} : memref<3x32x1024xf32, #tpu.memory_space<vmem>>, vector<1x1x16xf32>,
      %swap3A_563 = vector.shape_cast %swap3A_562 : vector<1x1x16xf32> to vector<16xf32>
      %swap3A_564 = vector.shape_cast %add3A_556 : vector<16xf32> to vector<1x1x16xf32>
      tpu.vector_store %arg7[%swap3A_559, %swap3A_560, %swap3A_561], %swap3A_564 {strides = array<i32>} : memref<3x32x1024xf32, #tpu.memory_space<vmem>>, vector<1x1x16xf32>,
      %get3A_565 = arith.constant 0 : i32
      %get3A_566 = arith.constant 27 : i32
      %get3A_567 = arith.index_cast %get3A_565 : i32 to index
      %get3A_568 = arith.index_cast %get3A_566 : i32 to index
      %get3A_569 = arith.index_cast %mul3A_298 : i32 to index
      %get3A_570 = tpu.vector_load %arg7[%get3A_567, %get3A_568, %get3A_569] {strides = array<i32>} : memref<3x32x1024xf32, #tpu.memory_space<vmem>>, vector<1x1x16xf32>,
      %get3A_571 = vector.shape_cast %get3A_570 : vector<1x1x16xf32> to vector<16xf32>
      %add3A_572 = arith.addf %get3A_571, %get3A_516 : vector<16xf32>
      %swap3A_573 = arith.constant 0 : i32
      %swap3A_574 = arith.constant 27 : i32
      %swap3A_575 = arith.index_cast %swap3A_573 : i32 to index
      %swap3A_576 = arith.index_cast %swap3A_574 : i32 to index
      %swap3A_577 = arith.index_cast %mul3A_298 : i32 to index
      %swap3A_578 = tpu.vector_load %arg7[%swap3A_575, %swap3A_576, %swap3A_577] {strides = array<i32>} : memref<3x32x1024xf32, #tpu.memory_space<vmem>>, vector<1x1x16xf32>,
      %swap3A_579 = vector.shape_cast %swap3A_578 : vector<1x1x16xf32> to vector<16xf32>
      %swap3A_580 = vector.shape_cast %add3A_572 : vector<16xf32> to vector<1x1x16xf32>
      tpu.vector_store %arg7[%swap3A_575, %swap3A_576, %swap3A_577], %swap3A_580 {strides = array<i32>} : memref<3x32x1024xf32, #tpu.memory_space<vmem>>, vector<1x1x16xf32>,
      %get3A_581 = arith.constant 0 : i32
      %get3A_582 = arith.constant 4 : i32
      %get3A_583 = arith.index_cast %get3A_581 : i32 to index
      %get3A_584 = arith.index_cast %get3A_582 : i32 to index
      %get3A_585 = arith.index_cast %mul3A_298 : i32 to index
      %get3A_586 = tpu.vector_load %arg8[%get3A_583, %get3A_584, %get3A_585] {strides = array<i32>} : memref<3x8x1024xf32, #tpu.memory_space<vmem>>, vector<1x1x16xf32>,
      %get3A_587 = vector.shape_cast %get3A_586 : vector<1x1x16xf32> to vector<16xf32>
      %get3A_588 = arith.constant 0 : i32
      %get3A_589 = arith.constant 4 : i32
      %get3A_590 = arith.index_cast %get3A_588 : i32 to index
      %get3A_591 = arith.index_cast %get3A_589 : i32 to index
      %get3A_592 = arith.index_cast %mul3A_298 : i32 to index
      %get3A_593 = tpu.vector_load %arg7[%get3A_590, %get3A_591, %get3A_592] {strides = array<i32>} : memref<3x32x1024xf32, #tpu.memory_space<vmem>>, vector<1x1x16xf32>,
      %get3A_594 = vector.shape_cast %get3A_593 : vector<1x1x16xf32> to vector<16xf32>
      %add3A_595 = arith.addf %get3A_594, %get3A_587 : vector<16xf32>
      %swap3A_596 = arith.constant 0 : i32
      %swap3A_597 = arith.constant 4 : i32
      %swap3A_598 = arith.index_cast %swap3A_596 : i32 to index
      %swap3A_599 = arith.index_cast %swap3A_597 : i32 to index
      %swap3A_600 = arith.index_cast %mul3A_298 : i32 to index
      %swap3A_601 = tpu.vector_load %arg7[%swap3A_598, %swap3A_599, %swap3A_600] {strides = array<i32>} : memref<3x32x1024xf32, #tpu.memory_space<vmem>>, vector<1x1x16xf32>,
      %swap3A_602 = vector.shape_cast %swap3A_601 : vector<1x1x16xf32> to vector<16xf32>
      %swap3A_603 = vector.shape_cast %add3A_595 : vector<16xf32> to vector<1x1x16xf32>
      tpu.vector_store %arg7[%swap3A_598, %swap3A_599, %swap3A_600], %swap3A_603 {strides = array<i32>} : memref<3x32x1024xf32, #tpu.memory_space<vmem>>, vector<1x1x16xf32>,
      %get3A_604 = arith.constant 0 : i32
      %get3A_605 = arith.constant 12 : i32
      %get3A_606 = arith.index_cast %get3A_604 : i32 to index
      %get3A_607 = arith.index_cast %get3A_605 : i32 to index
      %get3A_608 = arith.index_cast %mul3A_298 : i32 to index
      %get3A_609 = tpu.vector_load %arg7[%get3A_606, %get3A_607, %get3A_608] {strides = array<i32>} : memref<3x32x1024xf32, #tpu.memory_space<vmem>>, vector<1x1x16xf32>,
      %get3A_610 = vector.shape_cast %get3A_609 : vector<1x1x16xf32> to vector<16xf32>
      %add3A_611 = arith.addf %get3A_610, %get3A_587 : vector<16xf32>
      %swap3A_612 = arith.constant 0 : i32
      %swap3A_613 = arith.constant 12 : i32
      %swap3A_614 = arith.index_cast %swap3A_612 : i32 to index
      %swap3A_615 = arith.index_cast %swap3A_613 : i32 to index
      %swap3A_616 = arith.index_cast %mul3A_298 : i32 to index
      %swap3A_617 = tpu.vector_load %arg7[%swap3A_614, %swap3A_615, %swap3A_616] {strides = array<i32>} : memref<3x32x1024xf32, #tpu.memory_space<vmem>>, vector<1x1x16xf32>,
      %swap3A_618 = vector.shape_cast %swap3A_617 : vector<1x1x16xf32> to vector<16xf32>
      %swap3A_619 = vector.shape_cast %add3A_611 : vector<16xf32> to vector<1x1x16xf32>
      tpu.vector_store %arg7[%swap3A_614, %swap3A_615, %swap3A_616], %swap3A_619 {strides = array<i32>} : memref<3x32x1024xf32, #tpu.memory_space<vmem>>, vector<1x1x16xf32>,
      %get3A_620 = arith.constant 0 : i32
      %get3A_621 = arith.constant 20 : i32
      %get3A_622 = arith.index_cast %get3A_620 : i32 to index
      %get3A_623 = arith.index_cast %get3A_621 : i32 to index
      %get3A_624 = arith.index_cast %mul3A_298 : i32 to index
      %get3A_625 = tpu.vector_load %arg7[%get3A_622, %get3A_623, %get3A_624] {strides = array<i32>} : memref<3x32x1024xf32, #tpu.memory_space<vmem>>, vector<1x1x16xf32>,
      %get3A_626 = vector.shape_cast %get3A_625 : vector<1x1x16xf32> to vector<16xf32>
      %add3A_627 = arith.addf %get3A_626, %get3A_587 : vector<16xf32>
      %swap3A_628 = arith.constant 0 : i32
      %swap3A_629 = arith.constant 20 : i32
      %swap3A_630 = arith.index_cast %swap3A_628 : i32 to index
      %swap3A_631 = arith.index_cast %swap3A_629 : i32 to index
      %swap3A_632 = arith.index_cast %mul3A_298 : i32 to index
      %swap3A_633 = tpu.vector_load %arg7[%swap3A_630, %swap3A_631, %swap3A_632] {strides = array<i32>} : memref<3x32x1024xf32, #tpu.memory_space<vmem>>, vector<1x1x16xf32>,
      %swap3A_634 = vector.shape_cast %swap3A_633 : vector<1x1x16xf32> to vector<16xf32>
      %swap3A_635 = vector.shape_cast %add3A_627 : vector<16xf32> to vector<1x1x16xf32>
      tpu.vector_store %arg7[%swap3A_630, %swap3A_631, %swap3A_632], %swap3A_635 {strides = array<i32>} : memref<3x32x1024xf32, #tpu.memory_space<vmem>>, vector<1x1x16xf32>,
      %get3A_636 = arith.constant 0 : i32
      %get3A_637 = arith.constant 28 : i32
      %get3A_638 = arith.index_cast %get3A_636 : i32 to index
      %get3A_639 = arith.index_cast %get3A_637 : i32 to index
      %get3A_640 = arith.index_cast %mul3A_298 : i32 to index
      %get3A_641 = tpu.vector_load %arg7[%get3A_638, %get3A_639, %get3A_640] {strides = array<i32>} : memref<3x32x1024xf32, #tpu.memory_space<vmem>>, vector<1x1x16xf32>,
      %get3A_642 = vector.shape_cast %get3A_641 : vector<1x1x16xf32> to vector<16xf32>
      %add3A_643 = arith.addf %get3A_642, %get3A_587 : vector<16xf32>
      %swap3A_644 = arith.constant 0 : i32
      %swap3A_645 = arith.constant 28 : i32
      %swap3A_646 = arith.index_cast %swap3A_644 : i32 to index
      %swap3A_647 = arith.index_cast %swap3A_645 : i32 to index
      %swap3A_648 = arith.index_cast %mul3A_298 : i32 to index
      %swap3A_649 = tpu.vector_load %arg7[%swap3A_646, %swap3A_647, %swap3A_648] {strides = array<i32>} : memref<3x32x1024xf32, #tpu.memory_space<vmem>>, vector<1x1x16xf32>,
      %swap3A_650 = vector.shape_cast %swap3A_649 : vector<1x1x16xf32> to vector<16xf32>
      %swap3A_651 = vector.shape_cast %add3A_643 : vector<16xf32> to vector<1x1x16xf32>
      tpu.vector_store %arg7[%swap3A_646, %swap3A_647, %swap3A_648], %swap3A_651 {strides = array<i32>} : memref<3x32x1024xf32, #tpu.memory_space<vmem>>, vector<1x1x16xf32>,
      %get3A_652 = arith.constant 0 : i32
      %get3A_653 = arith.constant 5 : i32
      %get3A_654 = arith.index_cast %get3A_652 : i32 to index
      %get3A_655 = arith.index_cast %get3A_653 : i32 to index
      %get3A_656 = arith.index_cast %mul3A_298 : i32 to index
      %get3A_657 = tpu.vector_load %arg8[%get3A_654, %get3A_655, %get3A_656] {strides = array<i32>} : memref<3x8x1024xf32, #tpu.memory_space<vmem>>, vector<1x1x16xf32>,
      %get3A_658 = vector.shape_cast %get3A_657 : vector<1x1x16xf32> to vector<16xf32>
      %get3A_659 = arith.constant 0 : i32
      %get3A_660 = arith.constant 5 : i32
      %get3A_661 = arith.index_cast %get3A_659 : i32 to index
      %get3A_662 = arith.index_cast %get3A_660 : i32 to index
      %get3A_663 = arith.index_cast %mul3A_298 : i32 to index
      %get3A_664 = tpu.vector_load %arg7[%get3A_661, %get3A_662, %get3A_663] {strides = array<i32>} : memref<3x32x1024xf32, #tpu.memory_space<vmem>>, vector<1x1x16xf32>,
      %get3A_665 = vector.shape_cast %get3A_664 : vector<1x1x16xf32> to vector<16xf32>
      %add3A_666 = arith.addf %get3A_665, %get3A_658 : vector<16xf32>
      %swap3A_667 = arith.constant 0 : i32
      %swap3A_668 = arith.constant 5 : i32
      %swap3A_669 = arith.index_cast %swap3A_667 : i32 to index
      %swap3A_670 = arith.index_cast %swap3A_668 : i32 to index
      %swap3A_671 = arith.index_cast %mul3A_298 : i32 to index
      %swap3A_672 = tpu.vector_load %arg7[%swap3A_669, %swap3A_670, %swap3A_671] {strides = array<i32>} : memref<3x32x1024xf32, #tpu.memory_space<vmem>>, vector<1x1x16xf32>,
      %swap3A_673 = vector.shape_cast %swap3A_672 : vector<1x1x16xf32> to vector<16xf32>
      %swap3A_674 = vector.shape_cast %add3A_666 : vector<16xf32> to vector<1x1x16xf32>
      tpu.vector_store %arg7[%swap3A_669, %swap3A_670, %swap3A_671], %swap3A_674 {strides = array<i32>} : memref<3x32x1024xf32, #tpu.memory_space<vmem>>, vector<1x1x16xf32>,
      %get3A_675 = arith.constant 0 : i32
      %get3A_676 = arith.constant 13 : i32
      %get3A_677 = arith.index_cast %get3A_675 : i32 to index
      %get3A_678 = arith.index_cast %get3A_676 : i32 to index
      %get3A_679 = arith.index_cast %mul3A_298 : i32 to index
      %get3A_680 = tpu.vector_load %arg7[%get3A_677, %get3A_678, %get3A_679] {strides = array<i32>} : memref<3x32x1024xf32, #tpu.memory_space<vmem>>, vector<1x1x16xf32>,
      %get3A_681 = vector.shape_cast %get3A_680 : vector<1x1x16xf32> to vector<16xf32>
      %add3A_682 = arith.addf %get3A_681, %get3A_658 : vector<16xf32>
      %swap3A_683 = arith.constant 0 : i32
      %swap3A_684 = arith.constant 13 : i32
      %swap3A_685 = arith.index_cast %swap3A_683 : i32 to index
      %swap3A_686 = arith.index_cast %swap3A_684 : i32 to index
      %swap3A_687 = arith.index_cast %mul3A_298 : i32 to index
      %swap3A_688 = tpu.vector_load %arg7[%swap3A_685, %swap3A_686, %swap3A_687] {strides = array<i32>} : memref<3x32x1024xf32, #tpu.memory_space<vmem>>, vector<1x1x16xf32>,
      %swap3A_689 = vector.shape_cast %swap3A_688 : vector<1x1x16xf32> to vector<16xf32>
      %swap3A_690 = vector.shape_cast %add3A_682 : vector<16xf32> to vector<1x1x16xf32>
      tpu.vector_store %arg7[%swap3A_685, %swap3A_686, %swap3A_687], %swap3A_690 {strides = array<i32>} : memref<3x32x1024xf32, #tpu.memory_space<vmem>>, vector<1x1x16xf32>,
      %get3A_691 = arith.constant 0 : i32
      %get3A_692 = arith.constant 21 : i32
      %get3A_693 = arith.index_cast %get3A_691 : i32 to index
      %get3A_694 = arith.index_cast %get3A_692 : i32 to index
      %get3A_695 = arith.index_cast %mul3A_298 : i32 to index
      %get3A_696 = tpu.vector_load %arg7[%get3A_693, %get3A_694, %get3A_695] {strides = array<i32>} : memref<3x32x1024xf32, #tpu.memory_space<vmem>>, vector<1x1x16xf32>,
      %get3A_697 = vector.shape_cast %get3A_696 : vector<1x1x16xf32> to vector<16xf32>
      %add3A_698 = arith.addf %get3A_697, %get3A_658 : vector<16xf32>
      %swap3A_699 = arith.constant 0 : i32
      %swap3A_700 = arith.constant 21 : i32
      %swap3A_701 = arith.index_cast %swap3A_699 : i32 to index
      %swap3A_702 = arith.index_cast %swap3A_700 : i32 to index
      %swap3A_703 = arith.index_cast %mul3A_298 : i32 to index
      %swap3A_704 = tpu.vector_load %arg7[%swap3A_701, %swap3A_702, %swap3A_703] {strides = array<i32>} : memref<3x32x1024xf32, #tpu.memory_space<vmem>>, vector<1x1x16xf32>,
      %swap3A_705 = vector.shape_cast %swap3A_704 : vector<1x1x16xf32> to vector<16xf32>
      %swap3A_706 = vector.shape_cast %add3A_698 : vector<16xf32> to vector<1x1x16xf32>
      tpu.vector_store %arg7[%swap3A_701, %swap3A_702, %swap3A_703], %swap3A_706 {strides = array<i32>} : memref<3x32x1024xf32, #tpu.memory_space<vmem>>, vector<1x1x16xf32>,
      %get3A_707 = arith.constant 0 : i32
      %get3A_708 = arith.constant 29 : i32
      %get3A_709 = arith.index_cast %get3A_707 : i32 to index
      %get3A_710 = arith.index_cast %get3A_708 : i32 to index
      %get3A_711 = arith.index_cast %mul3A_298 : i32 to index
      %get3A_712 = tpu.vector_load %arg7[%get3A_709, %get3A_710, %get3A_711] {strides = array<i32>} : memref<3x32x1024xf32, #tpu.memory_space<vmem>>, vector<1x1x16xf32>,
      %get3A_713 = vector.shape_cast %get3A_712 : vector<1x1x16xf32> to vector<16xf32>
      %add3A_714 = arith.addf %get3A_713, %get3A_658 : vector<16xf32>
      %swap3A_715 = arith.constant 0 : i32
      %swap3A_716 = arith.constant 29 : i32
      %swap3A_717 = arith.index_cast %swap3A_715 : i32 to index
      %swap3A_718 = arith.index_cast %swap3A_716 : i32 to index
      %swap3A_719 = arith.index_cast %mul3A_298 : i32 to index
      %swap3A_720 = tpu.vector_load %arg7[%swap3A_717, %swap3A_718, %swap3A_719] {strides = array<i32>} : memref<3x32x1024xf32, #tpu.memory_space<vmem>>, vector<1x1x16xf32>,
      %swap3A_721 = vector.shape_cast %swap3A_720 : vector<1x1x16xf32> to vector<16xf32>
      %swap3A_722 = vector.shape_cast %add3A_714 : vector<16xf32> to vector<1x1x16xf32>
      tpu.vector_store %arg7[%swap3A_717, %swap3A_718, %swap3A_719], %swap3A_722 {strides = array<i32>} : memref<3x32x1024xf32, #tpu.memory_space<vmem>>, vector<1x1x16xf32>,
      %get3A_723 = arith.constant 0 : i32
      %get3A_724 = arith.constant 6 : i32
      %get3A_725 = arith.index_cast %get3A_723 : i32 to index
      %get3A_726 = arith.index_cast %get3A_724 : i32 to index
      %get3A_727 = arith.index_cast %mul3A_298 : i32 to index
      %get3A_728 = tpu.vector_load %arg8[%get3A_725, %get3A_726, %get3A_727] {strides = array<i32>} : memref<3x8x1024xf32, #tpu.memory_space<vmem>>, vector<1x1x16xf32>,
      %get3A_729 = vector.shape_cast %get3A_728 : vector<1x1x16xf32> to vector<16xf32>
      %get3A_730 = arith.constant 0 : i32
      %get3A_731 = arith.constant 6 : i32
      %get3A_732 = arith.index_cast %get3A_730 : i32 to index
      %get3A_733 = arith.index_cast %get3A_731 : i32 to index
      %get3A_734 = arith.index_cast %mul3A_298 : i32 to index
      %get3A_735 = tpu.vector_load %arg7[%get3A_732, %get3A_733, %get3A_734] {strides = array<i32>} : memref<3x32x1024xf32, #tpu.memory_space<vmem>>, vector<1x1x16xf32>,
      %get3A_736 = vector.shape_cast %get3A_735 : vector<1x1x16xf32> to vector<16xf32>
      %add3A_737 = arith.addf %get3A_736, %get3A_729 : vector<16xf32>
      %swap3A_738 = arith.constant 0 : i32
      %swap3A_739 = arith.constant 6 : i32
      %swap3A_740 = arith.index_cast %swap3A_738 : i32 to index
      %swap3A_741 = arith.index_cast %swap3A_739 : i32 to index
      %swap3A_742 = arith.index_cast %mul3A_298 : i32 to index
      %swap3A_743 = tpu.vector_load %arg7[%swap3A_740, %swap3A_741, %swap3A_742] {strides = array<i32>} : memref<3x32x1024xf32, #tpu.memory_space<vmem>>, vector<1x1x16xf32>,
      %swap3A_744 = vector.shape_cast %swap3A_743 : vector<1x1x16xf32> to vector<16xf32>
      %swap3A_745 = vector.shape_cast %add3A_737 : vector<16xf32> to vector<1x1x16xf32>
      tpu.vector_store %arg7[%swap3A_740, %swap3A_741, %swap3A_742], %swap3A_745 {strides = array<i32>} : memref<3x32x1024xf32, #tpu.memory_space<vmem>>, vector<1x1x16xf32>,
      %get3A_746 = arith.constant 0 : i32
      %get3A_747 = arith.constant 14 : i32
      %get3A_748 = arith.index_cast %get3A_746 : i32 to index
      %get3A_749 = arith.index_cast %get3A_747 : i32 to index
      %get3A_750 = arith.index_cast %mul3A_298 : i32 to index
      %get3A_751 = tpu.vector_load %arg7[%get3A_748, %get3A_749, %get3A_750] {strides = array<i32>} : memref<3x32x1024xf32, #tpu.memory_space<vmem>>, vector<1x1x16xf32>,
      %get3A_752 = vector.shape_cast %get3A_751 : vector<1x1x16xf32> to vector<16xf32>
      %add3A_753 = arith.addf %get3A_752, %get3A_729 : vector<16xf32>
      %swap3A_754 = arith.constant 0 : i32
      %swap3A_755 = arith.constant 14 : i32
      %swap3A_756 = arith.index_cast %swap3A_754 : i32 to index
      %swap3A_757 = arith.index_cast %swap3A_755 : i32 to index
      %swap3A_758 = arith.index_cast %mul3A_298 : i32 to index
      %swap3A_759 = tpu.vector_load %arg7[%swap3A_756, %swap3A_757, %swap3A_758] {strides = array<i32>} : memref<3x32x1024xf32, #tpu.memory_space<vmem>>, vector<1x1x16xf32>,
      %swap3A_760 = vector.shape_cast %swap3A_759 : vector<1x1x16xf32> to vector<16xf32>
      %swap3A_761 = vector.shape_cast %add3A_753 : vector<16xf32> to vector<1x1x16xf32>
      tpu.vector_store %arg7[%swap3A_756, %swap3A_757, %swap3A_758], %swap3A_761 {strides = array<i32>} : memref<3x32x1024xf32, #tpu.memory_space<vmem>>, vector<1x1x16xf32>,
      %get3A_762 = arith.constant 0 : i32
      %get3A_763 = arith.constant 22 : i32
      %get3A_764 = arith.index_cast %get3A_762 : i32 to index
      %get3A_765 = arith.index_cast %get3A_763 : i32 to index
      %get3A_766 = arith.index_cast %mul3A_298 : i32 to index
      %get3A_767 = tpu.vector_load %arg7[%get3A_764, %get3A_765, %get3A_766] {strides = array<i32>} : memref<3x32x1024xf32, #tpu.memory_space<vmem>>, vector<1x1x16xf32>,
      %get3A_768 = vector.shape_cast %get3A_767 : vector<1x1x16xf32> to vector<16xf32>
      %add3A_769 = arith.addf %get3A_768, %get3A_729 : vector<16xf32>
      %swap3A_770 = arith.constant 0 : i32
      %swap3A_771 = arith.constant 22 : i32
      %swap3A_772 = arith.index_cast %swap3A_770 : i32 to index
      %swap3A_773 = arith.index_cast %swap3A_771 : i32 to index
      %swap3A_774 = arith.index_cast %mul3A_298 : i32 to index
      %swap3A_775 = tpu.vector_load %arg7[%swap3A_772, %swap3A_773, %swap3A_774] {strides = array<i32>} : memref<3x32x1024xf32, #tpu.memory_space<vmem>>, vector<1x1x16xf32>,
      %swap3A_776 = vector.shape_cast %swap3A_775 : vector<1x1x16xf32> to vector<16xf32>
      %swap3A_777 = vector.shape_cast %add3A_769 : vector<16xf32> to vector<1x1x16xf32>
      tpu.vector_store %arg7[%swap3A_772, %swap3A_773, %swap3A_774], %swap3A_777 {strides = array<i32>} : memref<3x32x1024xf32, #tpu.memory_space<vmem>>, vector<1x1x16xf32>,
      %get3A_778 = arith.constant 0 : i32
      %get3A_779 = arith.constant 30 : i32
      %get3A_780 = arith.index_cast %get3A_778 : i32 to index
      %get3A_781 = arith.index_cast %get3A_779 : i32 to index
      %get3A_782 = arith.index_cast %mul3A_298 : i32 to index
      %get3A_783 = tpu.vector_load %arg7[%get3A_780, %get3A_781, %get3A_782] {strides = array<i32>} : memref<3x32x1024xf32, #tpu.memory_space<vmem>>, vector<1x1x16xf32>,
      %get3A_784 = vector.shape_cast %get3A_783 : vector<1x1x16xf32> to vector<16xf32>
      %add3A_785 = arith.addf %get3A_784, %get3A_729 : vector<16xf32>
      %swap3A_786 = arith.constant 0 : i32
      %swap3A_787 = arith.constant 30 : i32
      %swap3A_788 = arith.index_cast %swap3A_786 : i32 to index
      %swap3A_789 = arith.index_cast %swap3A_787 : i32 to index
      %swap3A_790 = arith.index_cast %mul3A_298 : i32 to index
      %swap3A_791 = tpu.vector_load %arg7[%swap3A_788, %swap3A_789, %swap3A_790] {strides = array<i32>} : memref<3x32x1024xf32, #tpu.memory_space<vmem>>, vector<1x1x16xf32>,
      %swap3A_792 = vector.shape_cast %swap3A_791 : vector<1x1x16xf32> to vector<16xf32>
      %swap3A_793 = vector.shape_cast %add3A_785 : vector<16xf32> to vector<1x1x16xf32>
      tpu.vector_store %arg7[%swap3A_788, %swap3A_789, %swap3A_790], %swap3A_793 {strides = array<i32>} : memref<3x32x1024xf32, #tpu.memory_space<vmem>>, vector<1x1x16xf32>,
      %get3A_794 = arith.constant 0 : i32
      %get3A_795 = arith.constant 7 : i32
      %get3A_796 = arith.index_cast %get3A_794 : i32 to index
      %get3A_797 = arith.index_cast %get3A_795 : i32 to index
      %get3A_798 = arith.index_cast %mul3A_298 : i32 to index
      %get3A_799 = tpu.vector_load %arg8[%get3A_796, %get3A_797, %get3A_798] {strides = array<i32>} : memref<3x8x1024xf32, #tpu.memory_space<vmem>>, vector<1x1x16xf32>,
      %get3A_800 = vector.shape_cast %get3A_799 : vector<1x1x16xf32> to vector<16xf32>
      %get3A_801 = arith.constant 0 : i32
      %get3A_802 = arith.constant 7 : i32
      %get3A_803 = arith.index_cast %get3A_801 : i32 to index
      %get3A_804 = arith.index_cast %get3A_802 : i32 to index
      %get3A_805 = arith.index_cast %mul3A_298 : i32 to index
      %get3A_806 = tpu.vector_load %arg7[%get3A_803, %get3A_804, %get3A_805] {strides = array<i32>} : memref<3x32x1024xf32, #tpu.memory_space<vmem>>, vector<1x1x16xf32>,
      %get3A_807 = vector.shape_cast %get3A_806 : vector<1x1x16xf32> to vector<16xf32>
      %add3A_808 = arith.addf %get3A_807, %get3A_800 : vector<16xf32>
      %swap3A_809 = arith.constant 0 : i32
      %swap3A_810 = arith.constant 7 : i32
      %swap3A_811 = arith.index_cast %swap3A_809 : i32 to index
      %swap3A_812 = arith.index_cast %swap3A_810 : i32 to index
      %swap3A_813 = arith.index_cast %mul3A_298 : i32 to index
      %swap3A_814 = tpu.vector_load %arg7[%swap3A_811, %swap3A_812, %swap3A_813] {strides = array<i32>} : memref<3x32x1024xf32, #tpu.memory_space<vmem>>, vector<1x1x16xf32>,
      %swap3A_815 = vector.shape_cast %swap3A_814 : vector<1x1x16xf32> to vector<16xf32>
      %swap3A_816 = vector.shape_cast %add3A_808 : vector<16xf32> to vector<1x1x16xf32>
      tpu.vector_store %arg7[%swap3A_811, %swap3A_812, %swap3A_813], %swap3A_816 {strides = array<i32>} : memref<3x32x1024xf32, #tpu.memory_space<vmem>>, vector<1x1x16xf32>,
      %get3A_817 = arith.constant 0 : i32
      %get3A_818 = arith.constant 15 : i32
      %get3A_819 = arith.index_cast %get3A_817 : i32 to index
      %get3A_820 = arith.index_cast %get3A_818 : i32 to index
      %get3A_821 = arith.index_cast %mul3A_298 : i32 to index
      %get3A_822 = tpu.vector_load %arg7[%get3A_819, %get3A_820, %get3A_821] {strides = array<i32>} : memref<3x32x1024xf32, #tpu.memory_space<vmem>>, vector<1x1x16xf32>,
      %get3A_823 = vector.shape_cast %get3A_822 : vector<1x1x16xf32> to vector<16xf32>
      %add3A_824 = arith.addf %get3A_823, %get3A_800 : vector<16xf32>
      %swap3A_825 = arith.constant 0 : i32
      %swap3A_826 = arith.constant 15 : i32
      %swap3A_827 = arith.index_cast %swap3A_825 : i32 to index
      %swap3A_828 = arith.index_cast %swap3A_826 : i32 to index
      %swap3A_829 = arith.index_cast %mul3A_298 : i32 to index
      %swap3A_830 = tpu.vector_load %arg7[%swap3A_827, %swap3A_828, %swap3A_829] {strides = array<i32>} : memref<3x32x1024xf32, #tpu.memory_space<vmem>>, vector<1x1x16xf32>,
      %swap3A_831 = vector.shape_cast %swap3A_830 : vector<1x1x16xf32> to vector<16xf32>
      %swap3A_832 = vector.shape_cast %add3A_824 : vector<16xf32> to vector<1x1x16xf32>
      tpu.vector_store %arg7[%swap3A_827, %swap3A_828, %swap3A_829], %swap3A_832 {strides = array<i32>} : memref<3x32x1024xf32, #tpu.memory_space<vmem>>, vector<1x1x16xf32>,
      %get3A_833 = arith.constant 0 : i32
      %get3A_834 = arith.constant 23 : i32
      %get3A_835 = arith.index_cast %get3A_833 : i32 to index
      %get3A_836 = arith.index_cast %get3A_834 : i32 to index
      %get3A_837 = arith.index_cast %mul3A_298 : i32 to index
      %get3A_838 = tpu.vector_load %arg7[%get3A_835, %get3A_836, %get3A_837] {strides = array<i32>} : memref<3x32x1024xf32, #tpu.memory_space<vmem>>, vector<1x1x16xf32>,
      %get3A_839 = vector.shape_cast %get3A_838 : vector<1x1x16xf32> to vector<16xf32>
      %add3A_840 = arith.addf %get3A_839, %get3A_800 : vector<16xf32>
      %swap3A_841 = arith.constant 0 : i32
      %swap3A_842 = arith.constant 23 : i32
      %swap3A_843 = arith.index_cast %swap3A_841 : i32 to index
      %swap3A_844 = arith.index_cast %swap3A_842 : i32 to index
      %swap3A_845 = arith.index_cast %mul3A_298 : i32 to index
      %swap3A_846 = tpu.vector_load %arg7[%swap3A_843, %swap3A_844, %swap3A_845] {strides = array<i32>} : memref<3x32x1024xf32, #tpu.memory_space<vmem>>, vector<1x1x16xf32>,
      %swap3A_847 = vector.shape_cast %swap3A_846 : vector<1x1x16xf32> to vector<16xf32>
      %swap3A_848 = vector.shape_cast %add3A_840 : vector<16xf32> to vector<1x1x16xf32>
      tpu.vector_store %arg7[%swap3A_843, %swap3A_844, %swap3A_845], %swap3A_848 {strides = array<i32>} : memref<3x32x1024xf32, #tpu.memory_space<vmem>>, vector<1x1x16xf32>,
      %get3A_849 = arith.constant 0 : i32
      %get3A_850 = arith.constant 31 : i32
      %get3A_851 = arith.index_cast %get3A_849 : i32 to index
      %get3A_852 = arith.index_cast %get3A_850 : i32 to index
      %get3A_853 = arith.index_cast %mul3A_298 : i32 to index
      %get3A_854 = tpu.vector_load %arg7[%get3A_851, %get3A_852, %get3A_853] {strides = array<i32>} : memref<3x32x1024xf32, #tpu.memory_space<vmem>>, vector<1x1x16xf32>,
      %get3A_855 = vector.shape_cast %get3A_854 : vector<1x1x16xf32> to vector<16xf32>
      %add3A_856 = arith.addf %get3A_855, %get3A_800 : vector<16xf32>
      %swap3A_857 = arith.constant 0 : i32
      %swap3A_858 = arith.constant 31 : i32
      %swap3A_859 = arith.index_cast %swap3A_857 : i32 to index
      %swap3A_860 = arith.index_cast %swap3A_858 : i32 to index
      %swap3A_861 = arith.index_cast %mul3A_298 : i32 to index
      %swap3A_862 = tpu.vector_load %arg7[%swap3A_859, %swap3A_860, %swap3A_861] {strides = array<i32>} : memref<3x32x1024xf32, #tpu.memory_space<vmem>>, vector<1x1x16xf32>,
      %swap3A_863 = vector.shape_cast %swap3A_862 : vector<1x1x16xf32> to vector<16xf32>
      %swap3A_864 = vector.shape_cast %add3A_856 : vector<16xf32> to vector<1x1x16xf32>
      tpu.vector_store %arg7[%swap3A_859, %swap3A_860, %swap3A_861], %swap3A_864 {strides = array<i32>} : memref<3x32x1024xf32, #tpu.memory_space<vmem>>, vector<1x1x16xf32>,
    }
    %scan3A_170 = arith.constant 64 : i32
    %add3A_171 = arith.constant 120 : i32
    %add3A_172 = arith.addi %multiple_of3A, %add3A_171 : i32
    %multiple_of3A_173 = tpu.assume_multiple %add3A_172, 8 : i32
    %dma_start3A_174 = arith.constant 0 : i32
    %dma_start3A_175 = arith.constant 0 : i32
    %dma_start3A_176 = arith.constant 0 : i32
    %dma_start3A_177 = arith.constant 0 : i32
    %dma_start3A_178 = tpu.memref_slice %arg7[%dma_start3A_174, %dma_start3A_176, %dma_start3A_177] : memref<3x32x1024xf32, #tpu.memory_space<vmem>> -> memref<1x8x1024xf32, #tpu.memory_space<vmem>>
    %dma_start3A_179 = tpu.memref_squeeze %dma_start3A_178 : memref<1x8x1024xf32, #tpu.memory_space<vmem>> -> memref<8x1024xf32, #tpu.memory_space<vmem>>
    %dma_start3A_180 = arith.constant 0 : i32
    %dma_start3A_181 = tpu.memref_slice %arg5[%dma_start3A_175, %multiple_of3A_173, %dma_start3A_180] : memref<4x4096x1024xf32, #tpu.memory_space<hbm>> -> memref<1x8x1024xf32, #tpu.memory_space<hbm>>
    %dma_start3A_182 = tpu.memref_squeeze %dma_start3A_181 : memref<1x8x1024xf32, #tpu.memory_space<hbm>> -> memref<8x1024xf32, #tpu.memory_space<hbm>>
    %dma_start3A_183 = arith.constant 0 : i32
    %dma_start3A_184 = tpu.memref_slice %arg5[%dma_start3A_175, %multiple_of3A_173, %dma_start3A_183] : memref<4x4096x1024xf32, #tpu.memory_space<hbm>> -> memref<1x8x1024xf32, #tpu.memory_space<hbm>>
    %dma_start3A_185 = tpu.memref_squeeze %dma_start3A_184 : memref<1x8x1024xf32, #tpu.memory_space<hbm>> -> memref<8x1024xf32, #tpu.memory_space<hbm>>
    %dma_start3A_186 = arith.constant 0 : i32
    %dma_start3A_187 = arith.constant 0 : i32
    %dma_start3A_188 = tpu.memref_slice %arg7[%dma_start3A_174, %dma_start3A_186, %dma_start3A_187] : memref<3x32x1024xf32, #tpu.memory_space<vmem>> -> memref<1x8x1024xf32, #tpu.memory_space<vmem>>
    %dma_start3A_189 = tpu.memref_squeeze %dma_start3A_188 : memref<1x8x1024xf32, #tpu.memory_space<vmem>> -> memref<8x1024xf32, #tpu.memory_space<vmem>>
    tpu.enqueue_dma source(%dma_start3A_189 : memref<8x1024xf32, #tpu.memory_space<vmem>>) target(%dma_start3A_185 : memref<8x1024xf32, #tpu.memory_space<hbm>>) target_semaphore(%arg15 : memref<!tpu.dma_semaphore, #tpu.memory_space<semaphore_mem>>)
    %dma_start3A_190 = arith.constant 0 : i32
    %dma_start3A_191 = arith.constant 1 : i32
    %dma_start3A_192 = arith.constant 8 : i32
    %dma_start3A_193 = arith.constant 0 : i32
    %dma_start3A_194 = tpu.memref_slice %arg7[%dma_start3A_190, %dma_start3A_192, %dma_start3A_193] : memref<3x32x1024xf32, #tpu.memory_space<vmem>> -> memref<1x8x1024xf32, #tpu.memory_space<vmem>>
    %dma_start3A_195 = tpu.memref_squeeze %dma_start3A_194 : memref<1x8x1024xf32, #tpu.memory_space<vmem>> -> memref<8x1024xf32, #tpu.memory_space<vmem>>
    %dma_start3A_196 = arith.constant 0 : i32
    %dma_start3A_197 = tpu.memref_slice %arg5[%dma_start3A_191, %multiple_of3A_173, %dma_start3A_196] : memref<4x4096x1024xf32, #tpu.memory_space<hbm>> -> memref<1x8x1024xf32, #tpu.memory_space<hbm>>
    %dma_start3A_198 = tpu.memref_squeeze %dma_start3A_197 : memref<1x8x1024xf32, #tpu.memory_space<hbm>> -> memref<8x1024xf32, #tpu.memory_space<hbm>>
    %dma_start3A_199 = arith.constant 0 : i32
    %dma_start3A_200 = tpu.memref_slice %arg5[%dma_start3A_191, %multiple_of3A_173, %dma_start3A_199] : memref<4x4096x1024xf32, #tpu.memory_space<hbm>> -> memref<1x8x1024xf32, #tpu.memory_space<hbm>>
    %dma_start3A_201 = tpu.memref_squeeze %dma_start3A_200 : memref<1x8x1024xf32, #tpu.memory_space<hbm>> -> memref<8x1024xf32, #tpu.memory_space<hbm>>
    %dma_start3A_202 = arith.constant 8 : i32
    %dma_start3A_203 = arith.constant 0 : i32
    %dma_start3A_204 = tpu.memref_slice %arg7[%dma_start3A_190, %dma_start3A_202, %dma_start3A_203] : memref<3x32x1024xf32, #tpu.memory_space<vmem>> -> memref<1x8x1024xf32, #tpu.memory_space<vmem>>
    %dma_start3A_205 = tpu.memref_squeeze %dma_start3A_204 : memref<1x8x1024xf32, #tpu.memory_space<vmem>> -> memref<8x1024xf32, #tpu.memory_space<vmem>>
    tpu.enqueue_dma source(%dma_start3A_205 : memref<8x1024xf32, #tpu.memory_space<vmem>>) target(%dma_start3A_201 : memref<8x1024xf32, #tpu.memory_space<hbm>>) target_semaphore(%arg15 : memref<!tpu.dma_semaphore, #tpu.memory_space<semaphore_mem>>)
    %dma_start3A_206 = arith.constant 0 : i32
    %dma_start3A_207 = arith.constant 2 : i32
    %dma_start3A_208 = arith.constant 16 : i32
    %dma_start3A_209 = arith.constant 0 : i32
    %dma_start3A_210 = tpu.memref_slice %arg7[%dma_start3A_206, %dma_start3A_208, %dma_start3A_209] : memref<3x32x1024xf32, #tpu.memory_space<vmem>> -> memref<1x8x1024xf32, #tpu.memory_space<vmem>>
    %dma_start3A_211 = tpu.memref_squeeze %dma_start3A_210 : memref<1x8x1024xf32, #tpu.memory_space<vmem>> -> memref<8x1024xf32, #tpu.memory_space<vmem>>
    %dma_start3A_212 = arith.constant 0 : i32
    %dma_start3A_213 = tpu.memref_slice %arg5[%dma_start3A_207, %multiple_of3A_173, %dma_start3A_212] : memref<4x4096x1024xf32, #tpu.memory_space<hbm>> -> memref<1x8x1024xf32, #tpu.memory_space<hbm>>
    %dma_start3A_214 = tpu.memref_squeeze %dma_start3A_213 : memref<1x8x1024xf32, #tpu.memory_space<hbm>> -> memref<8x1024xf32, #tpu.memory_space<hbm>>
    %dma_start3A_215 = arith.constant 0 : i32
    %dma_start3A_216 = tpu.memref_slice %arg5[%dma_start3A_207, %multiple_of3A_173, %dma_start3A_215] : memref<4x4096x1024xf32, #tpu.memory_space<hbm>> -> memref<1x8x1024xf32, #tpu.memory_space<hbm>>
    %dma_start3A_217 = tpu.memref_squeeze %dma_start3A_216 : memref<1x8x1024xf32, #tpu.memory_space<hbm>> -> memref<8x1024xf32, #tpu.memory_space<hbm>>
    %dma_start3A_218 = arith.constant 16 : i32
    %dma_start3A_219 = arith.constant 0 : i32
    %dma_start3A_220 = tpu.memref_slice %arg7[%dma_start3A_206, %dma_start3A_218, %dma_start3A_219] : memref<3x32x1024xf32, #tpu.memory_space<vmem>> -> memref<1x8x1024xf32, #tpu.memory_space<vmem>>
    %dma_start3A_221 = tpu.memref_squeeze %dma_start3A_220 : memref<1x8x1024xf32, #tpu.memory_space<vmem>> -> memref<8x1024xf32, #tpu.memory_space<vmem>>
    tpu.enqueue_dma source(%dma_start3A_221 : memref<8x1024xf32, #tpu.memory_space<vmem>>) target(%dma_start3A_217 : memref<8x1024xf32, #tpu.memory_space<hbm>>) target_semaphore(%arg15 : memref<!tpu.dma_semaphore, #tpu.memory_space<semaphore_mem>>)
    %dma_start3A_222 = arith.constant 0 : i32
    %dma_start3A_223 = arith.constant 3 : i32
    %dma_start3A_224 = arith.constant 24 : i32
    %dma_start3A_225 = arith.constant 0 : i32
    %dma_start3A_226 = tpu.memref_slice %arg7[%dma_start3A_222, %dma_start3A_224, %dma_start3A_225] : memref<3x32x1024xf32, #tpu.memory_space<vmem>> -> memref<1x8x1024xf32, #tpu.memory_space<vmem>>
    %dma_start3A_227 = tpu.memref_squeeze %dma_start3A_226 : memref<1x8x1024xf32, #tpu.memory_space<vmem>> -> memref<8x1024xf32, #tpu.memory_space<vmem>>
    %dma_start3A_228 = arith.constant 0 : i32
    %dma_start3A_229 = tpu.memref_slice %arg5[%dma_start3A_223, %multiple_of3A_173, %dma_start3A_228] : memref<4x4096x1024xf32, #tpu.memory_space<hbm>> -> memref<1x8x1024xf32, #tpu.memory_space<hbm>>
    %dma_start3A_230 = tpu.memref_squeeze %dma_start3A_229 : memref<1x8x1024xf32, #tpu.memory_space<hbm>> -> memref<8x1024xf32, #tpu.memory_space<hbm>>
    %dma_start3A_231 = arith.constant 0 : i32
    %dma_start3A_232 = tpu.memref_slice %arg5[%dma_start3A_223, %multiple_of3A_173, %dma_start3A_231] : memref<4x4096x1024xf32, #tpu.memory_space<hbm>> -> memref<1x8x1024xf32, #tpu.memory_space<hbm>>
    %dma_start3A_233 = tpu.memref_squeeze %dma_start3A_232 : memref<1x8x1024xf32, #tpu.memory_space<hbm>> -> memref<8x1024xf32, #tpu.memory_space<hbm>>
    %dma_start3A_234 = arith.constant 24 : i32
    %dma_start3A_235 = arith.constant 0 : i32
    %dma_start3A_236 = tpu.memref_slice %arg7[%dma_start3A_222, %dma_start3A_234, %dma_start3A_235] : memref<3x32x1024xf32, #tpu.memory_space<vmem>> -> memref<1x8x1024xf32, #tpu.memory_space<vmem>>
    %dma_start3A_237 = tpu.memref_squeeze %dma_start3A_236 : memref<1x8x1024xf32, #tpu.memory_space<vmem>> -> memref<8x1024xf32, #tpu.memory_space<vmem>>
    tpu.enqueue_dma source(%dma_start3A_237 : memref<8x1024xf32, #tpu.memory_space<vmem>>) target(%dma_start3A_233 : memref<8x1024xf32, #tpu.memory_space<hbm>>) target_semaphore(%arg15 : memref<!tpu.dma_semaphore, #tpu.memory_space<semaphore_mem>>)
    %dma_wait3A_238 = arith.constant 1 : i32
    %dma_wait3A_239 = arith.constant 0 : i32
    %dma_wait3A_240 = arith.constant 0 : i32
    %dma_wait3A_241 = arith.constant 0 : i32
    %dma_wait3A_242 = tpu.memref_slice %arg7[%dma_wait3A_238, %dma_wait3A_240, %dma_wait3A_241] : memref<3x32x1024xf32, #tpu.memory_space<vmem>> -> memref<1x32x1024xf32, #tpu.memory_space<vmem>>
    %dma_wait3A_243 = tpu.memref_squeeze %dma_wait3A_242 : memref<1x32x1024xf32, #tpu.memory_space<vmem>> -> memref<32x1024xf32, #tpu.memory_space<vmem>>
    %dma_wait3A_244 = arith.constant 0 : i32
    %dma_wait3A_245 = arith.constant 0 : i32
    %dma_wait3A_246 = tpu.memref_slice %arg5[%dma_wait3A_239, %dma_wait3A_244, %dma_wait3A_245] : memref<4x4096x1024xf32, #tpu.memory_space<hbm>> -> memref<1x32x1024xf32, #tpu.memory_space<hbm>>
    %dma_wait3A_247 = tpu.memref_squeeze %dma_wait3A_246 : memref<1x32x1024xf32, #tpu.memory_space<hbm>> -> memref<32x1024xf32, #tpu.memory_space<hbm>>
    %dma_wait3A_248 = arith.constant 0 : i32
    %dma_wait3A_249 = arith.constant 0 : i32
    %dma_wait3A_250 = tpu.memref_slice %arg5[%dma_wait3A_239, %dma_wait3A_248, %dma_wait3A_249] : memref<4x4096x1024xf32, #tpu.memory_space<hbm>> -> memref<1x32x1024xf32, #tpu.memory_space<hbm>>
    %dma_wait3A_251 = tpu.memref_squeeze %dma_wait3A_250 : memref<1x32x1024xf32, #tpu.memory_space<hbm>> -> memref<32x1024xf32, #tpu.memory_space<hbm>>
    %dma_wait3A_252 = arith.constant 0 : i32
    %dma_wait3A_253 = arith.constant 0 : i32
    %dma_wait3A_254 = tpu.memref_slice %arg7[%dma_wait3A_238, %dma_wait3A_252, %dma_wait3A_253] : memref<3x32x1024xf32, #tpu.memory_space<vmem>> -> memref<1x32x1024xf32, #tpu.memory_space<vmem>>
    %dma_wait3A_255 = tpu.memref_squeeze %dma_wait3A_254 : memref<1x32x1024xf32, #tpu.memory_space<vmem>> -> memref<32x1024xf32, #tpu.memory_space<vmem>>
    tpu.wait_dma2 semaphore(%arg16 : memref<!tpu.dma_semaphore, #tpu.memory_space<semaphore_mem>>) src(%dma_wait3A_255 : memref<32x1024xf32, #tpu.memory_space<vmem>>) dst(%dma_wait3A_251 : memref<32x1024xf32, #tpu.memory_space<hbm>>)
    %dma_wait3A_256 = arith.constant 2 : i32
    %dma_wait3A_257 = arith.constant 0 : i32
    %dma_wait3A_258 = arith.constant 0 : i32
    %dma_wait3A_259 = arith.constant 0 : i32
    %dma_wait3A_260 = tpu.memref_slice %arg7[%dma_wait3A_256, %dma_wait3A_258, %dma_wait3A_259] : memref<3x32x1024xf32, #tpu.memory_space<vmem>> -> memref<1x32x1024xf32, #tpu.memory_space<vmem>>
    %dma_wait3A_261 = tpu.memref_squeeze %dma_wait3A_260 : memref<1x32x1024xf32, #tpu.memory_space<vmem>> -> memref<32x1024xf32, #tpu.memory_space<vmem>>
    %dma_wait3A_262 = arith.constant 0 : i32
    %dma_wait3A_263 = arith.constant 0 : i32
    %dma_wait3A_264 = tpu.memref_slice %arg5[%dma_wait3A_257, %dma_wait3A_262, %dma_wait3A_263] : memref<4x4096x1024xf32, #tpu.memory_space<hbm>> -> memref<1x32x1024xf32, #tpu.memory_space<hbm>>
    %dma_wait3A_265 = tpu.memref_squeeze %dma_wait3A_264 : memref<1x32x1024xf32, #tpu.memory_space<hbm>> -> memref<32x1024xf32, #tpu.memory_space<hbm>>
    %dma_wait3A_266 = arith.constant 0 : i32
    %dma_wait3A_267 = arith.constant 0 : i32
    %dma_wait3A_268 = tpu.memref_slice %arg5[%dma_wait3A_257, %dma_wait3A_266, %dma_wait3A_267] : memref<4x4096x1024xf32, #tpu.memory_space<hbm>> -> memref<1x32x1024xf32, #tpu.memory_space<hbm>>
    %dma_wait3A_269 = tpu.memref_squeeze %dma_wait3A_268 : memref<1x32x1024xf32, #tpu.memory_space<hbm>> -> memref<32x1024xf32, #tpu.memory_space<hbm>>
    %dma_wait3A_270 = arith.constant 0 : i32
    %dma_wait3A_271 = arith.constant 0 : i32
    %dma_wait3A_272 = tpu.memref_slice %arg7[%dma_wait3A_256, %dma_wait3A_270, %dma_wait3A_271] : memref<3x32x1024xf32, #tpu.memory_space<vmem>> -> memref<1x32x1024xf32, #tpu.memory_space<vmem>>
    %dma_wait3A_273 = tpu.memref_squeeze %dma_wait3A_272 : memref<1x32x1024xf32, #tpu.memory_space<vmem>> -> memref<32x1024xf32, #tpu.memory_space<vmem>>
    tpu.wait_dma2 semaphore(%arg17 : memref<!tpu.dma_semaphore, #tpu.memory_space<semaphore_mem>>) src(%dma_wait3A_273 : memref<32x1024xf32, #tpu.memory_space<vmem>>) dst(%dma_wait3A_269 : memref<32x1024xf32, #tpu.memory_space<hbm>>)
    %dma_wait3A_274 = arith.constant 0 : i32
    %dma_wait3A_275 = arith.constant 0 : i32
    %dma_wait3A_276 = arith.constant 0 : i32
    %dma_wait3A_277 = arith.constant 0 : i32
    %dma_wait3A_278 = tpu.memref_slice %arg7[%dma_wait3A_274, %dma_wait3A_276, %dma_wait3A_277] : memref<3x32x1024xf32, #tpu.memory_space<vmem>> -> memref<1x32x1024xf32, #tpu.memory_space<vmem>>
    %dma_wait3A_279 = tpu.memref_squeeze %dma_wait3A_278 : memref<1x32x1024xf32, #tpu.memory_space<vmem>> -> memref<32x1024xf32, #tpu.memory_space<vmem>>
    %dma_wait3A_280 = arith.constant 0 : i32
    %dma_wait3A_281 = arith.constant 0 : i32
    %dma_wait3A_282 = tpu.memref_slice %arg5[%dma_wait3A_275, %dma_wait3A_280, %dma_wait3A_281] : memref<4x4096x1024xf32, #tpu.memory_space<hbm>> -> memref<1x32x1024xf32, #tpu.memory_space<hbm>>
    %dma_wait3A_283 = tpu.memref_squeeze %dma_wait3A_282 : memref<1x32x1024xf32, #tpu.memory_space<hbm>> -> memref<32x1024xf32, #tpu.memory_space<hbm>>
    %dma_wait3A_284 = arith.constant 0 : i32
    %dma_wait3A_285 = arith.constant 0 : i32
    %dma_wait3A_286 = tpu.memref_slice %arg5[%dma_wait3A_275, %dma_wait3A_284, %dma_wait3A_285] : memref<4x4096x1024xf32, #tpu.memory_space<hbm>> -> memref<1x32x1024xf32, #tpu.memory_space<hbm>>
    %dma_wait3A_287 = tpu.memref_squeeze %dma_wait3A_286 : memref<1x32x1024xf32, #tpu.memory_space<hbm>> -> memref<32x1024xf32, #tpu.memory_space<hbm>>
    %dma_wait3A_288 = arith.constant 0 : i32
    %dma_wait3A_289 = arith.constant 0 : i32
    %dma_wait3A_290 = tpu.memref_slice %arg7[%dma_wait3A_274, %dma_wait3A_288, %dma_wait3A_289] : memref<3x32x1024xf32, #tpu.memory_space<vmem>> -> memref<1x32x1024xf32, #tpu.memory_space<vmem>>
    %dma_wait3A_291 = tpu.memref_squeeze %dma_wait3A_290 : memref<1x32x1024xf32, #tpu.memory_space<vmem>> -> memref<32x1024xf32, #tpu.memory_space<vmem>>
    tpu.wait_dma2 semaphore(%arg15 : memref<!tpu.dma_semaphore, #tpu.memory_space<semaphore_mem>>) src(%dma_wait3A_291 : memref<32x1024xf32, #tpu.memory_space<vmem>>) dst(%dma_wait3A_287 : memref<32x1024xf32, #tpu.memory_space<hbm>>)
    return
  }
}

</mosaic_0001>

<sc_bundles>
// kernel: _embed.3.cloned.1.call-start
scs
__scs_entry_jumppad:
0x0: {  	(pc) =	sbr.rel $0x88, $3  }
0x1: {  	(tag) =	ssettag $0x0;
	lr =	simm.s32 $0x1  }
0x2: {  	[smem:$0x3F9E] =	sst lr;
	_ =	strace $0xD0000000  }
0x3: {  	_ = 	snop  }
0x4: {  	_ = 	snop  }
0x5: {  	_ = 	snop  }
0x6: {  	_ = 	snop  }
0x7: {  	_ = 	snop  }
__scs_overlays_trampoline_lowered:
0x8: {  	[smem:$0x3FAD] =	sst s0  }
0x9: {  	[smem:$0x3FAE] =	sst s1  }
0xa: {  	[smem:$0x3FAF] =	sst s2  }
0xb: {  	[smem:$0x3FB0] =	sst s3  }
0xc: {  	[smem:$0x3FB1] =	sst s4  }
0xd: {  	[smem:$0x3FB2] =	sst s5  }
0xe: {  	[smem:$0x3FB3] =	sst s6  }
0xf: {  	[smem:$0x3FB4] =	sst s7  }
0x10: {  	[smem:$0x3FB5] =	sst s8  }
0x11: {  	[smem:$0x3FB6] =	sst s9;
	s0 =	simm.s32 @!p0 $0x0  }
0x12: {  	s1 =	sld [smem:$0x3F9C];
	s0 =	simm.s32 @p0 $0x1  }
0x13: {  	[smem:$0x3FB7] =	sst s0;
	s0 =	simm.s32 @!p1 $0x0  }
0x14: {  	s2 =	sld [smem:$0x3F9B];
	s0 =	simm.s32 @p1 $0x1  }
0x15: {  	[smem:$0x3FB8] =	sst s0;
	s0 =	simm.s32 @!p2 $0x0  }
0x16: {  	s3 =	sld [smem:$0x3FDB];
	s0 =	simm.s32 @p2 $0x1  }
0x17: {  	s4 =	simm.s32 $0x1BF5;
	[smem:$0x3FBA] =	sst s0  }
0x18: {  	s0 =	sld [smem:$0x3F9D];
	_ =	swait.ge [sflag:s4], $0x0  }
0x19: {  	s7 =	sld [smem:$0x3F9E]  }
0x1a: {  	s8 =	sadd.s32 $0xFFFFE003, lr  }
0x1b: {  	s9 =	sadd.s32 $0xFFFFFEF7, lr;
	s5 =	simm.s32 $0xFFFFFFFF;
	p2 =	slt.u32 s8, $0xFFFFF086  }
0x1c: {  	p1 =	slt.u32 s9, $0xF7A;
	s5 =	simm.s32 @!p2 $0x0  }
0x1d: {  	s5 =	simm.s32 @p1 $0x1;
	p0 =	seq.s32 s7, s2  }
0x1e: {  	s7 =	smul.u32 @!p0 $0xF7A, s2;
	p2 =	seq.s32 @!p0 s5, $0x0  }
0x1f: {  	s9 =	smul.u32 $0xF7A, s1;
	s8 =	simm.s32 @!p0 $0x1BF5;
	p2 =	por !p2, p0  }
0x20: {  	[sflag:s8] =	ssyncset.s32 @!p0 $0xFFFFF086;
	s6 =	sadd.s32 @!p0 s3, s7;
	s7 =	simm.s32 @!p0 $0x108  }
0x21: {  	s3 =	sadd.s32 s3, s9;
	s6 =	sadd.s32 @!p0 $0x88, s6;
	s7 =	simm.s32 @p2 $0x1082  }
0x22: {  	[simem:s7], [sflag:s8] =	dma.local @!p0 [hbm:s6], $0xF7A  }
0x23: {  	s9 =	sor.u32 $0xD0000000, s2;
	s6 =	simm.s32 $0x108;
	_ =	swait.ge @!p0 [sflag:s8], $0x0  }
0x24: {  	s3 =	sadd.s32 $0x88, s3;
	s6 =	simm.s32 @!p1 $0x1082;
	[sflag:s4] =	ssyncset.s32 $0xFFFFF086  }
0x25: {  	[simem:s6], [sflag:s4] =	dma.local [hbm:s3], $0xF7A  }
0x26: {  	[smem:$0x3F9E] =	sst s1;
	(tag) =	ssettag s2;
	_ =	strace s9  }
0x27: {  	s1 =	sld [smem:$0x3FAE]  }
0x28: {  	s2 =	sld [smem:$0x3FAF]  }
0x29: {  	s4 =	sld [smem:$0x3FB1]  }
0x2a: {  	p0 =	seq.s32 s5, $0x0;
	s5 =	sld [smem:$0x3FB2]  }
0x2b: {  	s6 =	sld [smem:$0x3FB3]  }
0x2c: {  	s7 =	sld [smem:$0x3FB4]  }
0x2d: {  	s3 =	simm.s32 $0x108;
	s8 =	sld [smem:$0x3FB5]  }
0x2e: {  	s3 =	simm.s32 @!p0 $0x1082;
	s9 =	sld [smem:$0x3FB6]  }
0x2f: {  	lr =	sadd.s32 s0, s3;
	s0 =	sld [smem:$0x3FAD]  }
0x30: {  	s3 =	sld [smem:$0x3FB0]  }
0x31: {  	[smem:$0x3FB9] =	sst s10  }
0x32: {  	s10 =	sld [smem:$0x3FB7];
	_ =	sdelay $0x3  }
0x33: {  	p0 =	seq.s32 s10, $0x1;
	s10 =	sld [smem:$0x3FB9];
	_ =	sdelay $0x3  }
0x34: {  	[smem:$0x3FB9] =	sst s10  }
0x35: {  	s10 =	sld [smem:$0x3FB8];
	_ =	sdelay $0x3  }
0x36: {  	p1 =	seq.s32 s10, $0x1;
	s10 =	sld [smem:$0x3FB9];
	_ =	sdelay $0x3  }
0x37: {  	[smem:$0x3FB9] =	sst s10  }
0x38: {  	s10 =	sld [smem:$0x3FBA]  }
0x39: {  	_ = 	snop;
	(pc) =	sbr.ind lr, $3  }
0x3a: {  	_ = 	snop  }
0x3b: {  	_ = 	snop  }
0x3c: {  	p2 =	seq.s32 s10, $0x1;
	s10 =	sld [smem:$0x3FB9]  }
0x3d: {  	_ =	shalt  }
0x3e: {  	_ =	shalt  }
0x3f: {  	_ =	shalt  }
0x40: {  	_ =	shalt  }
0x41: {  	_ =	shalt  }
0x42: {  	_ =	shalt  }
0x43: {  	_ =	shalt  }
0x44: {  	_ =	shalt  }
0x45: {  	_ =	shalt  }
0x46: {  	_ =	shalt  }
0x47: {  	_ =	shalt  }
0x48: {  	_ =	shalt  }
0x49: {  	_ =	shalt  }
0x4a: {  	_ =	shalt  }
0x4b: {  	_ =	shalt  }
0x4c: {  	_ =	shalt  }
0x4d: {  	_ =	shalt  }
0x4e: {  	_ =	shalt  }
0x4f: {  	_ =	shalt  }
0x50: {  	_ =	shalt  }
0x51: {  	_ =	shalt  }
0x52: {  	_ =	shalt  }
0x53: {  	_ =	shalt  }
0x54: {  	_ =	shalt  }
0x55: {  	_ =	shalt  }
0x56: {  	_ =	shalt  }
0x57: {  	_ =	shalt  }
0x58: {  	_ =	shalt  }
0x59: {  	_ =	shalt  }
0x5a: {  	_ =	shalt  }
0x5b: {  	_ =	shalt  }
0x5c: {  	_ =	shalt  }
0x5d: {  	_ =	shalt  }
0x5e: {  	_ =	shalt  }
0x5f: {  	_ =	shalt  }
0x60: {  	_ =	shalt  }
0x61: {  	_ =	shalt  }
0x62: {  	_ =	shalt  }
0x63: {  	_ =	shalt  }
0x64: {  	_ =	shalt  }
0x65: {  	_ =	shalt  }
0x66: {  	_ =	shalt  }
0x67: {  	_ =	shalt  }
0x68: {  	_ =	shalt  }
0x69: {  	_ =	shalt  }
0x6a: {  	_ =	shalt  }
0x6b: {  	_ =	shalt  }
0x6c: {  	_ =	shalt  }
0x6d: {  	_ =	shalt  }
0x6e: {  	_ =	shalt  }
0x6f: {  	_ =	shalt  }
0x70: {  	_ =	shalt  }
0x71: {  	_ =	shalt  }
0x72: {  	_ =	shalt  }
0x73: {  	_ =	shalt  }
0x74: {  	_ =	shalt  }
0x75: {  	_ =	shalt  }
0x76: {  	_ =	shalt  }
0x77: {  	_ =	shalt  }
0x78: {  	_ =	shalt  }
0x79: {  	_ =	shalt  }
0x7a: {  	_ =	shalt  }
0x7b: {  	_ =	shalt  }
0x7c: {  	_ =	shalt  }
0x7d: {  	_ =	shalt  }
0x7e: {  	_ =	shalt  }
0x7f: {  	_ =	shalt  }
0x80: {  	_ =	shalt  }
0x81: {  	_ =	shalt  }
0x82: {  	_ =	shalt  }
0x83: {  	_ =	shalt  }
0x84: {  	_ =	shalt  }
0x85: {  	_ =	shalt  }
0x86: {  	_ =	shalt  }
0x87: {  	_ =	shalt  }
.Lfunc_end0:
.L_simem_size_0:
called_computation_lowered:
.L_overlay_start_0:
0x88: {  	s2 =	sld [smem:$0x3FD9]  }
0x89: {  	s3 =	sld [smem:$0x3FFE];
	_ =	sdelay $0x1  }
0x8a: {  	s1 =	srdreg.scid  }
0x8b: {  	s0 =	sand.u32 $0x1, s1  }
0x8c: {  	s18 =	sshll.u32 s0, $0xA;
	s2 =	sadd.s32 s3, s2  }
0x8d: {  	s2 =	sadd.s32 s2, s18  }
0x8e: {  	[smem:$0x3FC5] =	sst s2  }
0x8f: {  	_ = 	snop  }
0x90: {  	s2 =	sld [smem:$0x3FC9]  }
0x91: {  	s19 =	sld [smem:$0x3FC8]  }
0x92: {  	s4 =	sld [smem:$0x3FC7]  }
0x93: {  	s5 =	sld [smem:$0x3FD0];
	(tm) =	ssettm $0x1  }
0x94: {  	s6 =	sld [smem:$0x3FFB];
	_ =	sdelay $0x3  }
0x95: {  	_ =	strace s6  }
0x96: {  	s6 =	sld [smem:$0x3FFC];
	_ =	sdelay $0x3  }
0x97: {  	_ =	strace s6  }
0x98: {  	s6 =	sld [smem:$0x3FFD];
	_ =	sdelay $0x3  }
0x99: {  	_ =	strace s6  }
0x9a: {  	_ =	strace $0x8FFFFFFF  }
0x9b: {  	s20 =	sld [smem:$0x3FDB];
	_ =	sdelay $0x1  }
0x9c: {  	s7 =	simm.s32 $_scs_section_size  }
0x9d: {  	s8 =	simm.s32 $_size__tile_overlayer_lowered;
	s9 =	simm.s32 $_tile_overlayer_lowered  }
0x9e: {  	s23 =	simm.s32 $0x1BFF;
	s22 =	sshll.u32 s9, $0x1;
	s6 =	sadd.s32 s7, s20  }
0x9f: {  	s10 =	simm.s32 $0x0;
	s21 =	sshll.u32 s8, $0x1;
	s8 =	sadd.s32 s22, s6  }
0xa0: {  	[timem:s10], [sflag:s23] =	dma.local [hbm:s8], s21  }
0xa1: {  	_ =	swait.ge [sflag:s23], s21  }
0xa2: {  	s7 =	ssub.s32 $0x0, s21;
	[sflag:s23] =	ssyncset.done $0x0  }
0xa3: {  	[sflag:s23] =	ssyncadd.s32 s7;
	_ =	sdelay $0x1  }
0xa4: {  	s24 =	simm.s32 $0x1B8B  }
0xa5: {  	_ =	swait.ge [sflag:s24], $0x1  }
0xa6: {  	[sflag:s24] =	ssyncset.done $0x0  }
0xa7: {  	s25 =	simm.s32 $0x1B8E;
	[sflag:s24] =	ssyncadd.s32 $0xFFFFFFFF  }
0xa8: {  	s26 =	simm.s32 $execute0_lowered;
	[smem:$0x3FD2] =	sst s25  }
0xa9: {  	s7 =	sshll.u32 s26, $0x1;
	_ =	strace $0x80000046;
	[dreg:$0x1] =	wrdreg $0xFFFFFFFF  }
0xaa: {  	s28 =	simm.s32 $_size_execute0_lowered;
	s6 =	sadd.s32 s6, s7;
	[dreg:$0x0] =	wrdreg $0x0  }
0xab: {  	s7 =	sshll.u32 s28, $0x1;
	[dreg:$0x2] =	wrdreg s6  }
0xac: {  	[dreg:$0x3] =	wrdreg s7  }
0xad: {  	[dreg:$0x4] =	wrdreg $0xC0  }
0xae: {  	_ =	task [dreg:s10], $0x5FFFF  }
0xaf: {  	[dreg:$0x1] =	wrdreg $0xFFFFFFFF  }
0xb0: {  	[dreg:$0x0] =	wrdreg $0x60  }
0xb1: {  	[dreg:$0x2] =	wrdreg s2  }
0xb2: {  	[dreg:$0x3] =	wrdreg s19  }
0xb3: {  	[dreg:$0x4] =	wrdreg s4  }
0xb4: {  	[dreg:$0x5] =	wrdreg s5  }
0xb5: {  	[dreg:$0x6] =	wrdreg $0x9  }
0xb6: {  	_ =	task.clear_ibuf [dreg:s10], $0x7FFFF;
	_ =	strace $0x90000046  }
0xb7: {  	s29 =	simm.s32 $0x9;
	_ =	strace $0x80000048  }
0xb8: {  	_ =	swait.ge [sflag:s29], $0x1  }
0xb9: {  	[sflag:s29] =	ssyncadd.s32 $0xFFFFFFFF  }
0xba: {  	_ =	strace $0x90000048  }
0xbb: {  	_ =	sfence  }
0xbc: {  	s30 =	sld [smem:$0x0];
	_ =	sdelay $0x2  }
0xbd: {  	s31 =	sshll.u32 s1, $0xD;
	s1 =	sshrl.u32 s1, $0x2  }
0xbe: {  	s3 =	sand.u32 $0x4000, s31;
	s1 =	sadd.s32 s1, s30  }
0xbf: {  	s0 =	sor.u32 s3, s0;
	s1 =	sshll.u32 s1, $0x11  }
0xc0: {  	s0 =	sor.u32 s1, s0  }
0xc1: {  	s0 =	sadd.s32 $0x8F2B, s0  }
0xc2: {  	[sflag:s0] =	ssyncadd.remote.s32 $0x1  }
0xc3: {  	_ =	sfence.sel $0xFFFF  }
0xc4: {  	[dreg:$0x0] =	wrdreg $0xFFFFFFFF;
	(pc) =	sbr.abs _section_cstart, $3  }
0xc5: {  	[dreg:$0x1] =	wrdreg $0xFFFFFFFF  }
0xc6: {  	_ =	task.clear_ibuf [dreg:s10], $0x2FFFF;
	_ =	strace $0x9FFFFFFF  }
0xc7: {  	(tm) =	ssettm $0x7FFFFFFF  }
tec
execute0_lowered:
.L_overlay_start_1:
0x0: {  	(tag) =	ssettag $0x1  }
0x1: {  	s0 =	rddreg [dreg:$0x0]  }
0x2: {  	s1 =	rddreg [dreg:$0x1];
	s2 =	srdreg.scid  }
0x3: {  	s3 =	rddreg [dreg:$0x2];
	s5 =	stileid.u32  }
0x4: {  	s4 =	rddreg [dreg:$0x3];
	s30 =	simm.s32 $0x200;
	s9 =	simm.s32 $0x4200  }
0x5: {  	s29 =	simm.s32 $0x10200;
	s31 =	simm.s32 $0x12200;
	s28 =	simm.s32 $0x4  }
0x6: {  	s10 =	simm.s32 $0x7;
	s15 =	simm.s32 $0x5;
	s2 =	sand.u32 $0x1, s2  }
0x7: {  	s6 =	sshll.u32 s5, $0x8;
	s5 =	simm.s32 $0x0;
	s7 =	sshll.u32 s2, $0x7  }
0x8: {  	[smem:$0x7FF] =	sst s5;
	s2 =	ssub.s32 $0x2, s2;
	s6 =	sor.u32 s7, s6  }
0x9: {  	_ =	strace $0x80000047;
	s8 =	sshrl.u32 s2, $0x1;
	s22 =	sor.u32 $0x8, s6  }
0xa: {  	s7 =	sshrl.u32 s6, $0x1;
	s23 =	sshrl.u32 s6, $0x3;
	[dreg:$0xb] =	wrdreg s22  }
0xb: {  	s19 =	sshll.u32 s6, $0x7;
	s7 =	sadd.s32 s0, s7;
	[dreg:$0xc] =	wrdreg s23  }
0xc: {  	s17 =	ssub.s32 s2, s8;
	s21 =	sadd.s32 s3, s19;
	[dreg:$0x5] =	wrdreg s7  }
0xd: {  	s12 =	sadd.s32 $0x100, s1;
	s0 =	smax.u32 s17, $0x1;
	[dreg:$0x9] =	wrdreg s21  }
0xe: {  	s13 =	sadd.s32 $0x200, s1;
	s18 =	sadd.s32 $0x10, s7;
	[dreg:$0x11] =	wrdreg s0  }
0xf: {  	s14 =	sadd.s32 $0x300, s1;
	s20 =	sadd.s32 $0x20, s7;
	[dreg:$0x6] =	wrdreg s18  }
0x10: {  	s2 =	sadd.s32 s19, s4;
	s7 =	sadd.s32 $0x30, s7;
	[dreg:$0x7] =	wrdreg s20  }
0x11: {  	s16 =	sadd.s32 $0x100000, s4;
	s24 =	sadd.s32 $0x83C00, s2;
	[dreg:$0x8] =	wrdreg s7  }
0x12: {  	s8 =	simm.s32 $0x1;
	s25 =	sadd.s32 $0x3C00, s2;
	[dreg:$0xd] =	wrdreg s24  }
0x13: {  	s19 =	simm.s32 $0x2;
	s26 =	sadd.s32 $0x103C00, s2;
	[dreg:$0xe] =	wrdreg s25  }
0x14: {  	s22 =	simm.s32 $0x3;
	s2 =	sadd.s32 $0x183C00, s2;
	[dreg:$0xf] =	wrdreg s26  }
0x15: {  	v0 =	vlaneseq.u32;
	s0 =	simm.s32 $0x14200;
	s7 =	sadd.s32 $0x400, s21;
	[dreg:$0x10] =	wrdreg s2  }
0x16: {  	v1 =	vshrl.u32 v0, $0x3;
	s25 =	simm.s32 $0x2200;
	s20 =	simm.s32 $0x6200;
	s26 =	simm.s32 $0x16200  }
0x17: {  	vm0 =	vmmov $0xffff;
	v0 =	vand.u32 $0x7, v0;
	v1 =	vmul.u32 $0x8, v1;
	s21 =	simm.s32 $0x6;
	[dreg:$0xa] =	wrdreg s7;
	s7 =	simm.s32 $0x0  }
.LBB2_1:
0x18: {  	[dreg:$0x12] =	wrdreg s7  }
0x19: {  	s2 =	rddreg [dreg:$0x5];
	s7 =	simm.s32 $0xA  }
0x1a: {  	[tilespmem:s5], [sflag:$0xA] =	stream.linear.gather [hbm4b:s2+s5], $0x80, $0x38;
	[tilespmem:$0x1E200] =	vst v63  }
0x1b: {  	_ =	swait.ge [sflag:s7], $0x80  }
0x1c: {  	[sflag:s7] =	ssyncset.done $0x0  }
0x1d: {  	s11 =	simm.s32 $0x80;
	s18 =	rddreg [dreg:$0x6];
	[sflag:s7] =	ssyncadd.s32 $0xFFFFFF80  }
0x1e: {  	[tilespmem:s11], [sflag:$0xA] =	stream.linear.gather [hbm4b:s18+s5], $0x80, $0x38;
	[tilespmem:$0x1E200] =	vst v63  }
0x1f: {  	_ =	swait.ge [sflag:s7], $0x80  }
0x20: {  	[sflag:s7] =	ssyncset.done $0x0  }
0x21: {  	s24 =	simm.s32 $0x100;
	s23 =	rddreg [dreg:$0x7];
	[sflag:s7] =	ssyncadd.s32 $0xFFFFFF80  }
0x22: {  	[tilespmem:s24], [sflag:$0xA] =	stream.linear.gather [hbm4b:s23+s5], $0x80, $0x38;
	[tilespmem:$0x1E200] =	vst v63  }
0x23: {  	_ =	swait.ge [sflag:s7], $0x80  }
0x24: {  	[sflag:s7] =	ssyncset.done $0x0  }
0x25: {  	s18 =	simm.s32 $0x180;
	s17 =	rddreg [dreg:$0x8];
	[sflag:s7] =	ssyncadd.s32 $0xFFFFFF80  }
0x26: {  	[tilespmem:s18], [sflag:$0xA] =	stream.linear.gather [hbm4b:s17+s5], $0x80, $0x38;
	[tilespmem:$0x1E200] =	vst v63  }
0x27: {  	_ =	swait.ge [sflag:s7], $0x80  }
0x28: {  	[sflag:s7] =	ssyncset.done $0x0  }
0x29: {  	s24 =	simm.s32 $0x18200;
	s23 =	rddreg [dreg:$0x9];
	[sflag:s7] =	ssyncadd.s32 $0xFFFFFF80  }
0x2a: {  	[tilespmem:s24], [sflag:$0x4] =	stream.linear.gather [hbm4b:s23+s5], $0x2000, $0x38;
	[tilespmem:$0x1E200] =	vst v63  }
0x2b: {  	v2 =	vld.msk [tilespmem:$0x0], $0xff;
	_ =	sdelay $0x4  }
0x2c: {  	v3 =	vshll.u32 v2, $0x3  }
0x2d: {  	v2 =	vand.u32 $0x7, v2;
	v3 =	vand.u32 $0xFFFFFFC0, v3  }
0x2e: {  	v2 =	vor.u32 v2, v3  }
0x2f: {  	v2 =	vperm.xlane v2, v0;
	_ =	sdelay $0x1  }
0x30: {  	v2 =	vadd.s32 v1, v2;
	_ =	sdelay $0x4  }
0x31: {  	[tilespmem:s30], [sflag:$0x1] =	stream.indirect_vreg.gather [hbm4b:s1+s5], $0x80, v2, vm0, $0xb8;
	[tilespmem:$0x1E200] =	vst v63  }
0x32: {  	s7 =	simm.s32 $0xA00  }
0x33: {  	[tilespmem:s7], [sflag:$0x1] =	stream.indirect_vreg.gather [hbm4b:s12+s5], $0x80, v2, vm0, $0xb8;
	[tilespmem:$0x1E200] =	vst v63  }
0x34: {  	s11 =	simm.s32 $0x1200  }
0x35: {  	[tilespmem:s11], [sflag:$0x1] =	stream.indirect_vreg.gather [hbm4b:s13+s5], $0x80, v2, vm0, $0xb8;
	[tilespmem:$0x1E200] =	vst v63  }
0x36: {  	s17 =	simm.s32 $0x1A00  }
0x37: {  	[tilespmem:s17], [sflag:$0x1] =	stream.indirect_vreg.gather [hbm4b:s14+s5], $0x80, v2, vm0, $0xb8;
	[tilespmem:$0x1E200] =	vst v63  }
0x38: {  	v2 =	vld.msk [tilespmem:$0x80], $0xff;
	_ =	sdelay $0x4  }
0x39: {  	v3 =	vshll.u32 v2, $0x3  }
0x3a: {  	v2 =	vand.u32 $0x7, v2;
	v3 =	vand.u32 $0xFFFFFFC0, v3  }
0x3b: {  	v2 =	vor.u32 v2, v3  }
0x3c: {  	v2 =	vperm.xlane v2, v0;
	_ =	sdelay $0x1  }
0x3d: {  	v2 =	vadd.s32 v1, v2;
	_ =	sdelay $0x4  }
0x3e: {  	[tilespmem:s25], [sflag:$0x1] =	stream.indirect_vreg.gather [hbm4b:s1+s5], $0x80, v2, vm0, $0xb8;
	[tilespmem:$0x1E200] =	vst v63  }
0x3f: {  	s18 =	simm.s32 $0x2A00  }
0x40: {  	[tilespmem:s18], [sflag:$0x1] =	stream.indirect_vreg.gather [hbm4b:s12+s5], $0x80, v2, vm0, $0xb8;
	[tilespmem:$0x1E200] =	vst v63  }
0x41: {  	s23 =	simm.s32 $0x3200  }
0x42: {  	[tilespmem:s23], [sflag:$0x1] =	stream.indirect_vreg.gather [hbm4b:s13+s5], $0x80, v2, vm0, $0xb8;
	[tilespmem:$0x1E200] =	vst v63  }
0x43: {  	s24 =	simm.s32 $0x3A00  }
0x44: {  	[tilespmem:s24], [sflag:$0x1] =	stream.indirect_vreg.gather [hbm4b:s14+s5], $0x80, v2, vm0, $0xb8;
	[tilespmem:$0x1E200] =	vst v63  }
0x45: {  	v2 =	vld.msk [tilespmem:$0x100], $0xff;
	_ =	sdelay $0x4  }
0x46: {  	v3 =	vshll.u32 v2, $0x3  }
0x47: {  	v2 =	vand.u32 $0x7, v2;
	v3 =	vand.u32 $0xFFFFFFC0, v3  }
0x48: {  	v2 =	vor.u32 v2, v3  }
0x49: {  	v2 =	vperm.xlane v2, v0;
	_ =	sdelay $0x1  }
0x4a: {  	v2 =	vadd.s32 v1, v2;
	_ =	sdelay $0x4  }
0x4b: {  	[tilespmem:s9], [sflag:$0x1] =	stream.indirect_vreg.gather [hbm4b:s1+s5], $0x80, v2, vm0, $0xb8;
	[tilespmem:$0x1E200] =	vst v63  }
0x4c: {  	s7 =	simm.s32 $0x4A00  }
0x4d: {  	[tilespmem:s7], [sflag:$0x1] =	stream.indirect_vreg.gather [hbm4b:s12+s5], $0x80, v2, vm0, $0xb8;
	[tilespmem:$0x1E200] =	vst v63  }
0x4e: {  	s11 =	simm.s32 $0x5200  }
0x4f: {  	[tilespmem:s11], [sflag:$0x1] =	stream.indirect_vreg.gather [hbm4b:s13+s5], $0x80, v2, vm0, $0xb8;
	[tilespmem:$0x1E200] =	vst v63  }
0x50: {  	s17 =	simm.s32 $0x5A00  }
0x51: {  	[tilespmem:s17], [sflag:$0x1] =	stream.indirect_vreg.gather [hbm4b:s14+s5], $0x80, v2, vm0, $0xb8;
	[tilespmem:$0x1E200] =	vst v63  }
0x52: {  	v2 =	vld.msk [tilespmem:$0x180], $0xff;
	_ =	sdelay $0x4  }
0x53: {  	v3 =	vshll.u32 v2, $0x3  }
0x54: {  	v2 =	vand.u32 $0x7, v2;
	v3 =	vand.u32 $0xFFFFFFC0, v3  }
0x55: {  	v2 =	vor.u32 v2, v3  }
0x56: {  	v2 =	vperm.xlane v2, v0;
	_ =	sdelay $0x1  }
0x57: {  	v2 =	vadd.s32 v1, v2;
	_ =	sdelay $0x4  }
0x58: {  	[tilespmem:s20], [sflag:$0x1] =	stream.indirect_vreg.gather [hbm4b:s1+s5], $0x80, v2, vm0, $0xb8;
	[tilespmem:$0x1E200] =	vst v63  }
0x59: {  	s18 =	simm.s32 $0x6A00  }
0x5a: {  	[tilespmem:s18], [sflag:$0x1] =	stream.indirect_vreg.gather [hbm4b:s12+s5], $0x80, v2, vm0, $0xb8;
	[tilespmem:$0x1E200] =	vst v63  }
0x5b: {  	s23 =	simm.s32 $0x7200  }
0x5c: {  	[tilespmem:s23], [sflag:$0x1] =	stream.indirect_vreg.gather [hbm4b:s13+s5], $0x80, v2, vm0, $0xb8;
	[tilespmem:$0x1E200] =	vst v63  }
0x5d: {  	s24 =	simm.s32 $0x7A00  }
0x5e: {  	[tilespmem:s24], [sflag:$0x1] =	stream.indirect_vreg.gather [hbm4b:s14+s5], $0x80, v2, vm0, $0xb8;
	[tilespmem:$0x1E200] =	vst v63  }
0x5f: {  	s7 =	rddreg [dreg:$0xa];
	s11 =	simm.s32 $0x1A200  }
0x60: {  	[tilespmem:s11], [sflag:$0x5] =	stream.linear.gather [hbm4b:s7+s5], $0x2000, $0x38;
	[tilespmem:$0x1E200] =	vst v63  }
0x61: {  	v2 =	vld.msk [tilespmem:$0x8], $0xff;
	_ =	sdelay $0x4  }
0x62: {  	v3 =	vshll.u32 v2, $0x3  }
0x63: {  	v2 =	vand.u32 $0x7, v2;
	v3 =	vand.u32 $0xFFFFFFC0, v3  }
0x64: {  	v2 =	vor.u32 v2, v3  }
0x65: {  	v2 =	vperm.xlane v2, v0;
	_ =	sdelay $0x1  }
0x66: {  	v2 =	vadd.s32 v1, v2;
	_ =	sdelay $0x3  }
0x67: {  	s17 =	simm.s32 $0x8200  }
0x68: {  	[tilespmem:s17], [sflag:$0x2] =	stream.indirect_vreg.gather [hbm4b:s1+s5], $0x80, v2, vm0, $0xb8;
	[tilespmem:$0x1E200] =	vst v63  }
0x69: {  	s18 =	simm.s32 $0x8A00  }
0x6a: {  	[tilespmem:s18], [sflag:$0x2] =	stream.indirect_vreg.gather [hbm4b:s12+s5], $0x80, v2, vm0, $0xb8;
	[tilespmem:$0x1E200] =	vst v63  }
0x6b: {  	s23 =	simm.s32 $0x9200  }
0x6c: {  	[tilespmem:s23], [sflag:$0x2] =	stream.indirect_vreg.gather [hbm4b:s13+s5], $0x80, v2, vm0, $0xb8;
	[tilespmem:$0x1E200] =	vst v63  }
0x6d: {  	s24 =	simm.s32 $0x9A00  }
0x6e: {  	[tilespmem:s24], [sflag:$0x2] =	stream.indirect_vreg.gather [hbm4b:s14+s5], $0x80, v2, vm0, $0xb8;
	[tilespmem:$0x1E200] =	vst v63  }
0x6f: {  	v2 =	vld.msk [tilespmem:$0x88], $0xff;
	_ =	sdelay $0x4  }
0x70: {  	v3 =	vshll.u32 v2, $0x3  }
0x71: {  	v2 =	vand.u32 $0x7, v2;
	v3 =	vand.u32 $0xFFFFFFC0, v3  }
0x72: {  	v2 =	vor.u32 v2, v3  }
0x73: {  	v2 =	vperm.xlane v2, v0;
	_ =	sdelay $0x1  }
0x74: {  	v2 =	vadd.s32 v1, v2;
	_ =	sdelay $0x3  }
0x75: {  	s7 =	simm.s32 $0xA200  }
0x76: {  	[tilespmem:s7], [sflag:$0x2] =	stream.indirect_vreg.gather [hbm4b:s1+s5], $0x80, v2, vm0, $0xb8;
	[tilespmem:$0x1E200] =	vst v63  }
0x77: {  	s11 =	simm.s32 $0xAA00  }
0x78: {  	[tilespmem:s11], [sflag:$0x2] =	stream.indirect_vreg.gather [hbm4b:s12+s5], $0x80, v2, vm0, $0xb8;
	[tilespmem:$0x1E200] =	vst v63  }
0x79: {  	s17 =	simm.s32 $0xB200  }
0x7a: {  	[tilespmem:s17], [sflag:$0x2] =	stream.indirect_vreg.gather [hbm4b:s13+s5], $0x80, v2, vm0, $0xb8;
	[tilespmem:$0x1E200] =	vst v63  }
0x7b: {  	s18 =	simm.s32 $0xBA00  }
0x7c: {  	[tilespmem:s18], [sflag:$0x2] =	stream.indirect_vreg.gather [hbm4b:s14+s5], $0x80, v2, vm0, $0xb8;
	[tilespmem:$0x1E200] =	vst v63  }
0x7d: {  	v2 =	vld.msk [tilespmem:$0x108], $0xff;
	_ =	sdelay $0x4  }
0x7e: {  	v3 =	vshll.u32 v2, $0x3  }
0x7f: {  	v2 =	vand.u32 $0x7, v2;
	v3 =	vand.u32 $0xFFFFFFC0, v3  }
0x80: {  	v2 =	vor.u32 v2, v3  }
0x81: {  	v2 =	vperm.xlane v2, v0;
	_ =	sdelay $0x1  }
0x82: {  	v2 =	vadd.s32 v1, v2;
	_ =	sdelay $0x3  }
0x83: {  	s23 =	simm.s32 $0xC200  }
0x84: {  	[tilespmem:s23], [sflag:$0x2] =	stream.indirect_vreg.gather [hbm4b:s1+s5], $0x80, v2, vm0, $0xb8;
	[tilespmem:$0x1E200] =	vst v63  }
0x85: {  	s24 =	simm.s32 $0xCA00  }
0x86: {  	[tilespmem:s24], [sflag:$0x2] =	stream.indirect_vreg.gather [hbm4b:s12+s5], $0x80, v2, vm0, $0xb8;
	[tilespmem:$0x1E200] =	vst v63  }
0x87: {  	s7 =	simm.s32 $0xD200  }
0x88: {  	[tilespmem:s7], [sflag:$0x2] =	stream.indirect_vreg.gather [hbm4b:s13+s5], $0x80, v2, vm0, $0xb8;
	[tilespmem:$0x1E200] =	vst v63  }
0x89: {  	s11 =	simm.s32 $0xDA00  }
0x8a: {  	[tilespmem:s11], [sflag:$0x2] =	stream.indirect_vreg.gather [hbm4b:s14+s5], $0x80, v2, vm0, $0xb8;
	[tilespmem:$0x1E200] =	vst v63  }
0x8b: {  	v2 =	vld.msk [tilespmem:$0x188], $0xff;
	_ =	sdelay $0x4  }
0x8c: {  	v3 =	vshll.u32 v2, $0x3  }
0x8d: {  	v2 =	vand.u32 $0x7, v2;
	v3 =	vand.u32 $0xFFFFFFC0, v3  }
0x8e: {  	v2 =	vor.u32 v2, v3  }
0x8f: {  	v2 =	vperm.xlane v2, v0;
	_ =	sdelay $0x1  }
0x90: {  	v2 =	vadd.s32 v1, v2;
	_ =	sdelay $0x3  }
0x91: {  	s17 =	simm.s32 $0xE200  }
0x92: {  	[tilespmem:s17], [sflag:$0x2] =	stream.indirect_vreg.gather [hbm4b:s1+s5], $0x80, v2, vm0, $0xb8;
	[tilespmem:$0x1E200] =	vst v63  }
0x93: {  	s18 =	simm.s32 $0xEA00  }
0x94: {  	[tilespmem:s18], [sflag:$0x2] =	stream.indirect_vreg.gather [hbm4b:s12+s5], $0x80, v2, vm0, $0xb8;
	[tilespmem:$0x1E200] =	vst v63  }
0x95: {  	s23 =	simm.s32 $0xF200  }
0x96: {  	[tilespmem:s23], [sflag:$0x2] =	stream.indirect_vreg.gather [hbm4b:s13+s5], $0x80, v2, vm0, $0xb8;
	[tilespmem:$0x1E200] =	vst v63  }
0x97: {  	s24 =	simm.s32 $0xFA00;
	s7 =	simm.s32 $0x0  }
0x98: {  	[tilespmem:s24], [sflag:$0x2] =	stream.indirect_vreg.gather [hbm4b:s14+s5], $0x80, v2, vm0, $0xb8;
	[tilespmem:$0x1E200] =	vst v63  }
.LBB2_2:
0x99: {  	s2 =	smul.u32 $0x3, s7;
	_ =	sdelay $0x1  }
0x9a: {  	p0 =	seq.s32 s7, $0x0;
	s11 =	sadd.s32 $0x2, s2  }
0x9b: {  	s2 =	simm.s32 @!p0 $0x9;
	s18 =	sshll.u32 s11, $0x3  }
0x9c: {  	_ =	swait.ge @!p0 [sflag:s2], $0x8000;
	s17 =	sadd.s32 s6, s18  }
0x9d: {  	s23 =	simm.s32 $0x1C200;
	[sflag:s2] =	ssyncset.done @!p0 $0x0;
	s17 =	sshll.u32 s17, $0x7  }
0x9e: {  	[sflag:s2] =	ssyncadd.s32 @!p0 $0xFFFF8000;
	s24 =	sadd.s32 s3, s17;
	s17 =	simm.s32 $0x0  }
0x9f: {  	[tilespmem:s23], [sflag:$0x6] =	stream.linear.gather [hbm4b:s24+s17], $0x2000, $0x38;
	[tilespmem:$0x1E200] =	vst v63  }
0xa0: {  	v2 =	vld.msk [tilespmem:s18+$0x0], $0xff;
	_ =	sdelay $0x4  }
0xa1: {  	v3 =	vshll.u32 v2, $0x3  }
0xa2: {  	v2 =	vand.u32 $0x7, v2;
	v3 =	vand.u32 $0xFFFFFFC0, v3  }
0xa3: {  	v2 =	vor.u32 v2, v3  }
0xa4: {  	v2 =	vperm.xlane v2, v0;
	_ =	sdelay $0x1  }
0xa5: {  	v2 =	vadd.s32 v1, v2;
	_ =	sdelay $0x4  }
0xa6: {  	[tilespmem:s29], [sflag:$0x3] =	stream.indirect_vreg.gather [hbm4b:s1+s17], $0x80, v2, vm0, $0xb8;
	[tilespmem:$0x1E200] =	vst v63  }
0xa7: {  	s24 =	simm.s32 $0x10A00  }
0xa8: {  	[tilespmem:s24], [sflag:$0x3] =	stream.indirect_vreg.gather [hbm4b:s12+s17], $0x80, v2, vm0, $0xb8;
	[tilespmem:$0x1E200] =	vst v63  }
0xa9: {  	s2 =	sand.u32 $0x180, s18;
	s23 =	simm.s32 $0x11200  }
0xaa: {  	[tilespmem:s23], [sflag:$0x3] =	stream.indirect_vreg.gather [hbm4b:s13+s17], $0x80, v2, vm0, $0xb8;
	[tilespmem:$0x1E200] =	vst v63  }
0xab: {  	s2 =	sadd.s32 s18, s2;
	s24 =	simm.s32 $0x11A00  }
0xac: {  	[tilespmem:s24], [sflag:$0x3] =	stream.indirect_vreg.gather [hbm4b:s14+s17], $0x80, v2, vm0, $0xb8;
	[tilespmem:$0x1E200] =	vst v63  }
0xad: {  	v2 =	vld.msk [tilespmem:s2+$0x80], $0xff;
	_ =	sdelay $0x4  }
0xae: {  	v3 =	vshll.u32 v2, $0x3  }
0xaf: {  	v2 =	vand.u32 $0x7, v2;
	v3 =	vand.u32 $0xFFFFFFC0, v3  }
0xb0: {  	v2 =	vor.u32 v2, v3  }
0xb1: {  	v2 =	vperm.xlane v2, v0;
	_ =	sdelay $0x1  }
0xb2: {  	v2 =	vadd.s32 v1, v2;
	_ =	sdelay $0x4  }
0xb3: {  	[tilespmem:s31], [sflag:$0x3] =	stream.indirect_vreg.gather [hbm4b:s1+s17], $0x80, v2, vm0, $0xb8;
	[tilespmem:$0x1E200] =	vst v63  }
0xb4: {  	s31 =	simm.s32 $0x12A00  }
0xb5: {  	[tilespmem:s31], [sflag:$0x3] =	stream.indirect_vreg.gather [hbm4b:s12+s17], $0x80, v2, vm0, $0xb8;
	[tilespmem:$0x1E200] =	vst v63  }
0xb6: {  	s23 =	simm.s32 $0x13200  }
0xb7: {  	[tilespmem:s23], [sflag:$0x3] =	stream.indirect_vreg.gather [hbm4b:s13+s17], $0x80, v2, vm0, $0xb8;
	[tilespmem:$0x1E200] =	vst v63  }
0xb8: {  	s24 =	simm.s32 $0x13A00  }
0xb9: {  	[tilespmem:s24], [sflag:$0x3] =	stream.indirect_vreg.gather [hbm4b:s14+s17], $0x80, v2, vm0, $0xb8;
	[tilespmem:$0x1E200] =	vst v63  }
0xba: {  	v2 =	vld.msk [tilespmem:s2+$0x100], $0xff;
	_ =	sdelay $0x4  }
0xbb: {  	v3 =	vshll.u32 v2, $0x3  }
0xbc: {  	v2 =	vand.u32 $0x7, v2;
	v3 =	vand.u32 $0xFFFFFFC0, v3  }
0xbd: {  	v2 =	vor.u32 v2, v3  }
0xbe: {  	v2 =	vperm.xlane v2, v0;
	_ =	sdelay $0x1  }
0xbf: {  	v2 =	vadd.s32 v1, v2;
	_ =	sdelay $0x4  }
0xc0: {  	[tilespmem:s0], [sflag:$0x3] =	stream.indirect_vreg.gather [hbm4b:s1+s17], $0x80, v2, vm0, $0xb8;
	[tilespmem:$0x1E200] =	vst v63  }
0xc1: {  	s31 =	simm.s32 $0x14A00  }
0xc2: {  	[tilespmem:s31], [sflag:$0x3] =	stream.indirect_vreg.gather [hbm4b:s12+s17], $0x80, v2, vm0, $0xb8;
	[tilespmem:$0x1E200] =	vst v63  }
0xc3: {  	s23 =	simm.s32 $0x15200  }
0xc4: {  	[tilespmem:s23], [sflag:$0x3] =	stream.indirect_vreg.gather [hbm4b:s13+s17], $0x80, v2, vm0, $0xb8;
	[tilespmem:$0x1E200] =	vst v63  }
0xc5: {  	s24 =	simm.s32 $0x15A00  }
0xc6: {  	[tilespmem:s24], [sflag:$0x3] =	stream.indirect_vreg.gather [hbm4b:s14+s17], $0x80, v2, vm0, $0xb8;
	[tilespmem:$0x1E200] =	vst v63  }
0xc7: {  	v2 =	vld.msk [tilespmem:s2+$0x180], $0xff;
	_ =	sdelay $0x4  }
0xc8: {  	v3 =	vshll.u32 v2, $0x3  }
0xc9: {  	v2 =	vand.u32 $0x7, v2;
	v3 =	vand.u32 $0xFFFFFFC0, v3  }
0xca: {  	v2 =	vor.u32 v2, v3  }
0xcb: {  	v2 =	vperm.xlane v2, v0;
	_ =	sdelay $0x1  }
0xcc: {  	v2 =	vadd.s32 v1, v2;
	_ =	sdelay $0x4  }
0xcd: {  	[tilespmem:s26], [sflag:$0x3] =	stream.indirect_vreg.gather [hbm4b:s1+s17], $0x80, v2, vm0, $0xb8;
	[tilespmem:$0x1E200] =	vst v63  }
0xce: {  	s31 =	simm.s32 $0x16A00  }
0xcf: {  	[tilespmem:s31], [sflag:$0x3] =	stream.indirect_vreg.gather [hbm4b:s12+s17], $0x80, v2, vm0, $0xb8;
	[tilespmem:$0x1E200] =	vst v63  }
0xd0: {  	s18 =	simm.s32 $0x17200  }
0xd1: {  	[tilespmem:s18], [sflag:$0x3] =	stream.indirect_vreg.gather [hbm4b:s13+s17], $0x80, v2, vm0, $0xb8;
	[tilespmem:$0x1E200] =	vst v63  }
0xd2: {  	s23 =	simm.s32 $0x17A00  }
0xd3: {  	[tilespmem:s23], [sflag:$0x3] =	stream.indirect_vreg.gather [hbm4b:s14+s17], $0x80, v2, vm0, $0xb8;
	[tilespmem:$0x1E200] =	vst v63  }
0xd4: {  	_ =	swait.ge [sflag:s28], $0x2000  }
0xd5: {  	[sflag:s28] =	ssyncset.done $0x0  }
0xd6: {  	[sflag:s28] =	ssyncadd.s32 $0xFFFFE000  }
0xd7: {  	_ =	swait.ge [sflag:s8], $0x8000  }
0xd8: {  	s24 =	sand.u32 $0x70, s17;
	s31 =	sand.u32 $0x1C00, s17;
	[sflag:s8] =	ssyncset.done $0x0  }
0xd9: {  	s24 =	sor.u32 s24, s31;
	[sflag:s8] =	ssyncadd.s32 $0xFFFF8000  }
0xda: {  	v2 =	vld [tilespmem:s24+$0x6500]  }
0xdb: {  	v3 =	vld [tilespmem:s24+$0x2380]  }
0xdc: {  	v4 =	vld [tilespmem:s24+$0x6380]  }
0xdd: {  	v5 =	vld [tilespmem:s24+$0x380]  }
0xde: {  	v6 =	vld [tilespmem:s24+$0x18380]  }
0xdf: {  	v7 =	vld [tilespmem:s24+$0x500]  }
0xe0: {  	v8 =	vld [tilespmem:s24+$0x4380]  }
0xe1: {  	v9 =	vld [tilespmem:s24+$0x18500]  }
0xe2: {  	v10 =	vld [tilespmem:s24+$0x6480]  }
0xe3: {  	v12 =	vld [tilespmem:s24+$0x2480]  }
0xe4: {  	v13 =	vld [tilespmem:s24+$0x480]  }
0xe5: {  	v16 =	vld [tilespmem:s24+$0x2500]  }
0xe6: {  	v17 =	vld [tilespmem:s24+$0x4500];
	v5 =	vadd.f32 v5, v6  }
0xe7: {  	v18 =	vld [tilespmem:s24+$0x400];
	v4 =	vadd.f32 v4, v6  }
0xe8: {  	v19 =	vld [tilespmem:s24+$0x18400];
	v3 =	vadd.f32 v3, v6;
	[tilespmem:s24+$0x380] =	vst v5  }
0xe9: {  	v6 =	vadd.f32 v8, v6;
	v5 =	vld [tilespmem:s24+$0x18480];
	[tilespmem:s24+$0x6380] =	vst v4  }
0xea: {  	v11 =	vld [tilespmem:s24+$0x4480];
	v8 =	vadd.f32 v16, v9;
	[tilespmem:s24+$0x2380] =	vst v3  }
0xeb: {  	v15 =	vld [tilespmem:s24+$0x2400];
	v2 =	vadd.f32 v2, v9;
	[tilespmem:s24+$0x4380] =	vst v6  }
0xec: {  	v14 =	vld [tilespmem:s24+$0x4400];
	v7 =	vadd.f32 v7, v9;
	[tilespmem:s24+$0x2500] =	vst v8  }
0xed: {  	v9 =	vadd.f32 v17, v9;
	v60 =	vadd.f32 v18, v19;
	v4 =	vld [tilespmem:s24+$0x6400];
	[tilespmem:s24+$0x6500] =	vst v2  }
0xee: {  	v3 =	vld [tilespmem:s24+$0x6280];
	[tilespmem:s24+$0x500] =	vst v7;
	v12 =	vadd.f32 v12, v5;
	v58 =	vadd.f32 v13, v5  }
0xef: {  	v6 =	vld [tilespmem:s24+$0x18200];
	[tilespmem:s24+$0x4500] =	vst v9;
	v10 =	vadd.f32 v10, v5;
	v5 =	vadd.f32 v11, v5  }
0xf0: {  	v8 =	vld [tilespmem:s24+$0x6200];
	v2 =	vadd.f32 v15, v19;
	[tilespmem:s24+$0x400] =	vst v60  }
0xf1: {  	[tilespmem:s24+$0x4480] =	vst v5;
	v5 =	vld [tilespmem:s24+$0x2200]  }
0xf2: {  	[tilespmem:s24+$0x2400] =	vst v2;
	v2 =	vld [tilespmem:s24+$0x18280]  }
0xf3: {  	v59 =	vld [tilespmem:s24+$0x2280];
	[tilespmem:s24+$0x2480] =	vst v12  }
0xf4: {  	v62 =	vld [tilespmem:s24+$0x18300];
	v4 =	vadd.f32 v4, v19;
	[tilespmem:s24+$0x480] =	vst v58  }
0xf5: {  	v7 =	vld [tilespmem:s24+$0x280];
	v8 =	vadd.f32 v8, v6;
	[tilespmem:s24+$0x6480] =	vst v10  }
0xf6: {  	v10 =	vld [tilespmem:s24+$0x4200];
	[tilespmem:s24+$0x6400] =	vst v4;
	v4 =	vadd.f32 v5, v6  }
0xf7: {  	v11 =	vld [tilespmem:s24+$0x200];
	[tilespmem:s24+$0x6200] =	vst v8;
	v3 =	vadd.f32 v3, v2  }
0xf8: {  	v5 =	vld [tilespmem:s24+$0x4300];
	[tilespmem:s24+$0x2200] =	vst v4;
	v4 =	vadd.f32 v14, v19  }
0xf9: {  	v9 =	vld [tilespmem:s24+$0x4280];
	v8 =	vadd.f32 v59, v2;
	[tilespmem:s24+$0x6280] =	vst v3  }
0xfa: {  	v61 =	vld [tilespmem:s24+$0x300];
	[tilespmem:s24+$0x4400] =	vst v4;
	v4 =	vadd.f32 v7, v2  }
0xfb: {  	[tilespmem:s24+$0x2280] =	vst v8;
	v10 =	vadd.f32 v10, v6;
	v7 =	vld [tilespmem:s24+$0x2300]  }
0xfc: {  	v6 =	vadd.f32 v11, v6;
	[tilespmem:s24+$0x280] =	vst v4;
	v4 =	vld [tilespmem:s24+$0x6300]  }
0xfd: {  	[tilespmem:s24+$0x4200] =	vst v10;
	v3 =	vadd.f32 v5, v62  }
0xfe: {  	[tilespmem:s24+$0x200] =	vst v6;
	v2 =	vadd.f32 v9, v2  }
0xff: {  	[tilespmem:s24+$0x4300] =	vst v3;
	v3 =	vadd.f32 v61, v62  }
0x100: {  	[tilespmem:s24+$0x4280] =	vst v2;
	v5 =	vadd.f32 v7, v62  }
0x101: {  	[tilespmem:s24+$0x300] =	vst v3;
	v2 =	vadd.f32 v4, v62  }
0x102: {  	s17 =	sor.u32 s17, s17;
	[tilespmem:s24+$0x2300] =	vst v5  }
0x103: {  	s2 =	sor.u32 $0x380, s17;
	[tilespmem:s24+$0x6300] =	vst v2  }
0x104: {  	v5 =	vld [tilespmem:s2+$0x18200]  }
0x105: {  	v2 =	vld [tilespmem:s2+$0x200];
	_ =	sdelay $0x4  }
0x106: {  	s29 =	simm.s32 $0x10;
	s23 =	simm.s32 $0x80;
	v2 =	vadd.f32 v2, v5  }
0x107: {  	s18 =	sand.u32 $0x70, s29;
	s31 =	sand.u32 $0x1C00, s23  }
0x108: {  	s17 =	sor.u32 s18, s31;
	[tilespmem:s2+$0x200] =	vst v2  }
0x109: {  	v2 =	vld [tilespmem:s17+$0x6500]  }
0x10a: {  	v4 =	vld [tilespmem:s17+$0x2380]  }
0x10b: {  	v6 =	vld [tilespmem:s24+$0x4580]  }
0x10c: {  	v11 =	vld [tilespmem:s24+$0x2580]  }
0x10d: {  	v8 =	vld [tilespmem:s17+$0x6380]  }
0x10e: {  	v10 =	vld [tilespmem:s24+$0x6580]  }
0x10f: {  	v3 =	vld [tilespmem:s17+$0x500]  }
0x110: {  	v9 =	vld [tilespmem:s17+$0x380];
	v63 =	vadd.f32 v6, v5  }
0x111: {  	v7 =	vld [tilespmem:s17+$0x4380]  }
0x112: {  	s29 =	sor.u32 s23, s29;
	s18 =	simm.s32 $0x20;
	v6 =	vld [tilespmem:s17+$0x18380];
	v11 =	vadd.f32 v11, v5;
	[tilespmem:s24+$0x4580] =	vst v63  }
.LBB2_3:
0x113: {  	p0 =	sne.s32 s18, $0x3F0  }
0x114: {  	v12 =	vld [tilespmem:s17+$0x18500];
	s23 =	sadd.s32 $0x80, s23;
	[tilespmem:s24+$0x2580] =	vst v11;
	v5 =	vadd.f32 v10, v5;
	s2 =	smov.u32 s18;
	s18 =	sadd.s32 $0x10, s18  }
0x115: {  	s31 =	sor.u32 s23, s2;
	v10 =	vld [tilespmem:s17+$0x6480]  }
0x116: {  	v11 =	vld [tilespmem:s17+$0x4480];
	[tilespmem:s24+$0x6580] =	vst v5;
	s24 =	smov.u32 s17  }
0x117: {  	v5 =	vadd.f32 v9, v6;
	v4 =	vadd.f32 v4, v6;
	v9 =	vld [tilespmem:s24+$0x2480]  }
0x118: {  	v7 =	vadd.f32 v7, v6;
	v6 =	vadd.f32 v8, v6;
	v8 =	vld [tilespmem:s24+$0x480]  }
0x119: {  	[tilespmem:s24+$0x380] =	vst v5;
	v5 =	vld [tilespmem:s24+$0x18480]  }
0x11a: {  	[tilespmem:s24+$0x6380] =	vst v6;
	v6 =	vld [tilespmem:s24+$0x6400]  }
0x11b: {  	v13 =	vld [tilespmem:s24+$0x4400]  }
0x11c: {  	v14 =	vld [tilespmem:s24+$0x2400]  }
0x11d: {  	v15 =	vld [tilespmem:s24+$0x2500]  }
0x11e: {  	v8 =	vadd.f32 v8, v5;
	v9 =	vadd.f32 v9, v5;
	v16 =	vld [tilespmem:s24+$0x4500]  }
0x11f: {  	v11 =	vadd.f32 v11, v5;
	v5 =	vadd.f32 v10, v5;
	v17 =	vld [tilespmem:s24+$0x400]  }
0x120: {  	v10 =	vld [tilespmem:s24+$0x18400];
	[tilespmem:s24+$0x2480] =	vst v9  }
0x121: {  	[tilespmem:s24+$0x2380] =	vst v4  }
0x122: {  	v3 =	vadd.f32 v3, v12;
	v4 =	vld [tilespmem:s24+$0x6280];
	[tilespmem:s24+$0x480] =	vst v8;
	v8 =	vadd.f32 v15, v12  }
0x123: {  	v2 =	vadd.f32 v2, v12;
	v9 =	vld [tilespmem:s24+$0x2280];
	[tilespmem:s24+$0x6480] =	vst v5;
	v5 =	vadd.f32 v16, v12  }
0x124: {  	v12 =	vld [tilespmem:s24+$0x4200];
	[tilespmem:s24+$0x4480] =	vst v11  }
0x125: {  	v11 =	vld [tilespmem:s24+$0x2200];
	[tilespmem:s24+$0x4380] =	vst v7;
	v7 =	vadd.f32 v14, v10;
	v6 =	vadd.f32 v6, v10  }
0x126: {  	v15 =	vadd.f32 v17, v10;
	v10 =	vadd.f32 v13, v10;
	v14 =	vld [tilespmem:s24+$0x18200];
	[tilespmem:s24+$0x2500] =	vst v8  }
0x127: {  	v8 =	vld [tilespmem:s24+$0x6200];
	[tilespmem:s24+$0x6500] =	vst v2  }
0x128: {  	v2 =	vld [tilespmem:s24+$0x200];
	[tilespmem:s24+$0x500] =	vst v3  }
0x129: {  	v3 =	vld [tilespmem:s24+$0x280];
	[tilespmem:s24+$0x2400] =	vst v7  }
0x12a: {  	v7 =	vld [tilespmem:s24+$0x18280];
	[tilespmem:s24+$0x4500] =	vst v5  }
0x12b: {  	v5 =	vadd.f32 v11, v14;
	v11 =	vadd.f32 v12, v14;
	v12 =	vld [tilespmem:s24+$0x4280];
	[tilespmem:s24+$0x6400] =	vst v6  }
0x12c: {  	v6 =	vld [tilespmem:s24+$0x4300];
	[tilespmem:s24+$0x400] =	vst v15  }
0x12d: {  	v2 =	vadd.f32 v2, v14;
	[tilespmem:s24+$0x2200] =	vst v5;
	v5 =	vadd.f32 v8, v14;
	v8 =	vld [tilespmem:s24+$0x300]  }
0x12e: {  	v13 =	vld [tilespmem:s24+$0x18300];
	[tilespmem:s24+$0x4400] =	vst v10  }
0x12f: {  	[tilespmem:s24+$0x6200] =	vst v5;
	v3 =	vadd.f32 v3, v7;
	v5 =	vadd.f32 v9, v7  }
0x130: {  	v4 =	vadd.f32 v4, v7;
	[tilespmem:s24+$0x4200] =	vst v11;
	v9 =	vadd.f32 v12, v7;
	v7 =	vld [tilespmem:s24+$0x2300]  }
0x131: {  	[tilespmem:s24+$0x280] =	vst v3;
	v3 =	vld [tilespmem:s24+$0x6300]  }
0x132: {  	[tilespmem:s24+$0x200] =	vst v2  }
0x133: {  	[tilespmem:s24+$0x6280] =	vst v4;
	v2 =	vadd.f32 v8, v13;
	v4 =	vadd.f32 v6, v13  }
0x134: {  	s2 =	sand.u32 $0x70, s2;
	s17 =	sand.u32 $0x1C00, s23;
	[tilespmem:s24+$0x2280] =	vst v5  }
0x135: {  	s17 =	sor.u32 s2, s17;
	v5 =	vadd.f32 v7, v13;
	[tilespmem:s24+$0x4300] =	vst v4  }
0x136: {  	[tilespmem:s24+$0x4280] =	vst v9;
	v3 =	vadd.f32 v3, v13  }
0x137: {  	[tilespmem:s24+$0x2300] =	vst v5  }
0x138: {  	[tilespmem:s24+$0x6300] =	vst v3  }
0x139: {  	s2 =	sor.u32 $0x380, s29;
	s29 =	smov.u32 s31;
	[tilespmem:s24+$0x300] =	vst v2  }
0x13a: {  	v5 =	vld [tilespmem:s2+$0x18200]  }
0x13b: {  	v2 =	vld [tilespmem:s2+$0x200];
	_ =	sdelay $0x4  }
0x13c: {  	v2 =	vadd.f32 v2, v5;
	_ =	sdelay $0x1  }
0x13d: {  	[tilespmem:s2+$0x200] =	vst v2  }
0x13e: {  	v2 =	vld [tilespmem:s17+$0x6500]  }
0x13f: {  	v4 =	vld [tilespmem:s17+$0x2380]  }
0x140: {  	v6 =	vld [tilespmem:s24+$0x4580]  }
0x141: {  	v7 =	vld [tilespmem:s24+$0x2580]  }
0x142: {  	v8 =	vld [tilespmem:s17+$0x6380]  }
.Ltmp0:
0x143: {  	v10 =	vld [tilespmem:s24+$0x6580];
	(pc) =	sbr.rel @p0 .LBB2_3-.Ltmp0, $4  }
0x144: {  	v3 =	vld [tilespmem:s17+$0x500]  }
0x145: {  	v9 =	vld [tilespmem:s17+$0x380];
	v12 =	vadd.f32 v6, v5  }
0x146: {  	v6 =	vld [tilespmem:s17+$0x18380];
	v11 =	vadd.f32 v7, v5  }
0x147: {  	v7 =	vld [tilespmem:s17+$0x4380];
	[tilespmem:s24+$0x4580] =	vst v12  }
0x148: {  	v12 =	vld [tilespmem:s17+$0x18500];
	[tilespmem:s24+$0x2580] =	vst v11;
	v5 =	vadd.f32 v10, v5  }
0x149: {  	v10 =	vld [tilespmem:s17+$0x6480]  }
0x14a: {  	v11 =	vld [tilespmem:s17+$0x4480];
	[tilespmem:s24+$0x6580] =	vst v5  }
0x14b: {  	v5 =	vadd.f32 v9, v6;
	v9 =	vld [tilespmem:s17+$0x2480]  }
0x14c: {  	v13 =	vld [tilespmem:s17+$0x480]  }
0x14d: {  	v15 =	vld [tilespmem:s17+$0x2400]  }
0x14e: {  	v8 =	vadd.f32 v8, v6;
	v16 =	vld [tilespmem:s17+$0x2500]  }
0x14f: {  	v4 =	vadd.f32 v4, v6;
	v19 =	vld [tilespmem:s17+$0x18400];
	[tilespmem:s17+$0x380] =	vst v5  }
0x150: {  	v17 =	vld [tilespmem:s17+$0x4500];
	v6 =	vadd.f32 v7, v6;
	[tilespmem:s17+$0x6380] =	vst v8  }
0x151: {  	v5 =	vld [tilespmem:s17+$0x18480];
	[tilespmem:s17+$0x2380] =	vst v4;
	v2 =	vadd.f32 v2, v12  }
0x152: {  	v14 =	vld [tilespmem:s17+$0x4400];
	v3 =	vadd.f32 v3, v12;
	[tilespmem:s17+$0x4380] =	vst v6  }
0x153: {  	v18 =	vld [tilespmem:s17+$0x400];
	[tilespmem:s17+$0x6500] =	vst v2;
	v7 =	vadd.f32 v16, v12  }
0x154: {  	v8 =	vld [tilespmem:s17+$0x6400];
	[tilespmem:s17+$0x500] =	vst v3;
	v2 =	vadd.f32 v15, v19  }
0x155: {  	v6 =	vld [tilespmem:s17+$0x18200];
	v12 =	vadd.f32 v17, v12;
	[tilespmem:s17+$0x2500] =	vst v7  }
0x156: {  	v3 =	vld [tilespmem:s17+$0x280];
	v9 =	vadd.f32 v9, v5;
	[tilespmem:s17+$0x2400] =	vst v2  }
0x157: {  	v10 =	vadd.f32 v10, v5;
	v7 =	vld [tilespmem:s17+$0x6200];
	[tilespmem:s17+$0x4500] =	vst v12  }
0x158: {  	v2 =	vld [tilespmem:s17+$0x18280];
	[tilespmem:s17+$0x2480] =	vst v9;
	v9 =	vadd.f32 v13, v5;
	v5 =	vadd.f32 v11, v5  }
0x159: {  	v45 =	vadd.f32 v18, v19;
	[tilespmem:s17+$0x6480] =	vst v10;
	v10 =	vld [tilespmem:s17+$0x4200]  }
0x15a: {  	v8 =	vadd.f32 v8, v19;
	[tilespmem:s17+$0x4480] =	vst v5;
	v5 =	vld [tilespmem:s17+$0x2200]  }
0x15b: {  	v4 =	vld [tilespmem:s17+$0x6280];
	[tilespmem:s17+$0x400] =	vst v45  }
0x15c: {  	v47 =	vld [tilespmem:s17+$0x18300];
	[tilespmem:s17+$0x6400] =	vst v8;
	v7 =	vadd.f32 v7, v6  }
0x15d: {  	v11 =	vld [tilespmem:s17+$0x200];
	[tilespmem:s17+$0x480] =	vst v9;
	v3 =	vadd.f32 v3, v2  }
0x15e: {  	v9 =	vld [tilespmem:s17+$0x2280];
	v10 =	vadd.f32 v10, v6;
	[tilespmem:s17+$0x6200] =	vst v7  }
0x15f: {  	v8 =	vld [tilespmem:s17+$0x4300];
	[tilespmem:s17+$0x280] =	vst v3;
	v5 =	vadd.f32 v5, v6  }
0x160: {  	v44 =	vld [tilespmem:s17+$0x4280];
	v3 =	vadd.f32 v4, v2;
	[tilespmem:s17+$0x4200] =	vst v10  }
0x161: {  	v46 =	vld [tilespmem:s17+$0x300];
	[tilespmem:s17+$0x2200] =	vst v5;
	v5 =	vadd.f32 v14, v19  }
0x162: {  	v4 =	vld [tilespmem:s17+$0x6300];
	v6 =	vadd.f32 v11, v6;
	[tilespmem:s17+$0x6280] =	vst v3  }
0x163: {  	v7 =	vadd.f32 v9, v2;
	[tilespmem:s17+$0x4400] =	vst v5;
	v5 =	vld [tilespmem:s17+$0x2300]  }
0x164: {  	v3 =	vadd.f32 v8, v47;
	[tilespmem:s17+$0x200] =	vst v6  }
0x165: {  	v2 =	vadd.f32 v44, v2;
	[tilespmem:s17+$0x2280] =	vst v7  }
0x166: {  	[tilespmem:s17+$0x4300] =	vst v3;
	v3 =	vadd.f32 v46, v47  }
0x167: {  	[tilespmem:s17+$0x4280] =	vst v2;
	v2 =	vadd.f32 v4, v47  }
0x168: {  	[tilespmem:s17+$0x300] =	vst v3;
	v5 =	vadd.f32 v5, v47  }
0x169: {  	[tilespmem:s17+$0x6300] =	vst v2  }
0x16a: {  	s2 =	sor.u32 $0x380, s29;
	[tilespmem:s17+$0x2300] =	vst v5  }
0x16b: {  	v2 =	vld [tilespmem:s2+$0x18200]  }
0x16c: {  	v3 =	vld [tilespmem:s2+$0x200];
	_ =	sdelay $0x4  }
0x16d: {  	v3 =	vadd.f32 v3, v2;
	_ =	sdelay $0x1  }
0x16e: {  	[tilespmem:s2+$0x200] =	vst v3  }
0x16f: {  	v3 =	vld [tilespmem:s17+$0x4580]  }
0x170: {  	v4 =	vld [tilespmem:s17+$0x2580]  }
0x171: {  	v5 =	vld [tilespmem:s17+$0x6580];
	_ =	sdelay $0x1  }
0x172: {  	s24 =	smul.u32 $0x18, s7  }
0x173: {  	v3 =	vadd.f32 v3, v2  }
0x174: {  	s18 =	sadd.s32 s6, s24;
	v4 =	vadd.f32 v4, v2  }
0x175: {  	s18 =	sshll.u32 s18, $0x7;
	v2 =	vadd.f32 v5, v2;
	[tilespmem:s17+$0x4580] =	vst v3  }
0x176: {  	s31 =	sand.u32 $0x1FFFFF80, s18;
	[tilespmem:s17+$0x2580] =	vst v4  }
0x177: {  	s23 =	sadd.s32 s4, s18;
	s2 =	simm.s32 $0x0;
	[tilespmem:s17+$0x6580] =	vst v2;
	s17 =	sadd.s32 s4, s31  }
0x178: {  	[hbm4b:s23+s2] =	stream.linear.scatter [tilespmem:s30], [sflag:$0x7], $0x2000, $0x38;
	[tilespmem:$0x1E200] =	vst v63  }
0x179: {  	s23 =	sadd.s32 $0x80000, s17  }
0x17a: {  	[hbm4b:s23+s2] =	stream.linear.scatter [tilespmem:s25], [sflag:$0x7], $0x2000, $0x38;
	[tilespmem:$0x1E200] =	vst v63  }
0x17b: {  	s18 =	sadd.s32 s18, s16  }
0x17c: {  	[hbm4b:s18+s2] =	stream.linear.scatter [tilespmem:s9], [sflag:$0x7], $0x2000, $0x38;
	[tilespmem:$0x1E200] =	vst v63  }
0x17d: {  	s17 =	sadd.s32 $0x180000, s17  }
0x17e: {  	[hbm4b:s17+s2] =	stream.linear.scatter [tilespmem:s20], [sflag:$0x7], $0x2000, $0x38;
	[tilespmem:$0x1E200] =	vst v63  }
0x17f: {  	s17 =	sadd.s32 $0x18, s24  }
0x180: {  	_ =	swait.ge [sflag:s10], $0x8000;
	s23 =	sadd.s32 s6, s17  }
0x181: {  	[sflag:s10] =	ssyncset.done $0x0;
	s18 =	sshll.u32 s23, $0x7  }
0x182: {  	s31 =	simm.s32 $0x18200;
	[sflag:s10] =	ssyncadd.s32 $0xFFFF8000;
	s18 =	sadd.s32 s3, s18  }
0x183: {  	[tilespmem:s31], [sflag:$0x4] =	stream.linear.gather [hbm4b:s18+s2], $0x2000, $0x38;
	[tilespmem:$0x1E200] =	vst v63  }
0x184: {  	v2 =	vld.msk [tilespmem:s24+$0x18], $0xff;
	_ =	sdelay $0x4  }
0x185: {  	v3 =	vshll.u32 v2, $0x3  }
0x186: {  	v2 =	vand.u32 $0x7, v2;
	v3 =	vand.u32 $0xFFFFFFC0, v3  }
0x187: {  	v2 =	vor.u32 v2, v3  }
0x188: {  	v2 =	vperm.xlane v2, v0;
	_ =	sdelay $0x1  }
0x189: {  	v2 =	vadd.s32 v1, v2;
	_ =	sdelay $0x4  }
0x18a: {  	[tilespmem:s30], [sflag:$0x1] =	stream.indirect_vreg.gather [hbm4b:s1+s2], $0x80, v2, vm0, $0xb8;
	[tilespmem:$0x1E200] =	vst v63  }
0x18b: {  	s31 =	simm.s32 $0xA00  }
0x18c: {  	[tilespmem:s31], [sflag:$0x1] =	stream.indirect_vreg.gather [hbm4b:s12+s2], $0x80, v2, vm0, $0xb8;
	[tilespmem:$0x1E200] =	vst v63  }
0x18d: {  	s23 =	simm.s32 $0x1200;
	s18 =	sand.u32 $0x180, s17  }
0x18e: {  	[tilespmem:s23], [sflag:$0x1] =	stream.indirect_vreg.gather [hbm4b:s13+s2], $0x80, v2, vm0, $0xb8;
	[tilespmem:$0x1E200] =	vst v63  }
0x18f: {  	s17 =	sadd.s32 s17, s18;
	s31 =	simm.s32 $0x1A00  }
0x190: {  	[tilespmem:s31], [sflag:$0x1] =	stream.indirect_vreg.gather [hbm4b:s14+s2], $0x80, v2, vm0, $0xb8;
	[tilespmem:$0x1E200] =	vst v63  }
0x191: {  	v2 =	vld.msk [tilespmem:s17+$0x80], $0xff;
	_ =	sdelay $0x4  }
0x192: {  	v3 =	vshll.u32 v2, $0x3  }
0x193: {  	v2 =	vand.u32 $0x7, v2;
	v3 =	vand.u32 $0xFFFFFFC0, v3  }
0x194: {  	v2 =	vor.u32 v2, v3  }
0x195: {  	v2 =	vperm.xlane v2, v0;
	_ =	sdelay $0x1  }
0x196: {  	v2 =	vadd.s32 v1, v2;
	_ =	sdelay $0x4  }
0x197: {  	[tilespmem:s25], [sflag:$0x1] =	stream.indirect_vreg.gather [hbm4b:s1+s2], $0x80, v2, vm0, $0xb8;
	[tilespmem:$0x1E200] =	vst v63  }
0x198: {  	s31 =	simm.s32 $0x2A00  }
0x199: {  	[tilespmem:s31], [sflag:$0x1] =	stream.indirect_vreg.gather [hbm4b:s12+s2], $0x80, v2, vm0, $0xb8;
	[tilespmem:$0x1E200] =	vst v63  }
0x19a: {  	s23 =	simm.s32 $0x3200  }
0x19b: {  	[tilespmem:s23], [sflag:$0x1] =	stream.indirect_vreg.gather [hbm4b:s13+s2], $0x80, v2, vm0, $0xb8;
	[tilespmem:$0x1E200] =	vst v63  }
0x19c: {  	s31 =	simm.s32 $0x3A00  }
0x19d: {  	[tilespmem:s31], [sflag:$0x1] =	stream.indirect_vreg.gather [hbm4b:s14+s2], $0x80, v2, vm0, $0xb8;
	[tilespmem:$0x1E200] =	vst v63  }
0x19e: {  	v2 =	vld.msk [tilespmem:s17+$0x100], $0xff;
	_ =	sdelay $0x4  }
0x19f: {  	v3 =	vshll.u32 v2, $0x3  }
0x1a0: {  	v2 =	vand.u32 $0x7, v2;
	v3 =	vand.u32 $0xFFFFFFC0, v3  }
0x1a1: {  	v2 =	vor.u32 v2, v3  }
0x1a2: {  	v2 =	vperm.xlane v2, v0;
	_ =	sdelay $0x1  }
0x1a3: {  	v2 =	vadd.s32 v1, v2;
	_ =	sdelay $0x4  }
0x1a4: {  	[tilespmem:s9], [sflag:$0x1] =	stream.indirect_vreg.gather [hbm4b:s1+s2], $0x80, v2, vm0, $0xb8;
	[tilespmem:$0x1E200] =	vst v63  }
0x1a5: {  	s23 =	simm.s32 $0x4A00  }
0x1a6: {  	[tilespmem:s23], [sflag:$0x1] =	stream.indirect_vreg.gather [hbm4b:s12+s2], $0x80, v2, vm0, $0xb8;
	[tilespmem:$0x1E200] =	vst v63  }
0x1a7: {  	s31 =	simm.s32 $0x5200  }
0x1a8: {  	[tilespmem:s31], [sflag:$0x1] =	stream.indirect_vreg.gather [hbm4b:s13+s2], $0x80, v2, vm0, $0xb8;
	[tilespmem:$0x1E200] =	vst v63  }
0x1a9: {  	s23 =	simm.s32 $0x5A00  }
0x1aa: {  	[tilespmem:s23], [sflag:$0x1] =	stream.indirect_vreg.gather [hbm4b:s14+s2], $0x80, v2, vm0, $0xb8;
	[tilespmem:$0x1E200] =	vst v63  }
0x1ab: {  	v2 =	vld.msk [tilespmem:s17+$0x180], $0xff;
	_ =	sdelay $0x4  }
0x1ac: {  	v3 =	vshll.u32 v2, $0x3  }
0x1ad: {  	v2 =	vand.u32 $0x7, v2;
	v3 =	vand.u32 $0xFFFFFFC0, v3  }
0x1ae: {  	v2 =	vor.u32 v2, v3  }
0x1af: {  	v2 =	vperm.xlane v2, v0;
	_ =	sdelay $0x1  }
0x1b0: {  	v2 =	vadd.s32 v1, v2;
	_ =	sdelay $0x4  }
0x1b1: {  	[tilespmem:s20], [sflag:$0x1] =	stream.indirect_vreg.gather [hbm4b:s1+s2], $0x80, v2, vm0, $0xb8;
	[tilespmem:$0x1E200] =	vst v63  }
0x1b2: {  	s31 =	simm.s32 $0x6A00  }
0x1b3: {  	[tilespmem:s31], [sflag:$0x1] =	stream.indirect_vreg.gather [hbm4b:s12+s2], $0x80, v2, vm0, $0xb8;
	[tilespmem:$0x1E200] =	vst v63  }
0x1b4: {  	s18 =	simm.s32 $0x7200  }
0x1b5: {  	[tilespmem:s18], [sflag:$0x1] =	stream.indirect_vreg.gather [hbm4b:s13+s2], $0x80, v2, vm0, $0xb8;
	[tilespmem:$0x1E200] =	vst v63  }
0x1b6: {  	s23 =	simm.s32 $0x7A00  }
0x1b7: {  	[tilespmem:s23], [sflag:$0x1] =	stream.indirect_vreg.gather [hbm4b:s14+s2], $0x80, v2, vm0, $0xb8;
	[tilespmem:$0x1E200] =	vst v63  }
0x1b8: {  	_ =	swait.ge [sflag:s15], $0x2000  }
0x1b9: {  	[sflag:s15] =	ssyncset.done $0x0  }
0x1ba: {  	[sflag:s15] =	ssyncadd.s32 $0xFFFFE000  }
0x1bb: {  	_ =	swait.ge [sflag:s19], $0x8000  }
0x1bc: {  	s31 =	sand.u32 $0x70, s2;
	s2 =	sand.u32 $0x1C00, s2;
	[sflag:s19] =	ssyncset.done $0x0  }
0x1bd: {  	s29 =	sor.u32 s31, s2;
	[sflag:s19] =	ssyncadd.s32 $0xFFFF8000  }
0x1be: {  	v4 =	vld [tilespmem:s29+$0x1A200]  }
0x1bf: {  	v5 =	vld [tilespmem:s29+$0x1A280]  }
0x1c0: {  	v6 =	vld [tilespmem:s29+$0x1A300]  }
0x1c1: {  	v7 =	vld [tilespmem:s29+$0x1A380]  }
0x1c2: {  	v8 =	vld [tilespmem:s29+$0x1A400]  }
0x1c3: {  	v9 =	vld [tilespmem:s29+$0x1A480]  }
0x1c4: {  	v3 =	vld [tilespmem:s29+$0x1A500]  }
0x1c5: {  	v10 =	vld [tilespmem:s29+$0x8200]  }
0x1c6: {  	v11 =	vld [tilespmem:s29+$0xA200]  }
0x1c7: {  	v48 =	vld [tilespmem:s29+$0xC200]  }
0x1c8: {  	v49 =	vld [tilespmem:s29+$0xE200]  }
0x1c9: {  	v50 =	vld [tilespmem:s29+$0x8280]  }
0x1ca: {  	v51 =	vld [tilespmem:s29+$0xA280]  }
0x1cb: {  	v52 =	vld [tilespmem:s29+$0xC280];
	v10 =	vadd.f32 v10, v4  }
0x1cc: {  	v53 =	vld [tilespmem:s29+$0xA300];
	v11 =	vadd.f32 v11, v4  }
0x1cd: {  	v12 =	vadd.f32 v48, v4;
	[tilespmem:s29+$0x8200] =	vst v10;
	v10 =	vld [tilespmem:s29+$0xE280]  }
0x1ce: {  	v4 =	vadd.f32 v49, v4;
	[tilespmem:s29+$0xA200] =	vst v11;
	v11 =	vld [tilespmem:s29+$0x8300]  }
0x1cf: {  	v58 =	vld [tilespmem:s29+$0x8380];
	v54 =	vadd.f32 v50, v5;
	[tilespmem:s29+$0xC200] =	vst v12  }
0x1d0: {  	v55 =	vadd.f32 v51, v5;
	[tilespmem:s29+$0xE200] =	vst v4;
	v4 =	vld [tilespmem:s29+$0xC300]  }
0x1d1: {  	v56 =	vld [tilespmem:s29+$0xE300];
	v57 =	vadd.f32 v52, v5;
	[tilespmem:s29+$0x8280] =	vst v54  }
0x1d2: {  	v2 =	vld [tilespmem:s29+$0x1A580];
	[tilespmem:s29+$0xA280] =	vst v55;
	v5 =	vadd.f32 v10, v5  }
0x1d3: {  	[tilespmem:s29+$0xC280] =	vst v57;
	v10 =	vld [tilespmem:s29+$0xA380];
	v11 =	vadd.f32 v11, v6  }
0x1d4: {  	v60 =	vadd.f32 v58, v7;
	[tilespmem:s29+$0xE280] =	vst v5;
	v5 =	vld [tilespmem:s29+$0xC380]  }
0x1d5: {  	v4 =	vadd.f32 v4, v6;
	[tilespmem:s29+$0x8300] =	vst v11;
	v11 =	vld [tilespmem:s29+$0xE380]  }
0x1d6: {  	v59 =	vld [tilespmem:s29+$0x8400];
	v12 =	vadd.f32 v53, v6;
	[tilespmem:s29+$0x8380] =	vst v60;
	v6 =	vadd.f32 v56, v6  }
0x1d7: {  	[tilespmem:s29+$0xC300] =	vst v4;
	v4 =	vld [tilespmem:s29+$0xA400]  }
0x1d8: {  	[tilespmem:s29+$0xE300] =	vst v6;
	v6 =	vld [tilespmem:s29+$0xC400];
	v10 =	vadd.f32 v10, v7  }
0x1d9: {  	v61 =	vld [tilespmem:s29+$0xE400];
	[tilespmem:s29+$0xA300] =	vst v12;
	v5 =	vadd.f32 v5, v7  }
0x1da: {  	[tilespmem:s29+$0xA380] =	vst v10;
	v10 =	vld [tilespmem:s29+$0x8480];
	v7 =	vadd.f32 v11, v7  }
0x1db: {  	v11 =	vld [tilespmem:s29+$0xA480];
	[tilespmem:s29+$0xC380] =	vst v5;
	v5 =	vadd.f32 v59, v8  }
0x1dc: {  	v4 =	vadd.f32 v4, v8;
	[tilespmem:s29+$0xE380] =	vst v7;
	v7 =	vld [tilespmem:s29+$0xC480]  }
0x1dd: {  	v62 =	vld [tilespmem:s29+$0xE480];
	[tilespmem:s29+$0x8400] =	vst v5;
	v5 =	vadd.f32 v6, v8  }
0x1de: {  	v63 =	vld [tilespmem:s29+$0x8500];
	[tilespmem:s29+$0xA400] =	vst v4;
	v4 =	vadd.f32 v61, v8  }
0x1df: {  	v8 =	vadd.f32 v10, v9;
	[tilespmem:s29+$0xC400] =	vst v5;
	v5 =	vld [tilespmem:s29+$0xA500]  }
0x1e0: {  	[tilespmem:s29+$0xE400] =	vst v4;
	v6 =	vld [tilespmem:s29+$0xC500];
	v10 =	vadd.f32 v11, v9  }
0x1e1: {  	v4 =	vld [tilespmem:s29+$0xE500];
	[tilespmem:s29+$0x8480] =	vst v8;
	v8 =	vadd.f32 v7, v9  }
0x1e2: {  	[tilespmem:s29+$0xA480] =	vst v10;
	v7 =	vld [tilespmem:s29+$0x8580];
	v10 =	vadd.f32 v62, v9  }
0x1e3: {  	s17 =	simm.s32 $0x80;
	s18 =	simm.s32 $0x10;
	v9 =	vadd.f32 v63, v3;
	[tilespmem:s29+$0xC480] =	vst v8;
	v8 =	vld [tilespmem:s29+$0xA580]  }
.LBB2_5:
0x1e4: {  	s2 =	sand.u32 $0x70, s18;
	s23 =	sand.u32 $0x1C00, s17;
	p0 =	sne.s32 s18, $0x3F0;
	[tilespmem:s29+$0xE480] =	vst v10;
	v5 =	vadd.f32 v5, v3;
	v10 =	vld [tilespmem:s29+$0xC580]  }
0x1e5: {  	s2 =	sor.u32 s2, s23;
	[tilespmem:s29+$0x8500] =	vst v9;
	v6 =	vadd.f32 v6, v3;
	v9 =	vld [tilespmem:s29+$0xE580]  }
0x1e6: {  	v11 =	vld [tilespmem:s2+$0x1A200];
	[tilespmem:s29+$0xA500] =	vst v5;
	v3 =	vadd.f32 v4, v3  }
0x1e7: {  	v4 =	vld [tilespmem:s2+$0x1A280];
	[tilespmem:s29+$0xC500] =	vst v6;
	v5 =	vadd.f32 v7, v2  }
0x1e8: {  	v6 =	vld [tilespmem:s2+$0x1A300];
	[tilespmem:s29+$0xE500] =	vst v3;
	v3 =	vadd.f32 v8, v2  }
0x1e9: {  	v7 =	vld [tilespmem:s2+$0x1A380];
	[tilespmem:s29+$0x8580] =	vst v5;
	v5 =	vadd.f32 v10, v2  }
0x1ea: {  	v8 =	vld [tilespmem:s2+$0x1A400];
	[tilespmem:s29+$0xA580] =	vst v3;
	v2 =	vadd.f32 v9, v2  }
0x1eb: {  	v9 =	vld [tilespmem:s2+$0x1A480];
	[tilespmem:s29+$0xC580] =	vst v5  }
0x1ec: {  	v3 =	vld [tilespmem:s2+$0x1A500];
	[tilespmem:s29+$0xE580] =	vst v2;
	s29 =	smov.u32 s2  }
0x1ed: {  	v2 =	vld [tilespmem:s29+$0x1A580]  }
0x1ee: {  	v5 =	vld [tilespmem:s29+$0x8200]  }
0x1ef: {  	v10 =	vld [tilespmem:s29+$0xA200]  }
0x1f0: {  	v12 =	vld [tilespmem:s29+$0xC200]  }
0x1f1: {  	v13 =	vld [tilespmem:s29+$0xE200]  }
0x1f2: {  	v14 =	vld [tilespmem:s29+$0x8280]  }
0x1f3: {  	v5 =	vadd.f32 v5, v11;
	v15 =	vld [tilespmem:s29+$0xA280]  }
0x1f4: {  	v10 =	vadd.f32 v10, v11;
	v16 =	vld [tilespmem:s29+$0xC280]  }
0x1f5: {  	[tilespmem:s29+$0x8200] =	vst v5;
	v5 =	vadd.f32 v12, v11;
	v12 =	vld [tilespmem:s29+$0xE280]  }
0x1f6: {  	[tilespmem:s29+$0xA200] =	vst v10;
	v10 =	vadd.f32 v13, v11;
	v11 =	vld [tilespmem:s29+$0x8300]  }
0x1f7: {  	[tilespmem:s29+$0xC200] =	vst v5;
	v5 =	vadd.f32 v14, v4;
	v13 =	vld [tilespmem:s29+$0xA300]  }
0x1f8: {  	[tilespmem:s29+$0xE200] =	vst v10;
	v10 =	vadd.f32 v15, v4;
	v14 =	vld [tilespmem:s29+$0xC300]  }
0x1f9: {  	[tilespmem:s29+$0x8280] =	vst v5;
	v5 =	vadd.f32 v16, v4;
	v15 =	vld [tilespmem:s29+$0xE300]  }
0x1fa: {  	[tilespmem:s29+$0xA280] =	vst v10;
	v4 =	vadd.f32 v12, v4;
	v10 =	vld [tilespmem:s29+$0x8380]  }
0x1fb: {  	[tilespmem:s29+$0xC280] =	vst v5;
	v5 =	vadd.f32 v11, v6;
	v11 =	vld [tilespmem:s29+$0xA380]  }
0x1fc: {  	[tilespmem:s29+$0xE280] =	vst v4;
	v4 =	vadd.f32 v13, v6;
	v12 =	vld [tilespmem:s29+$0xC380]  }
0x1fd: {  	[tilespmem:s29+$0x8300] =	vst v5;
	v5 =	vadd.f32 v14, v6;
	v13 =	vld [tilespmem:s29+$0xE380]  }
0x1fe: {  	[tilespmem:s29+$0xA300] =	vst v4;
	v4 =	vadd.f32 v15, v6;
	v6 =	vld [tilespmem:s29+$0x8400]  }
0x1ff: {  	[tilespmem:s29+$0xC300] =	vst v5;
	v5 =	vadd.f32 v10, v7;
	v10 =	vld [tilespmem:s29+$0xA400]  }
0x200: {  	[tilespmem:s29+$0xE300] =	vst v4;
	v4 =	vadd.f32 v11, v7;
	v11 =	vld [tilespmem:s29+$0xC400]  }
0x201: {  	[tilespmem:s29+$0x8380] =	vst v5;
	v5 =	vadd.f32 v12, v7;
	v12 =	vld [tilespmem:s29+$0xE400]  }
0x202: {  	[tilespmem:s29+$0xA380] =	vst v4;
	v4 =	vadd.f32 v13, v7;
	v7 =	vld [tilespmem:s29+$0x8480]  }
0x203: {  	[tilespmem:s29+$0xC380] =	vst v5;
	v5 =	vadd.f32 v6, v8;
	v6 =	vld [tilespmem:s29+$0xA480]  }
0x204: {  	[tilespmem:s29+$0xE380] =	vst v4;
	v4 =	vadd.f32 v10, v8;
	v10 =	vld [tilespmem:s29+$0xC480]  }
0x205: {  	[tilespmem:s29+$0x8400] =	vst v5;
	v5 =	vadd.f32 v11, v8;
	v11 =	vld [tilespmem:s29+$0xE480]  }
0x206: {  	[tilespmem:s29+$0xA400] =	vst v4;
	v4 =	vadd.f32 v12, v8;
	v8 =	vld [tilespmem:s29+$0x8500]  }
.Ltmp1:
0x207: {  	[tilespmem:s29+$0xC400] =	vst v5;
	v7 =	vadd.f32 v7, v9;
	v5 =	vld [tilespmem:s29+$0xA500];
	(pc) =	sbr.rel @p0 .LBB2_5-.Ltmp1, $4  }
0x208: {  	[tilespmem:s29+$0xE400] =	vst v4;
	v12 =	vadd.f32 v6, v9;
	v6 =	vld [tilespmem:s29+$0xC500]  }
0x209: {  	[tilespmem:s29+$0x8480] =	vst v7;
	v13 =	vadd.f32 v10, v9;
	v4 =	vld [tilespmem:s29+$0xE500]  }
0x20a: {  	[tilespmem:s29+$0xA480] =	vst v12;
	v10 =	vadd.f32 v11, v9;
	v7 =	vld [tilespmem:s29+$0x8580]  }
0x20b: {  	s17 =	sadd.s32 $0x80, s17;
	s18 =	sadd.s32 $0x10, s18;
	[tilespmem:s29+$0xC480] =	vst v13;
	v9 =	vadd.f32 v8, v3;
	v8 =	vld [tilespmem:s29+$0xA580]  }
0x20c: {  	[tilespmem:s29+$0xE480] =	vst v10;
	v60 =	vld [tilespmem:s29+$0xC580];
	v5 =	vadd.f32 v5, v3  }
0x20d: {  	v61 =	vld [tilespmem:s29+$0xE580];
	[tilespmem:s29+$0x8500] =	vst v9;
	v6 =	vadd.f32 v6, v3  }
0x20e: {  	[tilespmem:s29+$0xA500] =	vst v5;
	v3 =	vadd.f32 v4, v3  }
0x20f: {  	[tilespmem:s29+$0xC500] =	vst v6;
	v62 =	vadd.f32 v7, v2  }
0x210: {  	[tilespmem:s29+$0xE500] =	vst v3;
	v3 =	vadd.f32 v8, v2  }
0x211: {  	s2 =	rddreg [dreg:$0xb];
	[tilespmem:s29+$0x8580] =	vst v62;
	v63 =	vadd.f32 v60, v2  }
0x212: {  	s2 =	sadd.s32 s24, s2;
	v2 =	vadd.f32 v61, v2;
	[tilespmem:s29+$0xA580] =	vst v3  }
0x213: {  	s2 =	sshll.u32 s2, $0x7;
	[tilespmem:s29+$0xC580] =	vst v63  }
0x214: {  	s18 =	simm.s32 $0x8200;
	s17 =	sadd.s32 s4, s2;
	[tilespmem:s29+$0xE580] =	vst v2;
	s29 =	sand.u32 $0x1FFFFF80, s2  }
0x215: {  	[hbm4b:s17+s5] =	stream.linear.scatter [tilespmem:s18], [sflag:$0x8], $0x2000, $0x38;
	[tilespmem:$0x1E200] =	vst v63  }
0x216: {  	s17 =	sadd.s32 s4, s29  }
0x217: {  	s23 =	simm.s32 $0xA200;
	p0 =	seq.s32 s7, $0x4;
	s31 =	sadd.s32 $0x80000, s17  }
0x218: {  	[hbm4b:s31+s5] =	stream.linear.scatter [tilespmem:s23], [sflag:$0x8], $0x2000, $0x38;
	[tilespmem:$0x1E200] =	vst v63  }
.Ltmp2:
0x219: {  	_ = 	snop;
	(pc) =	sbr.rel @p0 .LBB2_8-.Ltmp2, $4  }
0x21a: {  	s2 =	sadd.s32 s2, s16;
	s23 =	simm.s32 $0xC200  }
0x21b: {  	[hbm4b:s2+s5] =	stream.linear.scatter [tilespmem:s23], [sflag:$0x8], $0x2000, $0x38;
	[tilespmem:$0x1E200] =	vst v63  }
0x21c: {  	s29 =	sadd.s32 $0x180000, s17;
	s31 =	simm.s32 $0xE200  }
0x21d: {  	[hbm4b:s29+s5] =	stream.linear.scatter [tilespmem:s31], [sflag:$0x8], $0x2000, $0x38;
	[tilespmem:$0x1E200] =	vst v63  }
0x21e: {  	s2 =	sadd.s32 $0x20, s24;
	s18 =	simm.s32 $0x8  }
0x21f: {  	_ =	swait.ge [sflag:s18], $0x8000;
	s17 =	sadd.s32 s6, s2  }
0x220: {  	[sflag:s18] =	ssyncset.done $0x0;
	s17 =	sshll.u32 s17, $0x7  }
0x221: {  	s29 =	simm.s32 $0x1A200;
	[sflag:s18] =	ssyncadd.s32 $0xFFFF8000;
	s17 =	sadd.s32 s3, s17  }
0x222: {  	[tilespmem:s29], [sflag:$0x5] =	stream.linear.gather [hbm4b:s17+s5], $0x2000, $0x38;
	[tilespmem:$0x1E200] =	vst v63  }
0x223: {  	v2 =	vld.msk [tilespmem:s24+$0x20], $0xff;
	_ =	sdelay $0x4  }
0x224: {  	v3 =	vshll.u32 v2, $0x3  }
0x225: {  	v2 =	vand.u32 $0x7, v2;
	v3 =	vand.u32 $0xFFFFFFC0, v3  }
0x226: {  	v2 =	vor.u32 v2, v3  }
0x227: {  	v2 =	vperm.xlane v2, v0;
	_ =	sdelay $0x1  }
0x228: {  	v2 =	vadd.s32 v1, v2;
	_ =	sdelay $0x3  }
0x229: {  	s31 =	simm.s32 $0x8200  }
0x22a: {  	[tilespmem:s31], [sflag:$0x2] =	stream.indirect_vreg.gather [hbm4b:s1+s5], $0x80, v2, vm0, $0xb8;
	[tilespmem:$0x1E200] =	vst v63  }
0x22b: {  	s18 =	simm.s32 $0x8A00  }
0x22c: {  	[tilespmem:s18], [sflag:$0x2] =	stream.indirect_vreg.gather [hbm4b:s12+s5], $0x80, v2, vm0, $0xb8;
	[tilespmem:$0x1E200] =	vst v63  }
0x22d: {  	s23 =	simm.s32 $0x9200  }
0x22e: {  	[tilespmem:s23], [sflag:$0x2] =	stream.indirect_vreg.gather [hbm4b:s13+s5], $0x80, v2, vm0, $0xb8;
	[tilespmem:$0x1E200] =	vst v63  }
0x22f: {  	s2 =	sand.u32 $0x1F8, s2;
	s24 =	simm.s32 $0x9A00  }
0x230: {  	[tilespmem:s24], [sflag:$0x2] =	stream.indirect_vreg.gather [hbm4b:s14+s5], $0x80, v2, vm0, $0xb8;
	[tilespmem:$0x1E200] =	vst v63  }
0x231: {  	v2 =	vld.msk [tilespmem:s2+$0x80], $0xff;
	_ =	sdelay $0x4  }
0x232: {  	v3 =	vshll.u32 v2, $0x3  }
0x233: {  	v2 =	vand.u32 $0x7, v2;
	v3 =	vand.u32 $0xFFFFFFC0, v3  }
0x234: {  	v2 =	vor.u32 v2, v3  }
0x235: {  	v2 =	vperm.xlane v2, v0;
	_ =	sdelay $0x1  }
0x236: {  	v2 =	vadd.s32 v1, v2;
	_ =	sdelay $0x3  }
0x237: {  	s29 =	simm.s32 $0xA200  }
0x238: {  	[tilespmem:s29], [sflag:$0x2] =	stream.indirect_vreg.gather [hbm4b:s1+s5], $0x80, v2, vm0, $0xb8;
	[tilespmem:$0x1E200] =	vst v63  }
0x239: {  	s31 =	simm.s32 $0xAA00  }
0x23a: {  	[tilespmem:s31], [sflag:$0x2] =	stream.indirect_vreg.gather [hbm4b:s12+s5], $0x80, v2, vm0, $0xb8;
	[tilespmem:$0x1E200] =	vst v63  }
0x23b: {  	s18 =	simm.s32 $0xB200  }
0x23c: {  	[tilespmem:s18], [sflag:$0x2] =	stream.indirect_vreg.gather [hbm4b:s13+s5], $0x80, v2, vm0, $0xb8;
	[tilespmem:$0x1E200] =	vst v63  }
0x23d: {  	s23 =	simm.s32 $0xBA00  }
0x23e: {  	[tilespmem:s23], [sflag:$0x2] =	stream.indirect_vreg.gather [hbm4b:s14+s5], $0x80, v2, vm0, $0xb8;
	[tilespmem:$0x1E200] =	vst v63  }
0x23f: {  	v2 =	vld.msk [tilespmem:s2+$0x100], $0xff;
	_ =	sdelay $0x4  }
0x240: {  	v3 =	vshll.u32 v2, $0x3  }
0x241: {  	v2 =	vand.u32 $0x7, v2;
	v3 =	vand.u32 $0xFFFFFFC0, v3  }
0x242: {  	v2 =	vor.u32 v2, v3  }
0x243: {  	v2 =	vperm.xlane v2, v0;
	_ =	sdelay $0x1  }
0x244: {  	v2 =	vadd.s32 v1, v2;
	_ =	sdelay $0x3  }
0x245: {  	s24 =	simm.s32 $0xC200  }
0x246: {  	[tilespmem:s24], [sflag:$0x2] =	stream.indirect_vreg.gather [hbm4b:s1+s5], $0x80, v2, vm0, $0xb8;
	[tilespmem:$0x1E200] =	vst v63  }
0x247: {  	s29 =	simm.s32 $0xCA00  }
0x248: {  	[tilespmem:s29], [sflag:$0x2] =	stream.indirect_vreg.gather [hbm4b:s12+s5], $0x80, v2, vm0, $0xb8;
	[tilespmem:$0x1E200] =	vst v63  }
0x249: {  	s31 =	simm.s32 $0xD200  }
0x24a: {  	[tilespmem:s31], [sflag:$0x2] =	stream.indirect_vreg.gather [hbm4b:s13+s5], $0x80, v2, vm0, $0xb8;
	[tilespmem:$0x1E200] =	vst v63  }
0x24b: {  	s18 =	simm.s32 $0xDA00  }
0x24c: {  	[tilespmem:s18], [sflag:$0x2] =	stream.indirect_vreg.gather [hbm4b:s14+s5], $0x80, v2, vm0, $0xb8;
	[tilespmem:$0x1E200] =	vst v63  }
0x24d: {  	v2 =	vld.msk [tilespmem:s2+$0x180], $0xff;
	_ =	sdelay $0x4  }
0x24e: {  	v3 =	vshll.u32 v2, $0x3  }
0x24f: {  	v2 =	vand.u32 $0x7, v2;
	v3 =	vand.u32 $0xFFFFFFC0, v3  }
0x250: {  	v2 =	vor.u32 v2, v3  }
0x251: {  	v2 =	vperm.xlane v2, v0;
	_ =	sdelay $0x1  }
0x252: {  	v2 =	vadd.s32 v1, v2;
	_ =	sdelay $0x3  }
0x253: {  	s23 =	simm.s32 $0xE200  }
0x254: {  	[tilespmem:s23], [sflag:$0x2] =	stream.indirect_vreg.gather [hbm4b:s1+s5], $0x80, v2, vm0, $0xb8;
	[tilespmem:$0x1E200] =	vst v63  }
0x255: {  	s24 =	simm.s32 $0xEA00  }
0x256: {  	[tilespmem:s24], [sflag:$0x2] =	stream.indirect_vreg.gather [hbm4b:s12+s5], $0x80, v2, vm0, $0xb8;
	[tilespmem:$0x1E200] =	vst v63  }
0x257: {  	s29 =	simm.s32 $0xF200  }
0x258: {  	[tilespmem:s29], [sflag:$0x2] =	stream.indirect_vreg.gather [hbm4b:s13+s5], $0x80, v2, vm0, $0xb8;
	[tilespmem:$0x1E200] =	vst v63  }
0x259: {  	s31 =	simm.s32 $0xFA00  }
0x25a: {  	[tilespmem:s31], [sflag:$0x2] =	stream.indirect_vreg.gather [hbm4b:s14+s5], $0x80, v2, vm0, $0xb8;
	[tilespmem:$0x1E200] =	vst v63  }
.LBB2_8:
0x25b: {  	_ =	swait.ge [sflag:s21], $0x2000  }
0x25c: {  	[sflag:s21] =	ssyncset.done $0x0  }
0x25d: {  	[sflag:s21] =	ssyncadd.s32 $0xFFFFE000  }
0x25e: {  	s2 =	simm.s32 $0x0;
	_ =	swait.ge [sflag:s22], $0x8000  }
0x25f: {  	s17 =	sand.u32 $0x70, s2;
	s2 =	sand.u32 $0x1C00, s2;
	[sflag:s22] =	ssyncset.done $0x0  }
0x260: {  	s24 =	sor.u32 s17, s2;
	[sflag:s22] =	ssyncadd.s32 $0xFFFF8000  }
0x261: {  	v4 =	vld [tilespmem:s24+$0x1C200]  }
0x262: {  	v5 =	vld [tilespmem:s24+$0x1C280]  }
0x263: {  	v6 =	vld [tilespmem:s24+$0x1C300]  }
0x264: {  	v7 =	vld [tilespmem:s24+$0x1C380]  }
0x265: {  	v8 =	vld [tilespmem:s24+$0x1C400]  }
0x266: {  	v9 =	vld [tilespmem:s24+$0x1C480]  }
0x267: {  	v3 =	vld [tilespmem:s24+$0x1C500]  }
0x268: {  	v10 =	vld [tilespmem:s24+$0x10200]  }
0x269: {  	v11 =	vld [tilespmem:s24+$0x12200]  }
0x26a: {  	v12 =	vld [tilespmem:s24+$0x14200]  }
0x26b: {  	v13 =	vld [tilespmem:s24+$0x16200]  }
0x26c: {  	v14 =	vld [tilespmem:s24+$0x10280]  }
0x26d: {  	v15 =	vld [tilespmem:s24+$0x12280]  }
0x26e: {  	v16 =	vld [tilespmem:s24+$0x14280];
	v10 =	vadd.f32 v10, v4  }
0x26f: {  	v53 =	vld [tilespmem:s24+$0x12300];
	v11 =	vadd.f32 v11, v4  }
0x270: {  	v12 =	vadd.f32 v12, v4;
	[tilespmem:s24+$0x10200] =	vst v10;
	v10 =	vld [tilespmem:s24+$0x16280]  }
0x271: {  	v4 =	vadd.f32 v13, v4;
	[tilespmem:s24+$0x12200] =	vst v11;
	v11 =	vld [tilespmem:s24+$0x10300]  }
0x272: {  	v58 =	vld [tilespmem:s24+$0x10380];
	v54 =	vadd.f32 v14, v5;
	[tilespmem:s24+$0x14200] =	vst v12  }
0x273: {  	v55 =	vadd.f32 v15, v5;
	[tilespmem:s24+$0x16200] =	vst v4;
	v4 =	vld [tilespmem:s24+$0x14300]  }
0x274: {  	v56 =	vld [tilespmem:s24+$0x16300];
	v57 =	vadd.f32 v16, v5;
	[tilespmem:s24+$0x10280] =	vst v54  }
0x275: {  	v2 =	vld [tilespmem:s24+$0x1C580];
	[tilespmem:s24+$0x12280] =	vst v55;
	v5 =	vadd.f32 v10, v5  }
0x276: {  	[tilespmem:s24+$0x14280] =	vst v57;
	v10 =	vld [tilespmem:s24+$0x12380];
	v11 =	vadd.f32 v11, v6  }
0x277: {  	v60 =	vadd.f32 v58, v7;
	[tilespmem:s24+$0x16280] =	vst v5;
	v5 =	vld [tilespmem:s24+$0x14380]  }
0x278: {  	v4 =	vadd.f32 v4, v6;
	[tilespmem:s24+$0x10300] =	vst v11;
	v11 =	vld [tilespmem:s24+$0x16380]  }
0x279: {  	v59 =	vld [tilespmem:s24+$0x10400];
	v12 =	vadd.f32 v53, v6;
	[tilespmem:s24+$0x10380] =	vst v60;
	v6 =	vadd.f32 v56, v6  }
0x27a: {  	[tilespmem:s24+$0x14300] =	vst v4;
	v4 =	vld [tilespmem:s24+$0x12400]  }
0x27b: {  	[tilespmem:s24+$0x16300] =	vst v6;
	v6 =	vld [tilespmem:s24+$0x14400];
	v10 =	vadd.f32 v10, v7  }
0x27c: {  	v61 =	vld [tilespmem:s24+$0x16400];
	[tilespmem:s24+$0x12300] =	vst v12;
	v5 =	vadd.f32 v5, v7  }
0x27d: {  	[tilespmem:s24+$0x12380] =	vst v10;
	v10 =	vld [tilespmem:s24+$0x10480];
	v7 =	vadd.f32 v11, v7  }
0x27e: {  	v11 =	vld [tilespmem:s24+$0x12480];
	[tilespmem:s24+$0x14380] =	vst v5;
	v5 =	vadd.f32 v59, v8  }
0x27f: {  	v4 =	vadd.f32 v4, v8;
	[tilespmem:s24+$0x16380] =	vst v7;
	v7 =	vld [tilespmem:s24+$0x14480]  }
0x280: {  	v62 =	vld [tilespmem:s24+$0x16480];
	[tilespmem:s24+$0x10400] =	vst v5;
	v5 =	vadd.f32 v6, v8  }
0x281: {  	v63 =	vld [tilespmem:s24+$0x10500];
	[tilespmem:s24+$0x12400] =	vst v4;
	v4 =	vadd.f32 v61, v8  }
0x282: {  	v8 =	vadd.f32 v10, v9;
	[tilespmem:s24+$0x14400] =	vst v5;
	v5 =	vld [tilespmem:s24+$0x12500]  }
0x283: {  	[tilespmem:s24+$0x16400] =	vst v4;
	v6 =	vld [tilespmem:s24+$0x14500];
	v10 =	vadd.f32 v11, v9  }
0x284: {  	v4 =	vld [tilespmem:s24+$0x16500];
	[tilespmem:s24+$0x10480] =	vst v8;
	v8 =	vadd.f32 v7, v9  }
0x285: {  	s18 =	simm.s32 $0x10;
	[tilespmem:s24+$0x12480] =	vst v10;
	v7 =	vld [tilespmem:s24+$0x10580];
	v10 =	vadd.f32 v62, v9  }
0x286: {  	s29 =	simm.s32 $0x10200;
	s31 =	simm.s32 $0x12200;
	s17 =	simm.s32 $0x80;
	v9 =	vadd.f32 v63, v3;
	[tilespmem:s24+$0x14480] =	vst v8;
	v8 =	vld [tilespmem:s24+$0x12580]  }
.LBB2_9:
0x287: {  	s2 =	sand.u32 $0x70, s18;
	s23 =	sand.u32 $0x1C00, s17;
	p0 =	sne.s32 s18, $0x3F0;
	[tilespmem:s24+$0x16480] =	vst v10;
	v5 =	vadd.f32 v5, v3;
	v10 =	vld [tilespmem:s24+$0x14580]  }
0x288: {  	s2 =	sor.u32 s2, s23;
	[tilespmem:s24+$0x10500] =	vst v9;
	v6 =	vadd.f32 v6, v3;
	v9 =	vld [tilespmem:s24+$0x16580]  }
0x289: {  	v11 =	vld [tilespmem:s2+$0x1C200];
	[tilespmem:s24+$0x12500] =	vst v5;
	v3 =	vadd.f32 v4, v3  }
0x28a: {  	v4 =	vld [tilespmem:s2+$0x1C280];
	[tilespmem:s24+$0x14500] =	vst v6;
	v5 =	vadd.f32 v7, v2  }
0x28b: {  	v6 =	vld [tilespmem:s2+$0x1C300];
	[tilespmem:s24+$0x16500] =	vst v3;
	v3 =	vadd.f32 v8, v2  }
0x28c: {  	v7 =	vld [tilespmem:s2+$0x1C380];
	[tilespmem:s24+$0x10580] =	vst v5;
	v5 =	vadd.f32 v10, v2  }
0x28d: {  	v8 =	vld [tilespmem:s2+$0x1C400];
	[tilespmem:s24+$0x12580] =	vst v3;
	v2 =	vadd.f32 v9, v2  }
0x28e: {  	v9 =	vld [tilespmem:s2+$0x1C480];
	[tilespmem:s24+$0x14580] =	vst v5  }
0x28f: {  	v3 =	vld [tilespmem:s2+$0x1C500];
	[tilespmem:s24+$0x16580] =	vst v2;
	s24 =	smov.u32 s2  }
0x290: {  	v2 =	vld [tilespmem:s24+$0x1C580]  }
0x291: {  	v5 =	vld [tilespmem:s24+$0x10200]  }
0x292: {  	v10 =	vld [tilespmem:s24+$0x12200]  }
0x293: {  	v12 =	vld [tilespmem:s24+$0x14200]  }
0x294: {  	v13 =	vld [tilespmem:s24+$0x16200]  }
0x295: {  	v14 =	vld [tilespmem:s24+$0x10280]  }
0x296: {  	v5 =	vadd.f32 v5, v11;
	v15 =	vld [tilespmem:s24+$0x12280]  }
0x297: {  	v10 =	vadd.f32 v10, v11;
	v16 =	vld [tilespmem:s24+$0x14280]  }
0x298: {  	[tilespmem:s24+$0x10200] =	vst v5;
	v5 =	vadd.f32 v12, v11;
	v12 =	vld [tilespmem:s24+$0x16280]  }
0x299: {  	[tilespmem:s24+$0x12200] =	vst v10;
	v10 =	vadd.f32 v13, v11;
	v11 =	vld [tilespmem:s24+$0x10300]  }
0x29a: {  	[tilespmem:s24+$0x14200] =	vst v5;
	v5 =	vadd.f32 v14, v4;
	v13 =	vld [tilespmem:s24+$0x12300]  }
0x29b: {  	[tilespmem:s24+$0x16200] =	vst v10;
	v10 =	vadd.f32 v15, v4;
	v14 =	vld [tilespmem:s24+$0x14300]  }
0x29c: {  	[tilespmem:s24+$0x10280] =	vst v5;
	v5 =	vadd.f32 v16, v4;
	v15 =	vld [tilespmem:s24+$0x16300]  }
0x29d: {  	[tilespmem:s24+$0x12280] =	vst v10;
	v4 =	vadd.f32 v12, v4;
	v10 =	vld [tilespmem:s24+$0x10380]  }
0x29e: {  	[tilespmem:s24+$0x14280] =	vst v5;
	v5 =	vadd.f32 v11, v6;
	v11 =	vld [tilespmem:s24+$0x12380]  }
0x29f: {  	[tilespmem:s24+$0x16280] =	vst v4;
	v4 =	vadd.f32 v13, v6;
	v12 =	vld [tilespmem:s24+$0x14380]  }
0x2a0: {  	[tilespmem:s24+$0x10300] =	vst v5;
	v5 =	vadd.f32 v14, v6;
	v13 =	vld [tilespmem:s24+$0x16380]  }
0x2a1: {  	[tilespmem:s24+$0x12300] =	vst v4;
	v4 =	vadd.f32 v15, v6;
	v6 =	vld [tilespmem:s24+$0x10400]  }
0x2a2: {  	[tilespmem:s24+$0x14300] =	vst v5;
	v5 =	vadd.f32 v10, v7;
	v10 =	vld [tilespmem:s24+$0x12400]  }
0x2a3: {  	[tilespmem:s24+$0x16300] =	vst v4;
	v4 =	vadd.f32 v11, v7;
	v11 =	vld [tilespmem:s24+$0x14400]  }
0x2a4: {  	[tilespmem:s24+$0x10380] =	vst v5;
	v5 =	vadd.f32 v12, v7;
	v12 =	vld [tilespmem:s24+$0x16400]  }
0x2a5: {  	[tilespmem:s24+$0x12380] =	vst v4;
	v4 =	vadd.f32 v13, v7;
	v7 =	vld [tilespmem:s24+$0x10480]  }
0x2a6: {  	[tilespmem:s24+$0x14380] =	vst v5;
	v5 =	vadd.f32 v6, v8;
	v6 =	vld [tilespmem:s24+$0x12480]  }
0x2a7: {  	[tilespmem:s24+$0x16380] =	vst v4;
	v4 =	vadd.f32 v10, v8;
	v10 =	vld [tilespmem:s24+$0x14480]  }
0x2a8: {  	[tilespmem:s24+$0x10400] =	vst v5;
	v5 =	vadd.f32 v11, v8;
	v11 =	vld [tilespmem:s24+$0x16480]  }
0x2a9: {  	[tilespmem:s24+$0x12400] =	vst v4;
	v4 =	vadd.f32 v12, v8;
	v8 =	vld [tilespmem:s24+$0x10500]  }
.Ltmp3:
0x2aa: {  	[tilespmem:s24+$0x14400] =	vst v5;
	v7 =	vadd.f32 v7, v9;
	v5 =	vld [tilespmem:s24+$0x12500];
	(pc) =	sbr.rel @p0 .LBB2_9-.Ltmp3, $4  }
0x2ab: {  	[tilespmem:s24+$0x16400] =	vst v4;
	v12 =	vadd.f32 v6, v9;
	v6 =	vld [tilespmem:s24+$0x14500]  }
0x2ac: {  	[tilespmem:s24+$0x10480] =	vst v7;
	v13 =	vadd.f32 v10, v9;
	v4 =	vld [tilespmem:s24+$0x16500]  }
0x2ad: {  	[tilespmem:s24+$0x12480] =	vst v12;
	v10 =	vadd.f32 v11, v9;
	v7 =	vld [tilespmem:s24+$0x10580]  }
0x2ae: {  	s17 =	sadd.s32 $0x80, s17;
	s18 =	sadd.s32 $0x10, s18;
	[tilespmem:s24+$0x14480] =	vst v13;
	v9 =	vadd.f32 v8, v3;
	v8 =	vld [tilespmem:s24+$0x12580]  }
0x2af: {  	[tilespmem:s24+$0x16480] =	vst v10;
	v60 =	vld [tilespmem:s24+$0x14580];
	v5 =	vadd.f32 v5, v3  }
0x2b0: {  	v61 =	vld [tilespmem:s24+$0x16580];
	[tilespmem:s24+$0x10500] =	vst v9;
	v6 =	vadd.f32 v6, v3  }
0x2b1: {  	[tilespmem:s24+$0x12500] =	vst v5;
	v3 =	vadd.f32 v4, v3  }
0x2b2: {  	[tilespmem:s24+$0x14500] =	vst v6;
	v62 =	vadd.f32 v7, v2  }
0x2b3: {  	s2 =	rddreg [dreg:$0xc];
	[tilespmem:s24+$0x16500] =	vst v3;
	v3 =	vadd.f32 v8, v2  }
0x2b4: {  	s2 =	sadd.s32 s2, s11;
	[tilespmem:s24+$0x10580] =	vst v62;
	v63 =	vadd.f32 v60, v2  }
0x2b5: {  	s2 =	sshll.u32 s2, $0xA;
	v2 =	vadd.f32 v61, v2;
	[tilespmem:s24+$0x12580] =	vst v3  }
0x2b6: {  	s23 =	sand.u32 $0x1FFFFC00, s2;
	[tilespmem:s24+$0x14580] =	vst v63  }
0x2b7: {  	s7 =	sadd.s32 $0x1, s7;
	s18 =	sadd.s32 s4, s2;
	s11 =	sadd.s32 s4, s23;
	[tilespmem:s24+$0x16580] =	vst v2  }
0x2b8: {  	[hbm4b:s18+s5] =	stream.linear.scatter [tilespmem:s29], [sflag:$0x9], $0x2000, $0x38;
	[tilespmem:$0x1E200] =	vst v63  }
0x2b9: {  	p0 =	sne.s32 s7, $0x5;
	s17 =	sadd.s32 $0x80000, s11  }
0x2ba: {  	[hbm4b:s17+s5] =	stream.linear.scatter [tilespmem:s31], [sflag:$0x9], $0x2000, $0x38;
	[tilespmem:$0x1E200] =	vst v63  }
.Ltmp4:
0x2bb: {  	s2 =	sor.u32 $0x100000, s2;
	(pc) =	sbr.rel @p0 .LBB2_2-.Ltmp4, $4  }
0x2bc: {  	s2 =	sadd.s32 s4, s2  }
0x2bd: {  	[hbm4b:s2+s5] =	stream.linear.scatter [tilespmem:s0], [sflag:$0x9], $0x2000, $0x38;
	[tilespmem:$0x1E200] =	vst v63  }
0x2be: {  	s24 =	sadd.s32 $0x180000, s11  }
0x2bf: {  	[hbm4b:s24+s5] =	stream.linear.scatter [tilespmem:s26], [sflag:$0x9], $0x2000, $0x38;
	[tilespmem:$0x1E200] =	vst v63  }
0x2c0: {  	_ =	swait.ge [sflag:s28], $0x2000  }
0x2c1: {  	[sflag:s28] =	ssyncset.done $0x0  }
0x2c2: {  	[sflag:s28] =	ssyncadd.s32 $0xFFFFE000  }
0x2c3: {  	s2 =	simm.s32 $0x0;
	_ =	swait.ge [sflag:s8], $0x8000  }
0x2c4: {  	s7 =	sand.u32 $0x70, s2;
	s11 =	sand.u32 $0x1C00, s2;
	[sflag:s8] =	ssyncset.done $0x0  }
0x2c5: {  	s7 =	sor.u32 s7, s11;
	[sflag:s8] =	ssyncadd.s32 $0xFFFF8000  }
0x2c6: {  	v2 =	vld [tilespmem:s7+$0x6500]  }
0x2c7: {  	v3 =	vld [tilespmem:s7+$0x2380]  }
0x2c8: {  	v4 =	vld [tilespmem:s7+$0x6380]  }
0x2c9: {  	v5 =	vld [tilespmem:s7+$0x380]  }
0x2ca: {  	v6 =	vld [tilespmem:s7+$0x18380]  }
0x2cb: {  	v7 =	vld [tilespmem:s7+$0x500]  }
0x2cc: {  	v8 =	vld [tilespmem:s7+$0x4380]  }
0x2cd: {  	v9 =	vld [tilespmem:s7+$0x18500]  }
0x2ce: {  	v10 =	vld [tilespmem:s7+$0x6480]  }
0x2cf: {  	v12 =	vld [tilespmem:s7+$0x2480]  }
0x2d0: {  	v13 =	vld [tilespmem:s7+$0x480]  }
0x2d1: {  	v16 =	vld [tilespmem:s7+$0x2500]  }
0x2d2: {  	v17 =	vld [tilespmem:s7+$0x4500];
	v5 =	vadd.f32 v5, v6  }
0x2d3: {  	v18 =	vld [tilespmem:s7+$0x400];
	v4 =	vadd.f32 v4, v6  }
0x2d4: {  	v19 =	vld [tilespmem:s7+$0x18400];
	v3 =	vadd.f32 v3, v6;
	[tilespmem:s7+$0x380] =	vst v5  }
0x2d5: {  	v6 =	vadd.f32 v8, v6;
	v5 =	vld [tilespmem:s7+$0x18480];
	[tilespmem:s7+$0x6380] =	vst v4  }
0x2d6: {  	v11 =	vld [tilespmem:s7+$0x4480];
	v8 =	vadd.f32 v16, v9;
	[tilespmem:s7+$0x2380] =	vst v3  }
0x2d7: {  	v15 =	vld [tilespmem:s7+$0x2400];
	v2 =	vadd.f32 v2, v9;
	[tilespmem:s7+$0x4380] =	vst v6  }
0x2d8: {  	v14 =	vld [tilespmem:s7+$0x4400];
	v7 =	vadd.f32 v7, v9;
	[tilespmem:s7+$0x2500] =	vst v8  }
0x2d9: {  	v9 =	vadd.f32 v17, v9;
	v60 =	vadd.f32 v18, v19;
	v4 =	vld [tilespmem:s7+$0x6400];
	[tilespmem:s7+$0x6500] =	vst v2  }
0x2da: {  	v3 =	vld [tilespmem:s7+$0x6280];
	[tilespmem:s7+$0x500] =	vst v7;
	v12 =	vadd.f32 v12, v5;
	v58 =	vadd.f32 v13, v5  }
0x2db: {  	v6 =	vld [tilespmem:s7+$0x18200];
	[tilespmem:s7+$0x4500] =	vst v9;
	v10 =	vadd.f32 v10, v5;
	v5 =	vadd.f32 v11, v5  }
0x2dc: {  	v8 =	vld [tilespmem:s7+$0x6200];
	v2 =	vadd.f32 v15, v19;
	[tilespmem:s7+$0x400] =	vst v60  }
0x2dd: {  	[tilespmem:s7+$0x4480] =	vst v5;
	v5 =	vld [tilespmem:s7+$0x2200]  }
0x2de: {  	[tilespmem:s7+$0x2400] =	vst v2;
	v2 =	vld [tilespmem:s7+$0x18280]  }
0x2df: {  	v59 =	vld [tilespmem:s7+$0x2280];
	[tilespmem:s7+$0x2480] =	vst v12  }
0x2e0: {  	v62 =	vld [tilespmem:s7+$0x18300];
	v4 =	vadd.f32 v4, v19;
	[tilespmem:s7+$0x480] =	vst v58  }
0x2e1: {  	v7 =	vld [tilespmem:s7+$0x280];
	v8 =	vadd.f32 v8, v6;
	[tilespmem:s7+$0x6480] =	vst v10  }
0x2e2: {  	v10 =	vld [tilespmem:s7+$0x4200];
	[tilespmem:s7+$0x6400] =	vst v4;
	v4 =	vadd.f32 v5, v6  }
0x2e3: {  	v11 =	vld [tilespmem:s7+$0x200];
	[tilespmem:s7+$0x6200] =	vst v8;
	v3 =	vadd.f32 v3, v2  }
0x2e4: {  	v5 =	vld [tilespmem:s7+$0x4300];
	[tilespmem:s7+$0x2200] =	vst v4;
	v4 =	vadd.f32 v14, v19  }
0x2e5: {  	v9 =	vld [tilespmem:s7+$0x4280];
	v8 =	vadd.f32 v59, v2;
	[tilespmem:s7+$0x6280] =	vst v3  }
0x2e6: {  	v61 =	vld [tilespmem:s7+$0x300];
	[tilespmem:s7+$0x4400] =	vst v4;
	v4 =	vadd.f32 v7, v2  }
0x2e7: {  	[tilespmem:s7+$0x2280] =	vst v8;
	v10 =	vadd.f32 v10, v6;
	v7 =	vld [tilespmem:s7+$0x2300]  }
0x2e8: {  	v6 =	vadd.f32 v11, v6;
	[tilespmem:s7+$0x280] =	vst v4;
	v4 =	vld [tilespmem:s7+$0x6300]  }
0x2e9: {  	[tilespmem:s7+$0x4200] =	vst v10;
	v3 =	vadd.f32 v5, v62  }
0x2ea: {  	[tilespmem:s7+$0x200] =	vst v6;
	v2 =	vadd.f32 v9, v2  }
0x2eb: {  	[tilespmem:s7+$0x4300] =	vst v3;
	v3 =	vadd.f32 v61, v62  }
0x2ec: {  	[tilespmem:s7+$0x4280] =	vst v2;
	v5 =	vadd.f32 v7, v62  }
0x2ed: {  	[tilespmem:s7+$0x300] =	vst v3;
	v2 =	vadd.f32 v4, v62  }
0x2ee: {  	s2 =	sor.u32 s2, s2;
	[tilespmem:s7+$0x2300] =	vst v5  }
0x2ef: {  	s2 =	sor.u32 $0x380, s2;
	[tilespmem:s7+$0x6300] =	vst v2  }
0x2f0: {  	v5 =	vld [tilespmem:s2+$0x18200]  }
0x2f1: {  	v2 =	vld [tilespmem:s2+$0x200];
	_ =	sdelay $0x4  }
0x2f2: {  	s24 =	simm.s32 $0x10;
	s23 =	simm.s32 $0x80;
	v2 =	vadd.f32 v2, v5  }
0x2f3: {  	s17 =	sand.u32 $0x70, s24;
	s18 =	sand.u32 $0x1C00, s23  }
0x2f4: {  	s17 =	sor.u32 s17, s18;
	[tilespmem:s2+$0x200] =	vst v2  }
0x2f5: {  	v2 =	vld [tilespmem:s17+$0x6500]  }
0x2f6: {  	v4 =	vld [tilespmem:s17+$0x2380]  }
0x2f7: {  	v6 =	vld [tilespmem:s7+$0x4580]  }
0x2f8: {  	v11 =	vld [tilespmem:s7+$0x2580]  }
0x2f9: {  	v8 =	vld [tilespmem:s17+$0x6380]  }
0x2fa: {  	v10 =	vld [tilespmem:s7+$0x6580]  }
0x2fb: {  	v3 =	vld [tilespmem:s17+$0x500]  }
0x2fc: {  	v9 =	vld [tilespmem:s17+$0x380];
	v63 =	vadd.f32 v6, v5  }
0x2fd: {  	v7 =	vld [tilespmem:s17+$0x4380]  }
0x2fe: {  	s18 =	simm.s32 $0x20;
	s11 =	sor.u32 s23, s24;
	v6 =	vld [tilespmem:s17+$0x18380];
	v11 =	vadd.f32 v11, v5;
	[tilespmem:s7+$0x4580] =	vst v63  }
.LBB2_12:
0x2ff: {  	p0 =	sne.s32 s18, $0x3F0  }
0x300: {  	v12 =	vld [tilespmem:s17+$0x18500];
	s23 =	sadd.s32 $0x80, s23;
	[tilespmem:s7+$0x2580] =	vst v11;
	v5 =	vadd.f32 v10, v5;
	s2 =	smov.u32 s18;
	s18 =	sadd.s32 $0x10, s18  }
0x301: {  	s24 =	sor.u32 s23, s2;
	v10 =	vld [tilespmem:s17+$0x6480]  }
0x302: {  	v11 =	vld [tilespmem:s17+$0x4480];
	[tilespmem:s7+$0x6580] =	vst v5;
	s7 =	smov.u32 s17  }
0x303: {  	v5 =	vadd.f32 v9, v6;
	v4 =	vadd.f32 v4, v6;
	v9 =	vld [tilespmem:s7+$0x2480]  }
0x304: {  	v7 =	vadd.f32 v7, v6;
	v6 =	vadd.f32 v8, v6;
	v8 =	vld [tilespmem:s7+$0x480]  }
0x305: {  	[tilespmem:s7+$0x380] =	vst v5;
	v5 =	vld [tilespmem:s7+$0x18480]  }
0x306: {  	[tilespmem:s7+$0x6380] =	vst v6;
	v6 =	vld [tilespmem:s7+$0x6400]  }
0x307: {  	v13 =	vld [tilespmem:s7+$0x4400]  }
0x308: {  	v14 =	vld [tilespmem:s7+$0x2400]  }
0x309: {  	v15 =	vld [tilespmem:s7+$0x2500]  }
0x30a: {  	v8 =	vadd.f32 v8, v5;
	v9 =	vadd.f32 v9, v5;
	v16 =	vld [tilespmem:s7+$0x4500]  }
0x30b: {  	v11 =	vadd.f32 v11, v5;
	v5 =	vadd.f32 v10, v5;
	v17 =	vld [tilespmem:s7+$0x400]  }
0x30c: {  	v10 =	vld [tilespmem:s7+$0x18400];
	[tilespmem:s7+$0x2480] =	vst v9  }
0x30d: {  	[tilespmem:s7+$0x2380] =	vst v4  }
0x30e: {  	v3 =	vadd.f32 v3, v12;
	v4 =	vld [tilespmem:s7+$0x6280];
	[tilespmem:s7+$0x480] =	vst v8;
	v8 =	vadd.f32 v15, v12  }
0x30f: {  	v2 =	vadd.f32 v2, v12;
	v9 =	vld [tilespmem:s7+$0x2280];
	[tilespmem:s7+$0x6480] =	vst v5;
	v5 =	vadd.f32 v16, v12  }
0x310: {  	v12 =	vld [tilespmem:s7+$0x4200];
	[tilespmem:s7+$0x4480] =	vst v11  }
0x311: {  	v11 =	vld [tilespmem:s7+$0x2200];
	[tilespmem:s7+$0x4380] =	vst v7;
	v7 =	vadd.f32 v14, v10;
	v6 =	vadd.f32 v6, v10  }
0x312: {  	v15 =	vadd.f32 v17, v10;
	v10 =	vadd.f32 v13, v10;
	v14 =	vld [tilespmem:s7+$0x18200];
	[tilespmem:s7+$0x2500] =	vst v8  }
0x313: {  	v8 =	vld [tilespmem:s7+$0x6200];
	[tilespmem:s7+$0x6500] =	vst v2  }
0x314: {  	v2 =	vld [tilespmem:s7+$0x200];
	[tilespmem:s7+$0x500] =	vst v3  }
0x315: {  	v3 =	vld [tilespmem:s7+$0x280];
	[tilespmem:s7+$0x2400] =	vst v7  }
0x316: {  	v7 =	vld [tilespmem:s7+$0x18280];
	[tilespmem:s7+$0x4500] =	vst v5  }
0x317: {  	v5 =	vadd.f32 v11, v14;
	v11 =	vadd.f32 v12, v14;
	v12 =	vld [tilespmem:s7+$0x4280];
	[tilespmem:s7+$0x6400] =	vst v6  }
0x318: {  	v6 =	vld [tilespmem:s7+$0x4300];
	[tilespmem:s7+$0x400] =	vst v15  }
0x319: {  	v2 =	vadd.f32 v2, v14;
	[tilespmem:s7+$0x2200] =	vst v5;
	v5 =	vadd.f32 v8, v14;
	v8 =	vld [tilespmem:s7+$0x300]  }
0x31a: {  	v13 =	vld [tilespmem:s7+$0x18300];
	[tilespmem:s7+$0x4400] =	vst v10  }
0x31b: {  	[tilespmem:s7+$0x6200] =	vst v5;
	v3 =	vadd.f32 v3, v7;
	v5 =	vadd.f32 v9, v7  }
0x31c: {  	v4 =	vadd.f32 v4, v7;
	[tilespmem:s7+$0x4200] =	vst v11;
	v9 =	vadd.f32 v12, v7;
	v7 =	vld [tilespmem:s7+$0x2300]  }
0x31d: {  	[tilespmem:s7+$0x280] =	vst v3;
	v3 =	vld [tilespmem:s7+$0x6300]  }
0x31e: {  	[tilespmem:s7+$0x200] =	vst v2  }
0x31f: {  	[tilespmem:s7+$0x6280] =	vst v4;
	v2 =	vadd.f32 v8, v13;
	v4 =	vadd.f32 v6, v13  }
0x320: {  	s2 =	sand.u32 $0x70, s2;
	s17 =	sand.u32 $0x1C00, s23;
	[tilespmem:s7+$0x2280] =	vst v5  }
0x321: {  	s17 =	sor.u32 s2, s17;
	v5 =	vadd.f32 v7, v13;
	[tilespmem:s7+$0x4300] =	vst v4  }
0x322: {  	[tilespmem:s7+$0x4280] =	vst v9;
	v3 =	vadd.f32 v3, v13  }
0x323: {  	[tilespmem:s7+$0x2300] =	vst v5  }
0x324: {  	[tilespmem:s7+$0x6300] =	vst v3  }
0x325: {  	s2 =	sor.u32 $0x380, s11;
	s11 =	smov.u32 s24;
	[tilespmem:s7+$0x300] =	vst v2  }
0x326: {  	v5 =	vld [tilespmem:s2+$0x18200]  }
0x327: {  	v2 =	vld [tilespmem:s2+$0x200];
	_ =	sdelay $0x4  }
0x328: {  	v2 =	vadd.f32 v2, v5;
	_ =	sdelay $0x1  }
0x329: {  	[tilespmem:s2+$0x200] =	vst v2  }
0x32a: {  	v2 =	vld [tilespmem:s17+$0x6500]  }
0x32b: {  	v4 =	vld [tilespmem:s17+$0x2380]  }
0x32c: {  	v6 =	vld [tilespmem:s7+$0x4580]  }
0x32d: {  	v7 =	vld [tilespmem:s7+$0x2580]  }
0x32e: {  	v8 =	vld [tilespmem:s17+$0x6380]  }
.Ltmp5:
0x32f: {  	v10 =	vld [tilespmem:s7+$0x6580];
	(pc) =	sbr.rel @p0 .LBB2_12-.Ltmp5, $4  }
0x330: {  	v3 =	vld [tilespmem:s17+$0x500]  }
0x331: {  	v9 =	vld [tilespmem:s17+$0x380];
	v12 =	vadd.f32 v6, v5  }
0x332: {  	v6 =	vld [tilespmem:s17+$0x18380];
	v11 =	vadd.f32 v7, v5  }
0x333: {  	v7 =	vld [tilespmem:s17+$0x4380];
	[tilespmem:s7+$0x4580] =	vst v12  }
0x334: {  	v12 =	vld [tilespmem:s17+$0x18500];
	[tilespmem:s7+$0x2580] =	vst v11;
	v5 =	vadd.f32 v10, v5  }
0x335: {  	v38 =	vld [tilespmem:s17+$0x6480]  }
0x336: {  	v11 =	vld [tilespmem:s17+$0x4480];
	[tilespmem:s7+$0x6580] =	vst v5  }
0x337: {  	v40 =	vld [tilespmem:s17+$0x2480]  }
0x338: {  	v13 =	vld [tilespmem:s17+$0x480]  }
0x339: {  	v39 =	vadd.f32 v9, v6;
	v41 =	vld [tilespmem:s17+$0x18480]  }
0x33a: {  	v8 =	vadd.f32 v8, v6;
	v42 =	vld [tilespmem:s17+$0x6400]  }
0x33b: {  	v14 =	vld [tilespmem:s17+$0x4400];
	v4 =	vadd.f32 v4, v6;
	[tilespmem:s17+$0x380] =	vst v39  }
0x33c: {  	v15 =	vld [tilespmem:s17+$0x2400];
	v47 =	vadd.f32 v7, v6;
	[tilespmem:s17+$0x6380] =	vst v8  }
0x33d: {  	v16 =	vld [tilespmem:s17+$0x2500];
	[tilespmem:s17+$0x2380] =	vst v4;
	v2 =	vadd.f32 v2, v12  }
0x33e: {  	v17 =	vld [tilespmem:s17+$0x4500];
	v3 =	vadd.f32 v3, v12;
	[tilespmem:s17+$0x4380] =	vst v47  }
0x33f: {  	v19 =	vld [tilespmem:s17+$0x18400];
	[tilespmem:s17+$0x6500] =	vst v2;
	v9 =	vadd.f32 v40, v41  }
0x340: {  	v18 =	vld [tilespmem:s17+$0x400];
	[tilespmem:s17+$0x500] =	vst v3;
	v43 =	vadd.f32 v13, v41  }
0x341: {  	v46 =	vld [tilespmem:s17+$0x4200];
	v10 =	vadd.f32 v38, v41;
	[tilespmem:s17+$0x2480] =	vst v9  }
0x342: {  	v48 =	vld [tilespmem:s17+$0x2200];
	v5 =	vadd.f32 v11, v41;
	[tilespmem:s17+$0x480] =	vst v43  }
0x343: {  	v50 =	vld [tilespmem:s17+$0x18200];
	v49 =	vadd.f32 v16, v12;
	[tilespmem:s17+$0x6480] =	vst v10  }
0x344: {  	v51 =	vld [tilespmem:s17+$0x6200];
	v2 =	vadd.f32 v15, v19;
	[tilespmem:s17+$0x4480] =	vst v5  }
0x345: {  	v52 =	vld [tilespmem:s17+$0x200];
	v12 =	vadd.f32 v17, v12;
	[tilespmem:s17+$0x2500] =	vst v49  }
0x346: {  	v58 =	vld [tilespmem:s17+$0x18300];
	v8 =	vadd.f32 v42, v19;
	[tilespmem:s17+$0x2400] =	vst v2  }
0x347: {  	v59 =	vld [tilespmem:s17+$0x2300];
	v54 =	vadd.f32 v18, v19;
	[tilespmem:s17+$0x4500] =	vst v12  }
0x348: {  	v3 =	vld [tilespmem:s17+$0x280];
	v56 =	vadd.f32 v14, v19;
	[tilespmem:s17+$0x6400] =	vst v8  }
0x349: {  	v7 =	vadd.f32 v51, v50;
	v2 =	vld [tilespmem:s17+$0x18280];
	[tilespmem:s17+$0x400] =	vst v54  }
0x34a: {  	v45 =	vld [tilespmem:s17+$0x2280];
	v6 =	vadd.f32 v52, v50;
	[tilespmem:s17+$0x4400] =	vst v56  }
0x34b: {  	v44 =	vld [tilespmem:s17+$0x6280];
	v5 =	vadd.f32 v48, v50;
	[tilespmem:s17+$0x6200] =	vst v7  }
0x34c: {  	v53 =	vld [tilespmem:s17+$0x4280];
	v10 =	vadd.f32 v46, v50;
	[tilespmem:s17+$0x200] =	vst v6  }
0x34d: {  	v55 =	vld [tilespmem:s17+$0x4300];
	[tilespmem:s17+$0x2200] =	vst v5;
	v5 =	vadd.f32 v59, v58  }
0x34e: {  	v60 =	vld [tilespmem:s17+$0x6300];
	[tilespmem:s17+$0x4200] =	vst v10;
	v3 =	vadd.f32 v3, v2  }
0x34f: {  	v57 =	vld [tilespmem:s17+$0x300];
	[tilespmem:s17+$0x2300] =	vst v5;
	v61 =	vadd.f32 v45, v2  }
0x350: {  	[tilespmem:s17+$0x280] =	vst v3;
	v3 =	vadd.f32 v44, v2  }
0x351: {  	v2 =	vadd.f32 v53, v2;
	[tilespmem:s17+$0x2280] =	vst v61  }
0x352: {  	[tilespmem:s17+$0x6280] =	vst v3;
	v3 =	vadd.f32 v55, v58  }
0x353: {  	[tilespmem:s17+$0x4280] =	vst v2;
	v2 =	vadd.f32 v60, v58  }
0x354: {  	[tilespmem:s17+$0x4300] =	vst v3;
	v3 =	vadd.f32 v57, v58  }
0x355: {  	[tilespmem:s17+$0x6300] =	vst v2  }
0x356: {  	s2 =	sor.u32 $0x380, s11;
	[tilespmem:s17+$0x300] =	vst v3  }
0x357: {  	v2 =	vld [tilespmem:s2+$0x18200]  }
0x358: {  	v3 =	vld [tilespmem:s2+$0x200];
	_ =	sdelay $0x4  }
0x359: {  	v3 =	vadd.f32 v3, v2;
	_ =	sdelay $0x1  }
0x35a: {  	[tilespmem:s2+$0x200] =	vst v3  }
0x35b: {  	v3 =	vld [tilespmem:s17+$0x4580]  }
0x35c: {  	v62 =	vld [tilespmem:s17+$0x2580]  }
0x35d: {  	v63 =	vld [tilespmem:s17+$0x6580];
	_ =	sdelay $0x2  }
0x35e: {  	v3 =	vadd.f32 v3, v2  }
0x35f: {  	v4 =	vadd.f32 v62, v2  }
0x360: {  	v2 =	vadd.f32 v63, v2;
	[tilespmem:s17+$0x4580] =	vst v3  }
0x361: {  	[tilespmem:s17+$0x2580] =	vst v4  }
0x362: {  	s23 =	rddreg [dreg:$0xe];
	[tilespmem:s17+$0x6580] =	vst v2  }
0x363: {  	[hbm4b:s23+s5] =	stream.linear.scatter [tilespmem:s30], [sflag:$0x7], $0x2000, $0x38;
	[tilespmem:$0x1E200] =	vst v63  }
0x364: {  	s24 =	rddreg [dreg:$0xd]  }
0x365: {  	[hbm4b:s24+s5] =	stream.linear.scatter [tilespmem:s25], [sflag:$0x7], $0x2000, $0x38;
	[tilespmem:$0x1E200] =	vst v63  }
0x366: {  	s7 =	rddreg [dreg:$0xf]  }
0x367: {  	[hbm4b:s7+s5] =	stream.linear.scatter [tilespmem:s9], [sflag:$0x7], $0x2000, $0x38;
	[tilespmem:$0x1E200] =	vst v63  }
0x368: {  	s11 =	rddreg [dreg:$0x10];
	s17 =	simm.s32 $0x8  }
0x369: {  	[hbm4b:s11+s5] =	stream.linear.scatter [tilespmem:s20], [sflag:$0x7], $0x2000, $0x38;
	[tilespmem:$0x1E200] =	vst v63  }
0x36a: {  	_ =	swait.ge [sflag:s17], $0x8000  }
0x36b: {  	[sflag:s17] =	ssyncset.done $0x0  }
0x36c: {  	s18 =	simm.s32 $0x9;
	[sflag:s17] =	ssyncadd.s32 $0xFFFF8000  }
0x36d: {  	_ =	swait.ge [sflag:s18], $0x8000  }
0x36e: {  	[sflag:s18] =	ssyncset.done $0x0  }
0x36f: {  	[sflag:s18] =	ssyncadd.s32 $0xFFFF8000  }
0x370: {  	_ =	swait.ge [sflag:s10], $0x8000  }
0x371: {  	s23 =	rddreg [dreg:$0x12]  }
0x372: {  	s24 =	rddreg [dreg:$0x11];
	s7 =	sadd.s32 $0x1, s23  }
0x373: {  	p0 =	sne.s32 s7, s24  }
.Ltmp6:
0x374: {  	_ = 	snop;
	(pc) =	sbr.rel @p0 .LBB2_1-.Ltmp6, $3  }
0x375: {  	_ =	sdelay $0x1  }
0x376: {  	[sflag:s10] =	ssyncset.done $0x0  }
0x377: {  	[sflag:s10] =	ssyncadd.s32 $0xFFFF8000  }
0x378: {  	_ =	sfence.sel $0x180000  }
0x379: {  	[bflag:$0x0] =	sbarrier.arrive $0xFFFF  }
0x37a: {  	_ =	strace $0x90000047  }
0x37b: {  	s0 =	stileid.u32;
	[bflag:$0x2] =	sbarrier.arrive $0xFFFF  }
0x37c: {  	p0 =	sne.s32 s0, $0x0;
	s0 =	rddreg [dreg:$0x4]  }
0x37d: {  	s0 =	sadd.s32 @!p0 $0x100000, s0  }
0x37e: {  	[sflag:s0] =	ssyncadd.tile.s32 @!p0 $0x1;
	_ =	shalt  }
.Lfunc_end2:
_tile_overlayer_lowered:
.L_overlay_start_2:
0x37f: {  	(tag) =	ssettag $0x2  }
0x380: {  	s0 =	rddreg [dreg:$0x0];
	s2 =	stileid.u32  }
0x381: {  	s1 =	rddreg [dreg:$0x1];
	p0 =	sne.s32 s2, $0x0  }
0x382: {  	s3 =	rddreg [dreg:$0x2];
	[bflag:$0x3] =	sbarrier.arrive $0xFFFF;
	s2 =	simm.s32 @!p0 $0x1C0A  }
0x383: {  	[timem:s3], [sflag:s2] =	dma.local @!p0 [hbm:s0], s1  }
0x384: {  	s0 =	simm.s32 @!p0 $0xA  }
0x385: {  	_ =	swait.ge @!p0 [sflag:s0], s1  }
0x386: {  	s1 =	ssub.s32 @!p0 $0x0, s1;
	[sflag:s0] =	ssyncset.done @!p0 $0x0  }
0x387: {  	[sflag:s0] =	ssyncadd.s32 @!p0 s1  }
0x388: {  	[bflag:$0x3] =	sbarrier.arrive $0xFFFF  }
0x389: {  	_ =	shalt  }

</sc_bundles>
